<compile_context>
chip_gen: v7x
topology: tpu7x:2x2x1
jax: 0.10.2.dev20260603
libtpu: 0.0.44.dev20260713+nightly
codegen_flags: <defaults>
</compile_context>

<pallas_src>
import functools

import jax
import jax.numpy as jnp
from jax import lax
from jax.experimental import pallas as pl
from jax.experimental.pallas import tpu as pltpu, tpu_sc as plsc

_NC = 2
_NS = 16
_HALF = 128
_K = 128
_NB = 2
_NI = 4


@functools.lru_cache(maxsize=None)
def _make_sc_agg(n, ep, msg_bf16=True):
    iters = ep // _K
    rps = n // _NS
    zr = 32 if rps % 32 == 0 else rps
    zcopies = rps // zr
    dt = jnp.bfloat16 if msg_bf16 else jnp.float32
    lanes = 32 if msg_bf16 else 16

    mesh = plsc.VectorSubcoreMesh(core_axis_name="c", subcore_axis_name="s")

    out_type = [
        jax.ShapeDtypeStruct((n, _HALF), dt),
        jax.ShapeDtypeStruct((n, _HALF), dt),
    ]
    scratch = [
        [pltpu.VMEM((2, _K), jnp.int32) for _ in range(_NI)],
        [pltpu.SemaphoreType.DMA for _ in range(_NI)],
        [pltpu.VMEM((_K, _HALF), dt) for _ in range(_NB)],
        [pltpu.SemaphoreType.DMA for _ in range(_NB)],
        pltpu.VMEM((zr, _HALF), dt),
        pltpu.SemaphoreType.DMA,
        pltpu.VMEM_SHARED((n, _HALF), dt),
    ]

    def body(xlo, xhi, sd, agg_lo, agg_hi, slots, isem, rows, gsem,
             zb, zsem, acc):
        c = lax.axis_index("c")
        s = lax.axis_index("s")
        r0 = s * rps

        for j in range(_NI):
            pltpu.async_copy(sd.at[s, j], slots[j], isem[j])

        @pl.loop(0, zr)
        def _(i):
            for j in range(_HALF // lanes):
                zb[i, pl.ds(j * lanes, lanes)] = jnp.zeros((lanes,), dt)

        for t in range(zcopies):
            pltpu.async_copy(zb, acc.at[pl.ds(r0 + t * zr, zr)], zsem)
        for t in range(zcopies):
            pltpu.make_async_copy(zb, acc.at[pl.ds(r0 + t * zr, zr)],
                                  zsem).wait()

        plsc.subcore_barrier()

        def run_edges(xh):
            for i in range(_NB):
                pltpu.make_async_copy(sd.at[s, i], slots[i], isem[i]).wait()
                pltpu.async_copy(xh.at[slots[i].at[0]], rows[i], gsem[i])

            @pl.loop(0, iters, step=_NI)
            def _(i0):
                for u in range(_NI):
                    i = i0 + u
                    b = u % _NB
                    j = u
                    pltpu.make_async_copy(xh.at[slots[j].at[0]], rows[b],
                                          gsem[b]).wait()
                    pltpu.sync_copy(rows[b], acc.at[slots[j].at[1]], add=True)

                    @pl.when(i + _NI < iters)
                    def _():
                        pltpu.async_copy(sd.at[s, i + _NI], slots[j], isem[j])

                    @pl.when(i + _NB < iters)
                    def _():
                        j2 = (u + _NB) % _NI
                        pltpu.make_async_copy(sd.at[s, i + _NB], slots[j2],
                                              isem[j2]).wait()
                        pltpu.async_copy(xh.at[slots[j2].at[0]], rows[b],
                                         gsem[b])

        @pl.when(c == 0)
        def _():
            run_edges(xlo)

        @pl.when(c == 1)
        def _():
            run_edges(xhi)

        plsc.subcore_barrier()

        @pl.when(c == 0)
        def _():
            pltpu.sync_copy(acc.at[pl.ds(r0, rps)], agg_lo.at[pl.ds(r0, rps)])

        @pl.when(c == 1)
        def _():
            pltpu.sync_copy(acc.at[pl.ds(r0, rps)], agg_hi.at[pl.ds(r0, rps)])

    return pl.kernel(body, out_type=out_type, mesh=mesh,
                     scratch_types=scratch,
                     compiler_params=pltpu.CompilerParams(
                         needs_layout_passes=False,
                         use_tc_tiling_on_sc=False),
                     name="sc_seg_sum")


@functools.lru_cache(maxsize=None)
def _make_sc_cnt(n, ep):
    rps = n // _NS

    mesh = plsc.VectorSubcoreMesh(core_axis_name="c", subcore_axis_name="s")

    scratch = [
        pltpu.VMEM((ep,), jnp.int32),
        pltpu.VMEM((n,), jnp.float32),
        pltpu.VMEM((rps,), jnp.float32),
        pltpu.VMEM((rps,), jnp.float32),
        pltpu.VMEM_SHARED((_NS, n), jnp.float32),
    ]

    def body(dstf, cnt_out, dstv, hist, rbuf, cbuf, shared):
        c = lax.axis_index("c")
        s = lax.axis_index("s")
        r0 = s * rps
        ones16 = jnp.ones((16,), jnp.float32)

        @pl.when(c == 0)
        def _():
            pltpu.sync_copy(dstf.at[pl.ds(s * ep, ep)], dstv)

            @pl.loop(0, n // 16)
            def _(i):
                hist[pl.ds(i * 16, 16)] = jnp.zeros((16,), jnp.float32)

            @pl.loop(0, ep // 16)
            def _(j):
                idx16 = dstv[pl.ds(j * 16, 16)]
                plsc.addupdate_scatter(hist, [idx16], ones16)

            pltpu.sync_copy(hist, shared.at[s])
            plsc.subcore_barrier()

            pltpu.sync_copy(shared.at[0, pl.ds(r0, rps)], cbuf)
            for r in range(1, _NS):
                pltpu.sync_copy(shared.at[r, pl.ds(r0, rps)], rbuf)

                @pl.loop(0, rps // 16)
                def _(t):
                    sl = pl.ds(t * 16, 16)
                    cbuf[sl] = cbuf[sl] + rbuf[sl]

            pltpu.sync_copy(cbuf, cnt_out.at[pl.ds(r0, rps)])

    return pl.kernel(body, out_type=jax.ShapeDtypeStruct((n,), jnp.float32),
                     mesh=mesh, scratch_types=scratch,
                     compiler_params=pltpu.CompilerParams(
                         needs_layout_passes=False),
                     name="sc_degree")


def _tc_layer(agg_lo_ref, agg_hi_ref, cnt_ref, x_lo_ref, x_hi_ref,
              a_ref, b_ref, bias_ref, *out_refs, relu):
    inv = 1.0 / jnp.maximum(cnt_ref[...], 1.0)
    m_lo = agg_lo_ref[...].astype(jnp.float32) * inv
    m_hi = agg_hi_ref[...].astype(jnp.float32) * inv
    x_lo = x_lo_ref[...].astype(jnp.float32)
    x_hi = x_hi_ref[...].astype(jnp.float32)
    acc = jnp.dot(m_lo, a_ref[0:_HALF, :], preferred_element_type=jnp.float32)
    acc = acc + jnp.dot(m_hi, a_ref[_HALF:, :],
                        preferred_element_type=jnp.float32)
    acc = acc + jnp.dot(x_lo, b_ref[0:_HALF, :],
                        preferred_element_type=jnp.float32)
    acc = acc + jnp.dot(x_hi, b_ref[_HALF:, :],
                        preferred_element_type=jnp.float32)
    acc = acc + bias_ref[...]
    if relu:
        h = jnp.maximum(acc, 0.0)
        out_refs[0][...] = h[:, :_HALF].astype(jnp.bfloat16)
        out_refs[1][...] = h[:, _HALF:].astype(jnp.bfloat16)
    else:
        out_refs[0][...] = acc


@functools.lru_cache(maxsize=None)
def _make_tc_layer(n, d, relu):
    br = 1000 if n % 1000 == 0 else n
    grid = (n // br,)
    row_spec = lambda w: pl.BlockSpec((br, w), lambda i: (i, 0))
    full_spec = lambda r, w: pl.BlockSpec((r, w), lambda i: (0, 0))
    in_specs = [
        row_spec(_HALF), row_spec(_HALF), row_spec(1),
        row_spec(_HALF), row_spec(_HALF),
        full_spec(d, d), full_spec(d, d), full_spec(1, d),
    ]
    if relu:
        out_shape = [jax.ShapeDtypeStruct((n, _HALF), jnp.bfloat16)] * 2
        out_specs = [row_spec(_HALF), row_spec(_HALF)]
    else:
        out_shape = jax.ShapeDtypeStruct((n, d), jnp.float32)
        out_specs = row_spec(d)
    return pl.pallas_call(
        functools.partial(_tc_layer, relu=relu),
        grid=grid, in_specs=in_specs, out_specs=out_specs,
        out_shape=out_shape,
    )


def kernel(x, edge_index, W1l, b1l, W1r, W2l, b2l, W2r):
    n, d = x.shape
    e = edge_index.shape[1]
    src = edge_index[0]
    dst = edge_index[1]
    xlo = x[:, :_HALF]
    xhi = x[:, _HALF:]

    n_pad = -(-n // 640) * 640
    step = _NS * _K * _NI
    e_pad = -(-e // step) * step
    ep = e_pad // _NS
    if e_pad != e:
        pad = e_pad - e
        src = jnp.concatenate([src, jnp.zeros((pad,), jnp.int32)])
        dst = jnp.concatenate([dst, jnp.full((pad,), n_pad - 1, jnp.int32)])
    sd = jnp.stack([src.reshape(_NS, ep // _K, _K),
                    dst.reshape(_NS, ep // _K, _K)], axis=2)

    sc_agg = _make_sc_agg(n_pad, ep)
    sc_cnt = _make_sc_cnt(n_pad, ep)
    tc1 = _make_tc_layer(n, d, True)
    tc2 = _make_tc_layer(n, d, False)

    cnt = sc_cnt(dst)
    agg1lo, agg1hi = sc_agg(xlo.astype(jnp.bfloat16),
                            xhi.astype(jnp.bfloat16), sd)
    cnt_col = cnt.reshape(n_pad, 1)
    hlo, hhi = tc1(agg1lo, agg1hi, cnt_col, xlo, xhi,
                   W1l.T, W1r.T, b1l.reshape(1, d))
    agg2lo, agg2hi = sc_agg(hlo, hhi, sd)
    out = tc2(agg2lo, agg2hi, cnt_col, hlo, hhi,
              W2l.T, W2r.T, b2l.reshape(1, d))
    return out

# --- scband reference (transcript-rebuilt; emitter-appended) ---
"""Pipeline reference for scband-flexible-sage-24481313587839 (READ-ONLY COPY).

The authoritative reference and input builder live on the scoring server;
editing this copy changes nothing except your own understanding.
"""

import jax, jax.numpy as jnp
import numpy as np

N = 10000
E = 160000
D_IN = 256
D_HID = 256
D_OUT = 256


def _glorot_linear(key, out_dim, in_dim):
    scale = 1.0 / jnp.sqrt(in_dim)
    return jax.random.uniform(key, (out_dim, in_dim), minval=-scale, maxval=scale, dtype=jnp.float32)


def setup_inputs(seed: int = 0) -> dict:
    key = jax.random.key(seed)
    ks = jax.random.split(key, 10)
    x = jax.random.normal(ks[0], (N, D_IN), dtype=jnp.float32)
    edge_index = jax.random.randint(ks[1], (2, E), 0, N, dtype=jnp.int32)
    # Layer 1: SAGEConv(in=256, out=256): lin_l (with bias), lin_r (no bias)
    W1l = _glorot_linear(ks[2], D_HID, D_IN)
    b1l = jnp.zeros((D_HID,), dtype=jnp.float32)
    W1r = _glorot_linear(ks[3], D_HID, D_IN)
    # Layer 2: SAGEConv(hidden=256, out=256)
    W2l = _glorot_linear(ks[4], D_OUT, D_HID)
    b2l = jnp.zeros((D_OUT,), dtype=jnp.float32)
    W2r = _glorot_linear(ks[5], D_OUT, D_HID)
    return {"x": x, "edge_index": edge_index, "W1l": W1l, "b1l": b1l, "W1r": W1r,
            "W2l": W2l, "b2l": b2l, "W2r": W2r}


def _sage_conv(x, edge_index, Wl, bl, Wr):
    # PyG SAGEConv with mean aggregation:
    #   out = lin_l(mean_{j in N(i)} x_j) + lin_r(x_i)
    src = edge_index[0]
    dst = edge_index[1]
    msgs = jnp.take(x, src, axis=0)                                   # gather
    agg = jax.ops.segment_sum(msgs, dst, num_segments=x.shape[0])     # scatter-add
    cnt = jax.ops.segment_sum(jnp.ones((edge_index.shape[1],), dtype=x.dtype), dst,
                              num_segments=x.shape[0])
    mean = agg / jnp.clip(cnt, 1.0)[:, None]
    return mean @ Wl.T + bl + x @ Wr.T


def reference(x, edge_index, W1l, b1l, W1r, W2l, b2l, W2r):
    # Layer 1 + ReLU (dropout is identity in eval mode)
    h = jax.nn.relu(_sage_conv(x, edge_index, W1l, b1l, W1r))
    # Final layer, no activation
    out = _sage_conv(h, edge_index, W2l, b2l, W2r)
    return out

if __name__ == "__main__":
    import jax
    _d = setup_inputs()
    print(jax.jit(kernel)(*tuple(_d.values())))

</pallas_src>

<mosaic_0001>
#map = affine_map<(d0, d1) -> (0, 0)>
#map1 = affine_map<(d0, d1) -> (0, 0, 0, 0)>
module attributes {stable_mosaic.version = 14 : i64} {
  func.func @sc_seg_sum(%arg0: i32, %arg1: i32, %arg2: memref<10000x128xbf16, #tpu.memory_space<hbm>>, %arg3: memref<10000x128xbf16, #tpu.memory_space<hbm>>, %arg4: memref<16x80x2x128xi32, #tpu.memory_space<hbm>>, %arg5: memref<10240x128xbf16, #tpu.memory_space<hbm>>, %arg6: memref<10240x128xbf16, #tpu.memory_space<hbm>>, %arg7: memref<2x128xi32, #tpu.memory_space<vmem>>, %arg8: memref<2x128xi32, #tpu.memory_space<vmem>>, %arg9: memref<2x128xi32, #tpu.memory_space<vmem>>, %arg10: memref<2x128xi32, #tpu.memory_space<vmem>>, %arg11: memref<!tpu.dma_semaphore, #tpu.memory_space<semaphore_mem>>, %arg12: memref<!tpu.dma_semaphore, #tpu.memory_space<semaphore_mem>>, %arg13: memref<!tpu.dma_semaphore, #tpu.memory_space<semaphore_mem>>, %arg14: memref<!tpu.dma_semaphore, #tpu.memory_space<semaphore_mem>>, %arg15: memref<128x128xbf16, #tpu.memory_space<vmem>>, %arg16: memref<128x128xbf16, #tpu.memory_space<vmem>>, %arg17: memref<!tpu.dma_semaphore, #tpu.memory_space<semaphore_mem>>, %arg18: memref<!tpu.dma_semaphore, #tpu.memory_space<semaphore_mem>>, %arg19: memref<32x128xbf16, #tpu.memory_space<vmem>>, %arg20: memref<!tpu.dma_semaphore, #tpu.memory_space<semaphore_mem>>, %arg21: memref<10240x128xbf16, #tpu.memory_space<vmem_shared>>) attributes {dimension_semantics = [#tpu.dimension_semantics<core_parallel>, #tpu.dimension_semantics<subcore_parallel>], iteration_bounds = array<i64: 2, 16>, scalar_prefetch = 0 : i64, scratch_operands = 15 : i64, tpu.core_type = #tpu.core_type<sc_vector_subcore>, window_params = [{transform_indices = #map}, {transform_indices = #map}, {transform_indices = #map1}, {transform_indices = #map}, {transform_indices = #map}]} {
    %mul3A = arith.constant 640 : i32
    %mul3A_0 = arith.muli %arg1, %mul3A : i32
    %dma_start3A = arith.constant 0 : i32
    %dma_start3A_1 = arith.constant 0 : i32
    %dma_start3A_2 = arith.constant 0 : i32
    %dma_start3A_3 = tpu.memref_slice %arg4[%arg1, %dma_start3A, %dma_start3A_1, %dma_start3A_2] : memref<16x80x2x128xi32, #tpu.memory_space<hbm>> -> memref<1x1x2x128xi32, #tpu.memory_space<hbm>>
    %dma_start3A_4 = tpu.memref_squeeze %dma_start3A_3 : memref<1x1x2x128xi32, #tpu.memory_space<hbm>> -> memref<2x128xi32, #tpu.memory_space<hbm>>
    %dma_start3A_5 = arith.constant 0 : i32
    %dma_start3A_6 = arith.constant 0 : i32
    %dma_start3A_7 = tpu.memref_slice %arg4[%arg1, %dma_start3A, %dma_start3A_5, %dma_start3A_6] : memref<16x80x2x128xi32, #tpu.memory_space<hbm>> -> memref<1x1x2x128xi32, #tpu.memory_space<hbm>>
    %dma_start3A_8 = tpu.memref_squeeze %dma_start3A_7 : memref<1x1x2x128xi32, #tpu.memory_space<hbm>> -> memref<2x128xi32, #tpu.memory_space<hbm>>
    tpu.enqueue_dma source(%dma_start3A_8 : memref<2x128xi32, #tpu.memory_space<hbm>>) target(%arg7 : memref<2x128xi32, #tpu.memory_space<vmem>>) target_semaphore(%arg11 : memref<!tpu.dma_semaphore, #tpu.memory_space<semaphore_mem>>)
    %dma_start3A_9 = arith.constant 1 : i32
    %dma_start3A_10 = arith.constant 0 : i32
    %dma_start3A_11 = arith.constant 0 : i32
    %dma_start3A_12 = tpu.memref_slice %arg4[%arg1, %dma_start3A_9, %dma_start3A_10, %dma_start3A_11] : memref<16x80x2x128xi32, #tpu.memory_space<hbm>> -> memref<1x1x2x128xi32, #tpu.memory_space<hbm>>
    %dma_start3A_13 = tpu.memref_squeeze %dma_start3A_12 : memref<1x1x2x128xi32, #tpu.memory_space<hbm>> -> memref<2x128xi32, #tpu.memory_space<hbm>>
    %dma_start3A_14 = arith.constant 0 : i32
    %dma_start3A_15 = arith.constant 0 : i32
    %dma_start3A_16 = tpu.memref_slice %arg4[%arg1, %dma_start3A_9, %dma_start3A_14, %dma_start3A_15] : memref<16x80x2x128xi32, #tpu.memory_space<hbm>> -> memref<1x1x2x128xi32, #tpu.memory_space<hbm>>
    %dma_start3A_17 = tpu.memref_squeeze %dma_start3A_16 : memref<1x1x2x128xi32, #tpu.memory_space<hbm>> -> memref<2x128xi32, #tpu.memory_space<hbm>>
    tpu.enqueue_dma source(%dma_start3A_17 : memref<2x128xi32, #tpu.memory_space<hbm>>) target(%arg8 : memref<2x128xi32, #tpu.memory_space<vmem>>) target_semaphore(%arg12 : memref<!tpu.dma_semaphore, #tpu.memory_space<semaphore_mem>>)
    %dma_start3A_18 = arith.constant 2 : i32
    %dma_start3A_19 = arith.constant 0 : i32
    %dma_start3A_20 = arith.constant 0 : i32
    %dma_start3A_21 = tpu.memref_slice %arg4[%arg1, %dma_start3A_18, %dma_start3A_19, %dma_start3A_20] : memref<16x80x2x128xi32, #tpu.memory_space<hbm>> -> memref<1x1x2x128xi32, #tpu.memory_space<hbm>>
    %dma_start3A_22 = tpu.memref_squeeze %dma_start3A_21 : memref<1x1x2x128xi32, #tpu.memory_space<hbm>> -> memref<2x128xi32, #tpu.memory_space<hbm>>
    %dma_start3A_23 = arith.constant 0 : i32
    %dma_start3A_24 = arith.constant 0 : i32
    %dma_start3A_25 = tpu.memref_slice %arg4[%arg1, %dma_start3A_18, %dma_start3A_23, %dma_start3A_24] : memref<16x80x2x128xi32, #tpu.memory_space<hbm>> -> memref<1x1x2x128xi32, #tpu.memory_space<hbm>>
    %dma_start3A_26 = tpu.memref_squeeze %dma_start3A_25 : memref<1x1x2x128xi32, #tpu.memory_space<hbm>> -> memref<2x128xi32, #tpu.memory_space<hbm>>
    tpu.enqueue_dma source(%dma_start3A_26 : memref<2x128xi32, #tpu.memory_space<hbm>>) target(%arg9 : memref<2x128xi32, #tpu.memory_space<vmem>>) target_semaphore(%arg13 : memref<!tpu.dma_semaphore, #tpu.memory_space<semaphore_mem>>)
    %dma_start3A_27 = arith.constant 3 : i32
    %dma_start3A_28 = arith.constant 0 : i32
    %dma_start3A_29 = arith.constant 0 : i32
    %dma_start3A_30 = tpu.memref_slice %arg4[%arg1, %dma_start3A_27, %dma_start3A_28, %dma_start3A_29] : memref<16x80x2x128xi32, #tpu.memory_space<hbm>> -> memref<1x1x2x128xi32, #tpu.memory_space<hbm>>
    %dma_start3A_31 = tpu.memref_squeeze %dma_start3A_30 : memref<1x1x2x128xi32, #tpu.memory_space<hbm>> -> memref<2x128xi32, #tpu.memory_space<hbm>>
    %dma_start3A_32 = arith.constant 0 : i32
    %dma_start3A_33 = arith.constant 0 : i32
    %dma_start3A_34 = tpu.memref_slice %arg4[%arg1, %dma_start3A_27, %dma_start3A_32, %dma_start3A_33] : memref<16x80x2x128xi32, #tpu.memory_space<hbm>> -> memref<1x1x2x128xi32, #tpu.memory_space<hbm>>
    %dma_start3A_35 = tpu.memref_squeeze %dma_start3A_34 : memref<1x1x2x128xi32, #tpu.memory_space<hbm>> -> memref<2x128xi32, #tpu.memory_space<hbm>>
    tpu.enqueue_dma source(%dma_start3A_35 : memref<2x128xi32, #tpu.memory_space<hbm>>) target(%arg10 : memref<2x128xi32, #tpu.memory_space<vmem>>) target_semaphore(%arg14 : memref<!tpu.dma_semaphore, #tpu.memory_space<semaphore_mem>>)
    %scan3A = arith.constant 0 : i32
    %scan3A_36 = arith.constant 32 : i32
    %scan3A_37 = arith.addi %scan3A, %scan3A_36 : i32
    %scan3A_38 = arith.constant 1 : i32
    scf.for %scan3A_296 = %scan3A to %scan3A_37 step %scan3A_38  : i32 {
      %mul3A_297 = arith.constant 1 : i32
      %mul3A_298 = arith.muli %scan3A_296, %mul3A_297 : i32
      %add3A_299 = arith.constant 0 : i32
      %add3A_300 = arith.addi %add3A_299, %mul3A_298 : i32
      %broadcast_in_dim3A = arith.constant 0.000000e+00 : bf16
      %broadcast_in_dim3A_301 = vector.broadcast %broadcast_in_dim3A : bf16 to vector<32xbf16>
      %swap3A = arith.index_cast %add3A_300 : i32 to index
      %swap3A_302 = arith.constant 0 : index
      %swap3A_303 = tpu.vector_load %arg19[%swap3A, %swap3A_302] {strides = array<i32>} : memref<32x128xbf16, #tpu.memory_space<vmem>>, vector<32xbf16>,
      tpu.vector_store %arg19[%swap3A, %swap3A_302], %broadcast_in_dim3A_301 {strides = array<i32>} : memref<32x128xbf16, #tpu.memory_space<vmem>>, vector<32xbf16>,
      %broadcast_in_dim3A_304 = arith.constant 0.000000e+00 : bf16
      %broadcast_in_dim3A_305 = vector.broadcast %broadcast_in_dim3A_304 : bf16 to vector<32xbf16>
      %swap3A_306 = arith.index_cast %add3A_300 : i32 to index
      %swap3A_307 = arith.constant 32 : index
      %swap3A_308 = tpu.vector_load %arg19[%swap3A_306, %swap3A_307] {strides = array<i32>} : memref<32x128xbf16, #tpu.memory_space<vmem>>, vector<32xbf16>,
      tpu.vector_store %arg19[%swap3A_306, %swap3A_307], %broadcast_in_dim3A_305 {strides = array<i32>} : memref<32x128xbf16, #tpu.memory_space<vmem>>, vector<32xbf16>,
      %broadcast_in_dim3A_309 = arith.constant 0.000000e+00 : bf16
      %broadcast_in_dim3A_310 = vector.broadcast %broadcast_in_dim3A_309 : bf16 to vector<32xbf16>
      %swap3A_311 = arith.index_cast %add3A_300 : i32 to index
      %swap3A_312 = arith.constant 64 : index
      %swap3A_313 = tpu.vector_load %arg19[%swap3A_311, %swap3A_312] {strides = array<i32>} : memref<32x128xbf16, #tpu.memory_space<vmem>>, vector<32xbf16>,
      tpu.vector_store %arg19[%swap3A_311, %swap3A_312], %broadcast_in_dim3A_310 {strides = array<i32>} : memref<32x128xbf16, #tpu.memory_space<vmem>>, vector<32xbf16>,
      %broadcast_in_dim3A_314 = arith.constant 0.000000e+00 : bf16
      %broadcast_in_dim3A_315 = vector.broadcast %broadcast_in_dim3A_314 : bf16 to vector<32xbf16>
      %swap3A_316 = arith.index_cast %add3A_300 : i32 to index
      %swap3A_317 = arith.constant 96 : index
      %swap3A_318 = tpu.vector_load %arg19[%swap3A_316, %swap3A_317] {strides = array<i32>} : memref<32x128xbf16, #tpu.memory_space<vmem>>, vector<32xbf16>,
      tpu.vector_store %arg19[%swap3A_316, %swap3A_317], %broadcast_in_dim3A_315 {strides = array<i32>} : memref<32x128xbf16, #tpu.memory_space<vmem>>, vector<32xbf16>,
    }
    %scan3A_39 = arith.constant 32 : i32
    %add3A = arith.constant 0 : i32
    %add3A_40 = arith.addi %mul3A_0, %add3A : i32
    %dma_start3A_41 = arith.constant 0 : i32
    %dma_start3A_42 = tpu.memref_slice %arg21[%add3A_40, %dma_start3A_41] : memref<10240x128xbf16, #tpu.memory_space<vmem_shared>> -> memref<32x128xbf16, #tpu.memory_space<vmem_shared>>
    %dma_start3A_43 = arith.constant 0 : i32
    %dma_start3A_44 = tpu.memref_slice %arg21[%add3A_40, %dma_start3A_43] : memref<10240x128xbf16, #tpu.memory_space<vmem_shared>> -> memref<32x128xbf16, #tpu.memory_space<vmem_shared>>
    tpu.enqueue_dma source(%arg19 : memref<32x128xbf16, #tpu.memory_space<vmem>>) target(%dma_start3A_44 : memref<32x128xbf16, #tpu.memory_space<vmem_shared>>) target_semaphore(%arg20 : memref<!tpu.dma_semaphore, #tpu.memory_space<semaphore_mem>>)
    %add3A_45 = arith.constant 32 : i32
    %add3A_46 = arith.addi %mul3A_0, %add3A_45 : i32
    %dma_start3A_47 = arith.constant 0 : i32
    %dma_start3A_48 = tpu.memref_slice %arg21[%add3A_46, %dma_start3A_47] : memref<10240x128xbf16, #tpu.memory_space<vmem_shared>> -> memref<32x128xbf16, #tpu.memory_space<vmem_shared>>
    %dma_start3A_49 = arith.constant 0 : i32
    %dma_start3A_50 = tpu.memref_slice %arg21[%add3A_46, %dma_start3A_49] : memref<10240x128xbf16, #tpu.memory_space<vmem_shared>> -> memref<32x128xbf16, #tpu.memory_space<vmem_shared>>
    tpu.enqueue_dma source(%arg19 : memref<32x128xbf16, #tpu.memory_space<vmem>>) target(%dma_start3A_50 : memref<32x128xbf16, #tpu.memory_space<vmem_shared>>) target_semaphore(%arg20 : memref<!tpu.dma_semaphore, #tpu.memory_space<semaphore_mem>>)
    %add3A_51 = arith.constant 64 : i32
    %add3A_52 = arith.addi %mul3A_0, %add3A_51 : i32
    %dma_start3A_53 = arith.constant 0 : i32
    %dma_start3A_54 = tpu.memref_slice %arg21[%add3A_52, %dma_start3A_53] : memref<10240x128xbf16, #tpu.memory_space<vmem_shared>> -> memref<32x128xbf16, #tpu.memory_space<vmem_shared>>
    %dma_start3A_55 = arith.constant 0 : i32
    %dma_start3A_56 = tpu.memref_slice %arg21[%add3A_52, %dma_start3A_55] : memref<10240x128xbf16, #tpu.memory_space<vmem_shared>> -> memref<32x128xbf16, #tpu.memory_space<vmem_shared>>
    tpu.enqueue_dma source(%arg19 : memref<32x128xbf16, #tpu.memory_space<vmem>>) target(%dma_start3A_56 : memref<32x128xbf16, #tpu.memory_space<vmem_shared>>) target_semaphore(%arg20 : memref<!tpu.dma_semaphore, #tpu.memory_space<semaphore_mem>>)
    %add3A_57 = arith.constant 96 : i32
    %add3A_58 = arith.addi %mul3A_0, %add3A_57 : i32
    %dma_start3A_59 = arith.constant 0 : i32
    %dma_start3A_60 = tpu.memref_slice %arg21[%add3A_58, %dma_start3A_59] : memref<10240x128xbf16, #tpu.memory_space<vmem_shared>> -> memref<32x128xbf16, #tpu.memory_space<vmem_shared>>
    %dma_start3A_61 = arith.constant 0 : i32
    %dma_start3A_62 = tpu.memref_slice %arg21[%add3A_58, %dma_start3A_61] : memref<10240x128xbf16, #tpu.memory_space<vmem_shared>> -> memref<32x128xbf16, #tpu.memory_space<vmem_shared>>
    tpu.enqueue_dma source(%arg19 : memref<32x128xbf16, #tpu.memory_space<vmem>>) target(%dma_start3A_62 : memref<32x128xbf16, #tpu.memory_space<vmem_shared>>) target_semaphore(%arg20 : memref<!tpu.dma_semaphore, #tpu.memory_space<semaphore_mem>>)
    %add3A_63 = arith.constant 128 : i32
    %add3A_64 = arith.addi %mul3A_0, %add3A_63 : i32
    %dma_start3A_65 = arith.constant 0 : i32
    %dma_start3A_66 = tpu.memref_slice %arg21[%add3A_64, %dma_start3A_65] : memref<10240x128xbf16, #tpu.memory_space<vmem_shared>> -> memref<32x128xbf16, #tpu.memory_space<vmem_shared>>
    %dma_start3A_67 = arith.constant 0 : i32
    %dma_start3A_68 = tpu.memref_slice %arg21[%add3A_64, %dma_start3A_67] : memref<10240x128xbf16, #tpu.memory_space<vmem_shared>> -> memref<32x128xbf16, #tpu.memory_space<vmem_shared>>
    tpu.enqueue_dma source(%arg19 : memref<32x128xbf16, #tpu.memory_space<vmem>>) target(%dma_start3A_68 : memref<32x128xbf16, #tpu.memory_space<vmem_shared>>) target_semaphore(%arg20 : memref<!tpu.dma_semaphore, #tpu.memory_space<semaphore_mem>>)
    %add3A_69 = arith.constant 160 : i32
    %add3A_70 = arith.addi %mul3A_0, %add3A_69 : i32
    %dma_start3A_71 = arith.constant 0 : i32
    %dma_start3A_72 = tpu.memref_slice %arg21[%add3A_70, %dma_start3A_71] : memref<10240x128xbf16, #tpu.memory_space<vmem_shared>> -> memref<32x128xbf16, #tpu.memory_space<vmem_shared>>
    %dma_start3A_73 = arith.constant 0 : i32
    %dma_start3A_74 = tpu.memref_slice %arg21[%add3A_70, %dma_start3A_73] : memref<10240x128xbf16, #tpu.memory_space<vmem_shared>> -> memref<32x128xbf16, #tpu.memory_space<vmem_shared>>
    tpu.enqueue_dma source(%arg19 : memref<32x128xbf16, #tpu.memory_space<vmem>>) target(%dma_start3A_74 : memref<32x128xbf16, #tpu.memory_space<vmem_shared>>) target_semaphore(%arg20 : memref<!tpu.dma_semaphore, #tpu.memory_space<semaphore_mem>>)
    %add3A_75 = arith.constant 192 : i32
    %add3A_76 = arith.addi %mul3A_0, %add3A_75 : i32
    %dma_start3A_77 = arith.constant 0 : i32
    %dma_start3A_78 = tpu.memref_slice %arg21[%add3A_76, %dma_start3A_77] : memref<10240x128xbf16, #tpu.memory_space<vmem_shared>> -> memref<32x128xbf16, #tpu.memory_space<vmem_shared>>
    %dma_start3A_79 = arith.constant 0 : i32
    %dma_start3A_80 = tpu.memref_slice %arg21[%add3A_76, %dma_start3A_79] : memref<10240x128xbf16, #tpu.memory_space<vmem_shared>> -> memref<32x128xbf16, #tpu.memory_space<vmem_shared>>
    tpu.enqueue_dma source(%arg19 : memref<32x128xbf16, #tpu.memory_space<vmem>>) target(%dma_start3A_80 : memref<32x128xbf16, #tpu.memory_space<vmem_shared>>) target_semaphore(%arg20 : memref<!tpu.dma_semaphore, #tpu.memory_space<semaphore_mem>>)
    %add3A_81 = arith.constant 224 : i32
    %add3A_82 = arith.addi %mul3A_0, %add3A_81 : i32
    %dma_start3A_83 = arith.constant 0 : i32
    %dma_start3A_84 = tpu.memref_slice %arg21[%add3A_82, %dma_start3A_83] : memref<10240x128xbf16, #tpu.memory_space<vmem_shared>> -> memref<32x128xbf16, #tpu.memory_space<vmem_shared>>
    %dma_start3A_85 = arith.constant 0 : i32
    %dma_start3A_86 = tpu.memref_slice %arg21[%add3A_82, %dma_start3A_85] : memref<10240x128xbf16, #tpu.memory_space<vmem_shared>> -> memref<32x128xbf16, #tpu.memory_space<vmem_shared>>
    tpu.enqueue_dma source(%arg19 : memref<32x128xbf16, #tpu.memory_space<vmem>>) target(%dma_start3A_86 : memref<32x128xbf16, #tpu.memory_space<vmem_shared>>) target_semaphore(%arg20 : memref<!tpu.dma_semaphore, #tpu.memory_space<semaphore_mem>>)
    %add3A_87 = arith.constant 256 : i32
    %add3A_88 = arith.addi %mul3A_0, %add3A_87 : i32
    %dma_start3A_89 = arith.constant 0 : i32
    %dma_start3A_90 = tpu.memref_slice %arg21[%add3A_88, %dma_start3A_89] : memref<10240x128xbf16, #tpu.memory_space<vmem_shared>> -> memref<32x128xbf16, #tpu.memory_space<vmem_shared>>
    %dma_start3A_91 = arith.constant 0 : i32
    %dma_start3A_92 = tpu.memref_slice %arg21[%add3A_88, %dma_start3A_91] : memref<10240x128xbf16, #tpu.memory_space<vmem_shared>> -> memref<32x128xbf16, #tpu.memory_space<vmem_shared>>
    tpu.enqueue_dma source(%arg19 : memref<32x128xbf16, #tpu.memory_space<vmem>>) target(%dma_start3A_92 : memref<32x128xbf16, #tpu.memory_space<vmem_shared>>) target_semaphore(%arg20 : memref<!tpu.dma_semaphore, #tpu.memory_space<semaphore_mem>>)
    %add3A_93 = arith.constant 288 : i32
    %add3A_94 = arith.addi %mul3A_0, %add3A_93 : i32
    %dma_start3A_95 = arith.constant 0 : i32
    %dma_start3A_96 = tpu.memref_slice %arg21[%add3A_94, %dma_start3A_95] : memref<10240x128xbf16, #tpu.memory_space<vmem_shared>> -> memref<32x128xbf16, #tpu.memory_space<vmem_shared>>
    %dma_start3A_97 = arith.constant 0 : i32
    %dma_start3A_98 = tpu.memref_slice %arg21[%add3A_94, %dma_start3A_97] : memref<10240x128xbf16, #tpu.memory_space<vmem_shared>> -> memref<32x128xbf16, #tpu.memory_space<vmem_shared>>
    tpu.enqueue_dma source(%arg19 : memref<32x128xbf16, #tpu.memory_space<vmem>>) target(%dma_start3A_98 : memref<32x128xbf16, #tpu.memory_space<vmem_shared>>) target_semaphore(%arg20 : memref<!tpu.dma_semaphore, #tpu.memory_space<semaphore_mem>>)
    %add3A_99 = arith.constant 320 : i32
    %add3A_100 = arith.addi %mul3A_0, %add3A_99 : i32
    %dma_start3A_101 = arith.constant 0 : i32
    %dma_start3A_102 = tpu.memref_slice %arg21[%add3A_100, %dma_start3A_101] : memref<10240x128xbf16, #tpu.memory_space<vmem_shared>> -> memref<32x128xbf16, #tpu.memory_space<vmem_shared>>
    %dma_start3A_103 = arith.constant 0 : i32
    %dma_start3A_104 = tpu.memref_slice %arg21[%add3A_100, %dma_start3A_103] : memref<10240x128xbf16, #tpu.memory_space<vmem_shared>> -> memref<32x128xbf16, #tpu.memory_space<vmem_shared>>
    tpu.enqueue_dma source(%arg19 : memref<32x128xbf16, #tpu.memory_space<vmem>>) target(%dma_start3A_104 : memref<32x128xbf16, #tpu.memory_space<vmem_shared>>) target_semaphore(%arg20 : memref<!tpu.dma_semaphore, #tpu.memory_space<semaphore_mem>>)
    %add3A_105 = arith.constant 352 : i32
    %add3A_106 = arith.addi %mul3A_0, %add3A_105 : i32
    %dma_start3A_107 = arith.constant 0 : i32
    %dma_start3A_108 = tpu.memref_slice %arg21[%add3A_106, %dma_start3A_107] : memref<10240x128xbf16, #tpu.memory_space<vmem_shared>> -> memref<32x128xbf16, #tpu.memory_space<vmem_shared>>
    %dma_start3A_109 = arith.constant 0 : i32
    %dma_start3A_110 = tpu.memref_slice %arg21[%add3A_106, %dma_start3A_109] : memref<10240x128xbf16, #tpu.memory_space<vmem_shared>> -> memref<32x128xbf16, #tpu.memory_space<vmem_shared>>
    tpu.enqueue_dma source(%arg19 : memref<32x128xbf16, #tpu.memory_space<vmem>>) target(%dma_start3A_110 : memref<32x128xbf16, #tpu.memory_space<vmem_shared>>) target_semaphore(%arg20 : memref<!tpu.dma_semaphore, #tpu.memory_space<semaphore_mem>>)
    %add3A_111 = arith.constant 384 : i32
    %add3A_112 = arith.addi %mul3A_0, %add3A_111 : i32
    %dma_start3A_113 = arith.constant 0 : i32
    %dma_start3A_114 = tpu.memref_slice %arg21[%add3A_112, %dma_start3A_113] : memref<10240x128xbf16, #tpu.memory_space<vmem_shared>> -> memref<32x128xbf16, #tpu.memory_space<vmem_shared>>
    %dma_start3A_115 = arith.constant 0 : i32
    %dma_start3A_116 = tpu.memref_slice %arg21[%add3A_112, %dma_start3A_115] : memref<10240x128xbf16, #tpu.memory_space<vmem_shared>> -> memref<32x128xbf16, #tpu.memory_space<vmem_shared>>
    tpu.enqueue_dma source(%arg19 : memref<32x128xbf16, #tpu.memory_space<vmem>>) target(%dma_start3A_116 : memref<32x128xbf16, #tpu.memory_space<vmem_shared>>) target_semaphore(%arg20 : memref<!tpu.dma_semaphore, #tpu.memory_space<semaphore_mem>>)
    %add3A_117 = arith.constant 416 : i32
    %add3A_118 = arith.addi %mul3A_0, %add3A_117 : i32
    %dma_start3A_119 = arith.constant 0 : i32
    %dma_start3A_120 = tpu.memref_slice %arg21[%add3A_118, %dma_start3A_119] : memref<10240x128xbf16, #tpu.memory_space<vmem_shared>> -> memref<32x128xbf16, #tpu.memory_space<vmem_shared>>
    %dma_start3A_121 = arith.constant 0 : i32
    %dma_start3A_122 = tpu.memref_slice %arg21[%add3A_118, %dma_start3A_121] : memref<10240x128xbf16, #tpu.memory_space<vmem_shared>> -> memref<32x128xbf16, #tpu.memory_space<vmem_shared>>
    tpu.enqueue_dma source(%arg19 : memref<32x128xbf16, #tpu.memory_space<vmem>>) target(%dma_start3A_122 : memref<32x128xbf16, #tpu.memory_space<vmem_shared>>) target_semaphore(%arg20 : memref<!tpu.dma_semaphore, #tpu.memory_space<semaphore_mem>>)
    %add3A_123 = arith.constant 448 : i32
    %add3A_124 = arith.addi %mul3A_0, %add3A_123 : i32
    %dma_start3A_125 = arith.constant 0 : i32
    %dma_start3A_126 = tpu.memref_slice %arg21[%add3A_124, %dma_start3A_125] : memref<10240x128xbf16, #tpu.memory_space<vmem_shared>> -> memref<32x128xbf16, #tpu.memory_space<vmem_shared>>
    %dma_start3A_127 = arith.constant 0 : i32
    %dma_start3A_128 = tpu.memref_slice %arg21[%add3A_124, %dma_start3A_127] : memref<10240x128xbf16, #tpu.memory_space<vmem_shared>> -> memref<32x128xbf16, #tpu.memory_space<vmem_shared>>
    tpu.enqueue_dma source(%arg19 : memref<32x128xbf16, #tpu.memory_space<vmem>>) target(%dma_start3A_128 : memref<32x128xbf16, #tpu.memory_space<vmem_shared>>) target_semaphore(%arg20 : memref<!tpu.dma_semaphore, #tpu.memory_space<semaphore_mem>>)
    %add3A_129 = arith.constant 480 : i32
    %add3A_130 = arith.addi %mul3A_0, %add3A_129 : i32
    %dma_start3A_131 = arith.constant 0 : i32
    %dma_start3A_132 = tpu.memref_slice %arg21[%add3A_130, %dma_start3A_131] : memref<10240x128xbf16, #tpu.memory_space<vmem_shared>> -> memref<32x128xbf16, #tpu.memory_space<vmem_shared>>
    %dma_start3A_133 = arith.constant 0 : i32
    %dma_start3A_134 = tpu.memref_slice %arg21[%add3A_130, %dma_start3A_133] : memref<10240x128xbf16, #tpu.memory_space<vmem_shared>> -> memref<32x128xbf16, #tpu.memory_space<vmem_shared>>
    tpu.enqueue_dma source(%arg19 : memref<32x128xbf16, #tpu.memory_space<vmem>>) target(%dma_start3A_134 : memref<32x128xbf16, #tpu.memory_space<vmem_shared>>) target_semaphore(%arg20 : memref<!tpu.dma_semaphore, #tpu.memory_space<semaphore_mem>>)
    %add3A_135 = arith.constant 512 : i32
    %add3A_136 = arith.addi %mul3A_0, %add3A_135 : i32
    %dma_start3A_137 = arith.constant 0 : i32
    %dma_start3A_138 = tpu.memref_slice %arg21[%add3A_136, %dma_start3A_137] : memref<10240x128xbf16, #tpu.memory_space<vmem_shared>> -> memref<32x128xbf16, #tpu.memory_space<vmem_shared>>
    %dma_start3A_139 = arith.constant 0 : i32
    %dma_start3A_140 = tpu.memref_slice %arg21[%add3A_136, %dma_start3A_139] : memref<10240x128xbf16, #tpu.memory_space<vmem_shared>> -> memref<32x128xbf16, #tpu.memory_space<vmem_shared>>
    tpu.enqueue_dma source(%arg19 : memref<32x128xbf16, #tpu.memory_space<vmem>>) target(%dma_start3A_140 : memref<32x128xbf16, #tpu.memory_space<vmem_shared>>) target_semaphore(%arg20 : memref<!tpu.dma_semaphore, #tpu.memory_space<semaphore_mem>>)
    %add3A_141 = arith.constant 544 : i32
    %add3A_142 = arith.addi %mul3A_0, %add3A_141 : i32
    %dma_start3A_143 = arith.constant 0 : i32
    %dma_start3A_144 = tpu.memref_slice %arg21[%add3A_142, %dma_start3A_143] : memref<10240x128xbf16, #tpu.memory_space<vmem_shared>> -> memref<32x128xbf16, #tpu.memory_space<vmem_shared>>
    %dma_start3A_145 = arith.constant 0 : i32
    %dma_start3A_146 = tpu.memref_slice %arg21[%add3A_142, %dma_start3A_145] : memref<10240x128xbf16, #tpu.memory_space<vmem_shared>> -> memref<32x128xbf16, #tpu.memory_space<vmem_shared>>
    tpu.enqueue_dma source(%arg19 : memref<32x128xbf16, #tpu.memory_space<vmem>>) target(%dma_start3A_146 : memref<32x128xbf16, #tpu.memory_space<vmem_shared>>) target_semaphore(%arg20 : memref<!tpu.dma_semaphore, #tpu.memory_space<semaphore_mem>>)
    %add3A_147 = arith.constant 576 : i32
    %add3A_148 = arith.addi %mul3A_0, %add3A_147 : i32
    %dma_start3A_149 = arith.constant 0 : i32
    %dma_start3A_150 = tpu.memref_slice %arg21[%add3A_148, %dma_start3A_149] : memref<10240x128xbf16, #tpu.memory_space<vmem_shared>> -> memref<32x128xbf16, #tpu.memory_space<vmem_shared>>
    %dma_start3A_151 = arith.constant 0 : i32
    %dma_start3A_152 = tpu.memref_slice %arg21[%add3A_148, %dma_start3A_151] : memref<10240x128xbf16, #tpu.memory_space<vmem_shared>> -> memref<32x128xbf16, #tpu.memory_space<vmem_shared>>
    tpu.enqueue_dma source(%arg19 : memref<32x128xbf16, #tpu.memory_space<vmem>>) target(%dma_start3A_152 : memref<32x128xbf16, #tpu.memory_space<vmem_shared>>) target_semaphore(%arg20 : memref<!tpu.dma_semaphore, #tpu.memory_space<semaphore_mem>>)
    %add3A_153 = arith.constant 608 : i32
    %add3A_154 = arith.addi %mul3A_0, %add3A_153 : i32
    %dma_start3A_155 = arith.constant 0 : i32
    %dma_start3A_156 = tpu.memref_slice %arg21[%add3A_154, %dma_start3A_155] : memref<10240x128xbf16, #tpu.memory_space<vmem_shared>> -> memref<32x128xbf16, #tpu.memory_space<vmem_shared>>
    %dma_start3A_157 = arith.constant 0 : i32
    %dma_start3A_158 = tpu.memref_slice %arg21[%add3A_154, %dma_start3A_157] : memref<10240x128xbf16, #tpu.memory_space<vmem_shared>> -> memref<32x128xbf16, #tpu.memory_space<vmem_shared>>
    tpu.enqueue_dma source(%arg19 : memref<32x128xbf16, #tpu.memory_space<vmem>>) target(%dma_start3A_158 : memref<32x128xbf16, #tpu.memory_space<vmem_shared>>) target_semaphore(%arg20 : memref<!tpu.dma_semaphore, #tpu.memory_space<semaphore_mem>>)
    %add3A_159 = arith.constant 0 : i32
    %add3A_160 = arith.addi %mul3A_0, %add3A_159 : i32
    %dma_wait3A = arith.constant 0 : i32
    %dma_wait3A_161 = tpu.memref_slice %arg21[%add3A_160, %dma_wait3A] : memref<10240x128xbf16, #tpu.memory_space<vmem_shared>> -> memref<32x128xbf16, #tpu.memory_space<vmem_shared>>
    %dma_wait3A_162 = arith.constant 0 : i32
    %dma_wait3A_163 = tpu.memref_slice %arg21[%add3A_160, %dma_wait3A_162] : memref<10240x128xbf16, #tpu.memory_space<vmem_shared>> -> memref<32x128xbf16, #tpu.memory_space<vmem_shared>>
    tpu.wait_dma2 semaphore(%arg20 : memref<!tpu.dma_semaphore, #tpu.memory_space<semaphore_mem>>) src(%arg19 : memref<32x128xbf16, #tpu.memory_space<vmem>>) dst(%dma_wait3A_163 : memref<32x128xbf16, #tpu.memory_space<vmem_shared>>)
    %add3A_164 = arith.constant 32 : i32
    %add3A_165 = arith.addi %mul3A_0, %add3A_164 : i32
    %dma_wait3A_166 = arith.constant 0 : i32
    %dma_wait3A_167 = tpu.memref_slice %arg21[%add3A_165, %dma_wait3A_166] : memref<10240x128xbf16, #tpu.memory_space<vmem_shared>> -> memref<32x128xbf16, #tpu.memory_space<vmem_shared>>
    %dma_wait3A_168 = arith.constant 0 : i32
    %dma_wait3A_169 = tpu.memref_slice %arg21[%add3A_165, %dma_wait3A_168] : memref<10240x128xbf16, #tpu.memory_space<vmem_shared>> -> memref<32x128xbf16, #tpu.memory_space<vmem_shared>>
    tpu.wait_dma2 semaphore(%arg20 : memref<!tpu.dma_semaphore, #tpu.memory_space<semaphore_mem>>) src(%arg19 : memref<32x128xbf16, #tpu.memory_space<vmem>>) dst(%dma_wait3A_169 : memref<32x128xbf16, #tpu.memory_space<vmem_shared>>)
    %add3A_170 = arith.constant 64 : i32
    %add3A_171 = arith.addi %mul3A_0, %add3A_170 : i32
    %dma_wait3A_172 = arith.constant 0 : i32
    %dma_wait3A_173 = tpu.memref_slice %arg21[%add3A_171, %dma_wait3A_172] : memref<10240x128xbf16, #tpu.memory_space<vmem_shared>> -> memref<32x128xbf16, #tpu.memory_space<vmem_shared>>
    %dma_wait3A_174 = arith.constant 0 : i32
    %dma_wait3A_175 = tpu.memref_slice %arg21[%add3A_171, %dma_wait3A_174] : memref<10240x128xbf16, #tpu.memory_space<vmem_shared>> -> memref<32x128xbf16, #tpu.memory_space<vmem_shared>>
    tpu.wait_dma2 semaphore(%arg20 : memref<!tpu.dma_semaphore, #tpu.memory_space<semaphore_mem>>) src(%arg19 : memref<32x128xbf16, #tpu.memory_space<vmem>>) dst(%dma_wait3A_175 : memref<32x128xbf16, #tpu.memory_space<vmem_shared>>)
    %add3A_176 = arith.constant 96 : i32
    %add3A_177 = arith.addi %mul3A_0, %add3A_176 : i32
    %dma_wait3A_178 = arith.constant 0 : i32
    %dma_wait3A_179 = tpu.memref_slice %arg21[%add3A_177, %dma_wait3A_178] : memref<10240x128xbf16, #tpu.memory_space<vmem_shared>> -> memref<32x128xbf16, #tpu.memory_space<vmem_shared>>
    %dma_wait3A_180 = arith.constant 0 : i32
    %dma_wait3A_181 = tpu.memref_slice %arg21[%add3A_177, %dma_wait3A_180] : memref<10240x128xbf16, #tpu.memory_space<vmem_shared>> -> memref<32x128xbf16, #tpu.memory_space<vmem_shared>>
    tpu.wait_dma2 semaphore(%arg20 : memref<!tpu.dma_semaphore, #tpu.memory_space<semaphore_mem>>) src(%arg19 : memref<32x128xbf16, #tpu.memory_space<vmem>>) dst(%dma_wait3A_181 : memref<32x128xbf16, #tpu.memory_space<vmem_shared>>)
    %add3A_182 = arith.constant 128 : i32
    %add3A_183 = arith.addi %mul3A_0, %add3A_182 : i32
    %dma_wait3A_184 = arith.constant 0 : i32
    %dma_wait3A_185 = tpu.memref_slice %arg21[%add3A_183, %dma_wait3A_184] : memref<10240x128xbf16, #tpu.memory_space<vmem_shared>> -> memref<32x128xbf16, #tpu.memory_space<vmem_shared>>
    %dma_wait3A_186 = arith.constant 0 : i32
    %dma_wait3A_187 = tpu.memref_slice %arg21[%add3A_183, %dma_wait3A_186] : memref<10240x128xbf16, #tpu.memory_space<vmem_shared>> -> memref<32x128xbf16, #tpu.memory_space<vmem_shared>>
    tpu.wait_dma2 semaphore(%arg20 : memref<!tpu.dma_semaphore, #tpu.memory_space<semaphore_mem>>) src(%arg19 : memref<32x128xbf16, #tpu.memory_space<vmem>>) dst(%dma_wait3A_187 : memref<32x128xbf16, #tpu.memory_space<vmem_shared>>)
    %add3A_188 = arith.constant 160 : i32
    %add3A_189 = arith.addi %mul3A_0, %add3A_188 : i32
    %dma_wait3A_190 = arith.constant 0 : i32
    %dma_wait3A_191 = tpu.memref_slice %arg21[%add3A_189, %dma_wait3A_190] : memref<10240x128xbf16, #tpu.memory_space<vmem_shared>> -> memref<32x128xbf16, #tpu.memory_space<vmem_shared>>
    %dma_wait3A_192 = arith.constant 0 : i32
    %dma_wait3A_193 = tpu.memref_slice %arg21[%add3A_189, %dma_wait3A_192] : memref<10240x128xbf16, #tpu.memory_space<vmem_shared>> -> memref<32x128xbf16, #tpu.memory_space<vmem_shared>>
    tpu.wait_dma2 semaphore(%arg20 : memref<!tpu.dma_semaphore, #tpu.memory_space<semaphore_mem>>) src(%arg19 : memref<32x128xbf16, #tpu.memory_space<vmem>>) dst(%dma_wait3A_193 : memref<32x128xbf16, #tpu.memory_space<vmem_shared>>)
    %add3A_194 = arith.constant 192 : i32
    %add3A_195 = arith.addi %mul3A_0, %add3A_194 : i32
    %dma_wait3A_196 = arith.constant 0 : i32
    %dma_wait3A_197 = tpu.memref_slice %arg21[%add3A_195, %dma_wait3A_196] : memref<10240x128xbf16, #tpu.memory_space<vmem_shared>> -> memref<32x128xbf16, #tpu.memory_space<vmem_shared>>
    %dma_wait3A_198 = arith.constant 0 : i32
    %dma_wait3A_199 = tpu.memref_slice %arg21[%add3A_195, %dma_wait3A_198] : memref<10240x128xbf16, #tpu.memory_space<vmem_shared>> -> memref<32x128xbf16, #tpu.memory_space<vmem_shared>>
    tpu.wait_dma2 semaphore(%arg20 : memref<!tpu.dma_semaphore, #tpu.memory_space<semaphore_mem>>) src(%arg19 : memref<32x128xbf16, #tpu.memory_space<vmem>>) dst(%dma_wait3A_199 : memref<32x128xbf16, #tpu.memory_space<vmem_shared>>)
    %add3A_200 = arith.constant 224 : i32
    %add3A_201 = arith.addi %mul3A_0, %add3A_200 : i32
    %dma_wait3A_202 = arith.constant 0 : i32
    %dma_wait3A_203 = tpu.memref_slice %arg21[%add3A_201, %dma_wait3A_202] : memref<10240x128xbf16, #tpu.memory_space<vmem_shared>> -> memref<32x128xbf16, #tpu.memory_space<vmem_shared>>
    %dma_wait3A_204 = arith.constant 0 : i32
    %dma_wait3A_205 = tpu.memref_slice %arg21[%add3A_201, %dma_wait3A_204] : memref<10240x128xbf16, #tpu.memory_space<vmem_shared>> -> memref<32x128xbf16, #tpu.memory_space<vmem_shared>>
    tpu.wait_dma2 semaphore(%arg20 : memref<!tpu.dma_semaphore, #tpu.memory_space<semaphore_mem>>) src(%arg19 : memref<32x128xbf16, #tpu.memory_space<vmem>>) dst(%dma_wait3A_205 : memref<32x128xbf16, #tpu.memory_space<vmem_shared>>)
    %add3A_206 = arith.constant 256 : i32
    %add3A_207 = arith.addi %mul3A_0, %add3A_206 : i32
    %dma_wait3A_208 = arith.constant 0 : i32
    %dma_wait3A_209 = tpu.memref_slice %arg21[%add3A_207, %dma_wait3A_208] : memref<10240x128xbf16, #tpu.memory_space<vmem_shared>> -> memref<32x128xbf16, #tpu.memory_space<vmem_shared>>
    %dma_wait3A_210 = arith.constant 0 : i32
    %dma_wait3A_211 = tpu.memref_slice %arg21[%add3A_207, %dma_wait3A_210] : memref<10240x128xbf16, #tpu.memory_space<vmem_shared>> -> memref<32x128xbf16, #tpu.memory_space<vmem_shared>>
    tpu.wait_dma2 semaphore(%arg20 : memref<!tpu.dma_semaphore, #tpu.memory_space<semaphore_mem>>) src(%arg19 : memref<32x128xbf16, #tpu.memory_space<vmem>>) dst(%dma_wait3A_211 : memref<32x128xbf16, #tpu.memory_space<vmem_shared>>)
    %add3A_212 = arith.constant 288 : i32
    %add3A_213 = arith.addi %mul3A_0, %add3A_212 : i32
    %dma_wait3A_214 = arith.constant 0 : i32
    %dma_wait3A_215 = tpu.memref_slice %arg21[%add3A_213, %dma_wait3A_214] : memref<10240x128xbf16, #tpu.memory_space<vmem_shared>> -> memref<32x128xbf16, #tpu.memory_space<vmem_shared>>
    %dma_wait3A_216 = arith.constant 0 : i32
    %dma_wait3A_217 = tpu.memref_slice %arg21[%add3A_213, %dma_wait3A_216] : memref<10240x128xbf16, #tpu.memory_space<vmem_shared>> -> memref<32x128xbf16, #tpu.memory_space<vmem_shared>>
    tpu.wait_dma2 semaphore(%arg20 : memref<!tpu.dma_semaphore, #tpu.memory_space<semaphore_mem>>) src(%arg19 : memref<32x128xbf16, #tpu.memory_space<vmem>>) dst(%dma_wait3A_217 : memref<32x128xbf16, #tpu.memory_space<vmem_shared>>)
    %add3A_218 = arith.constant 320 : i32
    %add3A_219 = arith.addi %mul3A_0, %add3A_218 : i32
    %dma_wait3A_220 = arith.constant 0 : i32
    %dma_wait3A_221 = tpu.memref_slice %arg21[%add3A_219, %dma_wait3A_220] : memref<10240x128xbf16, #tpu.memory_space<vmem_shared>> -> memref<32x128xbf16, #tpu.memory_space<vmem_shared>>
    %dma_wait3A_222 = arith.constant 0 : i32
    %dma_wait3A_223 = tpu.memref_slice %arg21[%add3A_219, %dma_wait3A_222] : memref<10240x128xbf16, #tpu.memory_space<vmem_shared>> -> memref<32x128xbf16, #tpu.memory_space<vmem_shared>>
    tpu.wait_dma2 semaphore(%arg20 : memref<!tpu.dma_semaphore, #tpu.memory_space<semaphore_mem>>) src(%arg19 : memref<32x128xbf16, #tpu.memory_space<vmem>>) dst(%dma_wait3A_223 : memref<32x128xbf16, #tpu.memory_space<vmem_shared>>)
    %add3A_224 = arith.constant 352 : i32
    %add3A_225 = arith.addi %mul3A_0, %add3A_224 : i32
    %dma_wait3A_226 = arith.constant 0 : i32
    %dma_wait3A_227 = tpu.memref_slice %arg21[%add3A_225, %dma_wait3A_226] : memref<10240x128xbf16, #tpu.memory_space<vmem_shared>> -> memref<32x128xbf16, #tpu.memory_space<vmem_shared>>
    %dma_wait3A_228 = arith.constant 0 : i32
    %dma_wait3A_229 = tpu.memref_slice %arg21[%add3A_225, %dma_wait3A_228] : memref<10240x128xbf16, #tpu.memory_space<vmem_shared>> -> memref<32x128xbf16, #tpu.memory_space<vmem_shared>>
    tpu.wait_dma2 semaphore(%arg20 : memref<!tpu.dma_semaphore, #tpu.memory_space<semaphore_mem>>) src(%arg19 : memref<32x128xbf16, #tpu.memory_space<vmem>>) dst(%dma_wait3A_229 : memref<32x128xbf16, #tpu.memory_space<vmem_shared>>)
    %add3A_230 = arith.constant 384 : i32
    %add3A_231 = arith.addi %mul3A_0, %add3A_230 : i32
    %dma_wait3A_232 = arith.constant 0 : i32
    %dma_wait3A_233 = tpu.memref_slice %arg21[%add3A_231, %dma_wait3A_232] : memref<10240x128xbf16, #tpu.memory_space<vmem_shared>> -> memref<32x128xbf16, #tpu.memory_space<vmem_shared>>
    %dma_wait3A_234 = arith.constant 0 : i32
    %dma_wait3A_235 = tpu.memref_slice %arg21[%add3A_231, %dma_wait3A_234] : memref<10240x128xbf16, #tpu.memory_space<vmem_shared>> -> memref<32x128xbf16, #tpu.memory_space<vmem_shared>>
    tpu.wait_dma2 semaphore(%arg20 : memref<!tpu.dma_semaphore, #tpu.memory_space<semaphore_mem>>) src(%arg19 : memref<32x128xbf16, #tpu.memory_space<vmem>>) dst(%dma_wait3A_235 : memref<32x128xbf16, #tpu.memory_space<vmem_shared>>)
    %add3A_236 = arith.constant 416 : i32
    %add3A_237 = arith.addi %mul3A_0, %add3A_236 : i32
    %dma_wait3A_238 = arith.constant 0 : i32
    %dma_wait3A_239 = tpu.memref_slice %arg21[%add3A_237, %dma_wait3A_238] : memref<10240x128xbf16, #tpu.memory_space<vmem_shared>> -> memref<32x128xbf16, #tpu.memory_space<vmem_shared>>
    %dma_wait3A_240 = arith.constant 0 : i32
    %dma_wait3A_241 = tpu.memref_slice %arg21[%add3A_237, %dma_wait3A_240] : memref<10240x128xbf16, #tpu.memory_space<vmem_shared>> -> memref<32x128xbf16, #tpu.memory_space<vmem_shared>>
    tpu.wait_dma2 semaphore(%arg20 : memref<!tpu.dma_semaphore, #tpu.memory_space<semaphore_mem>>) src(%arg19 : memref<32x128xbf16, #tpu.memory_space<vmem>>) dst(%dma_wait3A_241 : memref<32x128xbf16, #tpu.memory_space<vmem_shared>>)
    %add3A_242 = arith.constant 448 : i32
    %add3A_243 = arith.addi %mul3A_0, %add3A_242 : i32
    %dma_wait3A_244 = arith.constant 0 : i32
    %dma_wait3A_245 = tpu.memref_slice %arg21[%add3A_243, %dma_wait3A_244] : memref<10240x128xbf16, #tpu.memory_space<vmem_shared>> -> memref<32x128xbf16, #tpu.memory_space<vmem_shared>>
    %dma_wait3A_246 = arith.constant 0 : i32
    %dma_wait3A_247 = tpu.memref_slice %arg21[%add3A_243, %dma_wait3A_246] : memref<10240x128xbf16, #tpu.memory_space<vmem_shared>> -> memref<32x128xbf16, #tpu.memory_space<vmem_shared>>
    tpu.wait_dma2 semaphore(%arg20 : memref<!tpu.dma_semaphore, #tpu.memory_space<semaphore_mem>>) src(%arg19 : memref<32x128xbf16, #tpu.memory_space<vmem>>) dst(%dma_wait3A_247 : memref<32x128xbf16, #tpu.memory_space<vmem_shared>>)
    %add3A_248 = arith.constant 480 : i32
    %add3A_249 = arith.addi %mul3A_0, %add3A_248 : i32
    %dma_wait3A_250 = arith.constant 0 : i32
    %dma_wait3A_251 = tpu.memref_slice %arg21[%add3A_249, %dma_wait3A_250] : memref<10240x128xbf16, #tpu.memory_space<vmem_shared>> -> memref<32x128xbf16, #tpu.memory_space<vmem_shared>>
    %dma_wait3A_252 = arith.constant 0 : i32
    %dma_wait3A_253 = tpu.memref_slice %arg21[%add3A_249, %dma_wait3A_252] : memref<10240x128xbf16, #tpu.memory_space<vmem_shared>> -> memref<32x128xbf16, #tpu.memory_space<vmem_shared>>
    tpu.wait_dma2 semaphore(%arg20 : memref<!tpu.dma_semaphore, #tpu.memory_space<semaphore_mem>>) src(%arg19 : memref<32x128xbf16, #tpu.memory_space<vmem>>) dst(%dma_wait3A_253 : memref<32x128xbf16, #tpu.memory_space<vmem_shared>>)
    %add3A_254 = arith.constant 512 : i32
    %add3A_255 = arith.addi %mul3A_0, %add3A_254 : i32
    %dma_wait3A_256 = arith.constant 0 : i32
    %dma_wait3A_257 = tpu.memref_slice %arg21[%add3A_255, %dma_wait3A_256] : memref<10240x128xbf16, #tpu.memory_space<vmem_shared>> -> memref<32x128xbf16, #tpu.memory_space<vmem_shared>>
    %dma_wait3A_258 = arith.constant 0 : i32
    %dma_wait3A_259 = tpu.memref_slice %arg21[%add3A_255, %dma_wait3A_258] : memref<10240x128xbf16, #tpu.memory_space<vmem_shared>> -> memref<32x128xbf16, #tpu.memory_space<vmem_shared>>
    tpu.wait_dma2 semaphore(%arg20 : memref<!tpu.dma_semaphore, #tpu.memory_space<semaphore_mem>>) src(%arg19 : memref<32x128xbf16, #tpu.memory_space<vmem>>) dst(%dma_wait3A_259 : memref<32x128xbf16, #tpu.memory_space<vmem_shared>>)
    %add3A_260 = arith.constant 544 : i32
    %add3A_261 = arith.addi %mul3A_0, %add3A_260 : i32
    %dma_wait3A_262 = arith.constant 0 : i32
    %dma_wait3A_263 = tpu.memref_slice %arg21[%add3A_261, %dma_wait3A_262] : memref<10240x128xbf16, #tpu.memory_space<vmem_shared>> -> memref<32x128xbf16, #tpu.memory_space<vmem_shared>>
    %dma_wait3A_264 = arith.constant 0 : i32
    %dma_wait3A_265 = tpu.memref_slice %arg21[%add3A_261, %dma_wait3A_264] : memref<10240x128xbf16, #tpu.memory_space<vmem_shared>> -> memref<32x128xbf16, #tpu.memory_space<vmem_shared>>
    tpu.wait_dma2 semaphore(%arg20 : memref<!tpu.dma_semaphore, #tpu.memory_space<semaphore_mem>>) src(%arg19 : memref<32x128xbf16, #tpu.memory_space<vmem>>) dst(%dma_wait3A_265 : memref<32x128xbf16, #tpu.memory_space<vmem_shared>>)
    %add3A_266 = arith.constant 576 : i32
    %add3A_267 = arith.addi %mul3A_0, %add3A_266 : i32
    %dma_wait3A_268 = arith.constant 0 : i32
    %dma_wait3A_269 = tpu.memref_slice %arg21[%add3A_267, %dma_wait3A_268] : memref<10240x128xbf16, #tpu.memory_space<vmem_shared>> -> memref<32x128xbf16, #tpu.memory_space<vmem_shared>>
    %dma_wait3A_270 = arith.constant 0 : i32
    %dma_wait3A_271 = tpu.memref_slice %arg21[%add3A_267, %dma_wait3A_270] : memref<10240x128xbf16, #tpu.memory_space<vmem_shared>> -> memref<32x128xbf16, #tpu.memory_space<vmem_shared>>
    tpu.wait_dma2 semaphore(%arg20 : memref<!tpu.dma_semaphore, #tpu.memory_space<semaphore_mem>>) src(%arg19 : memref<32x128xbf16, #tpu.memory_space<vmem>>) dst(%dma_wait3A_271 : memref<32x128xbf16, #tpu.memory_space<vmem_shared>>)
    %add3A_272 = arith.constant 608 : i32
    %add3A_273 = arith.addi %mul3A_0, %add3A_272 : i32
    %dma_wait3A_274 = arith.constant 0 : i32
    %dma_wait3A_275 = tpu.memref_slice %arg21[%add3A_273, %dma_wait3A_274] : memref<10240x128xbf16, #tpu.memory_space<vmem_shared>> -> memref<32x128xbf16, #tpu.memory_space<vmem_shared>>
    %dma_wait3A_276 = arith.constant 0 : i32
    %dma_wait3A_277 = tpu.memref_slice %arg21[%add3A_273, %dma_wait3A_276] : memref<10240x128xbf16, #tpu.memory_space<vmem_shared>> -> memref<32x128xbf16, #tpu.memory_space<vmem_shared>>
    tpu.wait_dma2 semaphore(%arg20 : memref<!tpu.dma_semaphore, #tpu.memory_space<semaphore_mem>>) src(%arg19 : memref<32x128xbf16, #tpu.memory_space<vmem>>) dst(%dma_wait3A_277 : memref<32x128xbf16, #tpu.memory_space<vmem_shared>>)
    %barrier3A = arith.constant 0 : index
    tpu.barrier barrier_id(%barrier3A)
    %eq3A = arith.constant 0 : i32
    %eq3A_278 = arith.cmpi eq, %arg0, %eq3A : i32
    %convert_element_type3A = arith.extui %eq3A_278 : i1 to i32
    %cond3A = arith.constant 0 : i32
    %cond3A_279 = arith.cmpi ne, %convert_element_type3A, %cond3A : i32
    scf.if %cond3A_279 {
      %dma_wait3A_296 = arith.constant 0 : i32
      %dma_wait3A_297 = arith.constant 0 : i32
      %dma_wait3A_298 = arith.constant 0 : i32
      %dma_wait3A_299 = tpu.memref_slice %arg4[%arg1, %dma_wait3A_296, %dma_wait3A_297, %dma_wait3A_298] : memref<16x80x2x128xi32, #tpu.memory_space<hbm>> -> memref<1x1x2x128xi32, #tpu.memory_space<hbm>>
      %dma_wait3A_300 = tpu.memref_squeeze %dma_wait3A_299 : memref<1x1x2x128xi32, #tpu.memory_space<hbm>> -> memref<2x128xi32, #tpu.memory_space<hbm>>
      %dma_wait3A_301 = arith.constant 0 : i32
      %dma_wait3A_302 = arith.constant 0 : i32
      %dma_wait3A_303 = tpu.memref_slice %arg4[%arg1, %dma_wait3A_296, %dma_wait3A_301, %dma_wait3A_302] : memref<16x80x2x128xi32, #tpu.memory_space<hbm>> -> memref<1x1x2x128xi32, #tpu.memory_space<hbm>>
      %dma_wait3A_304 = tpu.memref_squeeze %dma_wait3A_303 : memref<1x1x2x128xi32, #tpu.memory_space<hbm>> -> memref<2x128xi32, #tpu.memory_space<hbm>>
      tpu.wait_dma2 semaphore(%arg11 : memref<!tpu.dma_semaphore, #tpu.memory_space<semaphore_mem>>) src(%dma_wait3A_304 : memref<2x128xi32, #tpu.memory_space<hbm>>) dst(%arg7 : memref<2x128xi32, #tpu.memory_space<vmem>>)
      %dma_start3A_305 = arith.constant 0 : i32
      %dma_start3A_306 = arith.constant 0 : i32
      %dma_start3A_307 = tpu.memref_slice %arg7[%dma_start3A_305, %dma_start3A_306] : memref<2x128xi32, #tpu.memory_space<vmem>> -> memref<1x128xi32, #tpu.memory_space<vmem>>
      %dma_start3A_308 = tpu.memref_squeeze %dma_start3A_307 : memref<1x128xi32, #tpu.memory_space<vmem>> -> memref<128xi32, #tpu.memory_space<vmem>>
      %dma_start3A_309 = arith.constant 0 : i32
      %dma_start3A_310 = arith.constant 0 : i32
      %dma_start3A_311 = tpu.memref_slice %arg2[%dma_start3A_309, %dma_start3A_310] : memref<10000x128xbf16, #tpu.memory_space<hbm>> -> memref<10000x128xbf16, #tpu.memory_space<hbm>>
      tpu.enqueue_indirect_dma source(%dma_start3A_311 : memref<10000x128xbf16, #tpu.memory_space<hbm>>) target(%arg15 : memref<128x128xbf16, #tpu.memory_space<vmem>>) offsets(%dma_start3A_308 : memref<128xi32, #tpu.memory_space<vmem>>) semaphore(%arg17 : memref<!tpu.dma_semaphore, #tpu.memory_space<semaphore_mem>>)
      %dma_wait3A_312 = arith.constant 1 : i32
      %dma_wait3A_313 = arith.constant 0 : i32
      %dma_wait3A_314 = arith.constant 0 : i32
      %dma_wait3A_315 = tpu.memref_slice %arg4[%arg1, %dma_wait3A_312, %dma_wait3A_313, %dma_wait3A_314] : memref<16x80x2x128xi32, #tpu.memory_space<hbm>> -> memref<1x1x2x128xi32, #tpu.memory_space<hbm>>
      %dma_wait3A_316 = tpu.memref_squeeze %dma_wait3A_315 : memref<1x1x2x128xi32, #tpu.memory_space<hbm>> -> memref<2x128xi32, #tpu.memory_space<hbm>>
      %dma_wait3A_317 = arith.constant 0 : i32
      %dma_wait3A_318 = arith.constant 0 : i32
      %dma_wait3A_319 = tpu.memref_slice %arg4[%arg1, %dma_wait3A_312, %dma_wait3A_317, %dma_wait3A_318] : memref<16x80x2x128xi32, #tpu.memory_space<hbm>> -> memref<1x1x2x128xi32, #tpu.memory_space<hbm>>
      %dma_wait3A_320 = tpu.memref_squeeze %dma_wait3A_319 : memref<1x1x2x128xi32, #tpu.memory_space<hbm>> -> memref<2x128xi32, #tpu.memory_space<hbm>>
      tpu.wait_dma2 semaphore(%arg12 : memref<!tpu.dma_semaphore, #tpu.memory_space<semaphore_mem>>) src(%dma_wait3A_320 : memref<2x128xi32, #tpu.memory_space<hbm>>) dst(%arg8 : memref<2x128xi32, #tpu.memory_space<vmem>>)
      %dma_start3A_321 = arith.constant 0 : i32
      %dma_start3A_322 = arith.constant 0 : i32
      %dma_start3A_323 = tpu.memref_slice %arg8[%dma_start3A_321, %dma_start3A_322] : memref<2x128xi32, #tpu.memory_space<vmem>> -> memref<1x128xi32, #tpu.memory_space<vmem>>
      %dma_start3A_324 = tpu.memref_squeeze %dma_start3A_323 : memref<1x128xi32, #tpu.memory_space<vmem>> -> memref<128xi32, #tpu.memory_space<vmem>>
      %dma_start3A_325 = arith.constant 0 : i32
      %dma_start3A_326 = arith.constant 0 : i32
      %dma_start3A_327 = tpu.memref_slice %arg2[%dma_start3A_325, %dma_start3A_326] : memref<10000x128xbf16, #tpu.memory_space<hbm>> -> memref<10000x128xbf16, #tpu.memory_space<hbm>>
      tpu.enqueue_indirect_dma source(%dma_start3A_327 : memref<10000x128xbf16, #tpu.memory_space<hbm>>) target(%arg16 : memref<128x128xbf16, #tpu.memory_space<vmem>>) offsets(%dma_start3A_324 : memref<128xi32, #tpu.memory_space<vmem>>) semaphore(%arg18 : memref<!tpu.dma_semaphore, #tpu.memory_space<semaphore_mem>>)
      %scan3A_328 = arith.constant 0 : i32
      %scan3A_329 = arith.constant 20 : i32
      %scan3A_330 = arith.addi %scan3A_328, %scan3A_329 : i32
      %scan3A_331 = arith.constant 1 : i32
      scf.for %scan3A_333 = %scan3A_328 to %scan3A_330 step %scan3A_331  : i32 {
        %mul3A_334 = arith.constant 4 : i32
        %mul3A_335 = arith.muli %scan3A_333, %mul3A_334 : i32
        %add3A_336 = arith.constant 0 : i32
        %add3A_337 = arith.addi %add3A_336, %mul3A_335 : i32
        %add3A_338 = arith.constant 0 : i32
        %add3A_339 = arith.addi %add3A_337, %add3A_338 : i32
        %dma_wait3A_340 = arith.constant 0 : i32
        %dma_wait3A_341 = arith.constant 0 : i32
        %dma_wait3A_342 = tpu.memref_slice %arg7[%dma_wait3A_340, %dma_wait3A_341] : memref<2x128xi32, #tpu.memory_space<vmem>> -> memref<1x128xi32, #tpu.memory_space<vmem>>
        %dma_wait3A_343 = tpu.memref_squeeze %dma_wait3A_342 : memref<1x128xi32, #tpu.memory_space<vmem>> -> memref<128xi32, #tpu.memory_space<vmem>>
        %dma_wait3A_344 = arith.constant 0 : i32
        %dma_wait3A_345 = arith.constant 0 : i32
        %dma_wait3A_346 = tpu.memref_slice %arg2[%dma_wait3A_344, %dma_wait3A_345] : memref<10000x128xbf16, #tpu.memory_space<hbm>> -> memref<10000x128xbf16, #tpu.memory_space<hbm>>
        tpu.wait_indirect_dma semaphore(%arg17 : memref<!tpu.dma_semaphore, #tpu.memory_space<semaphore_mem>>) src(%dma_wait3A_346 : memref<10000x128xbf16, #tpu.memory_space<hbm>>) dst(%arg15 : memref<128x128xbf16, #tpu.memory_space<vmem>>)
        %run_scoped3A = arith.constant 1 : i32
        "tpu.region"() ({
          %run_scoped3A_432 = tpu.sem_alloc : memref<!tpu.dma_semaphore, #tpu.memory_space<semaphore_mem>>
          %dma_start3A_433 = arith.constant 0 : i32
          %dma_start3A_434 = tpu.memref_slice %arg7[%run_scoped3A, %dma_start3A_433] : memref<2x128xi32, #tpu.memory_space<vmem>> -> memref<1x128xi32, #tpu.memory_space<vmem>>
          %dma_start3A_435 = tpu.memref_squeeze %dma_start3A_434 : memref<1x128xi32, #tpu.memory_space<vmem>> -> memref<128xi32, #tpu.memory_space<vmem>>
          %dma_start3A_436 = arith.constant 0 : i32
          %dma_start3A_437 = arith.constant 0 : i32
          %dma_start3A_438 = tpu.memref_slice %arg21[%dma_start3A_436, %dma_start3A_437] : memref<10240x128xbf16, #tpu.memory_space<vmem_shared>> -> memref<10240x128xbf16, #tpu.memory_space<vmem_shared>>
          tpu.enqueue_indirect_dma source(%arg15 : memref<128x128xbf16, #tpu.memory_space<vmem>>) target(%dma_start3A_438 : memref<10240x128xbf16, #tpu.memory_space<vmem_shared>>) offsets(%dma_start3A_435 : memref<128xi32, #tpu.memory_space<vmem>>) semaphore(%run_scoped3A_432 : memref<!tpu.dma_semaphore, #tpu.memory_space<semaphore_mem>>) {add = true}
          %dma_wait3A_439 = arith.constant 0 : i32
          %dma_wait3A_440 = tpu.memref_slice %arg7[%run_scoped3A, %dma_wait3A_439] : memref<2x128xi32, #tpu.memory_space<vmem>> -> memref<1x128xi32, #tpu.memory_space<vmem>>
          %dma_wait3A_441 = tpu.memref_squeeze %dma_wait3A_440 : memref<1x128xi32, #tpu.memory_space<vmem>> -> memref<128xi32, #tpu.memory_space<vmem>>
          %dma_wait3A_442 = arith.constant 0 : i32
          %dma_wait3A_443 = arith.constant 0 : i32
          %dma_wait3A_444 = tpu.memref_slice %arg21[%dma_wait3A_442, %dma_wait3A_443] : memref<10240x128xbf16, #tpu.memory_space<vmem_shared>> -> memref<10240x128xbf16, #tpu.memory_space<vmem_shared>>
          tpu.wait_indirect_dma semaphore(%run_scoped3A_432 : memref<!tpu.dma_semaphore, #tpu.memory_space<semaphore_mem>>) src(%arg15 : memref<128x128xbf16, #tpu.memory_space<vmem>>) dst(%dma_wait3A_444 : memref<10240x128xbf16, #tpu.memory_space<vmem_shared>>)
          tpu.yield
        }) : () -> ()
        %add3A_347 = arith.constant 4 : i32
        %add3A_348 = arith.addi %add3A_339, %add3A_347 : i32
        %lt3A = arith.constant 80 : i32
        %lt3A_349 = arith.cmpi slt, %add3A_348, %lt3A : i32
        %convert_element_type3A_350 = arith.extui %lt3A_349 : i1 to i32
        %cond3A_351 = arith.constant 0 : i32
        %cond3A_352 = arith.cmpi ne, %convert_element_type3A_350, %cond3A_351 : i32
        scf.if %cond3A_352 {
          %add3A_432 = arith.constant 4 : i32
          %add3A_433 = arith.addi %add3A_339, %add3A_432 : i32
          %dma_start3A_434 = arith.constant 0 : i32
          %dma_start3A_435 = arith.constant 0 : i32
          %dma_start3A_436 = tpu.memref_slice %arg4[%arg1, %add3A_433, %dma_start3A_434, %dma_start3A_435] : memref<16x80x2x128xi32, #tpu.memory_space<hbm>> -> memref<1x1x2x128xi32, #tpu.memory_space<hbm>>
          %dma_start3A_437 = tpu.memref_squeeze %dma_start3A_436 : memref<1x1x2x128xi32, #tpu.memory_space<hbm>> -> memref<2x128xi32, #tpu.memory_space<hbm>>
          %dma_start3A_438 = arith.constant 0 : i32
          %dma_start3A_439 = arith.constant 0 : i32
          %dma_start3A_440 = tpu.memref_slice %arg4[%arg1, %add3A_433, %dma_start3A_438, %dma_start3A_439] : memref<16x80x2x128xi32, #tpu.memory_space<hbm>> -> memref<1x1x2x128xi32, #tpu.memory_space<hbm>>
          %dma_start3A_441 = tpu.memref_squeeze %dma_start3A_440 : memref<1x1x2x128xi32, #tpu.memory_space<hbm>> -> memref<2x128xi32, #tpu.memory_space<hbm>>
          tpu.enqueue_dma source(%dma_start3A_441 : memref<2x128xi32, #tpu.memory_space<hbm>>) target(%arg7 : memref<2x128xi32, #tpu.memory_space<vmem>>) target_semaphore(%arg11 : memref<!tpu.dma_semaphore, #tpu.memory_space<semaphore_mem>>)
        } else {
        }
        %add3A_353 = arith.constant 2 : i32
        %add3A_354 = arith.addi %add3A_339, %add3A_353 : i32
        %lt3A_355 = arith.constant 80 : i32
        %lt3A_356 = arith.cmpi slt, %add3A_354, %lt3A_355 : i32
        %convert_element_type3A_357 = arith.extui %lt3A_356 : i1 to i32
        %cond3A_358 = arith.constant 0 : i32
        %cond3A_359 = arith.cmpi ne, %convert_element_type3A_357, %cond3A_358 : i32
        scf.if %cond3A_359 {
          %add3A_432 = arith.constant 2 : i32
          %add3A_433 = arith.addi %add3A_339, %add3A_432 : i32
          %dma_wait3A_434 = arith.constant 0 : i32
          %dma_wait3A_435 = arith.constant 0 : i32
          %dma_wait3A_436 = tpu.memref_slice %arg4[%arg1, %add3A_433, %dma_wait3A_434, %dma_wait3A_435] : memref<16x80x2x128xi32, #tpu.memory_space<hbm>> -> memref<1x1x2x128xi32, #tpu.memory_space<hbm>>
          %dma_wait3A_437 = tpu.memref_squeeze %dma_wait3A_436 : memref<1x1x2x128xi32, #tpu.memory_space<hbm>> -> memref<2x128xi32, #tpu.memory_space<hbm>>
          %dma_wait3A_438 = arith.constant 0 : i32
          %dma_wait3A_439 = arith.constant 0 : i32
          %dma_wait3A_440 = tpu.memref_slice %arg4[%arg1, %add3A_433, %dma_wait3A_438, %dma_wait3A_439] : memref<16x80x2x128xi32, #tpu.memory_space<hbm>> -> memref<1x1x2x128xi32, #tpu.memory_space<hbm>>
          %dma_wait3A_441 = tpu.memref_squeeze %dma_wait3A_440 : memref<1x1x2x128xi32, #tpu.memory_space<hbm>> -> memref<2x128xi32, #tpu.memory_space<hbm>>
          tpu.wait_dma2 semaphore(%arg13 : memref<!tpu.dma_semaphore, #tpu.memory_space<semaphore_mem>>) src(%dma_wait3A_441 : memref<2x128xi32, #tpu.memory_space<hbm>>) dst(%arg9 : memref<2x128xi32, #tpu.memory_space<vmem>>)
          %dma_start3A_442 = arith.constant 0 : i32
          %dma_start3A_443 = arith.constant 0 : i32
          %dma_start3A_444 = tpu.memref_slice %arg9[%dma_start3A_442, %dma_start3A_443] : memref<2x128xi32, #tpu.memory_space<vmem>> -> memref<1x128xi32, #tpu.memory_space<vmem>>
          %dma_start3A_445 = tpu.memref_squeeze %dma_start3A_444 : memref<1x128xi32, #tpu.memory_space<vmem>> -> memref<128xi32, #tpu.memory_space<vmem>>
          %dma_start3A_446 = arith.constant 0 : i32
          %dma_start3A_447 = arith.constant 0 : i32
          %dma_start3A_448 = tpu.memref_slice %arg2[%dma_start3A_446, %dma_start3A_447] : memref<10000x128xbf16, #tpu.memory_space<hbm>> -> memref<10000x128xbf16, #tpu.memory_space<hbm>>
          tpu.enqueue_indirect_dma source(%dma_start3A_448 : memref<10000x128xbf16, #tpu.memory_space<hbm>>) target(%arg15 : memref<128x128xbf16, #tpu.memory_space<vmem>>) offsets(%dma_start3A_445 : memref<128xi32, #tpu.memory_space<vmem>>) semaphore(%arg17 : memref<!tpu.dma_semaphore, #tpu.memory_space<semaphore_mem>>)
        } else {
        }
        %add3A_360 = arith.constant 1 : i32
        %add3A_361 = arith.addi %add3A_337, %add3A_360 : i32
        %dma_wait3A_362 = arith.constant 0 : i32
        %dma_wait3A_363 = arith.constant 0 : i32
        %dma_wait3A_364 = tpu.memref_slice %arg8[%dma_wait3A_362, %dma_wait3A_363] : memref<2x128xi32, #tpu.memory_space<vmem>> -> memref<1x128xi32, #tpu.memory_space<vmem>>
        %dma_wait3A_365 = tpu.memref_squeeze %dma_wait3A_364 : memref<1x128xi32, #tpu.memory_space<vmem>> -> memref<128xi32, #tpu.memory_space<vmem>>
        %dma_wait3A_366 = arith.constant 0 : i32
        %dma_wait3A_367 = arith.constant 0 : i32
        %dma_wait3A_368 = tpu.memref_slice %arg2[%dma_wait3A_366, %dma_wait3A_367] : memref<10000x128xbf16, #tpu.memory_space<hbm>> -> memref<10000x128xbf16, #tpu.memory_space<hbm>>
        tpu.wait_indirect_dma semaphore(%arg18 : memref<!tpu.dma_semaphore, #tpu.memory_space<semaphore_mem>>) src(%dma_wait3A_368 : memref<10000x128xbf16, #tpu.memory_space<hbm>>) dst(%arg16 : memref<128x128xbf16, #tpu.memory_space<vmem>>)
        %run_scoped3A_369 = arith.constant 1 : i32
        "tpu.region"() ({
          %run_scoped3A_432 = tpu.sem_alloc : memref<!tpu.dma_semaphore, #tpu.memory_space<semaphore_mem>>
          %dma_start3A_433 = arith.constant 0 : i32
          %dma_start3A_434 = tpu.memref_slice %arg8[%run_scoped3A_369, %dma_start3A_433] : memref<2x128xi32, #tpu.memory_space<vmem>> -> memref<1x128xi32, #tpu.memory_space<vmem>>
          %dma_start3A_435 = tpu.memref_squeeze %dma_start3A_434 : memref<1x128xi32, #tpu.memory_space<vmem>> -> memref<128xi32, #tpu.memory_space<vmem>>
          %dma_start3A_436 = arith.constant 0 : i32
          %dma_start3A_437 = arith.constant 0 : i32
          %dma_start3A_438 = tpu.memref_slice %arg21[%dma_start3A_436, %dma_start3A_437] : memref<10240x128xbf16, #tpu.memory_space<vmem_shared>> -> memref<10240x128xbf16, #tpu.memory_space<vmem_shared>>
          tpu.enqueue_indirect_dma source(%arg16 : memref<128x128xbf16, #tpu.memory_space<vmem>>) target(%dma_start3A_438 : memref<10240x128xbf16, #tpu.memory_space<vmem_shared>>) offsets(%dma_start3A_435 : memref<128xi32, #tpu.memory_space<vmem>>) semaphore(%run_scoped3A_432 : memref<!tpu.dma_semaphore, #tpu.memory_space<semaphore_mem>>) {add = true}
          %dma_wait3A_439 = arith.constant 0 : i32
          %dma_wait3A_440 = tpu.memref_slice %arg8[%run_scoped3A_369, %dma_wait3A_439] : memref<2x128xi32, #tpu.memory_space<vmem>> -> memref<1x128xi32, #tpu.memory_space<vmem>>
          %dma_wait3A_441 = tpu.memref_squeeze %dma_wait3A_440 : memref<1x128xi32, #tpu.memory_space<vmem>> -> memref<128xi32, #tpu.memory_space<vmem>>
          %dma_wait3A_442 = arith.constant 0 : i32
          %dma_wait3A_443 = arith.constant 0 : i32
          %dma_wait3A_444 = tpu.memref_slice %arg21[%dma_wait3A_442, %dma_wait3A_443] : memref<10240x128xbf16, #tpu.memory_space<vmem_shared>> -> memref<10240x128xbf16, #tpu.memory_space<vmem_shared>>
          tpu.wait_indirect_dma semaphore(%run_scoped3A_432 : memref<!tpu.dma_semaphore, #tpu.memory_space<semaphore_mem>>) src(%arg16 : memref<128x128xbf16, #tpu.memory_space<vmem>>) dst(%dma_wait3A_444 : memref<10240x128xbf16, #tpu.memory_space<vmem_shared>>)
          tpu.yield
        }) : () -> ()
        %add3A_370 = arith.constant 4 : i32
        %add3A_371 = arith.addi %add3A_361, %add3A_370 : i32
        %lt3A_372 = arith.constant 80 : i32
        %lt3A_373 = arith.cmpi slt, %add3A_371, %lt3A_372 : i32
        %convert_element_type3A_374 = arith.extui %lt3A_373 : i1 to i32
        %cond3A_375 = arith.constant 0 : i32
        %cond3A_376 = arith.cmpi ne, %convert_element_type3A_374, %cond3A_375 : i32
        scf.if %cond3A_376 {
          %add3A_432 = arith.constant 4 : i32
          %add3A_433 = arith.addi %add3A_361, %add3A_432 : i32
          %dma_start3A_434 = arith.constant 0 : i32
          %dma_start3A_435 = arith.constant 0 : i32
          %dma_start3A_436 = tpu.memref_slice %arg4[%arg1, %add3A_433, %dma_start3A_434, %dma_start3A_435] : memref<16x80x2x128xi32, #tpu.memory_space<hbm>> -> memref<1x1x2x128xi32, #tpu.memory_space<hbm>>
          %dma_start3A_437 = tpu.memref_squeeze %dma_start3A_436 : memref<1x1x2x128xi32, #tpu.memory_space<hbm>> -> memref<2x128xi32, #tpu.memory_space<hbm>>
          %dma_start3A_438 = arith.constant 0 : i32
          %dma_start3A_439 = arith.constant 0 : i32
          %dma_start3A_440 = tpu.memref_slice %arg4[%arg1, %add3A_433, %dma_start3A_438, %dma_start3A_439] : memref<16x80x2x128xi32, #tpu.memory_space<hbm>> -> memref<1x1x2x128xi32, #tpu.memory_space<hbm>>
          %dma_start3A_441 = tpu.memref_squeeze %dma_start3A_440 : memref<1x1x2x128xi32, #tpu.memory_space<hbm>> -> memref<2x128xi32, #tpu.memory_space<hbm>>
          tpu.enqueue_dma source(%dma_start3A_441 : memref<2x128xi32, #tpu.memory_space<hbm>>) target(%arg8 : memref<2x128xi32, #tpu.memory_space<vmem>>) target_semaphore(%arg12 : memref<!tpu.dma_semaphore, #tpu.memory_space<semaphore_mem>>)
        } else {
        }
        %add3A_377 = arith.constant 2 : i32
        %add3A_378 = arith.addi %add3A_361, %add3A_377 : i32
        %lt3A_379 = arith.constant 80 : i32
        %lt3A_380 = arith.cmpi slt, %add3A_378, %lt3A_379 : i32
        %convert_element_type3A_381 = arith.extui %lt3A_380 : i1 to i32
        %cond3A_382 = arith.constant 0 : i32
        %cond3A_383 = arith.cmpi ne, %convert_element_type3A_381, %cond3A_382 : i32
        scf.if %cond3A_383 {
          %add3A_432 = arith.constant 2 : i32
          %add3A_433 = arith.addi %add3A_361, %add3A_432 : i32
          %dma_wait3A_434 = arith.constant 0 : i32
          %dma_wait3A_435 = arith.constant 0 : i32
          %dma_wait3A_436 = tpu.memref_slice %arg4[%arg1, %add3A_433, %dma_wait3A_434, %dma_wait3A_435] : memref<16x80x2x128xi32, #tpu.memory_space<hbm>> -> memref<1x1x2x128xi32, #tpu.memory_space<hbm>>
          %dma_wait3A_437 = tpu.memref_squeeze %dma_wait3A_436 : memref<1x1x2x128xi32, #tpu.memory_space<hbm>> -> memref<2x128xi32, #tpu.memory_space<hbm>>
          %dma_wait3A_438 = arith.constant 0 : i32
          %dma_wait3A_439 = arith.constant 0 : i32
          %dma_wait3A_440 = tpu.memref_slice %arg4[%arg1, %add3A_433, %dma_wait3A_438, %dma_wait3A_439] : memref<16x80x2x128xi32, #tpu.memory_space<hbm>> -> memref<1x1x2x128xi32, #tpu.memory_space<hbm>>
          %dma_wait3A_441 = tpu.memref_squeeze %dma_wait3A_440 : memref<1x1x2x128xi32, #tpu.memory_space<hbm>> -> memref<2x128xi32, #tpu.memory_space<hbm>>
          tpu.wait_dma2 semaphore(%arg14 : memref<!tpu.dma_semaphore, #tpu.memory_space<semaphore_mem>>) src(%dma_wait3A_441 : memref<2x128xi32, #tpu.memory_space<hbm>>) dst(%arg10 : memref<2x128xi32, #tpu.memory_space<vmem>>)
          %dma_start3A_442 = arith.constant 0 : i32
          %dma_start3A_443 = arith.constant 0 : i32
          %dma_start3A_444 = tpu.memref_slice %arg10[%dma_start3A_442, %dma_start3A_443] : memref<2x128xi32, #tpu.memory_space<vmem>> -> memref<1x128xi32, #tpu.memory_space<vmem>>
          %dma_start3A_445 = tpu.memref_squeeze %dma_start3A_444 : memref<1x128xi32, #tpu.memory_space<vmem>> -> memref<128xi32, #tpu.memory_space<vmem>>
          %dma_start3A_446 = arith.constant 0 : i32
          %dma_start3A_447 = arith.constant 0 : i32
          %dma_start3A_448 = tpu.memref_slice %arg2[%dma_start3A_446, %dma_start3A_447] : memref<10000x128xbf16, #tpu.memory_space<hbm>> -> memref<10000x128xbf16, #tpu.memory_space<hbm>>
          tpu.enqueue_indirect_dma source(%dma_start3A_448 : memref<10000x128xbf16, #tpu.memory_space<hbm>>) target(%arg16 : memref<128x128xbf16, #tpu.memory_space<vmem>>) offsets(%dma_start3A_445 : memref<128xi32, #tpu.memory_space<vmem>>) semaphore(%arg18 : memref<!tpu.dma_semaphore, #tpu.memory_space<semaphore_mem>>)
        } else {
        }
        %add3A_384 = arith.constant 2 : i32
        %add3A_385 = arith.addi %add3A_337, %add3A_384 : i32
        %dma_wait3A_386 = arith.constant 0 : i32
        %dma_wait3A_387 = arith.constant 0 : i32
        %dma_wait3A_388 = tpu.memref_slice %arg9[%dma_wait3A_386, %dma_wait3A_387] : memref<2x128xi32, #tpu.memory_space<vmem>> -> memref<1x128xi32, #tpu.memory_space<vmem>>
        %dma_wait3A_389 = tpu.memref_squeeze %dma_wait3A_388 : memref<1x128xi32, #tpu.memory_space<vmem>> -> memref<128xi32, #tpu.memory_space<vmem>>
        %dma_wait3A_390 = arith.constant 0 : i32
        %dma_wait3A_391 = arith.constant 0 : i32
        %dma_wait3A_392 = tpu.memref_slice %arg2[%dma_wait3A_390, %dma_wait3A_391] : memref<10000x128xbf16, #tpu.memory_space<hbm>> -> memref<10000x128xbf16, #tpu.memory_space<hbm>>
        tpu.wait_indirect_dma semaphore(%arg17 : memref<!tpu.dma_semaphore, #tpu.memory_space<semaphore_mem>>) src(%dma_wait3A_392 : memref<10000x128xbf16, #tpu.memory_space<hbm>>) dst(%arg15 : memref<128x128xbf16, #tpu.memory_space<vmem>>)
        %run_scoped3A_393 = arith.constant 1 : i32
        "tpu.region"() ({
          %run_scoped3A_432 = tpu.sem_alloc : memref<!tpu.dma_semaphore, #tpu.memory_space<semaphore_mem>>
          %dma_start3A_433 = arith.constant 0 : i32
          %dma_start3A_434 = tpu.memref_slice %arg9[%run_scoped3A_393, %dma_start3A_433] : memref<2x128xi32, #tpu.memory_space<vmem>> -> memref<1x128xi32, #tpu.memory_space<vmem>>
          %dma_start3A_435 = tpu.memref_squeeze %dma_start3A_434 : memref<1x128xi32, #tpu.memory_space<vmem>> -> memref<128xi32, #tpu.memory_space<vmem>>
          %dma_start3A_436 = arith.constant 0 : i32
          %dma_start3A_437 = arith.constant 0 : i32
          %dma_start3A_438 = tpu.memref_slice %arg21[%dma_start3A_436, %dma_start3A_437] : memref<10240x128xbf16, #tpu.memory_space<vmem_shared>> -> memref<10240x128xbf16, #tpu.memory_space<vmem_shared>>
          tpu.enqueue_indirect_dma source(%arg15 : memref<128x128xbf16, #tpu.memory_space<vmem>>) target(%dma_start3A_438 : memref<10240x128xbf16, #tpu.memory_space<vmem_shared>>) offsets(%dma_start3A_435 : memref<128xi32, #tpu.memory_space<vmem>>) semaphore(%run_scoped3A_432 : memref<!tpu.dma_semaphore, #tpu.memory_space<semaphore_mem>>) {add = true}
          %dma_wait3A_439 = arith.constant 0 : i32
          %dma_wait3A_440 = tpu.memref_slice %arg9[%run_scoped3A_393, %dma_wait3A_439] : memref<2x128xi32, #tpu.memory_space<vmem>> -> memref<1x128xi32, #tpu.memory_space<vmem>>
          %dma_wait3A_441 = tpu.memref_squeeze %dma_wait3A_440 : memref<1x128xi32, #tpu.memory_space<vmem>> -> memref<128xi32, #tpu.memory_space<vmem>>
          %dma_wait3A_442 = arith.constant 0 : i32
          %dma_wait3A_443 = arith.constant 0 : i32
          %dma_wait3A_444 = tpu.memref_slice %arg21[%dma_wait3A_442, %dma_wait3A_443] : memref<10240x128xbf16, #tpu.memory_space<vmem_shared>> -> memref<10240x128xbf16, #tpu.memory_space<vmem_shared>>
          tpu.wait_indirect_dma semaphore(%run_scoped3A_432 : memref<!tpu.dma_semaphore, #tpu.memory_space<semaphore_mem>>) src(%arg15 : memref<128x128xbf16, #tpu.memory_space<vmem>>) dst(%dma_wait3A_444 : memref<10240x128xbf16, #tpu.memory_space<vmem_shared>>)
          tpu.yield
        }) : () -> ()
        %add3A_394 = arith.constant 4 : i32
        %add3A_395 = arith.addi %add3A_385, %add3A_394 : i32
        %lt3A_396 = arith.constant 80 : i32
        %lt3A_397 = arith.cmpi slt, %add3A_395, %lt3A_396 : i32
        %convert_element_type3A_398 = arith.extui %lt3A_397 : i1 to i32
        %cond3A_399 = arith.constant 0 : i32
        %cond3A_400 = arith.cmpi ne, %convert_element_type3A_398, %cond3A_399 : i32
        scf.if %cond3A_400 {
          %add3A_432 = arith.constant 4 : i32
          %add3A_433 = arith.addi %add3A_385, %add3A_432 : i32
          %dma_start3A_434 = arith.constant 0 : i32
          %dma_start3A_435 = arith.constant 0 : i32
          %dma_start3A_436 = tpu.memref_slice %arg4[%arg1, %add3A_433, %dma_start3A_434, %dma_start3A_435] : memref<16x80x2x128xi32, #tpu.memory_space<hbm>> -> memref<1x1x2x128xi32, #tpu.memory_space<hbm>>
          %dma_start3A_437 = tpu.memref_squeeze %dma_start3A_436 : memref<1x1x2x128xi32, #tpu.memory_space<hbm>> -> memref<2x128xi32, #tpu.memory_space<hbm>>
          %dma_start3A_438 = arith.constant 0 : i32
          %dma_start3A_439 = arith.constant 0 : i32
          %dma_start3A_440 = tpu.memref_slice %arg4[%arg1, %add3A_433, %dma_start3A_438, %dma_start3A_439] : memref<16x80x2x128xi32, #tpu.memory_space<hbm>> -> memref<1x1x2x128xi32, #tpu.memory_space<hbm>>
          %dma_start3A_441 = tpu.memref_squeeze %dma_start3A_440 : memref<1x1x2x128xi32, #tpu.memory_space<hbm>> -> memref<2x128xi32, #tpu.memory_space<hbm>>
          tpu.enqueue_dma source(%dma_start3A_441 : memref<2x128xi32, #tpu.memory_space<hbm>>) target(%arg9 : memref<2x128xi32, #tpu.memory_space<vmem>>) target_semaphore(%arg13 : memref<!tpu.dma_semaphore, #tpu.memory_space<semaphore_mem>>)
        } else {
        }
        %add3A_401 = arith.constant 2 : i32
        %add3A_402 = arith.addi %add3A_385, %add3A_401 : i32
        %lt3A_403 = arith.constant 80 : i32
        %lt3A_404 = arith.cmpi slt, %add3A_402, %lt3A_403 : i32
        %convert_element_type3A_405 = arith.extui %lt3A_404 : i1 to i32
        %cond3A_406 = arith.constant 0 : i32
        %cond3A_407 = arith.cmpi ne, %convert_element_type3A_405, %cond3A_406 : i32
        scf.if %cond3A_407 {
          %add3A_432 = arith.constant 2 : i32
          %add3A_433 = arith.addi %add3A_385, %add3A_432 : i32
          %dma_wait3A_434 = arith.constant 0 : i32
          %dma_wait3A_435 = arith.constant 0 : i32
          %dma_wait3A_436 = tpu.memref_slice %arg4[%arg1, %add3A_433, %dma_wait3A_434, %dma_wait3A_435] : memref<16x80x2x128xi32, #tpu.memory_space<hbm>> -> memref<1x1x2x128xi32, #tpu.memory_space<hbm>>
          %dma_wait3A_437 = tpu.memref_squeeze %dma_wait3A_436 : memref<1x1x2x128xi32, #tpu.memory_space<hbm>> -> memref<2x128xi32, #tpu.memory_space<hbm>>
          %dma_wait3A_438 = arith.constant 0 : i32
          %dma_wait3A_439 = arith.constant 0 : i32
          %dma_wait3A_440 = tpu.memref_slice %arg4[%arg1, %add3A_433, %dma_wait3A_438, %dma_wait3A_439] : memref<16x80x2x128xi32, #tpu.memory_space<hbm>> -> memref<1x1x2x128xi32, #tpu.memory_space<hbm>>
          %dma_wait3A_441 = tpu.memref_squeeze %dma_wait3A_440 : memref<1x1x2x128xi32, #tpu.memory_space<hbm>> -> memref<2x128xi32, #tpu.memory_space<hbm>>
          tpu.wait_dma2 semaphore(%arg11 : memref<!tpu.dma_semaphore, #tpu.memory_space<semaphore_mem>>) src(%dma_wait3A_441 : memref<2x128xi32, #tpu.memory_space<hbm>>) dst(%arg7 : memref<2x128xi32, #tpu.memory_space<vmem>>)
          %dma_start3A_442 = arith.constant 0 : i32
          %dma_start3A_443 = arith.constant 0 : i32
          %dma_start3A_444 = tpu.memref_slice %arg7[%dma_start3A_442, %dma_start3A_443] : memref<2x128xi32, #tpu.memory_space<vmem>> -> memref<1x128xi32, #tpu.memory_space<vmem>>
          %dma_start3A_445 = tpu.memref_squeeze %dma_start3A_444 : memref<1x128xi32, #tpu.memory_space<vmem>> -> memref<128xi32, #tpu.memory_space<vmem>>
          %dma_start3A_446 = arith.constant 0 : i32
          %dma_start3A_447 = arith.constant 0 : i32
          %dma_start3A_448 = tpu.memref_slice %arg2[%dma_start3A_446, %dma_start3A_447] : memref<10000x128xbf16, #tpu.memory_space<hbm>> -> memref<10000x128xbf16, #tpu.memory_space<hbm>>
          tpu.enqueue_indirect_dma source(%dma_start3A_448 : memref<10000x128xbf16, #tpu.memory_space<hbm>>) target(%arg15 : memref<128x128xbf16, #tpu.memory_space<vmem>>) offsets(%dma_start3A_445 : memref<128xi32, #tpu.memory_space<vmem>>) semaphore(%arg17 : memref<!tpu.dma_semaphore, #tpu.memory_space<semaphore_mem>>)
        } else {
        }
        %add3A_408 = arith.constant 3 : i32
        %add3A_409 = arith.addi %add3A_337, %add3A_408 : i32
        %dma_wait3A_410 = arith.constant 0 : i32
        %dma_wait3A_411 = arith.constant 0 : i32
        %dma_wait3A_412 = tpu.memref_slice %arg10[%dma_wait3A_410, %dma_wait3A_411] : memref<2x128xi32, #tpu.memory_space<vmem>> -> memref<1x128xi32, #tpu.memory_space<vmem>>
        %dma_wait3A_413 = tpu.memref_squeeze %dma_wait3A_412 : memref<1x128xi32, #tpu.memory_space<vmem>> -> memref<128xi32, #tpu.memory_space<vmem>>
        %dma_wait3A_414 = arith.constant 0 : i32
        %dma_wait3A_415 = arith.constant 0 : i32
        %dma_wait3A_416 = tpu.memref_slice %arg2[%dma_wait3A_414, %dma_wait3A_415] : memref<10000x128xbf16, #tpu.memory_space<hbm>> -> memref<10000x128xbf16, #tpu.memory_space<hbm>>
        tpu.wait_indirect_dma semaphore(%arg18 : memref<!tpu.dma_semaphore, #tpu.memory_space<semaphore_mem>>) src(%dma_wait3A_416 : memref<10000x128xbf16, #tpu.memory_space<hbm>>) dst(%arg16 : memref<128x128xbf16, #tpu.memory_space<vmem>>)
        %run_scoped3A_417 = arith.constant 1 : i32
        "tpu.region"() ({
          %run_scoped3A_432 = tpu.sem_alloc : memref<!tpu.dma_semaphore, #tpu.memory_space<semaphore_mem>>
          %dma_start3A_433 = arith.constant 0 : i32
          %dma_start3A_434 = tpu.memref_slice %arg10[%run_scoped3A_417, %dma_start3A_433] : memref<2x128xi32, #tpu.memory_space<vmem>> -> memref<1x128xi32, #tpu.memory_space<vmem>>
          %dma_start3A_435 = tpu.memref_squeeze %dma_start3A_434 : memref<1x128xi32, #tpu.memory_space<vmem>> -> memref<128xi32, #tpu.memory_space<vmem>>
          %dma_start3A_436 = arith.constant 0 : i32
          %dma_start3A_437 = arith.constant 0 : i32
          %dma_start3A_438 = tpu.memref_slice %arg21[%dma_start3A_436, %dma_start3A_437] : memref<10240x128xbf16, #tpu.memory_space<vmem_shared>> -> memref<10240x128xbf16, #tpu.memory_space<vmem_shared>>
          tpu.enqueue_indirect_dma source(%arg16 : memref<128x128xbf16, #tpu.memory_space<vmem>>) target(%dma_start3A_438 : memref<10240x128xbf16, #tpu.memory_space<vmem_shared>>) offsets(%dma_start3A_435 : memref<128xi32, #tpu.memory_space<vmem>>) semaphore(%run_scoped3A_432 : memref<!tpu.dma_semaphore, #tpu.memory_space<semaphore_mem>>) {add = true}
          %dma_wait3A_439 = arith.constant 0 : i32
          %dma_wait3A_440 = tpu.memref_slice %arg10[%run_scoped3A_417, %dma_wait3A_439] : memref<2x128xi32, #tpu.memory_space<vmem>> -> memref<1x128xi32, #tpu.memory_space<vmem>>
          %dma_wait3A_441 = tpu.memref_squeeze %dma_wait3A_440 : memref<1x128xi32, #tpu.memory_space<vmem>> -> memref<128xi32, #tpu.memory_space<vmem>>
          %dma_wait3A_442 = arith.constant 0 : i32
          %dma_wait3A_443 = arith.constant 0 : i32
          %dma_wait3A_444 = tpu.memref_slice %arg21[%dma_wait3A_442, %dma_wait3A_443] : memref<10240x128xbf16, #tpu.memory_space<vmem_shared>> -> memref<10240x128xbf16, #tpu.memory_space<vmem_shared>>
          tpu.wait_indirect_dma semaphore(%run_scoped3A_432 : memref<!tpu.dma_semaphore, #tpu.memory_space<semaphore_mem>>) src(%arg16 : memref<128x128xbf16, #tpu.memory_space<vmem>>) dst(%dma_wait3A_444 : memref<10240x128xbf16, #tpu.memory_space<vmem_shared>>)
          tpu.yield
        }) : () -> ()
        %add3A_418 = arith.constant 4 : i32
        %add3A_419 = arith.addi %add3A_409, %add3A_418 : i32
        %lt3A_420 = arith.constant 80 : i32
        %lt3A_421 = arith.cmpi slt, %add3A_419, %lt3A_420 : i32
        %convert_element_type3A_422 = arith.extui %lt3A_421 : i1 to i32
        %cond3A_423 = arith.constant 0 : i32
        %cond3A_424 = arith.cmpi ne, %convert_element_type3A_422, %cond3A_423 : i32
        scf.if %cond3A_424 {
          %add3A_432 = arith.constant 4 : i32
          %add3A_433 = arith.addi %add3A_409, %add3A_432 : i32
          %dma_start3A_434 = arith.constant 0 : i32
          %dma_start3A_435 = arith.constant 0 : i32
          %dma_start3A_436 = tpu.memref_slice %arg4[%arg1, %add3A_433, %dma_start3A_434, %dma_start3A_435] : memref<16x80x2x128xi32, #tpu.memory_space<hbm>> -> memref<1x1x2x128xi32, #tpu.memory_space<hbm>>
          %dma_start3A_437 = tpu.memref_squeeze %dma_start3A_436 : memref<1x1x2x128xi32, #tpu.memory_space<hbm>> -> memref<2x128xi32, #tpu.memory_space<hbm>>
          %dma_start3A_438 = arith.constant 0 : i32
          %dma_start3A_439 = arith.constant 0 : i32
          %dma_start3A_440 = tpu.memref_slice %arg4[%arg1, %add3A_433, %dma_start3A_438, %dma_start3A_439] : memref<16x80x2x128xi32, #tpu.memory_space<hbm>> -> memref<1x1x2x128xi32, #tpu.memory_space<hbm>>
          %dma_start3A_441 = tpu.memref_squeeze %dma_start3A_440 : memref<1x1x2x128xi32, #tpu.memory_space<hbm>> -> memref<2x128xi32, #tpu.memory_space<hbm>>
          tpu.enqueue_dma source(%dma_start3A_441 : memref<2x128xi32, #tpu.memory_space<hbm>>) target(%arg10 : memref<2x128xi32, #tpu.memory_space<vmem>>) target_semaphore(%arg14 : memref<!tpu.dma_semaphore, #tpu.memory_space<semaphore_mem>>)
        } else {
        }
        %add3A_425 = arith.constant 2 : i32
        %add3A_426 = arith.addi %add3A_409, %add3A_425 : i32
        %lt3A_427 = arith.constant 80 : i32
        %lt3A_428 = arith.cmpi slt, %add3A_426, %lt3A_427 : i32
        %convert_element_type3A_429 = arith.extui %lt3A_428 : i1 to i32
        %cond3A_430 = arith.constant 0 : i32
        %cond3A_431 = arith.cmpi ne, %convert_element_type3A_429, %cond3A_430 : i32
        scf.if %cond3A_431 {
          %add3A_432 = arith.constant 2 : i32
          %add3A_433 = arith.addi %add3A_409, %add3A_432 : i32
          %dma_wait3A_434 = arith.constant 0 : i32
          %dma_wait3A_435 = arith.constant 0 : i32
          %dma_wait3A_436 = tpu.memref_slice %arg4[%arg1, %add3A_433, %dma_wait3A_434, %dma_wait3A_435] : memref<16x80x2x128xi32, #tpu.memory_space<hbm>> -> memref<1x1x2x128xi32, #tpu.memory_space<hbm>>
          %dma_wait3A_437 = tpu.memref_squeeze %dma_wait3A_436 : memref<1x1x2x128xi32, #tpu.memory_space<hbm>> -> memref<2x128xi32, #tpu.memory_space<hbm>>
          %dma_wait3A_438 = arith.constant 0 : i32
          %dma_wait3A_439 = arith.constant 0 : i32
          %dma_wait3A_440 = tpu.memref_slice %arg4[%arg1, %add3A_433, %dma_wait3A_438, %dma_wait3A_439] : memref<16x80x2x128xi32, #tpu.memory_space<hbm>> -> memref<1x1x2x128xi32, #tpu.memory_space<hbm>>
          %dma_wait3A_441 = tpu.memref_squeeze %dma_wait3A_440 : memref<1x1x2x128xi32, #tpu.memory_space<hbm>> -> memref<2x128xi32, #tpu.memory_space<hbm>>
          tpu.wait_dma2 semaphore(%arg12 : memref<!tpu.dma_semaphore, #tpu.memory_space<semaphore_mem>>) src(%dma_wait3A_441 : memref<2x128xi32, #tpu.memory_space<hbm>>) dst(%arg8 : memref<2x128xi32, #tpu.memory_space<vmem>>)
          %dma_start3A_442 = arith.constant 0 : i32
          %dma_start3A_443 = arith.constant 0 : i32
          %dma_start3A_444 = tpu.memref_slice %arg8[%dma_start3A_442, %dma_start3A_443] : memref<2x128xi32, #tpu.memory_space<vmem>> -> memref<1x128xi32, #tpu.memory_space<vmem>>
          %dma_start3A_445 = tpu.memref_squeeze %dma_start3A_444 : memref<1x128xi32, #tpu.memory_space<vmem>> -> memref<128xi32, #tpu.memory_space<vmem>>
          %dma_start3A_446 = arith.constant 0 : i32
          %dma_start3A_447 = arith.constant 0 : i32
          %dma_start3A_448 = tpu.memref_slice %arg2[%dma_start3A_446, %dma_start3A_447] : memref<10000x128xbf16, #tpu.memory_space<hbm>> -> memref<10000x128xbf16, #tpu.memory_space<hbm>>
          tpu.enqueue_indirect_dma source(%dma_start3A_448 : memref<10000x128xbf16, #tpu.memory_space<hbm>>) target(%arg16 : memref<128x128xbf16, #tpu.memory_space<vmem>>) offsets(%dma_start3A_445 : memref<128xi32, #tpu.memory_space<vmem>>) semaphore(%arg18 : memref<!tpu.dma_semaphore, #tpu.memory_space<semaphore_mem>>)
        } else {
        }
      }
      %scan3A_332 = arith.constant 20 : i32
    } else {
    }
    %eq3A_280 = arith.constant 1 : i32
    %eq3A_281 = arith.cmpi eq, %arg0, %eq3A_280 : i32
    %convert_element_type3A_282 = arith.extui %eq3A_281 : i1 to i32
    %cond3A_283 = arith.constant 0 : i32
    %cond3A_284 = arith.cmpi ne, %convert_element_type3A_282, %cond3A_283 : i32
    scf.if %cond3A_284 {
      %dma_wait3A_296 = arith.constant 0 : i32
      %dma_wait3A_297 = arith.constant 0 : i32
      %dma_wait3A_298 = arith.constant 0 : i32
      %dma_wait3A_299 = tpu.memref_slice %arg4[%arg1, %dma_wait3A_296, %dma_wait3A_297, %dma_wait3A_298] : memref<16x80x2x128xi32, #tpu.memory_space<hbm>> -> memref<1x1x2x128xi32, #tpu.memory_space<hbm>>
      %dma_wait3A_300 = tpu.memref_squeeze %dma_wait3A_299 : memref<1x1x2x128xi32, #tpu.memory_space<hbm>> -> memref<2x128xi32, #tpu.memory_space<hbm>>
      %dma_wait3A_301 = arith.constant 0 : i32
      %dma_wait3A_302 = arith.constant 0 : i32
      %dma_wait3A_303 = tpu.memref_slice %arg4[%arg1, %dma_wait3A_296, %dma_wait3A_301, %dma_wait3A_302] : memref<16x80x2x128xi32, #tpu.memory_space<hbm>> -> memref<1x1x2x128xi32, #tpu.memory_space<hbm>>
      %dma_wait3A_304 = tpu.memref_squeeze %dma_wait3A_303 : memref<1x1x2x128xi32, #tpu.memory_space<hbm>> -> memref<2x128xi32, #tpu.memory_space<hbm>>
      tpu.wait_dma2 semaphore(%arg11 : memref<!tpu.dma_semaphore, #tpu.memory_space<semaphore_mem>>) src(%dma_wait3A_304 : memref<2x128xi32, #tpu.memory_space<hbm>>) dst(%arg7 : memref<2x128xi32, #tpu.memory_space<vmem>>)
      %dma_start3A_305 = arith.constant 0 : i32
      %dma_start3A_306 = arith.constant 0 : i32
      %dma_start3A_307 = tpu.memref_slice %arg7[%dma_start3A_305, %dma_start3A_306] : memref<2x128xi32, #tpu.memory_space<vmem>> -> memref<1x128xi32, #tpu.memory_space<vmem>>
      %dma_start3A_308 = tpu.memref_squeeze %dma_start3A_307 : memref<1x128xi32, #tpu.memory_space<vmem>> -> memref<128xi32, #tpu.memory_space<vmem>>
      %dma_start3A_309 = arith.constant 0 : i32
      %dma_start3A_310 = arith.constant 0 : i32
      %dma_start3A_311 = tpu.memref_slice %arg3[%dma_start3A_309, %dma_start3A_310] : memref<10000x128xbf16, #tpu.memory_space<hbm>> -> memref<10000x128xbf16, #tpu.memory_space<hbm>>
      tpu.enqueue_indirect_dma source(%dma_start3A_311 : memref<10000x128xbf16, #tpu.memory_space<hbm>>) target(%arg15 : memref<128x128xbf16, #tpu.memory_space<vmem>>) offsets(%dma_start3A_308 : memref<128xi32, #tpu.memory_space<vmem>>) semaphore(%arg17 : memref<!tpu.dma_semaphore, #tpu.memory_space<semaphore_mem>>)
      %dma_wait3A_312 = arith.constant 1 : i32
      %dma_wait3A_313 = arith.constant 0 : i32
      %dma_wait3A_314 = arith.constant 0 : i32
      %dma_wait3A_315 = tpu.memref_slice %arg4[%arg1, %dma_wait3A_312, %dma_wait3A_313, %dma_wait3A_314] : memref<16x80x2x128xi32, #tpu.memory_space<hbm>> -> memref<1x1x2x128xi32, #tpu.memory_space<hbm>>
      %dma_wait3A_316 = tpu.memref_squeeze %dma_wait3A_315 : memref<1x1x2x128xi32, #tpu.memory_space<hbm>> -> memref<2x128xi32, #tpu.memory_space<hbm>>
      %dma_wait3A_317 = arith.constant 0 : i32
      %dma_wait3A_318 = arith.constant 0 : i32
      %dma_wait3A_319 = tpu.memref_slice %arg4[%arg1, %dma_wait3A_312, %dma_wait3A_317, %dma_wait3A_318] : memref<16x80x2x128xi32, #tpu.memory_space<hbm>> -> memref<1x1x2x128xi32, #tpu.memory_space<hbm>>
      %dma_wait3A_320 = tpu.memref_squeeze %dma_wait3A_319 : memref<1x1x2x128xi32, #tpu.memory_space<hbm>> -> memref<2x128xi32, #tpu.memory_space<hbm>>
      tpu.wait_dma2 semaphore(%arg12 : memref<!tpu.dma_semaphore, #tpu.memory_space<semaphore_mem>>) src(%dma_wait3A_320 : memref<2x128xi32, #tpu.memory_space<hbm>>) dst(%arg8 : memref<2x128xi32, #tpu.memory_space<vmem>>)
      %dma_start3A_321 = arith.constant 0 : i32
      %dma_start3A_322 = arith.constant 0 : i32
      %dma_start3A_323 = tpu.memref_slice %arg8[%dma_start3A_321, %dma_start3A_322] : memref<2x128xi32, #tpu.memory_space<vmem>> -> memref<1x128xi32, #tpu.memory_space<vmem>>
      %dma_start3A_324 = tpu.memref_squeeze %dma_start3A_323 : memref<1x128xi32, #tpu.memory_space<vmem>> -> memref<128xi32, #tpu.memory_space<vmem>>
      %dma_start3A_325 = arith.constant 0 : i32
      %dma_start3A_326 = arith.constant 0 : i32
      %dma_start3A_327 = tpu.memref_slice %arg3[%dma_start3A_325, %dma_start3A_326] : memref<10000x128xbf16, #tpu.memory_space<hbm>> -> memref<10000x128xbf16, #tpu.memory_space<hbm>>
      tpu.enqueue_indirect_dma source(%dma_start3A_327 : memref<10000x128xbf16, #tpu.memory_space<hbm>>) target(%arg16 : memref<128x128xbf16, #tpu.memory_space<vmem>>) offsets(%dma_start3A_324 : memref<128xi32, #tpu.memory_space<vmem>>) semaphore(%arg18 : memref<!tpu.dma_semaphore, #tpu.memory_space<semaphore_mem>>)
      %scan3A_328 = arith.constant 0 : i32
      %scan3A_329 = arith.constant 20 : i32
      %scan3A_330 = arith.addi %scan3A_328, %scan3A_329 : i32
      %scan3A_331 = arith.constant 1 : i32
      scf.for %scan3A_333 = %scan3A_328 to %scan3A_330 step %scan3A_331  : i32 {
        %mul3A_334 = arith.constant 4 : i32
        %mul3A_335 = arith.muli %scan3A_333, %mul3A_334 : i32
        %add3A_336 = arith.constant 0 : i32
        %add3A_337 = arith.addi %add3A_336, %mul3A_335 : i32
        %add3A_338 = arith.constant 0 : i32
        %add3A_339 = arith.addi %add3A_337, %add3A_338 : i32
        %dma_wait3A_340 = arith.constant 0 : i32
        %dma_wait3A_341 = arith.constant 0 : i32
        %dma_wait3A_342 = tpu.memref_slice %arg7[%dma_wait3A_340, %dma_wait3A_341] : memref<2x128xi32, #tpu.memory_space<vmem>> -> memref<1x128xi32, #tpu.memory_space<vmem>>
        %dma_wait3A_343 = tpu.memref_squeeze %dma_wait3A_342 : memref<1x128xi32, #tpu.memory_space<vmem>> -> memref<128xi32, #tpu.memory_space<vmem>>
        %dma_wait3A_344 = arith.constant 0 : i32
        %dma_wait3A_345 = arith.constant 0 : i32
        %dma_wait3A_346 = tpu.memref_slice %arg3[%dma_wait3A_344, %dma_wait3A_345] : memref<10000x128xbf16, #tpu.memory_space<hbm>> -> memref<10000x128xbf16, #tpu.memory_space<hbm>>
        tpu.wait_indirect_dma semaphore(%arg17 : memref<!tpu.dma_semaphore, #tpu.memory_space<semaphore_mem>>) src(%dma_wait3A_346 : memref<10000x128xbf16, #tpu.memory_space<hbm>>) dst(%arg15 : memref<128x128xbf16, #tpu.memory_space<vmem>>)
        %run_scoped3A = arith.constant 1 : i32
        "tpu.region"() ({
          %run_scoped3A_432 = tpu.sem_alloc : memref<!tpu.dma_semaphore, #tpu.memory_space<semaphore_mem>>
          %dma_start3A_433 = arith.constant 0 : i32
          %dma_start3A_434 = tpu.memref_slice %arg7[%run_scoped3A, %dma_start3A_433] : memref<2x128xi32, #tpu.memory_space<vmem>> -> memref<1x128xi32, #tpu.memory_space<vmem>>
          %dma_start3A_435 = tpu.memref_squeeze %dma_start3A_434 : memref<1x128xi32, #tpu.memory_space<vmem>> -> memref<128xi32, #tpu.memory_space<vmem>>
          %dma_start3A_436 = arith.constant 0 : i32
          %dma_start3A_437 = arith.constant 0 : i32
          %dma_start3A_438 = tpu.memref_slice %arg21[%dma_start3A_436, %dma_start3A_437] : memref<10240x128xbf16, #tpu.memory_space<vmem_shared>> -> memref<10240x128xbf16, #tpu.memory_space<vmem_shared>>
          tpu.enqueue_indirect_dma source(%arg15 : memref<128x128xbf16, #tpu.memory_space<vmem>>) target(%dma_start3A_438 : memref<10240x128xbf16, #tpu.memory_space<vmem_shared>>) offsets(%dma_start3A_435 : memref<128xi32, #tpu.memory_space<vmem>>) semaphore(%run_scoped3A_432 : memref<!tpu.dma_semaphore, #tpu.memory_space<semaphore_mem>>) {add = true}
          %dma_wait3A_439 = arith.constant 0 : i32
          %dma_wait3A_440 = tpu.memref_slice %arg7[%run_scoped3A, %dma_wait3A_439] : memref<2x128xi32, #tpu.memory_space<vmem>> -> memref<1x128xi32, #tpu.memory_space<vmem>>
          %dma_wait3A_441 = tpu.memref_squeeze %dma_wait3A_440 : memref<1x128xi32, #tpu.memory_space<vmem>> -> memref<128xi32, #tpu.memory_space<vmem>>
          %dma_wait3A_442 = arith.constant 0 : i32
          %dma_wait3A_443 = arith.constant 0 : i32
          %dma_wait3A_444 = tpu.memref_slice %arg21[%dma_wait3A_442, %dma_wait3A_443] : memref<10240x128xbf16, #tpu.memory_space<vmem_shared>> -> memref<10240x128xbf16, #tpu.memory_space<vmem_shared>>
          tpu.wait_indirect_dma semaphore(%run_scoped3A_432 : memref<!tpu.dma_semaphore, #tpu.memory_space<semaphore_mem>>) src(%arg15 : memref<128x128xbf16, #tpu.memory_space<vmem>>) dst(%dma_wait3A_444 : memref<10240x128xbf16, #tpu.memory_space<vmem_shared>>)
          tpu.yield
        }) : () -> ()
        %add3A_347 = arith.constant 4 : i32
        %add3A_348 = arith.addi %add3A_339, %add3A_347 : i32
        %lt3A = arith.constant 80 : i32
        %lt3A_349 = arith.cmpi slt, %add3A_348, %lt3A : i32
        %convert_element_type3A_350 = arith.extui %lt3A_349 : i1 to i32
        %cond3A_351 = arith.constant 0 : i32
        %cond3A_352 = arith.cmpi ne, %convert_element_type3A_350, %cond3A_351 : i32
        scf.if %cond3A_352 {
          %add3A_432 = arith.constant 4 : i32
          %add3A_433 = arith.addi %add3A_339, %add3A_432 : i32
          %dma_start3A_434 = arith.constant 0 : i32
          %dma_start3A_435 = arith.constant 0 : i32
          %dma_start3A_436 = tpu.memref_slice %arg4[%arg1, %add3A_433, %dma_start3A_434, %dma_start3A_435] : memref<16x80x2x128xi32, #tpu.memory_space<hbm>> -> memref<1x1x2x128xi32, #tpu.memory_space<hbm>>
          %dma_start3A_437 = tpu.memref_squeeze %dma_start3A_436 : memref<1x1x2x128xi32, #tpu.memory_space<hbm>> -> memref<2x128xi32, #tpu.memory_space<hbm>>
          %dma_start3A_438 = arith.constant 0 : i32
          %dma_start3A_439 = arith.constant 0 : i32
          %dma_start3A_440 = tpu.memref_slice %arg4[%arg1, %add3A_433, %dma_start3A_438, %dma_start3A_439] : memref<16x80x2x128xi32, #tpu.memory_space<hbm>> -> memref<1x1x2x128xi32, #tpu.memory_space<hbm>>
          %dma_start3A_441 = tpu.memref_squeeze %dma_start3A_440 : memref<1x1x2x128xi32, #tpu.memory_space<hbm>> -> memref<2x128xi32, #tpu.memory_space<hbm>>
          tpu.enqueue_dma source(%dma_start3A_441 : memref<2x128xi32, #tpu.memory_space<hbm>>) target(%arg7 : memref<2x128xi32, #tpu.memory_space<vmem>>) target_semaphore(%arg11 : memref<!tpu.dma_semaphore, #tpu.memory_space<semaphore_mem>>)
        } else {
        }
        %add3A_353 = arith.constant 2 : i32
        %add3A_354 = arith.addi %add3A_339, %add3A_353 : i32
        %lt3A_355 = arith.constant 80 : i32
        %lt3A_356 = arith.cmpi slt, %add3A_354, %lt3A_355 : i32
        %convert_element_type3A_357 = arith.extui %lt3A_356 : i1 to i32
        %cond3A_358 = arith.constant 0 : i32
        %cond3A_359 = arith.cmpi ne, %convert_element_type3A_357, %cond3A_358 : i32
        scf.if %cond3A_359 {
          %add3A_432 = arith.constant 2 : i32
          %add3A_433 = arith.addi %add3A_339, %add3A_432 : i32
          %dma_wait3A_434 = arith.constant 0 : i32
          %dma_wait3A_435 = arith.constant 0 : i32
          %dma_wait3A_436 = tpu.memref_slice %arg4[%arg1, %add3A_433, %dma_wait3A_434, %dma_wait3A_435] : memref<16x80x2x128xi32, #tpu.memory_space<hbm>> -> memref<1x1x2x128xi32, #tpu.memory_space<hbm>>
          %dma_wait3A_437 = tpu.memref_squeeze %dma_wait3A_436 : memref<1x1x2x128xi32, #tpu.memory_space<hbm>> -> memref<2x128xi32, #tpu.memory_space<hbm>>
          %dma_wait3A_438 = arith.constant 0 : i32
          %dma_wait3A_439 = arith.constant 0 : i32
          %dma_wait3A_440 = tpu.memref_slice %arg4[%arg1, %add3A_433, %dma_wait3A_438, %dma_wait3A_439] : memref<16x80x2x128xi32, #tpu.memory_space<hbm>> -> memref<1x1x2x128xi32, #tpu.memory_space<hbm>>
          %dma_wait3A_441 = tpu.memref_squeeze %dma_wait3A_440 : memref<1x1x2x128xi32, #tpu.memory_space<hbm>> -> memref<2x128xi32, #tpu.memory_space<hbm>>
          tpu.wait_dma2 semaphore(%arg13 : memref<!tpu.dma_semaphore, #tpu.memory_space<semaphore_mem>>) src(%dma_wait3A_441 : memref<2x128xi32, #tpu.memory_space<hbm>>) dst(%arg9 : memref<2x128xi32, #tpu.memory_space<vmem>>)
          %dma_start3A_442 = arith.constant 0 : i32
          %dma_start3A_443 = arith.constant 0 : i32
          %dma_start3A_444 = tpu.memref_slice %arg9[%dma_start3A_442, %dma_start3A_443] : memref<2x128xi32, #tpu.memory_space<vmem>> -> memref<1x128xi32, #tpu.memory_space<vmem>>
          %dma_start3A_445 = tpu.memref_squeeze %dma_start3A_444 : memref<1x128xi32, #tpu.memory_space<vmem>> -> memref<128xi32, #tpu.memory_space<vmem>>
          %dma_start3A_446 = arith.constant 0 : i32
          %dma_start3A_447 = arith.constant 0 : i32
          %dma_start3A_448 = tpu.memref_slice %arg3[%dma_start3A_446, %dma_start3A_447] : memref<10000x128xbf16, #tpu.memory_space<hbm>> -> memref<10000x128xbf16, #tpu.memory_space<hbm>>
          tpu.enqueue_indirect_dma source(%dma_start3A_448 : memref<10000x128xbf16, #tpu.memory_space<hbm>>) target(%arg15 : memref<128x128xbf16, #tpu.memory_space<vmem>>) offsets(%dma_start3A_445 : memref<128xi32, #tpu.memory_space<vmem>>) semaphore(%arg17 : memref<!tpu.dma_semaphore, #tpu.memory_space<semaphore_mem>>)
        } else {
        }
        %add3A_360 = arith.constant 1 : i32
        %add3A_361 = arith.addi %add3A_337, %add3A_360 : i32
        %dma_wait3A_362 = arith.constant 0 : i32
        %dma_wait3A_363 = arith.constant 0 : i32
        %dma_wait3A_364 = tpu.memref_slice %arg8[%dma_wait3A_362, %dma_wait3A_363] : memref<2x128xi32, #tpu.memory_space<vmem>> -> memref<1x128xi32, #tpu.memory_space<vmem>>
        %dma_wait3A_365 = tpu.memref_squeeze %dma_wait3A_364 : memref<1x128xi32, #tpu.memory_space<vmem>> -> memref<128xi32, #tpu.memory_space<vmem>>
        %dma_wait3A_366 = arith.constant 0 : i32
        %dma_wait3A_367 = arith.constant 0 : i32
        %dma_wait3A_368 = tpu.memref_slice %arg3[%dma_wait3A_366, %dma_wait3A_367] : memref<10000x128xbf16, #tpu.memory_space<hbm>> -> memref<10000x128xbf16, #tpu.memory_space<hbm>>
        tpu.wait_indirect_dma semaphore(%arg18 : memref<!tpu.dma_semaphore, #tpu.memory_space<semaphore_mem>>) src(%dma_wait3A_368 : memref<10000x128xbf16, #tpu.memory_space<hbm>>) dst(%arg16 : memref<128x128xbf16, #tpu.memory_space<vmem>>)
        %run_scoped3A_369 = arith.constant 1 : i32
        "tpu.region"() ({
          %run_scoped3A_432 = tpu.sem_alloc : memref<!tpu.dma_semaphore, #tpu.memory_space<semaphore_mem>>
          %dma_start3A_433 = arith.constant 0 : i32
          %dma_start3A_434 = tpu.memref_slice %arg8[%run_scoped3A_369, %dma_start3A_433] : memref<2x128xi32, #tpu.memory_space<vmem>> -> memref<1x128xi32, #tpu.memory_space<vmem>>
          %dma_start3A_435 = tpu.memref_squeeze %dma_start3A_434 : memref<1x128xi32, #tpu.memory_space<vmem>> -> memref<128xi32, #tpu.memory_space<vmem>>
          %dma_start3A_436 = arith.constant 0 : i32
          %dma_start3A_437 = arith.constant 0 : i32
          %dma_start3A_438 = tpu.memref_slice %arg21[%dma_start3A_436, %dma_start3A_437] : memref<10240x128xbf16, #tpu.memory_space<vmem_shared>> -> memref<10240x128xbf16, #tpu.memory_space<vmem_shared>>
          tpu.enqueue_indirect_dma source(%arg16 : memref<128x128xbf16, #tpu.memory_space<vmem>>) target(%dma_start3A_438 : memref<10240x128xbf16, #tpu.memory_space<vmem_shared>>) offsets(%dma_start3A_435 : memref<128xi32, #tpu.memory_space<vmem>>) semaphore(%run_scoped3A_432 : memref<!tpu.dma_semaphore, #tpu.memory_space<semaphore_mem>>) {add = true}
          %dma_wait3A_439 = arith.constant 0 : i32
          %dma_wait3A_440 = tpu.memref_slice %arg8[%run_scoped3A_369, %dma_wait3A_439] : memref<2x128xi32, #tpu.memory_space<vmem>> -> memref<1x128xi32, #tpu.memory_space<vmem>>
          %dma_wait3A_441 = tpu.memref_squeeze %dma_wait3A_440 : memref<1x128xi32, #tpu.memory_space<vmem>> -> memref<128xi32, #tpu.memory_space<vmem>>
          %dma_wait3A_442 = arith.constant 0 : i32
          %dma_wait3A_443 = arith.constant 0 : i32
          %dma_wait3A_444 = tpu.memref_slice %arg21[%dma_wait3A_442, %dma_wait3A_443] : memref<10240x128xbf16, #tpu.memory_space<vmem_shared>> -> memref<10240x128xbf16, #tpu.memory_space<vmem_shared>>
          tpu.wait_indirect_dma semaphore(%run_scoped3A_432 : memref<!tpu.dma_semaphore, #tpu.memory_space<semaphore_mem>>) src(%arg16 : memref<128x128xbf16, #tpu.memory_space<vmem>>) dst(%dma_wait3A_444 : memref<10240x128xbf16, #tpu.memory_space<vmem_shared>>)
          tpu.yield
        }) : () -> ()
        %add3A_370 = arith.constant 4 : i32
        %add3A_371 = arith.addi %add3A_361, %add3A_370 : i32
        %lt3A_372 = arith.constant 80 : i32
        %lt3A_373 = arith.cmpi slt, %add3A_371, %lt3A_372 : i32
        %convert_element_type3A_374 = arith.extui %lt3A_373 : i1 to i32
        %cond3A_375 = arith.constant 0 : i32
        %cond3A_376 = arith.cmpi ne, %convert_element_type3A_374, %cond3A_375 : i32
        scf.if %cond3A_376 {
          %add3A_432 = arith.constant 4 : i32
          %add3A_433 = arith.addi %add3A_361, %add3A_432 : i32
          %dma_start3A_434 = arith.constant 0 : i32
          %dma_start3A_435 = arith.constant 0 : i32
          %dma_start3A_436 = tpu.memref_slice %arg4[%arg1, %add3A_433, %dma_start3A_434, %dma_start3A_435] : memref<16x80x2x128xi32, #tpu.memory_space<hbm>> -> memref<1x1x2x128xi32, #tpu.memory_space<hbm>>
          %dma_start3A_437 = tpu.memref_squeeze %dma_start3A_436 : memref<1x1x2x128xi32, #tpu.memory_space<hbm>> -> memref<2x128xi32, #tpu.memory_space<hbm>>
          %dma_start3A_438 = arith.constant 0 : i32
          %dma_start3A_439 = arith.constant 0 : i32
          %dma_start3A_440 = tpu.memref_slice %arg4[%arg1, %add3A_433, %dma_start3A_438, %dma_start3A_439] : memref<16x80x2x128xi32, #tpu.memory_space<hbm>> -> memref<1x1x2x128xi32, #tpu.memory_space<hbm>>
          %dma_start3A_441 = tpu.memref_squeeze %dma_start3A_440 : memref<1x1x2x128xi32, #tpu.memory_space<hbm>> -> memref<2x128xi32, #tpu.memory_space<hbm>>
          tpu.enqueue_dma source(%dma_start3A_441 : memref<2x128xi32, #tpu.memory_space<hbm>>) target(%arg8 : memref<2x128xi32, #tpu.memory_space<vmem>>) target_semaphore(%arg12 : memref<!tpu.dma_semaphore, #tpu.memory_space<semaphore_mem>>)
        } else {
        }
        %add3A_377 = arith.constant 2 : i32
        %add3A_378 = arith.addi %add3A_361, %add3A_377 : i32
        %lt3A_379 = arith.constant 80 : i32
        %lt3A_380 = arith.cmpi slt, %add3A_378, %lt3A_379 : i32
        %convert_element_type3A_381 = arith.extui %lt3A_380 : i1 to i32
        %cond3A_382 = arith.constant 0 : i32
        %cond3A_383 = arith.cmpi ne, %convert_element_type3A_381, %cond3A_382 : i32
        scf.if %cond3A_383 {
          %add3A_432 = arith.constant 2 : i32
          %add3A_433 = arith.addi %add3A_361, %add3A_432 : i32
          %dma_wait3A_434 = arith.constant 0 : i32
          %dma_wait3A_435 = arith.constant 0 : i32
          %dma_wait3A_436 = tpu.memref_slice %arg4[%arg1, %add3A_433, %dma_wait3A_434, %dma_wait3A_435] : memref<16x80x2x128xi32, #tpu.memory_space<hbm>> -> memref<1x1x2x128xi32, #tpu.memory_space<hbm>>
          %dma_wait3A_437 = tpu.memref_squeeze %dma_wait3A_436 : memref<1x1x2x128xi32, #tpu.memory_space<hbm>> -> memref<2x128xi32, #tpu.memory_space<hbm>>
          %dma_wait3A_438 = arith.constant 0 : i32
          %dma_wait3A_439 = arith.constant 0 : i32
          %dma_wait3A_440 = tpu.memref_slice %arg4[%arg1, %add3A_433, %dma_wait3A_438, %dma_wait3A_439] : memref<16x80x2x128xi32, #tpu.memory_space<hbm>> -> memref<1x1x2x128xi32, #tpu.memory_space<hbm>>
          %dma_wait3A_441 = tpu.memref_squeeze %dma_wait3A_440 : memref<1x1x2x128xi32, #tpu.memory_space<hbm>> -> memref<2x128xi32, #tpu.memory_space<hbm>>
          tpu.wait_dma2 semaphore(%arg14 : memref<!tpu.dma_semaphore, #tpu.memory_space<semaphore_mem>>) src(%dma_wait3A_441 : memref<2x128xi32, #tpu.memory_space<hbm>>) dst(%arg10 : memref<2x128xi32, #tpu.memory_space<vmem>>)
          %dma_start3A_442 = arith.constant 0 : i32
          %dma_start3A_443 = arith.constant 0 : i32
          %dma_start3A_444 = tpu.memref_slice %arg10[%dma_start3A_442, %dma_start3A_443] : memref<2x128xi32, #tpu.memory_space<vmem>> -> memref<1x128xi32, #tpu.memory_space<vmem>>
          %dma_start3A_445 = tpu.memref_squeeze %dma_start3A_444 : memref<1x128xi32, #tpu.memory_space<vmem>> -> memref<128xi32, #tpu.memory_space<vmem>>
          %dma_start3A_446 = arith.constant 0 : i32
          %dma_start3A_447 = arith.constant 0 : i32
          %dma_start3A_448 = tpu.memref_slice %arg3[%dma_start3A_446, %dma_start3A_447] : memref<10000x128xbf16, #tpu.memory_space<hbm>> -> memref<10000x128xbf16, #tpu.memory_space<hbm>>
          tpu.enqueue_indirect_dma source(%dma_start3A_448 : memref<10000x128xbf16, #tpu.memory_space<hbm>>) target(%arg16 : memref<128x128xbf16, #tpu.memory_space<vmem>>) offsets(%dma_start3A_445 : memref<128xi32, #tpu.memory_space<vmem>>) semaphore(%arg18 : memref<!tpu.dma_semaphore, #tpu.memory_space<semaphore_mem>>)
        } else {
        }
        %add3A_384 = arith.constant 2 : i32
        %add3A_385 = arith.addi %add3A_337, %add3A_384 : i32
        %dma_wait3A_386 = arith.constant 0 : i32
        %dma_wait3A_387 = arith.constant 0 : i32
        %dma_wait3A_388 = tpu.memref_slice %arg9[%dma_wait3A_386, %dma_wait3A_387] : memref<2x128xi32, #tpu.memory_space<vmem>> -> memref<1x128xi32, #tpu.memory_space<vmem>>
        %dma_wait3A_389 = tpu.memref_squeeze %dma_wait3A_388 : memref<1x128xi32, #tpu.memory_space<vmem>> -> memref<128xi32, #tpu.memory_space<vmem>>
        %dma_wait3A_390 = arith.constant 0 : i32
        %dma_wait3A_391 = arith.constant 0 : i32
        %dma_wait3A_392 = tpu.memref_slice %arg3[%dma_wait3A_390, %dma_wait3A_391] : memref<10000x128xbf16, #tpu.memory_space<hbm>> -> memref<10000x128xbf16, #tpu.memory_space<hbm>>
        tpu.wait_indirect_dma semaphore(%arg17 : memref<!tpu.dma_semaphore, #tpu.memory_space<semaphore_mem>>) src(%dma_wait3A_392 : memref<10000x128xbf16, #tpu.memory_space<hbm>>) dst(%arg15 : memref<128x128xbf16, #tpu.memory_space<vmem>>)
        %run_scoped3A_393 = arith.constant 1 : i32
        "tpu.region"() ({
          %run_scoped3A_432 = tpu.sem_alloc : memref<!tpu.dma_semaphore, #tpu.memory_space<semaphore_mem>>
          %dma_start3A_433 = arith.constant 0 : i32
          %dma_start3A_434 = tpu.memref_slice %arg9[%run_scoped3A_393, %dma_start3A_433] : memref<2x128xi32, #tpu.memory_space<vmem>> -> memref<1x128xi32, #tpu.memory_space<vmem>>
          %dma_start3A_435 = tpu.memref_squeeze %dma_start3A_434 : memref<1x128xi32, #tpu.memory_space<vmem>> -> memref<128xi32, #tpu.memory_space<vmem>>
          %dma_start3A_436 = arith.constant 0 : i32
          %dma_start3A_437 = arith.constant 0 : i32
          %dma_start3A_438 = tpu.memref_slice %arg21[%dma_start3A_436, %dma_start3A_437] : memref<10240x128xbf16, #tpu.memory_space<vmem_shared>> -> memref<10240x128xbf16, #tpu.memory_space<vmem_shared>>
          tpu.enqueue_indirect_dma source(%arg15 : memref<128x128xbf16, #tpu.memory_space<vmem>>) target(%dma_start3A_438 : memref<10240x128xbf16, #tpu.memory_space<vmem_shared>>) offsets(%dma_start3A_435 : memref<128xi32, #tpu.memory_space<vmem>>) semaphore(%run_scoped3A_432 : memref<!tpu.dma_semaphore, #tpu.memory_space<semaphore_mem>>) {add = true}
          %dma_wait3A_439 = arith.constant 0 : i32
          %dma_wait3A_440 = tpu.memref_slice %arg9[%run_scoped3A_393, %dma_wait3A_439] : memref<2x128xi32, #tpu.memory_space<vmem>> -> memref<1x128xi32, #tpu.memory_space<vmem>>
          %dma_wait3A_441 = tpu.memref_squeeze %dma_wait3A_440 : memref<1x128xi32, #tpu.memory_space<vmem>> -> memref<128xi32, #tpu.memory_space<vmem>>
          %dma_wait3A_442 = arith.constant 0 : i32
          %dma_wait3A_443 = arith.constant 0 : i32
          %dma_wait3A_444 = tpu.memref_slice %arg21[%dma_wait3A_442, %dma_wait3A_443] : memref<10240x128xbf16, #tpu.memory_space<vmem_shared>> -> memref<10240x128xbf16, #tpu.memory_space<vmem_shared>>
          tpu.wait_indirect_dma semaphore(%run_scoped3A_432 : memref<!tpu.dma_semaphore, #tpu.memory_space<semaphore_mem>>) src(%arg15 : memref<128x128xbf16, #tpu.memory_space<vmem>>) dst(%dma_wait3A_444 : memref<10240x128xbf16, #tpu.memory_space<vmem_shared>>)
          tpu.yield
        }) : () -> ()
        %add3A_394 = arith.constant 4 : i32
        %add3A_395 = arith.addi %add3A_385, %add3A_394 : i32
        %lt3A_396 = arith.constant 80 : i32
        %lt3A_397 = arith.cmpi slt, %add3A_395, %lt3A_396 : i32
        %convert_element_type3A_398 = arith.extui %lt3A_397 : i1 to i32
        %cond3A_399 = arith.constant 0 : i32
        %cond3A_400 = arith.cmpi ne, %convert_element_type3A_398, %cond3A_399 : i32
        scf.if %cond3A_400 {
          %add3A_432 = arith.constant 4 : i32
          %add3A_433 = arith.addi %add3A_385, %add3A_432 : i32
          %dma_start3A_434 = arith.constant 0 : i32
          %dma_start3A_435 = arith.constant 0 : i32
          %dma_start3A_436 = tpu.memref_slice %arg4[%arg1, %add3A_433, %dma_start3A_434, %dma_start3A_435] : memref<16x80x2x128xi32, #tpu.memory_space<hbm>> -> memref<1x1x2x128xi32, #tpu.memory_space<hbm>>
          %dma_start3A_437 = tpu.memref_squeeze %dma_start3A_436 : memref<1x1x2x128xi32, #tpu.memory_space<hbm>> -> memref<2x128xi32, #tpu.memory_space<hbm>>
          %dma_start3A_438 = arith.constant 0 : i32
          %dma_start3A_439 = arith.constant 0 : i32
          %dma_start3A_440 = tpu.memref_slice %arg4[%arg1, %add3A_433, %dma_start3A_438, %dma_start3A_439] : memref<16x80x2x128xi32, #tpu.memory_space<hbm>> -> memref<1x1x2x128xi32, #tpu.memory_space<hbm>>
          %dma_start3A_441 = tpu.memref_squeeze %dma_start3A_440 : memref<1x1x2x128xi32, #tpu.memory_space<hbm>> -> memref<2x128xi32, #tpu.memory_space<hbm>>
          tpu.enqueue_dma source(%dma_start3A_441 : memref<2x128xi32, #tpu.memory_space<hbm>>) target(%arg9 : memref<2x128xi32, #tpu.memory_space<vmem>>) target_semaphore(%arg13 : memref<!tpu.dma_semaphore, #tpu.memory_space<semaphore_mem>>)
        } else {
        }
        %add3A_401 = arith.constant 2 : i32
        %add3A_402 = arith.addi %add3A_385, %add3A_401 : i32
        %lt3A_403 = arith.constant 80 : i32
        %lt3A_404 = arith.cmpi slt, %add3A_402, %lt3A_403 : i32
        %convert_element_type3A_405 = arith.extui %lt3A_404 : i1 to i32
        %cond3A_406 = arith.constant 0 : i32
        %cond3A_407 = arith.cmpi ne, %convert_element_type3A_405, %cond3A_406 : i32
        scf.if %cond3A_407 {
          %add3A_432 = arith.constant 2 : i32
          %add3A_433 = arith.addi %add3A_385, %add3A_432 : i32
          %dma_wait3A_434 = arith.constant 0 : i32
          %dma_wait3A_435 = arith.constant 0 : i32
          %dma_wait3A_436 = tpu.memref_slice %arg4[%arg1, %add3A_433, %dma_wait3A_434, %dma_wait3A_435] : memref<16x80x2x128xi32, #tpu.memory_space<hbm>> -> memref<1x1x2x128xi32, #tpu.memory_space<hbm>>
          %dma_wait3A_437 = tpu.memref_squeeze %dma_wait3A_436 : memref<1x1x2x128xi32, #tpu.memory_space<hbm>> -> memref<2x128xi32, #tpu.memory_space<hbm>>
          %dma_wait3A_438 = arith.constant 0 : i32
          %dma_wait3A_439 = arith.constant 0 : i32
          %dma_wait3A_440 = tpu.memref_slice %arg4[%arg1, %add3A_433, %dma_wait3A_438, %dma_wait3A_439] : memref<16x80x2x128xi32, #tpu.memory_space<hbm>> -> memref<1x1x2x128xi32, #tpu.memory_space<hbm>>
          %dma_wait3A_441 = tpu.memref_squeeze %dma_wait3A_440 : memref<1x1x2x128xi32, #tpu.memory_space<hbm>> -> memref<2x128xi32, #tpu.memory_space<hbm>>
          tpu.wait_dma2 semaphore(%arg11 : memref<!tpu.dma_semaphore, #tpu.memory_space<semaphore_mem>>) src(%dma_wait3A_441 : memref<2x128xi32, #tpu.memory_space<hbm>>) dst(%arg7 : memref<2x128xi32, #tpu.memory_space<vmem>>)
          %dma_start3A_442 = arith.constant 0 : i32
          %dma_start3A_443 = arith.constant 0 : i32
          %dma_start3A_444 = tpu.memref_slice %arg7[%dma_start3A_442, %dma_start3A_443] : memref<2x128xi32, #tpu.memory_space<vmem>> -> memref<1x128xi32, #tpu.memory_space<vmem>>
          %dma_start3A_445 = tpu.memref_squeeze %dma_start3A_444 : memref<1x128xi32, #tpu.memory_space<vmem>> -> memref<128xi32, #tpu.memory_space<vmem>>
          %dma_start3A_446 = arith.constant 0 : i32
          %dma_start3A_447 = arith.constant 0 : i32
          %dma_start3A_448 = tpu.memref_slice %arg3[%dma_start3A_446, %dma_start3A_447] : memref<10000x128xbf16, #tpu.memory_space<hbm>> -> memref<10000x128xbf16, #tpu.memory_space<hbm>>
          tpu.enqueue_indirect_dma source(%dma_start3A_448 : memref<10000x128xbf16, #tpu.memory_space<hbm>>) target(%arg15 : memref<128x128xbf16, #tpu.memory_space<vmem>>) offsets(%dma_start3A_445 : memref<128xi32, #tpu.memory_space<vmem>>) semaphore(%arg17 : memref<!tpu.dma_semaphore, #tpu.memory_space<semaphore_mem>>)
        } else {
        }
        %add3A_408 = arith.constant 3 : i32
        %add3A_409 = arith.addi %add3A_337, %add3A_408 : i32
        %dma_wait3A_410 = arith.constant 0 : i32
        %dma_wait3A_411 = arith.constant 0 : i32
        %dma_wait3A_412 = tpu.memref_slice %arg10[%dma_wait3A_410, %dma_wait3A_411] : memref<2x128xi32, #tpu.memory_space<vmem>> -> memref<1x128xi32, #tpu.memory_space<vmem>>
        %dma_wait3A_413 = tpu.memref_squeeze %dma_wait3A_412 : memref<1x128xi32, #tpu.memory_space<vmem>> -> memref<128xi32, #tpu.memory_space<vmem>>
        %dma_wait3A_414 = arith.constant 0 : i32
        %dma_wait3A_415 = arith.constant 0 : i32
        %dma_wait3A_416 = tpu.memref_slice %arg3[%dma_wait3A_414, %dma_wait3A_415] : memref<10000x128xbf16, #tpu.memory_space<hbm>> -> memref<10000x128xbf16, #tpu.memory_space<hbm>>
        tpu.wait_indirect_dma semaphore(%arg18 : memref<!tpu.dma_semaphore, #tpu.memory_space<semaphore_mem>>) src(%dma_wait3A_416 : memref<10000x128xbf16, #tpu.memory_space<hbm>>) dst(%arg16 : memref<128x128xbf16, #tpu.memory_space<vmem>>)
        %run_scoped3A_417 = arith.constant 1 : i32
        "tpu.region"() ({
          %run_scoped3A_432 = tpu.sem_alloc : memref<!tpu.dma_semaphore, #tpu.memory_space<semaphore_mem>>
          %dma_start3A_433 = arith.constant 0 : i32
          %dma_start3A_434 = tpu.memref_slice %arg10[%run_scoped3A_417, %dma_start3A_433] : memref<2x128xi32, #tpu.memory_space<vmem>> -> memref<1x128xi32, #tpu.memory_space<vmem>>
          %dma_start3A_435 = tpu.memref_squeeze %dma_start3A_434 : memref<1x128xi32, #tpu.memory_space<vmem>> -> memref<128xi32, #tpu.memory_space<vmem>>
          %dma_start3A_436 = arith.constant 0 : i32
          %dma_start3A_437 = arith.constant 0 : i32
          %dma_start3A_438 = tpu.memref_slice %arg21[%dma_start3A_436, %dma_start3A_437] : memref<10240x128xbf16, #tpu.memory_space<vmem_shared>> -> memref<10240x128xbf16, #tpu.memory_space<vmem_shared>>
          tpu.enqueue_indirect_dma source(%arg16 : memref<128x128xbf16, #tpu.memory_space<vmem>>) target(%dma_start3A_438 : memref<10240x128xbf16, #tpu.memory_space<vmem_shared>>) offsets(%dma_start3A_435 : memref<128xi32, #tpu.memory_space<vmem>>) semaphore(%run_scoped3A_432 : memref<!tpu.dma_semaphore, #tpu.memory_space<semaphore_mem>>) {add = true}
          %dma_wait3A_439 = arith.constant 0 : i32
          %dma_wait3A_440 = tpu.memref_slice %arg10[%run_scoped3A_417, %dma_wait3A_439] : memref<2x128xi32, #tpu.memory_space<vmem>> -> memref<1x128xi32, #tpu.memory_space<vmem>>
          %dma_wait3A_441 = tpu.memref_squeeze %dma_wait3A_440 : memref<1x128xi32, #tpu.memory_space<vmem>> -> memref<128xi32, #tpu.memory_space<vmem>>
          %dma_wait3A_442 = arith.constant 0 : i32
          %dma_wait3A_443 = arith.constant 0 : i32
          %dma_wait3A_444 = tpu.memref_slice %arg21[%dma_wait3A_442, %dma_wait3A_443] : memref<10240x128xbf16, #tpu.memory_space<vmem_shared>> -> memref<10240x128xbf16, #tpu.memory_space<vmem_shared>>
          tpu.wait_indirect_dma semaphore(%run_scoped3A_432 : memref<!tpu.dma_semaphore, #tpu.memory_space<semaphore_mem>>) src(%arg16 : memref<128x128xbf16, #tpu.memory_space<vmem>>) dst(%dma_wait3A_444 : memref<10240x128xbf16, #tpu.memory_space<vmem_shared>>)
          tpu.yield
        }) : () -> ()
        %add3A_418 = arith.constant 4 : i32
        %add3A_419 = arith.addi %add3A_409, %add3A_418 : i32
        %lt3A_420 = arith.constant 80 : i32
        %lt3A_421 = arith.cmpi slt, %add3A_419, %lt3A_420 : i32
        %convert_element_type3A_422 = arith.extui %lt3A_421 : i1 to i32
        %cond3A_423 = arith.constant 0 : i32
        %cond3A_424 = arith.cmpi ne, %convert_element_type3A_422, %cond3A_423 : i32
        scf.if %cond3A_424 {
          %add3A_432 = arith.constant 4 : i32
          %add3A_433 = arith.addi %add3A_409, %add3A_432 : i32
          %dma_start3A_434 = arith.constant 0 : i32
          %dma_start3A_435 = arith.constant 0 : i32
          %dma_start3A_436 = tpu.memref_slice %arg4[%arg1, %add3A_433, %dma_start3A_434, %dma_start3A_435] : memref<16x80x2x128xi32, #tpu.memory_space<hbm>> -> memref<1x1x2x128xi32, #tpu.memory_space<hbm>>
          %dma_start3A_437 = tpu.memref_squeeze %dma_start3A_436 : memref<1x1x2x128xi32, #tpu.memory_space<hbm>> -> memref<2x128xi32, #tpu.memory_space<hbm>>
          %dma_start3A_438 = arith.constant 0 : i32
          %dma_start3A_439 = arith.constant 0 : i32
          %dma_start3A_440 = tpu.memref_slice %arg4[%arg1, %add3A_433, %dma_start3A_438, %dma_start3A_439] : memref<16x80x2x128xi32, #tpu.memory_space<hbm>> -> memref<1x1x2x128xi32, #tpu.memory_space<hbm>>
          %dma_start3A_441 = tpu.memref_squeeze %dma_start3A_440 : memref<1x1x2x128xi32, #tpu.memory_space<hbm>> -> memref<2x128xi32, #tpu.memory_space<hbm>>
          tpu.enqueue_dma source(%dma_start3A_441 : memref<2x128xi32, #tpu.memory_space<hbm>>) target(%arg10 : memref<2x128xi32, #tpu.memory_space<vmem>>) target_semaphore(%arg14 : memref<!tpu.dma_semaphore, #tpu.memory_space<semaphore_mem>>)
        } else {
        }
        %add3A_425 = arith.constant 2 : i32
        %add3A_426 = arith.addi %add3A_409, %add3A_425 : i32
        %lt3A_427 = arith.constant 80 : i32
        %lt3A_428 = arith.cmpi slt, %add3A_426, %lt3A_427 : i32
        %convert_element_type3A_429 = arith.extui %lt3A_428 : i1 to i32
        %cond3A_430 = arith.constant 0 : i32
        %cond3A_431 = arith.cmpi ne, %convert_element_type3A_429, %cond3A_430 : i32
        scf.if %cond3A_431 {
          %add3A_432 = arith.constant 2 : i32
          %add3A_433 = arith.addi %add3A_409, %add3A_432 : i32
          %dma_wait3A_434 = arith.constant 0 : i32
          %dma_wait3A_435 = arith.constant 0 : i32
          %dma_wait3A_436 = tpu.memref_slice %arg4[%arg1, %add3A_433, %dma_wait3A_434, %dma_wait3A_435] : memref<16x80x2x128xi32, #tpu.memory_space<hbm>> -> memref<1x1x2x128xi32, #tpu.memory_space<hbm>>
          %dma_wait3A_437 = tpu.memref_squeeze %dma_wait3A_436 : memref<1x1x2x128xi32, #tpu.memory_space<hbm>> -> memref<2x128xi32, #tpu.memory_space<hbm>>
          %dma_wait3A_438 = arith.constant 0 : i32
          %dma_wait3A_439 = arith.constant 0 : i32
          %dma_wait3A_440 = tpu.memref_slice %arg4[%arg1, %add3A_433, %dma_wait3A_438, %dma_wait3A_439] : memref<16x80x2x128xi32, #tpu.memory_space<hbm>> -> memref<1x1x2x128xi32, #tpu.memory_space<hbm>>
          %dma_wait3A_441 = tpu.memref_squeeze %dma_wait3A_440 : memref<1x1x2x128xi32, #tpu.memory_space<hbm>> -> memref<2x128xi32, #tpu.memory_space<hbm>>
          tpu.wait_dma2 semaphore(%arg12 : memref<!tpu.dma_semaphore, #tpu.memory_space<semaphore_mem>>) src(%dma_wait3A_441 : memref<2x128xi32, #tpu.memory_space<hbm>>) dst(%arg8 : memref<2x128xi32, #tpu.memory_space<vmem>>)
          %dma_start3A_442 = arith.constant 0 : i32
          %dma_start3A_443 = arith.constant 0 : i32
          %dma_start3A_444 = tpu.memref_slice %arg8[%dma_start3A_442, %dma_start3A_443] : memref<2x128xi32, #tpu.memory_space<vmem>> -> memref<1x128xi32, #tpu.memory_space<vmem>>
          %dma_start3A_445 = tpu.memref_squeeze %dma_start3A_444 : memref<1x128xi32, #tpu.memory_space<vmem>> -> memref<128xi32, #tpu.memory_space<vmem>>
          %dma_start3A_446 = arith.constant 0 : i32
          %dma_start3A_447 = arith.constant 0 : i32
          %dma_start3A_448 = tpu.memref_slice %arg3[%dma_start3A_446, %dma_start3A_447] : memref<10000x128xbf16, #tpu.memory_space<hbm>> -> memref<10000x128xbf16, #tpu.memory_space<hbm>>
          tpu.enqueue_indirect_dma source(%dma_start3A_448 : memref<10000x128xbf16, #tpu.memory_space<hbm>>) target(%arg16 : memref<128x128xbf16, #tpu.memory_space<vmem>>) offsets(%dma_start3A_445 : memref<128xi32, #tpu.memory_space<vmem>>) semaphore(%arg18 : memref<!tpu.dma_semaphore, #tpu.memory_space<semaphore_mem>>)
        } else {
        }
      }
      %scan3A_332 = arith.constant 20 : i32
    } else {
    }
    %barrier3A_285 = arith.constant 0 : index
    tpu.barrier barrier_id(%barrier3A_285)
    %eq3A_286 = arith.constant 0 : i32
    %eq3A_287 = arith.cmpi eq, %arg0, %eq3A_286 : i32
    %convert_element_type3A_288 = arith.extui %eq3A_287 : i1 to i32
    %cond3A_289 = arith.constant 0 : i32
    %cond3A_290 = arith.cmpi ne, %convert_element_type3A_288, %cond3A_289 : i32
    scf.if %cond3A_290 {
      "tpu.region"() ({
        %run_scoped3A = tpu.sem_alloc : memref<!tpu.dma_semaphore, #tpu.memory_space<semaphore_mem>>
        %dma_start3A_296 = arith.constant 0 : i32
        %dma_start3A_297 = tpu.memref_slice %arg5[%mul3A_0, %dma_start3A_296] : memref<10240x128xbf16, #tpu.memory_space<hbm>> -> memref<640x128xbf16, #tpu.memory_space<hbm>>
        %dma_start3A_298 = arith.constant 0 : i32
        %dma_start3A_299 = tpu.memref_slice %arg21[%mul3A_0, %dma_start3A_298] : memref<10240x128xbf16, #tpu.memory_space<vmem_shared>> -> memref<640x128xbf16, #tpu.memory_space<vmem_shared>>
        tpu.enqueue_dma source(%dma_start3A_299 : memref<640x128xbf16, #tpu.memory_space<vmem_shared>>) target(%dma_start3A_297 : memref<640x128xbf16, #tpu.memory_space<hbm>>) target_semaphore(%run_scoped3A : memref<!tpu.dma_semaphore, #tpu.memory_space<semaphore_mem>>)
        %dma_wait3A_300 = arith.constant 0 : i32
        %dma_wait3A_301 = tpu.memref_slice %arg5[%mul3A_0, %dma_wait3A_300] : memref<10240x128xbf16, #tpu.memory_space<hbm>> -> memref<640x128xbf16, #tpu.memory_space<hbm>>
        %dma_wait3A_302 = arith.constant 0 : i32
        %dma_wait3A_303 = tpu.memref_slice %arg21[%mul3A_0, %dma_wait3A_302] : memref<10240x128xbf16, #tpu.memory_space<vmem_shared>> -> memref<640x128xbf16, #tpu.memory_space<vmem_shared>>
        tpu.wait_dma2 semaphore(%run_scoped3A : memref<!tpu.dma_semaphore, #tpu.memory_space<semaphore_mem>>) src(%dma_wait3A_303 : memref<640x128xbf16, #tpu.memory_space<vmem_shared>>) dst(%dma_wait3A_301 : memref<640x128xbf16, #tpu.memory_space<hbm>>)
        tpu.yield
      }) : () -> ()
    } else {
    }
    %eq3A_291 = arith.constant 1 : i32
    %eq3A_292 = arith.cmpi eq, %arg0, %eq3A_291 : i32
    %convert_element_type3A_293 = arith.extui %eq3A_292 : i1 to i32
    %cond3A_294 = arith.constant 0 : i32
    %cond3A_295 = arith.cmpi ne, %convert_element_type3A_293, %cond3A_294 : i32
    scf.if %cond3A_295 {
      "tpu.region"() ({
        %run_scoped3A = tpu.sem_alloc : memref<!tpu.dma_semaphore, #tpu.memory_space<semaphore_mem>>
        %dma_start3A_296 = arith.constant 0 : i32
        %dma_start3A_297 = tpu.memref_slice %arg6[%mul3A_0, %dma_start3A_296] : memref<10240x128xbf16, #tpu.memory_space<hbm>> -> memref<640x128xbf16, #tpu.memory_space<hbm>>
        %dma_start3A_298 = arith.constant 0 : i32
        %dma_start3A_299 = tpu.memref_slice %arg21[%mul3A_0, %dma_start3A_298] : memref<10240x128xbf16, #tpu.memory_space<vmem_shared>> -> memref<640x128xbf16, #tpu.memory_space<vmem_shared>>
        tpu.enqueue_dma source(%dma_start3A_299 : memref<640x128xbf16, #tpu.memory_space<vmem_shared>>) target(%dma_start3A_297 : memref<640x128xbf16, #tpu.memory_space<hbm>>) target_semaphore(%run_scoped3A : memref<!tpu.dma_semaphore, #tpu.memory_space<semaphore_mem>>)
        %dma_wait3A_300 = arith.constant 0 : i32
        %dma_wait3A_301 = tpu.memref_slice %arg6[%mul3A_0, %dma_wait3A_300] : memref<10240x128xbf16, #tpu.memory_space<hbm>> -> memref<640x128xbf16, #tpu.memory_space<hbm>>
        %dma_wait3A_302 = arith.constant 0 : i32
        %dma_wait3A_303 = tpu.memref_slice %arg21[%mul3A_0, %dma_wait3A_302] : memref<10240x128xbf16, #tpu.memory_space<vmem_shared>> -> memref<640x128xbf16, #tpu.memory_space<vmem_shared>>
        tpu.wait_dma2 semaphore(%run_scoped3A : memref<!tpu.dma_semaphore, #tpu.memory_space<semaphore_mem>>) src(%dma_wait3A_303 : memref<640x128xbf16, #tpu.memory_space<vmem_shared>>) dst(%dma_wait3A_301 : memref<640x128xbf16, #tpu.memory_space<hbm>>)
        tpu.yield
      }) : () -> ()
    } else {
    }
    return
  }
}

#map = affine_map<(d0, d1) -> (0, 0)>
#map1 = affine_map<(d0, d1) -> (0, 0, 0, 0)>
module attributes {stable_mosaic.version = 14 : i64} {
  func.func @sc_seg_sum(%arg0: i32, %arg1: i32, %arg2: memref<10000x128xbf16, #tpu.memory_space<hbm>>, %arg3: memref<10000x128xbf16, #tpu.memory_space<hbm>>, %arg4: memref<16x80x2x128xi32, #tpu.memory_space<hbm>>, %arg5: memref<10240x128xbf16, #tpu.memory_space<hbm>>, %arg6: memref<10240x128xbf16, #tpu.memory_space<hbm>>, %arg7: memref<2x128xi32, #tpu.memory_space<vmem>>, %arg8: memref<2x128xi32, #tpu.memory_space<vmem>>, %arg9: memref<2x128xi32, #tpu.memory_space<vmem>>, %arg10: memref<2x128xi32, #tpu.memory_space<vmem>>, %arg11: memref<!tpu.dma_semaphore, #tpu.memory_space<semaphore_mem>>, %arg12: memref<!tpu.dma_semaphore, #tpu.memory_space<semaphore_mem>>, %arg13: memref<!tpu.dma_semaphore, #tpu.memory_space<semaphore_mem>>, %arg14: memref<!tpu.dma_semaphore, #tpu.memory_space<semaphore_mem>>, %arg15: memref<128x128xbf16, #tpu.memory_space<vmem>>, %arg16: memref<128x128xbf16, #tpu.memory_space<vmem>>, %arg17: memref<!tpu.dma_semaphore, #tpu.memory_space<semaphore_mem>>, %arg18: memref<!tpu.dma_semaphore, #tpu.memory_space<semaphore_mem>>, %arg19: memref<32x128xbf16, #tpu.memory_space<vmem>>, %arg20: memref<!tpu.dma_semaphore, #tpu.memory_space<semaphore_mem>>, %arg21: memref<10240x128xbf16, #tpu.memory_space<vmem_shared>>) attributes {dimension_semantics = [#tpu.dimension_semantics<core_parallel>, #tpu.dimension_semantics<subcore_parallel>], iteration_bounds = array<i64: 2, 16>, scalar_prefetch = 0 : i64, scratch_operands = 15 : i64, tpu.core_type = #tpu.core_type<sc_vector_subcore>, window_params = [{transform_indices = #map}, {transform_indices = #map}, {transform_indices = #map1}, {transform_indices = #map}, {transform_indices = #map}]} {
    %mul3A = arith.constant 640 : i32
    %mul3A_0 = arith.muli %arg1, %mul3A : i32
    %dma_start3A = arith.constant 0 : i32
    %dma_start3A_1 = arith.constant 0 : i32
    %dma_start3A_2 = arith.constant 0 : i32
    %dma_start3A_3 = tpu.memref_slice %arg4[%arg1, %dma_start3A, %dma_start3A_1, %dma_start3A_2] : memref<16x80x2x128xi32, #tpu.memory_space<hbm>> -> memref<1x1x2x128xi32, #tpu.memory_space<hbm>>
    %dma_start3A_4 = tpu.memref_squeeze %dma_start3A_3 : memref<1x1x2x128xi32, #tpu.memory_space<hbm>> -> memref<2x128xi32, #tpu.memory_space<hbm>>
    %dma_start3A_5 = arith.constant 0 : i32
    %dma_start3A_6 = arith.constant 0 : i32
    %dma_start3A_7 = tpu.memref_slice %arg4[%arg1, %dma_start3A, %dma_start3A_5, %dma_start3A_6] : memref<16x80x2x128xi32, #tpu.memory_space<hbm>> -> memref<1x1x2x128xi32, #tpu.memory_space<hbm>>
    %dma_start3A_8 = tpu.memref_squeeze %dma_start3A_7 : memref<1x1x2x128xi32, #tpu.memory_space<hbm>> -> memref<2x128xi32, #tpu.memory_space<hbm>>
    tpu.enqueue_dma source(%dma_start3A_8 : memref<2x128xi32, #tpu.memory_space<hbm>>) target(%arg7 : memref<2x128xi32, #tpu.memory_space<vmem>>) target_semaphore(%arg11 : memref<!tpu.dma_semaphore, #tpu.memory_space<semaphore_mem>>)
    %dma_start3A_9 = arith.constant 1 : i32
    %dma_start3A_10 = arith.constant 0 : i32
    %dma_start3A_11 = arith.constant 0 : i32
    %dma_start3A_12 = tpu.memref_slice %arg4[%arg1, %dma_start3A_9, %dma_start3A_10, %dma_start3A_11] : memref<16x80x2x128xi32, #tpu.memory_space<hbm>> -> memref<1x1x2x128xi32, #tpu.memory_space<hbm>>
    %dma_start3A_13 = tpu.memref_squeeze %dma_start3A_12 : memref<1x1x2x128xi32, #tpu.memory_space<hbm>> -> memref<2x128xi32, #tpu.memory_space<hbm>>
    %dma_start3A_14 = arith.constant 0 : i32
    %dma_start3A_15 = arith.constant 0 : i32
    %dma_start3A_16 = tpu.memref_slice %arg4[%arg1, %dma_start3A_9, %dma_start3A_14, %dma_start3A_15] : memref<16x80x2x128xi32, #tpu.memory_space<hbm>> -> memref<1x1x2x128xi32, #tpu.memory_space<hbm>>
    %dma_start3A_17 = tpu.memref_squeeze %dma_start3A_16 : memref<1x1x2x128xi32, #tpu.memory_space<hbm>> -> memref<2x128xi32, #tpu.memory_space<hbm>>
    tpu.enqueue_dma source(%dma_start3A_17 : memref<2x128xi32, #tpu.memory_space<hbm>>) target(%arg8 : memref<2x128xi32, #tpu.memory_space<vmem>>) target_semaphore(%arg12 : memref<!tpu.dma_semaphore, #tpu.memory_space<semaphore_mem>>)
    %dma_start3A_18 = arith.constant 2 : i32
    %dma_start3A_19 = arith.constant 0 : i32
    %dma_start3A_20 = arith.constant 0 : i32
    %dma_start3A_21 = tpu.memref_slice %arg4[%arg1, %dma_start3A_18, %dma_start3A_19, %dma_start3A_20] : memref<16x80x2x128xi32, #tpu.memory_space<hbm>> -> memref<1x1x2x128xi32, #tpu.memory_space<hbm>>
    %dma_start3A_22 = tpu.memref_squeeze %dma_start3A_21 : memref<1x1x2x128xi32, #tpu.memory_space<hbm>> -> memref<2x128xi32, #tpu.memory_space<hbm>>
    %dma_start3A_23 = arith.constant 0 : i32
    %dma_start3A_24 = arith.constant 0 : i32
    %dma_start3A_25 = tpu.memref_slice %arg4[%arg1, %dma_start3A_18, %dma_start3A_23, %dma_start3A_24] : memref<16x80x2x128xi32, #tpu.memory_space<hbm>> -> memref<1x1x2x128xi32, #tpu.memory_space<hbm>>
    %dma_start3A_26 = tpu.memref_squeeze %dma_start3A_25 : memref<1x1x2x128xi32, #tpu.memory_space<hbm>> -> memref<2x128xi32, #tpu.memory_space<hbm>>
    tpu.enqueue_dma source(%dma_start3A_26 : memref<2x128xi32, #tpu.memory_space<hbm>>) target(%arg9 : memref<2x128xi32, #tpu.memory_space<vmem>>) target_semaphore(%arg13 : memref<!tpu.dma_semaphore, #tpu.memory_space<semaphore_mem>>)
    %dma_start3A_27 = arith.constant 3 : i32
    %dma_start3A_28 = arith.constant 0 : i32
    %dma_start3A_29 = arith.constant 0 : i32
    %dma_start3A_30 = tpu.memref_slice %arg4[%arg1, %dma_start3A_27, %dma_start3A_28, %dma_start3A_29] : memref<16x80x2x128xi32, #tpu.memory_space<hbm>> -> memref<1x1x2x128xi32, #tpu.memory_space<hbm>>
    %dma_start3A_31 = tpu.memref_squeeze %dma_start3A_30 : memref<1x1x2x128xi32, #tpu.memory_space<hbm>> -> memref<2x128xi32, #tpu.memory_space<hbm>>
    %dma_start3A_32 = arith.constant 0 : i32
    %dma_start3A_33 = arith.constant 0 : i32
    %dma_start3A_34 = tpu.memref_slice %arg4[%arg1, %dma_start3A_27, %dma_start3A_32, %dma_start3A_33] : memref<16x80x2x128xi32, #tpu.memory_space<hbm>> -> memref<1x1x2x128xi32, #tpu.memory_space<hbm>>
    %dma_start3A_35 = tpu.memref_squeeze %dma_start3A_34 : memref<1x1x2x128xi32, #tpu.memory_space<hbm>> -> memref<2x128xi32, #tpu.memory_space<hbm>>
    tpu.enqueue_dma source(%dma_start3A_35 : memref<2x128xi32, #tpu.memory_space<hbm>>) target(%arg10 : memref<2x128xi32, #tpu.memory_space<vmem>>) target_semaphore(%arg14 : memref<!tpu.dma_semaphore, #tpu.memory_space<semaphore_mem>>)
    %scan3A = arith.constant 0 : i32
    %scan3A_36 = arith.constant 32 : i32
    %scan3A_37 = arith.addi %scan3A, %scan3A_36 : i32
    %scan3A_38 = arith.constant 1 : i32
    scf.for %scan3A_296 = %scan3A to %scan3A_37 step %scan3A_38  : i32 {
      %mul3A_297 = arith.constant 1 : i32
      %mul3A_298 = arith.muli %scan3A_296, %mul3A_297 : i32
      %add3A_299 = arith.constant 0 : i32
      %add3A_300 = arith.addi %add3A_299, %mul3A_298 : i32
      %broadcast_in_dim3A = arith.constant 0.000000e+00 : bf16
      %broadcast_in_dim3A_301 = vector.broadcast %broadcast_in_dim3A : bf16 to vector<32xbf16>
      %swap3A = arith.index_cast %add3A_300 : i32 to index
      %swap3A_302 = arith.constant 0 : index
      %swap3A_303 = tpu.vector_load %arg19[%swap3A, %swap3A_302] {strides = array<i32>} : memref<32x128xbf16, #tpu.memory_space<vmem>>, vector<32xbf16>,
      tpu.vector_store %arg19[%swap3A, %swap3A_302], %broadcast_in_dim3A_301 {strides = array<i32>} : memref<32x128xbf16, #tpu.memory_space<vmem>>, vector<32xbf16>,
      %broadcast_in_dim3A_304 = arith.constant 0.000000e+00 : bf16
      %broadcast_in_dim3A_305 = vector.broadcast %broadcast_in_dim3A_304 : bf16 to vector<32xbf16>
      %swap3A_306 = arith.index_cast %add3A_300 : i32 to index
      %swap3A_307 = arith.constant 32 : index
      %swap3A_308 = tpu.vector_load %arg19[%swap3A_306, %swap3A_307] {strides = array<i32>} : memref<32x128xbf16, #tpu.memory_space<vmem>>, vector<32xbf16>,
      tpu.vector_store %arg19[%swap3A_306, %swap3A_307], %broadcast_in_dim3A_305 {strides = array<i32>} : memref<32x128xbf16, #tpu.memory_space<vmem>>, vector<32xbf16>,
      %broadcast_in_dim3A_309 = arith.constant 0.000000e+00 : bf16
      %broadcast_in_dim3A_310 = vector.broadcast %broadcast_in_dim3A_309 : bf16 to vector<32xbf16>
      %swap3A_311 = arith.index_cast %add3A_300 : i32 to index
      %swap3A_312 = arith.constant 64 : index
      %swap3A_313 = tpu.vector_load %arg19[%swap3A_311, %swap3A_312] {strides = array<i32>} : memref<32x128xbf16, #tpu.memory_space<vmem>>, vector<32xbf16>,
      tpu.vector_store %arg19[%swap3A_311, %swap3A_312], %broadcast_in_dim3A_310 {strides = array<i32>} : memref<32x128xbf16, #tpu.memory_space<vmem>>, vector<32xbf16>,
      %broadcast_in_dim3A_314 = arith.constant 0.000000e+00 : bf16
      %broadcast_in_dim3A_315 = vector.broadcast %broadcast_in_dim3A_314 : bf16 to vector<32xbf16>
      %swap3A_316 = arith.index_cast %add3A_300 : i32 to index
      %swap3A_317 = arith.constant 96 : index
      %swap3A_318 = tpu.vector_load %arg19[%swap3A_316, %swap3A_317] {strides = array<i32>} : memref<32x128xbf16, #tpu.memory_space<vmem>>, vector<32xbf16>,
      tpu.vector_store %arg19[%swap3A_316, %swap3A_317], %broadcast_in_dim3A_315 {strides = array<i32>} : memref<32x128xbf16, #tpu.memory_space<vmem>>, vector<32xbf16>,
    }
    %scan3A_39 = arith.constant 32 : i32
    %add3A = arith.constant 0 : i32
    %add3A_40 = arith.addi %mul3A_0, %add3A : i32
    %dma_start3A_41 = arith.constant 0 : i32
    %dma_start3A_42 = tpu.memref_slice %arg21[%add3A_40, %dma_start3A_41] : memref<10240x128xbf16, #tpu.memory_space<vmem_shared>> -> memref<32x128xbf16, #tpu.memory_space<vmem_shared>>
    %dma_start3A_43 = arith.constant 0 : i32
    %dma_start3A_44 = tpu.memref_slice %arg21[%add3A_40, %dma_start3A_43] : memref<10240x128xbf16, #tpu.memory_space<vmem_shared>> -> memref<32x128xbf16, #tpu.memory_space<vmem_shared>>
    tpu.enqueue_dma source(%arg19 : memref<32x128xbf16, #tpu.memory_space<vmem>>) target(%dma_start3A_44 : memref<32x128xbf16, #tpu.memory_space<vmem_shared>>) target_semaphore(%arg20 : memref<!tpu.dma_semaphore, #tpu.memory_space<semaphore_mem>>)
    %add3A_45 = arith.constant 32 : i32
    %add3A_46 = arith.addi %mul3A_0, %add3A_45 : i32
    %dma_start3A_47 = arith.constant 0 : i32
    %dma_start3A_48 = tpu.memref_slice %arg21[%add3A_46, %dma_start3A_47] : memref<10240x128xbf16, #tpu.memory_space<vmem_shared>> -> memref<32x128xbf16, #tpu.memory_space<vmem_shared>>
    %dma_start3A_49 = arith.constant 0 : i32
    %dma_start3A_50 = tpu.memref_slice %arg21[%add3A_46, %dma_start3A_49] : memref<10240x128xbf16, #tpu.memory_space<vmem_shared>> -> memref<32x128xbf16, #tpu.memory_space<vmem_shared>>
    tpu.enqueue_dma source(%arg19 : memref<32x128xbf16, #tpu.memory_space<vmem>>) target(%dma_start3A_50 : memref<32x128xbf16, #tpu.memory_space<vmem_shared>>) target_semaphore(%arg20 : memref<!tpu.dma_semaphore, #tpu.memory_space<semaphore_mem>>)
    %add3A_51 = arith.constant 64 : i32
    %add3A_52 = arith.addi %mul3A_0, %add3A_51 : i32
    %dma_start3A_53 = arith.constant 0 : i32
    %dma_start3A_54 = tpu.memref_slice %arg21[%add3A_52, %dma_start3A_53] : memref<10240x128xbf16, #tpu.memory_space<vmem_shared>> -> memref<32x128xbf16, #tpu.memory_space<vmem_shared>>
    %dma_start3A_55 = arith.constant 0 : i32
    %dma_start3A_56 = tpu.memref_slice %arg21[%add3A_52, %dma_start3A_55] : memref<10240x128xbf16, #tpu.memory_space<vmem_shared>> -> memref<32x128xbf16, #tpu.memory_space<vmem_shared>>
    tpu.enqueue_dma source(%arg19 : memref<32x128xbf16, #tpu.memory_space<vmem>>) target(%dma_start3A_56 : memref<32x128xbf16, #tpu.memory_space<vmem_shared>>) target_semaphore(%arg20 : memref<!tpu.dma_semaphore, #tpu.memory_space<semaphore_mem>>)
    %add3A_57 = arith.constant 96 : i32
    %add3A_58 = arith.addi %mul3A_0, %add3A_57 : i32
    %dma_start3A_59 = arith.constant 0 : i32
    %dma_start3A_60 = tpu.memref_slice %arg21[%add3A_58, %dma_start3A_59] : memref<10240x128xbf16, #tpu.memory_space<vmem_shared>> -> memref<32x128xbf16, #tpu.memory_space<vmem_shared>>
    %dma_start3A_61 = arith.constant 0 : i32
    %dma_start3A_62 = tpu.memref_slice %arg21[%add3A_58, %dma_start3A_61] : memref<10240x128xbf16, #tpu.memory_space<vmem_shared>> -> memref<32x128xbf16, #tpu.memory_space<vmem_shared>>
    tpu.enqueue_dma source(%arg19 : memref<32x128xbf16, #tpu.memory_space<vmem>>) target(%dma_start3A_62 : memref<32x128xbf16, #tpu.memory_space<vmem_shared>>) target_semaphore(%arg20 : memref<!tpu.dma_semaphore, #tpu.memory_space<semaphore_mem>>)
    %add3A_63 = arith.constant 128 : i32
    %add3A_64 = arith.addi %mul3A_0, %add3A_63 : i32
    %dma_start3A_65 = arith.constant 0 : i32
    %dma_start3A_66 = tpu.memref_slice %arg21[%add3A_64, %dma_start3A_65] : memref<10240x128xbf16, #tpu.memory_space<vmem_shared>> -> memref<32x128xbf16, #tpu.memory_space<vmem_shared>>
    %dma_start3A_67 = arith.constant 0 : i32
    %dma_start3A_68 = tpu.memref_slice %arg21[%add3A_64, %dma_start3A_67] : memref<10240x128xbf16, #tpu.memory_space<vmem_shared>> -> memref<32x128xbf16, #tpu.memory_space<vmem_shared>>
    tpu.enqueue_dma source(%arg19 : memref<32x128xbf16, #tpu.memory_space<vmem>>) target(%dma_start3A_68 : memref<32x128xbf16, #tpu.memory_space<vmem_shared>>) target_semaphore(%arg20 : memref<!tpu.dma_semaphore, #tpu.memory_space<semaphore_mem>>)
    %add3A_69 = arith.constant 160 : i32
    %add3A_70 = arith.addi %mul3A_0, %add3A_69 : i32
    %dma_start3A_71 = arith.constant 0 : i32
    %dma_start3A_72 = tpu.memref_slice %arg21[%add3A_70, %dma_start3A_71] : memref<10240x128xbf16, #tpu.memory_space<vmem_shared>> -> memref<32x128xbf16, #tpu.memory_space<vmem_shared>>
    %dma_start3A_73 = arith.constant 0 : i32
    %dma_start3A_74 = tpu.memref_slice %arg21[%add3A_70, %dma_start3A_73] : memref<10240x128xbf16, #tpu.memory_space<vmem_shared>> -> memref<32x128xbf16, #tpu.memory_space<vmem_shared>>
    tpu.enqueue_dma source(%arg19 : memref<32x128xbf16, #tpu.memory_space<vmem>>) target(%dma_start3A_74 : memref<32x128xbf16, #tpu.memory_space<vmem_shared>>) target_semaphore(%arg20 : memref<!tpu.dma_semaphore, #tpu.memory_space<semaphore_mem>>)
    %add3A_75 = arith.constant 192 : i32
    %add3A_76 = arith.addi %mul3A_0, %add3A_75 : i32
    %dma_start3A_77 = arith.constant 0 : i32
    %dma_start3A_78 = tpu.memref_slice %arg21[%add3A_76, %dma_start3A_77] : memref<10240x128xbf16, #tpu.memory_space<vmem_shared>> -> memref<32x128xbf16, #tpu.memory_space<vmem_shared>>
    %dma_start3A_79 = arith.constant 0 : i32
    %dma_start3A_80 = tpu.memref_slice %arg21[%add3A_76, %dma_start3A_79] : memref<10240x128xbf16, #tpu.memory_space<vmem_shared>> -> memref<32x128xbf16, #tpu.memory_space<vmem_shared>>
    tpu.enqueue_dma source(%arg19 : memref<32x128xbf16, #tpu.memory_space<vmem>>) target(%dma_start3A_80 : memref<32x128xbf16, #tpu.memory_space<vmem_shared>>) target_semaphore(%arg20 : memref<!tpu.dma_semaphore, #tpu.memory_space<semaphore_mem>>)
    %add3A_81 = arith.constant 224 : i32
    %add3A_82 = arith.addi %mul3A_0, %add3A_81 : i32
    %dma_start3A_83 = arith.constant 0 : i32
    %dma_start3A_84 = tpu.memref_slice %arg21[%add3A_82, %dma_start3A_83] : memref<10240x128xbf16, #tpu.memory_space<vmem_shared>> -> memref<32x128xbf16, #tpu.memory_space<vmem_shared>>
    %dma_start3A_85 = arith.constant 0 : i32
    %dma_start3A_86 = tpu.memref_slice %arg21[%add3A_82, %dma_start3A_85] : memref<10240x128xbf16, #tpu.memory_space<vmem_shared>> -> memref<32x128xbf16, #tpu.memory_space<vmem_shared>>
    tpu.enqueue_dma source(%arg19 : memref<32x128xbf16, #tpu.memory_space<vmem>>) target(%dma_start3A_86 : memref<32x128xbf16, #tpu.memory_space<vmem_shared>>) target_semaphore(%arg20 : memref<!tpu.dma_semaphore, #tpu.memory_space<semaphore_mem>>)
    %add3A_87 = arith.constant 256 : i32
    %add3A_88 = arith.addi %mul3A_0, %add3A_87 : i32
    %dma_start3A_89 = arith.constant 0 : i32
    %dma_start3A_90 = tpu.memref_slice %arg21[%add3A_88, %dma_start3A_89] : memref<10240x128xbf16, #tpu.memory_space<vmem_shared>> -> memref<32x128xbf16, #tpu.memory_space<vmem_shared>>
    %dma_start3A_91 = arith.constant 0 : i32
    %dma_start3A_92 = tpu.memref_slice %arg21[%add3A_88, %dma_start3A_91] : memref<10240x128xbf16, #tpu.memory_space<vmem_shared>> -> memref<32x128xbf16, #tpu.memory_space<vmem_shared>>
    tpu.enqueue_dma source(%arg19 : memref<32x128xbf16, #tpu.memory_space<vmem>>) target(%dma_start3A_92 : memref<32x128xbf16, #tpu.memory_space<vmem_shared>>) target_semaphore(%arg20 : memref<!tpu.dma_semaphore, #tpu.memory_space<semaphore_mem>>)
    %add3A_93 = arith.constant 288 : i32
    %add3A_94 = arith.addi %mul3A_0, %add3A_93 : i32
    %dma_start3A_95 = arith.constant 0 : i32
    %dma_start3A_96 = tpu.memref_slice %arg21[%add3A_94, %dma_start3A_95] : memref<10240x128xbf16, #tpu.memory_space<vmem_shared>> -> memref<32x128xbf16, #tpu.memory_space<vmem_shared>>
    %dma_start3A_97 = arith.constant 0 : i32
    %dma_start3A_98 = tpu.memref_slice %arg21[%add3A_94, %dma_start3A_97] : memref<10240x128xbf16, #tpu.memory_space<vmem_shared>> -> memref<32x128xbf16, #tpu.memory_space<vmem_shared>>
    tpu.enqueue_dma source(%arg19 : memref<32x128xbf16, #tpu.memory_space<vmem>>) target(%dma_start3A_98 : memref<32x128xbf16, #tpu.memory_space<vmem_shared>>) target_semaphore(%arg20 : memref<!tpu.dma_semaphore, #tpu.memory_space<semaphore_mem>>)
    %add3A_99 = arith.constant 320 : i32
    %add3A_100 = arith.addi %mul3A_0, %add3A_99 : i32
    %dma_start3A_101 = arith.constant 0 : i32
    %dma_start3A_102 = tpu.memref_slice %arg21[%add3A_100, %dma_start3A_101] : memref<10240x128xbf16, #tpu.memory_space<vmem_shared>> -> memref<32x128xbf16, #tpu.memory_space<vmem_shared>>
    %dma_start3A_103 = arith.constant 0 : i32
    %dma_start3A_104 = tpu.memref_slice %arg21[%add3A_100, %dma_start3A_103] : memref<10240x128xbf16, #tpu.memory_space<vmem_shared>> -> memref<32x128xbf16, #tpu.memory_space<vmem_shared>>
    tpu.enqueue_dma source(%arg19 : memref<32x128xbf16, #tpu.memory_space<vmem>>) target(%dma_start3A_104 : memref<32x128xbf16, #tpu.memory_space<vmem_shared>>) target_semaphore(%arg20 : memref<!tpu.dma_semaphore, #tpu.memory_space<semaphore_mem>>)
    %add3A_105 = arith.constant 352 : i32
    %add3A_106 = arith.addi %mul3A_0, %add3A_105 : i32
    %dma_start3A_107 = arith.constant 0 : i32
    %dma_start3A_108 = tpu.memref_slice %arg21[%add3A_106, %dma_start3A_107] : memref<10240x128xbf16, #tpu.memory_space<vmem_shared>> -> memref<32x128xbf16, #tpu.memory_space<vmem_shared>>
    %dma_start3A_109 = arith.constant 0 : i32
    %dma_start3A_110 = tpu.memref_slice %arg21[%add3A_106, %dma_start3A_109] : memref<10240x128xbf16, #tpu.memory_space<vmem_shared>> -> memref<32x128xbf16, #tpu.memory_space<vmem_shared>>
    tpu.enqueue_dma source(%arg19 : memref<32x128xbf16, #tpu.memory_space<vmem>>) target(%dma_start3A_110 : memref<32x128xbf16, #tpu.memory_space<vmem_shared>>) target_semaphore(%arg20 : memref<!tpu.dma_semaphore, #tpu.memory_space<semaphore_mem>>)
    %add3A_111 = arith.constant 384 : i32
    %add3A_112 = arith.addi %mul3A_0, %add3A_111 : i32
    %dma_start3A_113 = arith.constant 0 : i32
    %dma_start3A_114 = tpu.memref_slice %arg21[%add3A_112, %dma_start3A_113] : memref<10240x128xbf16, #tpu.memory_space<vmem_shared>> -> memref<32x128xbf16, #tpu.memory_space<vmem_shared>>
    %dma_start3A_115 = arith.constant 0 : i32
    %dma_start3A_116 = tpu.memref_slice %arg21[%add3A_112, %dma_start3A_115] : memref<10240x128xbf16, #tpu.memory_space<vmem_shared>> -> memref<32x128xbf16, #tpu.memory_space<vmem_shared>>
    tpu.enqueue_dma source(%arg19 : memref<32x128xbf16, #tpu.memory_space<vmem>>) target(%dma_start3A_116 : memref<32x128xbf16, #tpu.memory_space<vmem_shared>>) target_semaphore(%arg20 : memref<!tpu.dma_semaphore, #tpu.memory_space<semaphore_mem>>)
    %add3A_117 = arith.constant 416 : i32
    %add3A_118 = arith.addi %mul3A_0, %add3A_117 : i32
    %dma_start3A_119 = arith.constant 0 : i32
    %dma_start3A_120 = tpu.memref_slice %arg21[%add3A_118, %dma_start3A_119] : memref<10240x128xbf16, #tpu.memory_space<vmem_shared>> -> memref<32x128xbf16, #tpu.memory_space<vmem_shared>>
    %dma_start3A_121 = arith.constant 0 : i32
    %dma_start3A_122 = tpu.memref_slice %arg21[%add3A_118, %dma_start3A_121] : memref<10240x128xbf16, #tpu.memory_space<vmem_shared>> -> memref<32x128xbf16, #tpu.memory_space<vmem_shared>>
    tpu.enqueue_dma source(%arg19 : memref<32x128xbf16, #tpu.memory_space<vmem>>) target(%dma_start3A_122 : memref<32x128xbf16, #tpu.memory_space<vmem_shared>>) target_semaphore(%arg20 : memref<!tpu.dma_semaphore, #tpu.memory_space<semaphore_mem>>)
    %add3A_123 = arith.constant 448 : i32
    %add3A_124 = arith.addi %mul3A_0, %add3A_123 : i32
    %dma_start3A_125 = arith.constant 0 : i32
    %dma_start3A_126 = tpu.memref_slice %arg21[%add3A_124, %dma_start3A_125] : memref<10240x128xbf16, #tpu.memory_space<vmem_shared>> -> memref<32x128xbf16, #tpu.memory_space<vmem_shared>>
    %dma_start3A_127 = arith.constant 0 : i32
    %dma_start3A_128 = tpu.memref_slice %arg21[%add3A_124, %dma_start3A_127] : memref<10240x128xbf16, #tpu.memory_space<vmem_shared>> -> memref<32x128xbf16, #tpu.memory_space<vmem_shared>>
    tpu.enqueue_dma source(%arg19 : memref<32x128xbf16, #tpu.memory_space<vmem>>) target(%dma_start3A_128 : memref<32x128xbf16, #tpu.memory_space<vmem_shared>>) target_semaphore(%arg20 : memref<!tpu.dma_semaphore, #tpu.memory_space<semaphore_mem>>)
    %add3A_129 = arith.constant 480 : i32
    %add3A_130 = arith.addi %mul3A_0, %add3A_129 : i32
    %dma_start3A_131 = arith.constant 0 : i32
    %dma_start3A_132 = tpu.memref_slice %arg21[%add3A_130, %dma_start3A_131] : memref<10240x128xbf16, #tpu.memory_space<vmem_shared>> -> memref<32x128xbf16, #tpu.memory_space<vmem_shared>>
    %dma_start3A_133 = arith.constant 0 : i32
    %dma_start3A_134 = tpu.memref_slice %arg21[%add3A_130, %dma_start3A_133] : memref<10240x128xbf16, #tpu.memory_space<vmem_shared>> -> memref<32x128xbf16, #tpu.memory_space<vmem_shared>>
    tpu.enqueue_dma source(%arg19 : memref<32x128xbf16, #tpu.memory_space<vmem>>) target(%dma_start3A_134 : memref<32x128xbf16, #tpu.memory_space<vmem_shared>>) target_semaphore(%arg20 : memref<!tpu.dma_semaphore, #tpu.memory_space<semaphore_mem>>)
    %add3A_135 = arith.constant 512 : i32
    %add3A_136 = arith.addi %mul3A_0, %add3A_135 : i32
    %dma_start3A_137 = arith.constant 0 : i32
    %dma_start3A_138 = tpu.memref_slice %arg21[%add3A_136, %dma_start3A_137] : memref<10240x128xbf16, #tpu.memory_space<vmem_shared>> -> memref<32x128xbf16, #tpu.memory_space<vmem_shared>>
    %dma_start3A_139 = arith.constant 0 : i32
    %dma_start3A_140 = tpu.memref_slice %arg21[%add3A_136, %dma_start3A_139] : memref<10240x128xbf16, #tpu.memory_space<vmem_shared>> -> memref<32x128xbf16, #tpu.memory_space<vmem_shared>>
    tpu.enqueue_dma source(%arg19 : memref<32x128xbf16, #tpu.memory_space<vmem>>) target(%dma_start3A_140 : memref<32x128xbf16, #tpu.memory_space<vmem_shared>>) target_semaphore(%arg20 : memref<!tpu.dma_semaphore, #tpu.memory_space<semaphore_mem>>)
    %add3A_141 = arith.constant 544 : i32
    %add3A_142 = arith.addi %mul3A_0, %add3A_141 : i32
    %dma_start3A_143 = arith.constant 0 : i32
    %dma_start3A_144 = tpu.memref_slice %arg21[%add3A_142, %dma_start3A_143] : memref<10240x128xbf16, #tpu.memory_space<vmem_shared>> -> memref<32x128xbf16, #tpu.memory_space<vmem_shared>>
    %dma_start3A_145 = arith.constant 0 : i32
    %dma_start3A_146 = tpu.memref_slice %arg21[%add3A_142, %dma_start3A_145] : memref<10240x128xbf16, #tpu.memory_space<vmem_shared>> -> memref<32x128xbf16, #tpu.memory_space<vmem_shared>>
    tpu.enqueue_dma source(%arg19 : memref<32x128xbf16, #tpu.memory_space<vmem>>) target(%dma_start3A_146 : memref<32x128xbf16, #tpu.memory_space<vmem_shared>>) target_semaphore(%arg20 : memref<!tpu.dma_semaphore, #tpu.memory_space<semaphore_mem>>)
    %add3A_147 = arith.constant 576 : i32
    %add3A_148 = arith.addi %mul3A_0, %add3A_147 : i32
    %dma_start3A_149 = arith.constant 0 : i32
    %dma_start3A_150 = tpu.memref_slice %arg21[%add3A_148, %dma_start3A_149] : memref<10240x128xbf16, #tpu.memory_space<vmem_shared>> -> memref<32x128xbf16, #tpu.memory_space<vmem_shared>>
    %dma_start3A_151 = arith.constant 0 : i32
    %dma_start3A_152 = tpu.memref_slice %arg21[%add3A_148, %dma_start3A_151] : memref<10240x128xbf16, #tpu.memory_space<vmem_shared>> -> memref<32x128xbf16, #tpu.memory_space<vmem_shared>>
    tpu.enqueue_dma source(%arg19 : memref<32x128xbf16, #tpu.memory_space<vmem>>) target(%dma_start3A_152 : memref<32x128xbf16, #tpu.memory_space<vmem_shared>>) target_semaphore(%arg20 : memref<!tpu.dma_semaphore, #tpu.memory_space<semaphore_mem>>)
    %add3A_153 = arith.constant 608 : i32
    %add3A_154 = arith.addi %mul3A_0, %add3A_153 : i32
    %dma_start3A_155 = arith.constant 0 : i32
    %dma_start3A_156 = tpu.memref_slice %arg21[%add3A_154, %dma_start3A_155] : memref<10240x128xbf16, #tpu.memory_space<vmem_shared>> -> memref<32x128xbf16, #tpu.memory_space<vmem_shared>>
    %dma_start3A_157 = arith.constant 0 : i32
    %dma_start3A_158 = tpu.memref_slice %arg21[%add3A_154, %dma_start3A_157] : memref<10240x128xbf16, #tpu.memory_space<vmem_shared>> -> memref<32x128xbf16, #tpu.memory_space<vmem_shared>>
    tpu.enqueue_dma source(%arg19 : memref<32x128xbf16, #tpu.memory_space<vmem>>) target(%dma_start3A_158 : memref<32x128xbf16, #tpu.memory_space<vmem_shared>>) target_semaphore(%arg20 : memref<!tpu.dma_semaphore, #tpu.memory_space<semaphore_mem>>)
    %add3A_159 = arith.constant 0 : i32
    %add3A_160 = arith.addi %mul3A_0, %add3A_159 : i32
    %dma_wait3A = arith.constant 0 : i32
    %dma_wait3A_161 = tpu.memref_slice %arg21[%add3A_160, %dma_wait3A] : memref<10240x128xbf16, #tpu.memory_space<vmem_shared>> -> memref<32x128xbf16, #tpu.memory_space<vmem_shared>>
    %dma_wait3A_162 = arith.constant 0 : i32
    %dma_wait3A_163 = tpu.memref_slice %arg21[%add3A_160, %dma_wait3A_162] : memref<10240x128xbf16, #tpu.memory_space<vmem_shared>> -> memref<32x128xbf16, #tpu.memory_space<vmem_shared>>
    tpu.wait_dma2 semaphore(%arg20 : memref<!tpu.dma_semaphore, #tpu.memory_space<semaphore_mem>>) src(%arg19 : memref<32x128xbf16, #tpu.memory_space<vmem>>) dst(%dma_wait3A_163 : memref<32x128xbf16, #tpu.memory_space<vmem_shared>>)
    %add3A_164 = arith.constant 32 : i32
    %add3A_165 = arith.addi %mul3A_0, %add3A_164 : i32
    %dma_wait3A_166 = arith.constant 0 : i32
    %dma_wait3A_167 = tpu.memref_slice %arg21[%add3A_165, %dma_wait3A_166] : memref<10240x128xbf16, #tpu.memory_space<vmem_shared>> -> memref<32x128xbf16, #tpu.memory_space<vmem_shared>>
    %dma_wait3A_168 = arith.constant 0 : i32
    %dma_wait3A_169 = tpu.memref_slice %arg21[%add3A_165, %dma_wait3A_168] : memref<10240x128xbf16, #tpu.memory_space<vmem_shared>> -> memref<32x128xbf16, #tpu.memory_space<vmem_shared>>
    tpu.wait_dma2 semaphore(%arg20 : memref<!tpu.dma_semaphore, #tpu.memory_space<semaphore_mem>>) src(%arg19 : memref<32x128xbf16, #tpu.memory_space<vmem>>) dst(%dma_wait3A_169 : memref<32x128xbf16, #tpu.memory_space<vmem_shared>>)
    %add3A_170 = arith.constant 64 : i32
    %add3A_171 = arith.addi %mul3A_0, %add3A_170 : i32
    %dma_wait3A_172 = arith.constant 0 : i32
    %dma_wait3A_173 = tpu.memref_slice %arg21[%add3A_171, %dma_wait3A_172] : memref<10240x128xbf16, #tpu.memory_space<vmem_shared>> -> memref<32x128xbf16, #tpu.memory_space<vmem_shared>>
    %dma_wait3A_174 = arith.constant 0 : i32
    %dma_wait3A_175 = tpu.memref_slice %arg21[%add3A_171, %dma_wait3A_174] : memref<10240x128xbf16, #tpu.memory_space<vmem_shared>> -> memref<32x128xbf16, #tpu.memory_space<vmem_shared>>
    tpu.wait_dma2 semaphore(%arg20 : memref<!tpu.dma_semaphore, #tpu.memory_space<semaphore_mem>>) src(%arg19 : memref<32x128xbf16, #tpu.memory_space<vmem>>) dst(%dma_wait3A_175 : memref<32x128xbf16, #tpu.memory_space<vmem_shared>>)
    %add3A_176 = arith.constant 96 : i32
    %add3A_177 = arith.addi %mul3A_0, %add3A_176 : i32
    %dma_wait3A_178 = arith.constant 0 : i32
    %dma_wait3A_179 = tpu.memref_slice %arg21[%add3A_177, %dma_wait3A_178] : memref<10240x128xbf16, #tpu.memory_space<vmem_shared>> -> memref<32x128xbf16, #tpu.memory_space<vmem_shared>>
    %dma_wait3A_180 = arith.constant 0 : i32
    %dma_wait3A_181 = tpu.memref_slice %arg21[%add3A_177, %dma_wait3A_180] : memref<10240x128xbf16, #tpu.memory_space<vmem_shared>> -> memref<32x128xbf16, #tpu.memory_space<vmem_shared>>
    tpu.wait_dma2 semaphore(%arg20 : memref<!tpu.dma_semaphore, #tpu.memory_space<semaphore_mem>>) src(%arg19 : memref<32x128xbf16, #tpu.memory_space<vmem>>) dst(%dma_wait3A_181 : memref<32x128xbf16, #tpu.memory_space<vmem_shared>>)
    %add3A_182 = arith.constant 128 : i32
    %add3A_183 = arith.addi %mul3A_0, %add3A_182 : i32
    %dma_wait3A_184 = arith.constant 0 : i32
    %dma_wait3A_185 = tpu.memref_slice %arg21[%add3A_183, %dma_wait3A_184] : memref<10240x128xbf16, #tpu.memory_space<vmem_shared>> -> memref<32x128xbf16, #tpu.memory_space<vmem_shared>>
    %dma_wait3A_186 = arith.constant 0 : i32
    %dma_wait3A_187 = tpu.memref_slice %arg21[%add3A_183, %dma_wait3A_186] : memref<10240x128xbf16, #tpu.memory_space<vmem_shared>> -> memref<32x128xbf16, #tpu.memory_space<vmem_shared>>
    tpu.wait_dma2 semaphore(%arg20 : memref<!tpu.dma_semaphore, #tpu.memory_space<semaphore_mem>>) src(%arg19 : memref<32x128xbf16, #tpu.memory_space<vmem>>) dst(%dma_wait3A_187 : memref<32x128xbf16, #tpu.memory_space<vmem_shared>>)
    %add3A_188 = arith.constant 160 : i32
    %add3A_189 = arith.addi %mul3A_0, %add3A_188 : i32
    %dma_wait3A_190 = arith.constant 0 : i32
    %dma_wait3A_191 = tpu.memref_slice %arg21[%add3A_189, %dma_wait3A_190] : memref<10240x128xbf16, #tpu.memory_space<vmem_shared>> -> memref<32x128xbf16, #tpu.memory_space<vmem_shared>>
    %dma_wait3A_192 = arith.constant 0 : i32
    %dma_wait3A_193 = tpu.memref_slice %arg21[%add3A_189, %dma_wait3A_192] : memref<10240x128xbf16, #tpu.memory_space<vmem_shared>> -> memref<32x128xbf16, #tpu.memory_space<vmem_shared>>
    tpu.wait_dma2 semaphore(%arg20 : memref<!tpu.dma_semaphore, #tpu.memory_space<semaphore_mem>>) src(%arg19 : memref<32x128xbf16, #tpu.memory_space<vmem>>) dst(%dma_wait3A_193 : memref<32x128xbf16, #tpu.memory_space<vmem_shared>>)
    %add3A_194 = arith.constant 192 : i32
    %add3A_195 = arith.addi %mul3A_0, %add3A_194 : i32
    %dma_wait3A_196 = arith.constant 0 : i32
    %dma_wait3A_197 = tpu.memref_slice %arg21[%add3A_195, %dma_wait3A_196] : memref<10240x128xbf16, #tpu.memory_space<vmem_shared>> -> memref<32x128xbf16, #tpu.memory_space<vmem_shared>>
    %dma_wait3A_198 = arith.constant 0 : i32
    %dma_wait3A_199 = tpu.memref_slice %arg21[%add3A_195, %dma_wait3A_198] : memref<10240x128xbf16, #tpu.memory_space<vmem_shared>> -> memref<32x128xbf16, #tpu.memory_space<vmem_shared>>
    tpu.wait_dma2 semaphore(%arg20 : memref<!tpu.dma_semaphore, #tpu.memory_space<semaphore_mem>>) src(%arg19 : memref<32x128xbf16, #tpu.memory_space<vmem>>) dst(%dma_wait3A_199 : memref<32x128xbf16, #tpu.memory_space<vmem_shared>>)
    %add3A_200 = arith.constant 224 : i32
    %add3A_201 = arith.addi %mul3A_0, %add3A_200 : i32
    %dma_wait3A_202 = arith.constant 0 : i32
    %dma_wait3A_203 = tpu.memref_slice %arg21[%add3A_201, %dma_wait3A_202] : memref<10240x128xbf16, #tpu.memory_space<vmem_shared>> -> memref<32x128xbf16, #tpu.memory_space<vmem_shared>>
    %dma_wait3A_204 = arith.constant 0 : i32
    %dma_wait3A_205 = tpu.memref_slice %arg21[%add3A_201, %dma_wait3A_204] : memref<10240x128xbf16, #tpu.memory_space<vmem_shared>> -> memref<32x128xbf16, #tpu.memory_space<vmem_shared>>
    tpu.wait_dma2 semaphore(%arg20 : memref<!tpu.dma_semaphore, #tpu.memory_space<semaphore_mem>>) src(%arg19 : memref<32x128xbf16, #tpu.memory_space<vmem>>) dst(%dma_wait3A_205 : memref<32x128xbf16, #tpu.memory_space<vmem_shared>>)
    %add3A_206 = arith.constant 256 : i32
    %add3A_207 = arith.addi %mul3A_0, %add3A_206 : i32
    %dma_wait3A_208 = arith.constant 0 : i32
    %dma_wait3A_209 = tpu.memref_slice %arg21[%add3A_207, %dma_wait3A_208] : memref<10240x128xbf16, #tpu.memory_space<vmem_shared>> -> memref<32x128xbf16, #tpu.memory_space<vmem_shared>>
    %dma_wait3A_210 = arith.constant 0 : i32
    %dma_wait3A_211 = tpu.memref_slice %arg21[%add3A_207, %dma_wait3A_210] : memref<10240x128xbf16, #tpu.memory_space<vmem_shared>> -> memref<32x128xbf16, #tpu.memory_space<vmem_shared>>
    tpu.wait_dma2 semaphore(%arg20 : memref<!tpu.dma_semaphore, #tpu.memory_space<semaphore_mem>>) src(%arg19 : memref<32x128xbf16, #tpu.memory_space<vmem>>) dst(%dma_wait3A_211 : memref<32x128xbf16, #tpu.memory_space<vmem_shared>>)
    %add3A_212 = arith.constant 288 : i32
    %add3A_213 = arith.addi %mul3A_0, %add3A_212 : i32
    %dma_wait3A_214 = arith.constant 0 : i32
    %dma_wait3A_215 = tpu.memref_slice %arg21[%add3A_213, %dma_wait3A_214] : memref<10240x128xbf16, #tpu.memory_space<vmem_shared>> -> memref<32x128xbf16, #tpu.memory_space<vmem_shared>>
    %dma_wait3A_216 = arith.constant 0 : i32
    %dma_wait3A_217 = tpu.memref_slice %arg21[%add3A_213, %dma_wait3A_216] : memref<10240x128xbf16, #tpu.memory_space<vmem_shared>> -> memref<32x128xbf16, #tpu.memory_space<vmem_shared>>
    tpu.wait_dma2 semaphore(%arg20 : memref<!tpu.dma_semaphore, #tpu.memory_space<semaphore_mem>>) src(%arg19 : memref<32x128xbf16, #tpu.memory_space<vmem>>) dst(%dma_wait3A_217 : memref<32x128xbf16, #tpu.memory_space<vmem_shared>>)
    %add3A_218 = arith.constant 320 : i32
    %add3A_219 = arith.addi %mul3A_0, %add3A_218 : i32
    %dma_wait3A_220 = arith.constant 0 : i32
    %dma_wait3A_221 = tpu.memref_slice %arg21[%add3A_219, %dma_wait3A_220] : memref<10240x128xbf16, #tpu.memory_space<vmem_shared>> -> memref<32x128xbf16, #tpu.memory_space<vmem_shared>>
    %dma_wait3A_222 = arith.constant 0 : i32
    %dma_wait3A_223 = tpu.memref_slice %arg21[%add3A_219, %dma_wait3A_222] : memref<10240x128xbf16, #tpu.memory_space<vmem_shared>> -> memref<32x128xbf16, #tpu.memory_space<vmem_shared>>
    tpu.wait_dma2 semaphore(%arg20 : memref<!tpu.dma_semaphore, #tpu.memory_space<semaphore_mem>>) src(%arg19 : memref<32x128xbf16, #tpu.memory_space<vmem>>) dst(%dma_wait3A_223 : memref<32x128xbf16, #tpu.memory_space<vmem_shared>>)
    %add3A_224 = arith.constant 352 : i32
    %add3A_225 = arith.addi %mul3A_0, %add3A_224 : i32
    %dma_wait3A_226 = arith.constant 0 : i32
    %dma_wait3A_227 = tpu.memref_slice %arg21[%add3A_225, %dma_wait3A_226] : memref<10240x128xbf16, #tpu.memory_space<vmem_shared>> -> memref<32x128xbf16, #tpu.memory_space<vmem_shared>>
    %dma_wait3A_228 = arith.constant 0 : i32
    %dma_wait3A_229 = tpu.memref_slice %arg21[%add3A_225, %dma_wait3A_228] : memref<10240x128xbf16, #tpu.memory_space<vmem_shared>> -> memref<32x128xbf16, #tpu.memory_space<vmem_shared>>
    tpu.wait_dma2 semaphore(%arg20 : memref<!tpu.dma_semaphore, #tpu.memory_space<semaphore_mem>>) src(%arg19 : memref<32x128xbf16, #tpu.memory_space<vmem>>) dst(%dma_wait3A_229 : memref<32x128xbf16, #tpu.memory_space<vmem_shared>>)
    %add3A_230 = arith.constant 384 : i32
    %add3A_231 = arith.addi %mul3A_0, %add3A_230 : i32
    %dma_wait3A_232 = arith.constant 0 : i32
    %dma_wait3A_233 = tpu.memref_slice %arg21[%add3A_231, %dma_wait3A_232] : memref<10240x128xbf16, #tpu.memory_space<vmem_shared>> -> memref<32x128xbf16, #tpu.memory_space<vmem_shared>>
    %dma_wait3A_234 = arith.constant 0 : i32
    %dma_wait3A_235 = tpu.memref_slice %arg21[%add3A_231, %dma_wait3A_234] : memref<10240x128xbf16, #tpu.memory_space<vmem_shared>> -> memref<32x128xbf16, #tpu.memory_space<vmem_shared>>
    tpu.wait_dma2 semaphore(%arg20 : memref<!tpu.dma_semaphore, #tpu.memory_space<semaphore_mem>>) src(%arg19 : memref<32x128xbf16, #tpu.memory_space<vmem>>) dst(%dma_wait3A_235 : memref<32x128xbf16, #tpu.memory_space<vmem_shared>>)
    %add3A_236 = arith.constant 416 : i32
    %add3A_237 = arith.addi %mul3A_0, %add3A_236 : i32
    %dma_wait3A_238 = arith.constant 0 : i32
    %dma_wait3A_239 = tpu.memref_slice %arg21[%add3A_237, %dma_wait3A_238] : memref<10240x128xbf16, #tpu.memory_space<vmem_shared>> -> memref<32x128xbf16, #tpu.memory_space<vmem_shared>>
    %dma_wait3A_240 = arith.constant 0 : i32
    %dma_wait3A_241 = tpu.memref_slice %arg21[%add3A_237, %dma_wait3A_240] : memref<10240x128xbf16, #tpu.memory_space<vmem_shared>> -> memref<32x128xbf16, #tpu.memory_space<vmem_shared>>
    tpu.wait_dma2 semaphore(%arg20 : memref<!tpu.dma_semaphore, #tpu.memory_space<semaphore_mem>>) src(%arg19 : memref<32x128xbf16, #tpu.memory_space<vmem>>) dst(%dma_wait3A_241 : memref<32x128xbf16, #tpu.memory_space<vmem_shared>>)
    %add3A_242 = arith.constant 448 : i32
    %add3A_243 = arith.addi %mul3A_0, %add3A_242 : i32
    %dma_wait3A_244 = arith.constant 0 : i32
    %dma_wait3A_245 = tpu.memref_slice %arg21[%add3A_243, %dma_wait3A_244] : memref<10240x128xbf16, #tpu.memory_space<vmem_shared>> -> memref<32x128xbf16, #tpu.memory_space<vmem_shared>>
    %dma_wait3A_246 = arith.constant 0 : i32
    %dma_wait3A_247 = tpu.memref_slice %arg21[%add3A_243, %dma_wait3A_246] : memref<10240x128xbf16, #tpu.memory_space<vmem_shared>> -> memref<32x128xbf16, #tpu.memory_space<vmem_shared>>
    tpu.wait_dma2 semaphore(%arg20 : memref<!tpu.dma_semaphore, #tpu.memory_space<semaphore_mem>>) src(%arg19 : memref<32x128xbf16, #tpu.memory_space<vmem>>) dst(%dma_wait3A_247 : memref<32x128xbf16, #tpu.memory_space<vmem_shared>>)
    %add3A_248 = arith.constant 480 : i32
    %add3A_249 = arith.addi %mul3A_0, %add3A_248 : i32
    %dma_wait3A_250 = arith.constant 0 : i32
    %dma_wait3A_251 = tpu.memref_slice %arg21[%add3A_249, %dma_wait3A_250] : memref<10240x128xbf16, #tpu.memory_space<vmem_shared>> -> memref<32x128xbf16, #tpu.memory_space<vmem_shared>>
    %dma_wait3A_252 = arith.constant 0 : i32
    %dma_wait3A_253 = tpu.memref_slice %arg21[%add3A_249, %dma_wait3A_252] : memref<10240x128xbf16, #tpu.memory_space<vmem_shared>> -> memref<32x128xbf16, #tpu.memory_space<vmem_shared>>
    tpu.wait_dma2 semaphore(%arg20 : memref<!tpu.dma_semaphore, #tpu.memory_space<semaphore_mem>>) src(%arg19 : memref<32x128xbf16, #tpu.memory_space<vmem>>) dst(%dma_wait3A_253 : memref<32x128xbf16, #tpu.memory_space<vmem_shared>>)
    %add3A_254 = arith.constant 512 : i32
    %add3A_255 = arith.addi %mul3A_0, %add3A_254 : i32
    %dma_wait3A_256 = arith.constant 0 : i32
    %dma_wait3A_257 = tpu.memref_slice %arg21[%add3A_255, %dma_wait3A_256] : memref<10240x128xbf16, #tpu.memory_space<vmem_shared>> -> memref<32x128xbf16, #tpu.memory_space<vmem_shared>>
    %dma_wait3A_258 = arith.constant 0 : i32
    %dma_wait3A_259 = tpu.memref_slice %arg21[%add3A_255, %dma_wait3A_258] : memref<10240x128xbf16, #tpu.memory_space<vmem_shared>> -> memref<32x128xbf16, #tpu.memory_space<vmem_shared>>
    tpu.wait_dma2 semaphore(%arg20 : memref<!tpu.dma_semaphore, #tpu.memory_space<semaphore_mem>>) src(%arg19 : memref<32x128xbf16, #tpu.memory_space<vmem>>) dst(%dma_wait3A_259 : memref<32x128xbf16, #tpu.memory_space<vmem_shared>>)
    %add3A_260 = arith.constant 544 : i32
    %add3A_261 = arith.addi %mul3A_0, %add3A_260 : i32
    %dma_wait3A_262 = arith.constant 0 : i32
    %dma_wait3A_263 = tpu.memref_slice %arg21[%add3A_261, %dma_wait3A_262] : memref<10240x128xbf16, #tpu.memory_space<vmem_shared>> -> memref<32x128xbf16, #tpu.memory_space<vmem_shared>>
    %dma_wait3A_264 = arith.constant 0 : i32
    %dma_wait3A_265 = tpu.memref_slice %arg21[%add3A_261, %dma_wait3A_264] : memref<10240x128xbf16, #tpu.memory_space<vmem_shared>> -> memref<32x128xbf16, #tpu.memory_space<vmem_shared>>
    tpu.wait_dma2 semaphore(%arg20 : memref<!tpu.dma_semaphore, #tpu.memory_space<semaphore_mem>>) src(%arg19 : memref<32x128xbf16, #tpu.memory_space<vmem>>) dst(%dma_wait3A_265 : memref<32x128xbf16, #tpu.memory_space<vmem_shared>>)
    %add3A_266 = arith.constant 576 : i32
    %add3A_267 = arith.addi %mul3A_0, %add3A_266 : i32
    %dma_wait3A_268 = arith.constant 0 : i32
    %dma_wait3A_269 = tpu.memref_slice %arg21[%add3A_267, %dma_wait3A_268] : memref<10240x128xbf16, #tpu.memory_space<vmem_shared>> -> memref<32x128xbf16, #tpu.memory_space<vmem_shared>>
    %dma_wait3A_270 = arith.constant 0 : i32
    %dma_wait3A_271 = tpu.memref_slice %arg21[%add3A_267, %dma_wait3A_270] : memref<10240x128xbf16, #tpu.memory_space<vmem_shared>> -> memref<32x128xbf16, #tpu.memory_space<vmem_shared>>
    tpu.wait_dma2 semaphore(%arg20 : memref<!tpu.dma_semaphore, #tpu.memory_space<semaphore_mem>>) src(%arg19 : memref<32x128xbf16, #tpu.memory_space<vmem>>) dst(%dma_wait3A_271 : memref<32x128xbf16, #tpu.memory_space<vmem_shared>>)
    %add3A_272 = arith.constant 608 : i32
    %add3A_273 = arith.addi %mul3A_0, %add3A_272 : i32
    %dma_wait3A_274 = arith.constant 0 : i32
    %dma_wait3A_275 = tpu.memref_slice %arg21[%add3A_273, %dma_wait3A_274] : memref<10240x128xbf16, #tpu.memory_space<vmem_shared>> -> memref<32x128xbf16, #tpu.memory_space<vmem_shared>>
    %dma_wait3A_276 = arith.constant 0 : i32
    %dma_wait3A_277 = tpu.memref_slice %arg21[%add3A_273, %dma_wait3A_276] : memref<10240x128xbf16, #tpu.memory_space<vmem_shared>> -> memref<32x128xbf16, #tpu.memory_space<vmem_shared>>
    tpu.wait_dma2 semaphore(%arg20 : memref<!tpu.dma_semaphore, #tpu.memory_space<semaphore_mem>>) src(%arg19 : memref<32x128xbf16, #tpu.memory_space<vmem>>) dst(%dma_wait3A_277 : memref<32x128xbf16, #tpu.memory_space<vmem_shared>>)
    %barrier3A = arith.constant 0 : index
    tpu.barrier barrier_id(%barrier3A)
    %eq3A = arith.constant 0 : i32
    %eq3A_278 = arith.cmpi eq, %arg0, %eq3A : i32
    %convert_element_type3A = arith.extui %eq3A_278 : i1 to i32
    %cond3A = arith.constant 0 : i32
    %cond3A_279 = arith.cmpi ne, %convert_element_type3A, %cond3A : i32
    scf.if %cond3A_279 {
      %dma_wait3A_296 = arith.constant 0 : i32
      %dma_wait3A_297 = arith.constant 0 : i32
      %dma_wait3A_298 = arith.constant 0 : i32
      %dma_wait3A_299 = tpu.memref_slice %arg4[%arg1, %dma_wait3A_296, %dma_wait3A_297, %dma_wait3A_298] : memref<16x80x2x128xi32, #tpu.memory_space<hbm>> -> memref<1x1x2x128xi32, #tpu.memory_space<hbm>>
      %dma_wait3A_300 = tpu.memref_squeeze %dma_wait3A_299 : memref<1x1x2x128xi32, #tpu.memory_space<hbm>> -> memref<2x128xi32, #tpu.memory_space<hbm>>
      %dma_wait3A_301 = arith.constant 0 : i32
      %dma_wait3A_302 = arith.constant 0 : i32
      %dma_wait3A_303 = tpu.memref_slice %arg4[%arg1, %dma_wait3A_296, %dma_wait3A_301, %dma_wait3A_302] : memref<16x80x2x128xi32, #tpu.memory_space<hbm>> -> memref<1x1x2x128xi32, #tpu.memory_space<hbm>>
      %dma_wait3A_304 = tpu.memref_squeeze %dma_wait3A_303 : memref<1x1x2x128xi32, #tpu.memory_space<hbm>> -> memref<2x128xi32, #tpu.memory_space<hbm>>
      tpu.wait_dma2 semaphore(%arg11 : memref<!tpu.dma_semaphore, #tpu.memory_space<semaphore_mem>>) src(%dma_wait3A_304 : memref<2x128xi32, #tpu.memory_space<hbm>>) dst(%arg7 : memref<2x128xi32, #tpu.memory_space<vmem>>)
      %dma_start3A_305 = arith.constant 0 : i32
      %dma_start3A_306 = arith.constant 0 : i32
      %dma_start3A_307 = tpu.memref_slice %arg7[%dma_start3A_305, %dma_start3A_306] : memref<2x128xi32, #tpu.memory_space<vmem>> -> memref<1x128xi32, #tpu.memory_space<vmem>>
      %dma_start3A_308 = tpu.memref_squeeze %dma_start3A_307 : memref<1x128xi32, #tpu.memory_space<vmem>> -> memref<128xi32, #tpu.memory_space<vmem>>
      %dma_start3A_309 = arith.constant 0 : i32
      %dma_start3A_310 = arith.constant 0 : i32
      %dma_start3A_311 = tpu.memref_slice %arg2[%dma_start3A_309, %dma_start3A_310] : memref<10000x128xbf16, #tpu.memory_space<hbm>> -> memref<10000x128xbf16, #tpu.memory_space<hbm>>
      tpu.enqueue_indirect_dma source(%dma_start3A_311 : memref<10000x128xbf16, #tpu.memory_space<hbm>>) target(%arg15 : memref<128x128xbf16, #tpu.memory_space<vmem>>) offsets(%dma_start3A_308 : memref<128xi32, #tpu.memory_space<vmem>>) semaphore(%arg17 : memref<!tpu.dma_semaphore, #tpu.memory_space<semaphore_mem>>)
      %dma_wait3A_312 = arith.constant 1 : i32
      %dma_wait3A_313 = arith.constant 0 : i32
      %dma_wait3A_314 = arith.constant 0 : i32
      %dma_wait3A_315 = tpu.memref_slice %arg4[%arg1, %dma_wait3A_312, %dma_wait3A_313, %dma_wait3A_314] : memref<16x80x2x128xi32, #tpu.memory_space<hbm>> -> memref<1x1x2x128xi32, #tpu.memory_space<hbm>>
      %dma_wait3A_316 = tpu.memref_squeeze %dma_wait3A_315 : memref<1x1x2x128xi32, #tpu.memory_space<hbm>> -> memref<2x128xi32, #tpu.memory_space<hbm>>
      %dma_wait3A_317 = arith.constant 0 : i32
      %dma_wait3A_318 = arith.constant 0 : i32
      %dma_wait3A_319 = tpu.memref_slice %arg4[%arg1, %dma_wait3A_312, %dma_wait3A_317, %dma_wait3A_318] : memref<16x80x2x128xi32, #tpu.memory_space<hbm>> -> memref<1x1x2x128xi32, #tpu.memory_space<hbm>>
      %dma_wait3A_320 = tpu.memref_squeeze %dma_wait3A_319 : memref<1x1x2x128xi32, #tpu.memory_space<hbm>> -> memref<2x128xi32, #tpu.memory_space<hbm>>
      tpu.wait_dma2 semaphore(%arg12 : memref<!tpu.dma_semaphore, #tpu.memory_space<semaphore_mem>>) src(%dma_wait3A_320 : memref<2x128xi32, #tpu.memory_space<hbm>>) dst(%arg8 : memref<2x128xi32, #tpu.memory_space<vmem>>)
      %dma_start3A_321 = arith.constant 0 : i32
      %dma_start3A_322 = arith.constant 0 : i32
      %dma_start3A_323 = tpu.memref_slice %arg8[%dma_start3A_321, %dma_start3A_322] : memref<2x128xi32, #tpu.memory_space<vmem>> -> memref<1x128xi32, #tpu.memory_space<vmem>>
      %dma_start3A_324 = tpu.memref_squeeze %dma_start3A_323 : memref<1x128xi32, #tpu.memory_space<vmem>> -> memref<128xi32, #tpu.memory_space<vmem>>
      %dma_start3A_325 = arith.constant 0 : i32
      %dma_start3A_326 = arith.constant 0 : i32
      %dma_start3A_327 = tpu.memref_slice %arg2[%dma_start3A_325, %dma_start3A_326] : memref<10000x128xbf16, #tpu.memory_space<hbm>> -> memref<10000x128xbf16, #tpu.memory_space<hbm>>
      tpu.enqueue_indirect_dma source(%dma_start3A_327 : memref<10000x128xbf16, #tpu.memory_space<hbm>>) target(%arg16 : memref<128x128xbf16, #tpu.memory_space<vmem>>) offsets(%dma_start3A_324 : memref<128xi32, #tpu.memory_space<vmem>>) semaphore(%arg18 : memref<!tpu.dma_semaphore, #tpu.memory_space<semaphore_mem>>)
      %scan3A_328 = arith.constant 0 : i32
      %scan3A_329 = arith.constant 20 : i32
      %scan3A_330 = arith.addi %scan3A_328, %scan3A_329 : i32
      %scan3A_331 = arith.constant 1 : i32
      scf.for %scan3A_333 = %scan3A_328 to %scan3A_330 step %scan3A_331  : i32 {
        %mul3A_334 = arith.constant 4 : i32
        %mul3A_335 = arith.muli %scan3A_333, %mul3A_334 : i32
        %add3A_336 = arith.constant 0 : i32
        %add3A_337 = arith.addi %add3A_336, %mul3A_335 : i32
        %add3A_338 = arith.constant 0 : i32
        %add3A_339 = arith.addi %add3A_337, %add3A_338 : i32
        %dma_wait3A_340 = arith.constant 0 : i32
        %dma_wait3A_341 = arith.constant 0 : i32
        %dma_wait3A_342 = tpu.memref_slice %arg7[%dma_wait3A_340, %dma_wait3A_341] : memref<2x128xi32, #tpu.memory_space<vmem>> -> memref<1x128xi32, #tpu.memory_space<vmem>>
        %dma_wait3A_343 = tpu.memref_squeeze %dma_wait3A_342 : memref<1x128xi32, #tpu.memory_space<vmem>> -> memref<128xi32, #tpu.memory_space<vmem>>
        %dma_wait3A_344 = arith.constant 0 : i32
        %dma_wait3A_345 = arith.constant 0 : i32
        %dma_wait3A_346 = tpu.memref_slice %arg2[%dma_wait3A_344, %dma_wait3A_345] : memref<10000x128xbf16, #tpu.memory_space<hbm>> -> memref<10000x128xbf16, #tpu.memory_space<hbm>>
        tpu.wait_indirect_dma semaphore(%arg17 : memref<!tpu.dma_semaphore, #tpu.memory_space<semaphore_mem>>) src(%dma_wait3A_346 : memref<10000x128xbf16, #tpu.memory_space<hbm>>) dst(%arg15 : memref<128x128xbf16, #tpu.memory_space<vmem>>)
        %run_scoped3A = arith.constant 1 : i32
        "tpu.region"() ({
          %run_scoped3A_432 = tpu.sem_alloc : memref<!tpu.dma_semaphore, #tpu.memory_space<semaphore_mem>>
          %dma_start3A_433 = arith.constant 0 : i32
          %dma_start3A_434 = tpu.memref_slice %arg7[%run_scoped3A, %dma_start3A_433] : memref<2x128xi32, #tpu.memory_space<vmem>> -> memref<1x128xi32, #tpu.memory_space<vmem>>
          %dma_start3A_435 = tpu.memref_squeeze %dma_start3A_434 : memref<1x128xi32, #tpu.memory_space<vmem>> -> memref<128xi32, #tpu.memory_space<vmem>>
          %dma_start3A_436 = arith.constant 0 : i32
          %dma_start3A_437 = arith.constant 0 : i32
          %dma_start3A_438 = tpu.memref_slice %arg21[%dma_start3A_436, %dma_start3A_437] : memref<10240x128xbf16, #tpu.memory_space<vmem_shared>> -> memref<10240x128xbf16, #tpu.memory_space<vmem_shared>>
          tpu.enqueue_indirect_dma source(%arg15 : memref<128x128xbf16, #tpu.memory_space<vmem>>) target(%dma_start3A_438 : memref<10240x128xbf16, #tpu.memory_space<vmem_shared>>) offsets(%dma_start3A_435 : memref<128xi32, #tpu.memory_space<vmem>>) semaphore(%run_scoped3A_432 : memref<!tpu.dma_semaphore, #tpu.memory_space<semaphore_mem>>) {add = true}
          %dma_wait3A_439 = arith.constant 0 : i32
          %dma_wait3A_440 = tpu.memref_slice %arg7[%run_scoped3A, %dma_wait3A_439] : memref<2x128xi32, #tpu.memory_space<vmem>> -> memref<1x128xi32, #tpu.memory_space<vmem>>
          %dma_wait3A_441 = tpu.memref_squeeze %dma_wait3A_440 : memref<1x128xi32, #tpu.memory_space<vmem>> -> memref<128xi32, #tpu.memory_space<vmem>>
          %dma_wait3A_442 = arith.constant 0 : i32
          %dma_wait3A_443 = arith.constant 0 : i32
          %dma_wait3A_444 = tpu.memref_slice %arg21[%dma_wait3A_442, %dma_wait3A_443] : memref<10240x128xbf16, #tpu.memory_space<vmem_shared>> -> memref<10240x128xbf16, #tpu.memory_space<vmem_shared>>
          tpu.wait_indirect_dma semaphore(%run_scoped3A_432 : memref<!tpu.dma_semaphore, #tpu.memory_space<semaphore_mem>>) src(%arg15 : memref<128x128xbf16, #tpu.memory_space<vmem>>) dst(%dma_wait3A_444 : memref<10240x128xbf16, #tpu.memory_space<vmem_shared>>)
          tpu.yield
        }) : () -> ()
        %add3A_347 = arith.constant 4 : i32
        %add3A_348 = arith.addi %add3A_339, %add3A_347 : i32
        %lt3A = arith.constant 80 : i32
        %lt3A_349 = arith.cmpi slt, %add3A_348, %lt3A : i32
        %convert_element_type3A_350 = arith.extui %lt3A_349 : i1 to i32
        %cond3A_351 = arith.constant 0 : i32
        %cond3A_352 = arith.cmpi ne, %convert_element_type3A_350, %cond3A_351 : i32
        scf.if %cond3A_352 {
          %add3A_432 = arith.constant 4 : i32
          %add3A_433 = arith.addi %add3A_339, %add3A_432 : i32
          %dma_start3A_434 = arith.constant 0 : i32
          %dma_start3A_435 = arith.constant 0 : i32
          %dma_start3A_436 = tpu.memref_slice %arg4[%arg1, %add3A_433, %dma_start3A_434, %dma_start3A_435] : memref<16x80x2x128xi32, #tpu.memory_space<hbm>> -> memref<1x1x2x128xi32, #tpu.memory_space<hbm>>
          %dma_start3A_437 = tpu.memref_squeeze %dma_start3A_436 : memref<1x1x2x128xi32, #tpu.memory_space<hbm>> -> memref<2x128xi32, #tpu.memory_space<hbm>>
          %dma_start3A_438 = arith.constant 0 : i32
          %dma_start3A_439 = arith.constant 0 : i32
          %dma_start3A_440 = tpu.memref_slice %arg4[%arg1, %add3A_433, %dma_start3A_438, %dma_start3A_439] : memref<16x80x2x128xi32, #tpu.memory_space<hbm>> -> memref<1x1x2x128xi32, #tpu.memory_space<hbm>>
          %dma_start3A_441 = tpu.memref_squeeze %dma_start3A_440 : memref<1x1x2x128xi32, #tpu.memory_space<hbm>> -> memref<2x128xi32, #tpu.memory_space<hbm>>
          tpu.enqueue_dma source(%dma_start3A_441 : memref<2x128xi32, #tpu.memory_space<hbm>>) target(%arg7 : memref<2x128xi32, #tpu.memory_space<vmem>>) target_semaphore(%arg11 : memref<!tpu.dma_semaphore, #tpu.memory_space<semaphore_mem>>)
        } else {
        }
        %add3A_353 = arith.constant 2 : i32
        %add3A_354 = arith.addi %add3A_339, %add3A_353 : i32
        %lt3A_355 = arith.constant 80 : i32
        %lt3A_356 = arith.cmpi slt, %add3A_354, %lt3A_355 : i32
        %convert_element_type3A_357 = arith.extui %lt3A_356 : i1 to i32
        %cond3A_358 = arith.constant 0 : i32
        %cond3A_359 = arith.cmpi ne, %convert_element_type3A_357, %cond3A_358 : i32
        scf.if %cond3A_359 {
          %add3A_432 = arith.constant 2 : i32
          %add3A_433 = arith.addi %add3A_339, %add3A_432 : i32
          %dma_wait3A_434 = arith.constant 0 : i32
          %dma_wait3A_435 = arith.constant 0 : i32
          %dma_wait3A_436 = tpu.memref_slice %arg4[%arg1, %add3A_433, %dma_wait3A_434, %dma_wait3A_435] : memref<16x80x2x128xi32, #tpu.memory_space<hbm>> -> memref<1x1x2x128xi32, #tpu.memory_space<hbm>>
          %dma_wait3A_437 = tpu.memref_squeeze %dma_wait3A_436 : memref<1x1x2x128xi32, #tpu.memory_space<hbm>> -> memref<2x128xi32, #tpu.memory_space<hbm>>
          %dma_wait3A_438 = arith.constant 0 : i32
          %dma_wait3A_439 = arith.constant 0 : i32
          %dma_wait3A_440 = tpu.memref_slice %arg4[%arg1, %add3A_433, %dma_wait3A_438, %dma_wait3A_439] : memref<16x80x2x128xi32, #tpu.memory_space<hbm>> -> memref<1x1x2x128xi32, #tpu.memory_space<hbm>>
          %dma_wait3A_441 = tpu.memref_squeeze %dma_wait3A_440 : memref<1x1x2x128xi32, #tpu.memory_space<hbm>> -> memref<2x128xi32, #tpu.memory_space<hbm>>
          tpu.wait_dma2 semaphore(%arg13 : memref<!tpu.dma_semaphore, #tpu.memory_space<semaphore_mem>>) src(%dma_wait3A_441 : memref<2x128xi32, #tpu.memory_space<hbm>>) dst(%arg9 : memref<2x128xi32, #tpu.memory_space<vmem>>)
          %dma_start3A_442 = arith.constant 0 : i32
          %dma_start3A_443 = arith.constant 0 : i32
          %dma_start3A_444 = tpu.memref_slice %arg9[%dma_start3A_442, %dma_start3A_443] : memref<2x128xi32, #tpu.memory_space<vmem>> -> memref<1x128xi32, #tpu.memory_space<vmem>>
          %dma_start3A_445 = tpu.memref_squeeze %dma_start3A_444 : memref<1x128xi32, #tpu.memory_space<vmem>> -> memref<128xi32, #tpu.memory_space<vmem>>
          %dma_start3A_446 = arith.constant 0 : i32
          %dma_start3A_447 = arith.constant 0 : i32
          %dma_start3A_448 = tpu.memref_slice %arg2[%dma_start3A_446, %dma_start3A_447] : memref<10000x128xbf16, #tpu.memory_space<hbm>> -> memref<10000x128xbf16, #tpu.memory_space<hbm>>
          tpu.enqueue_indirect_dma source(%dma_start3A_448 : memref<10000x128xbf16, #tpu.memory_space<hbm>>) target(%arg15 : memref<128x128xbf16, #tpu.memory_space<vmem>>) offsets(%dma_start3A_445 : memref<128xi32, #tpu.memory_space<vmem>>) semaphore(%arg17 : memref<!tpu.dma_semaphore, #tpu.memory_space<semaphore_mem>>)
        } else {
        }
        %add3A_360 = arith.constant 1 : i32
        %add3A_361 = arith.addi %add3A_337, %add3A_360 : i32
        %dma_wait3A_362 = arith.constant 0 : i32
        %dma_wait3A_363 = arith.constant 0 : i32
        %dma_wait3A_364 = tpu.memref_slice %arg8[%dma_wait3A_362, %dma_wait3A_363] : memref<2x128xi32, #tpu.memory_space<vmem>> -> memref<1x128xi32, #tpu.memory_space<vmem>>
        %dma_wait3A_365 = tpu.memref_squeeze %dma_wait3A_364 : memref<1x128xi32, #tpu.memory_space<vmem>> -> memref<128xi32, #tpu.memory_space<vmem>>
        %dma_wait3A_366 = arith.constant 0 : i32
        %dma_wait3A_367 = arith.constant 0 : i32
        %dma_wait3A_368 = tpu.memref_slice %arg2[%dma_wait3A_366, %dma_wait3A_367] : memref<10000x128xbf16, #tpu.memory_space<hbm>> -> memref<10000x128xbf16, #tpu.memory_space<hbm>>
        tpu.wait_indirect_dma semaphore(%arg18 : memref<!tpu.dma_semaphore, #tpu.memory_space<semaphore_mem>>) src(%dma_wait3A_368 : memref<10000x128xbf16, #tpu.memory_space<hbm>>) dst(%arg16 : memref<128x128xbf16, #tpu.memory_space<vmem>>)
        %run_scoped3A_369 = arith.constant 1 : i32
        "tpu.region"() ({
          %run_scoped3A_432 = tpu.sem_alloc : memref<!tpu.dma_semaphore, #tpu.memory_space<semaphore_mem>>
          %dma_start3A_433 = arith.constant 0 : i32
          %dma_start3A_434 = tpu.memref_slice %arg8[%run_scoped3A_369, %dma_start3A_433] : memref<2x128xi32, #tpu.memory_space<vmem>> -> memref<1x128xi32, #tpu.memory_space<vmem>>
          %dma_start3A_435 = tpu.memref_squeeze %dma_start3A_434 : memref<1x128xi32, #tpu.memory_space<vmem>> -> memref<128xi32, #tpu.memory_space<vmem>>
          %dma_start3A_436 = arith.constant 0 : i32
          %dma_start3A_437 = arith.constant 0 : i32
          %dma_start3A_438 = tpu.memref_slice %arg21[%dma_start3A_436, %dma_start3A_437] : memref<10240x128xbf16, #tpu.memory_space<vmem_shared>> -> memref<10240x128xbf16, #tpu.memory_space<vmem_shared>>
          tpu.enqueue_indirect_dma source(%arg16 : memref<128x128xbf16, #tpu.memory_space<vmem>>) target(%dma_start3A_438 : memref<10240x128xbf16, #tpu.memory_space<vmem_shared>>) offsets(%dma_start3A_435 : memref<128xi32, #tpu.memory_space<vmem>>) semaphore(%run_scoped3A_432 : memref<!tpu.dma_semaphore, #tpu.memory_space<semaphore_mem>>) {add = true}
          %dma_wait3A_439 = arith.constant 0 : i32
          %dma_wait3A_440 = tpu.memref_slice %arg8[%run_scoped3A_369, %dma_wait3A_439] : memref<2x128xi32, #tpu.memory_space<vmem>> -> memref<1x128xi32, #tpu.memory_space<vmem>>
          %dma_wait3A_441 = tpu.memref_squeeze %dma_wait3A_440 : memref<1x128xi32, #tpu.memory_space<vmem>> -> memref<128xi32, #tpu.memory_space<vmem>>
          %dma_wait3A_442 = arith.constant 0 : i32
          %dma_wait3A_443 = arith.constant 0 : i32
          %dma_wait3A_444 = tpu.memref_slice %arg21[%dma_wait3A_442, %dma_wait3A_443] : memref<10240x128xbf16, #tpu.memory_space<vmem_shared>> -> memref<10240x128xbf16, #tpu.memory_space<vmem_shared>>
          tpu.wait_indirect_dma semaphore(%run_scoped3A_432 : memref<!tpu.dma_semaphore, #tpu.memory_space<semaphore_mem>>) src(%arg16 : memref<128x128xbf16, #tpu.memory_space<vmem>>) dst(%dma_wait3A_444 : memref<10240x128xbf16, #tpu.memory_space<vmem_shared>>)
          tpu.yield
        }) : () -> ()
        %add3A_370 = arith.constant 4 : i32
        %add3A_371 = arith.addi %add3A_361, %add3A_370 : i32
        %lt3A_372 = arith.constant 80 : i32
        %lt3A_373 = arith.cmpi slt, %add3A_371, %lt3A_372 : i32
        %convert_element_type3A_374 = arith.extui %lt3A_373 : i1 to i32
        %cond3A_375 = arith.constant 0 : i32
        %cond3A_376 = arith.cmpi ne, %convert_element_type3A_374, %cond3A_375 : i32
        scf.if %cond3A_376 {
          %add3A_432 = arith.constant 4 : i32
          %add3A_433 = arith.addi %add3A_361, %add3A_432 : i32
          %dma_start3A_434 = arith.constant 0 : i32
          %dma_start3A_435 = arith.constant 0 : i32
          %dma_start3A_436 = tpu.memref_slice %arg4[%arg1, %add3A_433, %dma_start3A_434, %dma_start3A_435] : memref<16x80x2x128xi32, #tpu.memory_space<hbm>> -> memref<1x1x2x128xi32, #tpu.memory_space<hbm>>
          %dma_start3A_437 = tpu.memref_squeeze %dma_start3A_436 : memref<1x1x2x128xi32, #tpu.memory_space<hbm>> -> memref<2x128xi32, #tpu.memory_space<hbm>>
          %dma_start3A_438 = arith.constant 0 : i32
          %dma_start3A_439 = arith.constant 0 : i32
          %dma_start3A_440 = tpu.memref_slice %arg4[%arg1, %add3A_433, %dma_start3A_438, %dma_start3A_439] : memref<16x80x2x128xi32, #tpu.memory_space<hbm>> -> memref<1x1x2x128xi32, #tpu.memory_space<hbm>>
          %dma_start3A_441 = tpu.memref_squeeze %dma_start3A_440 : memref<1x1x2x128xi32, #tpu.memory_space<hbm>> -> memref<2x128xi32, #tpu.memory_space<hbm>>
          tpu.enqueue_dma source(%dma_start3A_441 : memref<2x128xi32, #tpu.memory_space<hbm>>) target(%arg8 : memref<2x128xi32, #tpu.memory_space<vmem>>) target_semaphore(%arg12 : memref<!tpu.dma_semaphore, #tpu.memory_space<semaphore_mem>>)
        } else {
        }
        %add3A_377 = arith.constant 2 : i32
        %add3A_378 = arith.addi %add3A_361, %add3A_377 : i32
        %lt3A_379 = arith.constant 80 : i32
        %lt3A_380 = arith.cmpi slt, %add3A_378, %lt3A_379 : i32
        %convert_element_type3A_381 = arith.extui %lt3A_380 : i1 to i32
        %cond3A_382 = arith.constant 0 : i32
        %cond3A_383 = arith.cmpi ne, %convert_element_type3A_381, %cond3A_382 : i32
        scf.if %cond3A_383 {
          %add3A_432 = arith.constant 2 : i32
          %add3A_433 = arith.addi %add3A_361, %add3A_432 : i32
          %dma_wait3A_434 = arith.constant 0 : i32
          %dma_wait3A_435 = arith.constant 0 : i32
          %dma_wait3A_436 = tpu.memref_slice %arg4[%arg1, %add3A_433, %dma_wait3A_434, %dma_wait3A_435] : memref<16x80x2x128xi32, #tpu.memory_space<hbm>> -> memref<1x1x2x128xi32, #tpu.memory_space<hbm>>
          %dma_wait3A_437 = tpu.memref_squeeze %dma_wait3A_436 : memref<1x1x2x128xi32, #tpu.memory_space<hbm>> -> memref<2x128xi32, #tpu.memory_space<hbm>>
          %dma_wait3A_438 = arith.constant 0 : i32
          %dma_wait3A_439 = arith.constant 0 : i32
          %dma_wait3A_440 = tpu.memref_slice %arg4[%arg1, %add3A_433, %dma_wait3A_438, %dma_wait3A_439] : memref<16x80x2x128xi32, #tpu.memory_space<hbm>> -> memref<1x1x2x128xi32, #tpu.memory_space<hbm>>
          %dma_wait3A_441 = tpu.memref_squeeze %dma_wait3A_440 : memref<1x1x2x128xi32, #tpu.memory_space<hbm>> -> memref<2x128xi32, #tpu.memory_space<hbm>>
          tpu.wait_dma2 semaphore(%arg14 : memref<!tpu.dma_semaphore, #tpu.memory_space<semaphore_mem>>) src(%dma_wait3A_441 : memref<2x128xi32, #tpu.memory_space<hbm>>) dst(%arg10 : memref<2x128xi32, #tpu.memory_space<vmem>>)
          %dma_start3A_442 = arith.constant 0 : i32
          %dma_start3A_443 = arith.constant 0 : i32
          %dma_start3A_444 = tpu.memref_slice %arg10[%dma_start3A_442, %dma_start3A_443] : memref<2x128xi32, #tpu.memory_space<vmem>> -> memref<1x128xi32, #tpu.memory_space<vmem>>
          %dma_start3A_445 = tpu.memref_squeeze %dma_start3A_444 : memref<1x128xi32, #tpu.memory_space<vmem>> -> memref<128xi32, #tpu.memory_space<vmem>>
          %dma_start3A_446 = arith.constant 0 : i32
          %dma_start3A_447 = arith.constant 0 : i32
          %dma_start3A_448 = tpu.memref_slice %arg2[%dma_start3A_446, %dma_start3A_447] : memref<10000x128xbf16, #tpu.memory_space<hbm>> -> memref<10000x128xbf16, #tpu.memory_space<hbm>>
          tpu.enqueue_indirect_dma source(%dma_start3A_448 : memref<10000x128xbf16, #tpu.memory_space<hbm>>) target(%arg16 : memref<128x128xbf16, #tpu.memory_space<vmem>>) offsets(%dma_start3A_445 : memref<128xi32, #tpu.memory_space<vmem>>) semaphore(%arg18 : memref<!tpu.dma_semaphore, #tpu.memory_space<semaphore_mem>>)
        } else {
        }
        %add3A_384 = arith.constant 2 : i32
        %add3A_385 = arith.addi %add3A_337, %add3A_384 : i32
        %dma_wait3A_386 = arith.constant 0 : i32
        %dma_wait3A_387 = arith.constant 0 : i32
        %dma_wait3A_388 = tpu.memref_slice %arg9[%dma_wait3A_386, %dma_wait3A_387] : memref<2x128xi32, #tpu.memory_space<vmem>> -> memref<1x128xi32, #tpu.memory_space<vmem>>
        %dma_wait3A_389 = tpu.memref_squeeze %dma_wait3A_388 : memref<1x128xi32, #tpu.memory_space<vmem>> -> memref<128xi32, #tpu.memory_space<vmem>>
        %dma_wait3A_390 = arith.constant 0 : i32
        %dma_wait3A_391 = arith.constant 0 : i32
        %dma_wait3A_392 = tpu.memref_slice %arg2[%dma_wait3A_390, %dma_wait3A_391] : memref<10000x128xbf16, #tpu.memory_space<hbm>> -> memref<10000x128xbf16, #tpu.memory_space<hbm>>
        tpu.wait_indirect_dma semaphore(%arg17 : memref<!tpu.dma_semaphore, #tpu.memory_space<semaphore_mem>>) src(%dma_wait3A_392 : memref<10000x128xbf16, #tpu.memory_space<hbm>>) dst(%arg15 : memref<128x128xbf16, #tpu.memory_space<vmem>>)
        %run_scoped3A_393 = arith.constant 1 : i32
        "tpu.region"() ({
          %run_scoped3A_432 = tpu.sem_alloc : memref<!tpu.dma_semaphore, #tpu.memory_space<semaphore_mem>>
          %dma_start3A_433 = arith.constant 0 : i32
          %dma_start3A_434 = tpu.memref_slice %arg9[%run_scoped3A_393, %dma_start3A_433] : memref<2x128xi32, #tpu.memory_space<vmem>> -> memref<1x128xi32, #tpu.memory_space<vmem>>
          %dma_start3A_435 = tpu.memref_squeeze %dma_start3A_434 : memref<1x128xi32, #tpu.memory_space<vmem>> -> memref<128xi32, #tpu.memory_space<vmem>>
          %dma_start3A_436 = arith.constant 0 : i32
          %dma_start3A_437 = arith.constant 0 : i32
          %dma_start3A_438 = tpu.memref_slice %arg21[%dma_start3A_436, %dma_start3A_437] : memref<10240x128xbf16, #tpu.memory_space<vmem_shared>> -> memref<10240x128xbf16, #tpu.memory_space<vmem_shared>>
          tpu.enqueue_indirect_dma source(%arg15 : memref<128x128xbf16, #tpu.memory_space<vmem>>) target(%dma_start3A_438 : memref<10240x128xbf16, #tpu.memory_space<vmem_shared>>) offsets(%dma_start3A_435 : memref<128xi32, #tpu.memory_space<vmem>>) semaphore(%run_scoped3A_432 : memref<!tpu.dma_semaphore, #tpu.memory_space<semaphore_mem>>) {add = true}
          %dma_wait3A_439 = arith.constant 0 : i32
          %dma_wait3A_440 = tpu.memref_slice %arg9[%run_scoped3A_393, %dma_wait3A_439] : memref<2x128xi32, #tpu.memory_space<vmem>> -> memref<1x128xi32, #tpu.memory_space<vmem>>
          %dma_wait3A_441 = tpu.memref_squeeze %dma_wait3A_440 : memref<1x128xi32, #tpu.memory_space<vmem>> -> memref<128xi32, #tpu.memory_space<vmem>>
          %dma_wait3A_442 = arith.constant 0 : i32
          %dma_wait3A_443 = arith.constant 0 : i32
          %dma_wait3A_444 = tpu.memref_slice %arg21[%dma_wait3A_442, %dma_wait3A_443] : memref<10240x128xbf16, #tpu.memory_space<vmem_shared>> -> memref<10240x128xbf16, #tpu.memory_space<vmem_shared>>
          tpu.wait_indirect_dma semaphore(%run_scoped3A_432 : memref<!tpu.dma_semaphore, #tpu.memory_space<semaphore_mem>>) src(%arg15 : memref<128x128xbf16, #tpu.memory_space<vmem>>) dst(%dma_wait3A_444 : memref<10240x128xbf16, #tpu.memory_space<vmem_shared>>)
          tpu.yield
        }) : () -> ()
        %add3A_394 = arith.constant 4 : i32
        %add3A_395 = arith.addi %add3A_385, %add3A_394 : i32
        %lt3A_396 = arith.constant 80 : i32
        %lt3A_397 = arith.cmpi slt, %add3A_395, %lt3A_396 : i32
        %convert_element_type3A_398 = arith.extui %lt3A_397 : i1 to i32
        %cond3A_399 = arith.constant 0 : i32
        %cond3A_400 = arith.cmpi ne, %convert_element_type3A_398, %cond3A_399 : i32
        scf.if %cond3A_400 {
          %add3A_432 = arith.constant 4 : i32
          %add3A_433 = arith.addi %add3A_385, %add3A_432 : i32
          %dma_start3A_434 = arith.constant 0 : i32
          %dma_start3A_435 = arith.constant 0 : i32
          %dma_start3A_436 = tpu.memref_slice %arg4[%arg1, %add3A_433, %dma_start3A_434, %dma_start3A_435] : memref<16x80x2x128xi32, #tpu.memory_space<hbm>> -> memref<1x1x2x128xi32, #tpu.memory_space<hbm>>
          %dma_start3A_437 = tpu.memref_squeeze %dma_start3A_436 : memref<1x1x2x128xi32, #tpu.memory_space<hbm>> -> memref<2x128xi32, #tpu.memory_space<hbm>>
          %dma_start3A_438 = arith.constant 0 : i32
          %dma_start3A_439 = arith.constant 0 : i32
          %dma_start3A_440 = tpu.memref_slice %arg4[%arg1, %add3A_433, %dma_start3A_438, %dma_start3A_439] : memref<16x80x2x128xi32, #tpu.memory_space<hbm>> -> memref<1x1x2x128xi32, #tpu.memory_space<hbm>>
          %dma_start3A_441 = tpu.memref_squeeze %dma_start3A_440 : memref<1x1x2x128xi32, #tpu.memory_space<hbm>> -> memref<2x128xi32, #tpu.memory_space<hbm>>
          tpu.enqueue_dma source(%dma_start3A_441 : memref<2x128xi32, #tpu.memory_space<hbm>>) target(%arg9 : memref<2x128xi32, #tpu.memory_space<vmem>>) target_semaphore(%arg13 : memref<!tpu.dma_semaphore, #tpu.memory_space<semaphore_mem>>)
        } else {
        }
        %add3A_401 = arith.constant 2 : i32
        %add3A_402 = arith.addi %add3A_385, %add3A_401 : i32
        %lt3A_403 = arith.constant 80 : i32
        %lt3A_404 = arith.cmpi slt, %add3A_402, %lt3A_403 : i32
        %convert_element_type3A_405 = arith.extui %lt3A_404 : i1 to i32
        %cond3A_406 = arith.constant 0 : i32
        %cond3A_407 = arith.cmpi ne, %convert_element_type3A_405, %cond3A_406 : i32
        scf.if %cond3A_407 {
          %add3A_432 = arith.constant 2 : i32
          %add3A_433 = arith.addi %add3A_385, %add3A_432 : i32
          %dma_wait3A_434 = arith.constant 0 : i32
          %dma_wait3A_435 = arith.constant 0 : i32
          %dma_wait3A_436 = tpu.memref_slice %arg4[%arg1, %add3A_433, %dma_wait3A_434, %dma_wait3A_435] : memref<16x80x2x128xi32, #tpu.memory_space<hbm>> -> memref<1x1x2x128xi32, #tpu.memory_space<hbm>>
          %dma_wait3A_437 = tpu.memref_squeeze %dma_wait3A_436 : memref<1x1x2x128xi32, #tpu.memory_space<hbm>> -> memref<2x128xi32, #tpu.memory_space<hbm>>
          %dma_wait3A_438 = arith.constant 0 : i32
          %dma_wait3A_439 = arith.constant 0 : i32
          %dma_wait3A_440 = tpu.memref_slice %arg4[%arg1, %add3A_433, %dma_wait3A_438, %dma_wait3A_439] : memref<16x80x2x128xi32, #tpu.memory_space<hbm>> -> memref<1x1x2x128xi32, #tpu.memory_space<hbm>>
          %dma_wait3A_441 = tpu.memref_squeeze %dma_wait3A_440 : memref<1x1x2x128xi32, #tpu.memory_space<hbm>> -> memref<2x128xi32, #tpu.memory_space<hbm>>
          tpu.wait_dma2 semaphore(%arg11 : memref<!tpu.dma_semaphore, #tpu.memory_space<semaphore_mem>>) src(%dma_wait3A_441 : memref<2x128xi32, #tpu.memory_space<hbm>>) dst(%arg7 : memref<2x128xi32, #tpu.memory_space<vmem>>)
          %dma_start3A_442 = arith.constant 0 : i32
          %dma_start3A_443 = arith.constant 0 : i32
          %dma_start3A_444 = tpu.memref_slice %arg7[%dma_start3A_442, %dma_start3A_443] : memref<2x128xi32, #tpu.memory_space<vmem>> -> memref<1x128xi32, #tpu.memory_space<vmem>>
          %dma_start3A_445 = tpu.memref_squeeze %dma_start3A_444 : memref<1x128xi32, #tpu.memory_space<vmem>> -> memref<128xi32, #tpu.memory_space<vmem>>
          %dma_start3A_446 = arith.constant 0 : i32
          %dma_start3A_447 = arith.constant 0 : i32
          %dma_start3A_448 = tpu.memref_slice %arg2[%dma_start3A_446, %dma_start3A_447] : memref<10000x128xbf16, #tpu.memory_space<hbm>> -> memref<10000x128xbf16, #tpu.memory_space<hbm>>
          tpu.enqueue_indirect_dma source(%dma_start3A_448 : memref<10000x128xbf16, #tpu.memory_space<hbm>>) target(%arg15 : memref<128x128xbf16, #tpu.memory_space<vmem>>) offsets(%dma_start3A_445 : memref<128xi32, #tpu.memory_space<vmem>>) semaphore(%arg17 : memref<!tpu.dma_semaphore, #tpu.memory_space<semaphore_mem>>)
        } else {
        }
        %add3A_408 = arith.constant 3 : i32
        %add3A_409 = arith.addi %add3A_337, %add3A_408 : i32
        %dma_wait3A_410 = arith.constant 0 : i32
        %dma_wait3A_411 = arith.constant 0 : i32
        %dma_wait3A_412 = tpu.memref_slice %arg10[%dma_wait3A_410, %dma_wait3A_411] : memref<2x128xi32, #tpu.memory_space<vmem>> -> memref<1x128xi32, #tpu.memory_space<vmem>>
        %dma_wait3A_413 = tpu.memref_squeeze %dma_wait3A_412 : memref<1x128xi32, #tpu.memory_space<vmem>> -> memref<128xi32, #tpu.memory_space<vmem>>
        %dma_wait3A_414 = arith.constant 0 : i32
        %dma_wait3A_415 = arith.constant 0 : i32
        %dma_wait3A_416 = tpu.memref_slice %arg2[%dma_wait3A_414, %dma_wait3A_415] : memref<10000x128xbf16, #tpu.memory_space<hbm>> -> memref<10000x128xbf16, #tpu.memory_space<hbm>>
        tpu.wait_indirect_dma semaphore(%arg18 : memref<!tpu.dma_semaphore, #tpu.memory_space<semaphore_mem>>) src(%dma_wait3A_416 : memref<10000x128xbf16, #tpu.memory_space<hbm>>) dst(%arg16 : memref<128x128xbf16, #tpu.memory_space<vmem>>)
        %run_scoped3A_417 = arith.constant 1 : i32
        "tpu.region"() ({
          %run_scoped3A_432 = tpu.sem_alloc : memref<!tpu.dma_semaphore, #tpu.memory_space<semaphore_mem>>
          %dma_start3A_433 = arith.constant 0 : i32
          %dma_start3A_434 = tpu.memref_slice %arg10[%run_scoped3A_417, %dma_start3A_433] : memref<2x128xi32, #tpu.memory_space<vmem>> -> memref<1x128xi32, #tpu.memory_space<vmem>>
          %dma_start3A_435 = tpu.memref_squeeze %dma_start3A_434 : memref<1x128xi32, #tpu.memory_space<vmem>> -> memref<128xi32, #tpu.memory_space<vmem>>
          %dma_start3A_436 = arith.constant 0 : i32
          %dma_start3A_437 = arith.constant 0 : i32
          %dma_start3A_438 = tpu.memref_slice %arg21[%dma_start3A_436, %dma_start3A_437] : memref<10240x128xbf16, #tpu.memory_space<vmem_shared>> -> memref<10240x128xbf16, #tpu.memory_space<vmem_shared>>
          tpu.enqueue_indirect_dma source(%arg16 : memref<128x128xbf16, #tpu.memory_space<vmem>>) target(%dma_start3A_438 : memref<10240x128xbf16, #tpu.memory_space<vmem_shared>>) offsets(%dma_start3A_435 : memref<128xi32, #tpu.memory_space<vmem>>) semaphore(%run_scoped3A_432 : memref<!tpu.dma_semaphore, #tpu.memory_space<semaphore_mem>>) {add = true}
          %dma_wait3A_439 = arith.constant 0 : i32
          %dma_wait3A_440 = tpu.memref_slice %arg10[%run_scoped3A_417, %dma_wait3A_439] : memref<2x128xi32, #tpu.memory_space<vmem>> -> memref<1x128xi32, #tpu.memory_space<vmem>>
          %dma_wait3A_441 = tpu.memref_squeeze %dma_wait3A_440 : memref<1x128xi32, #tpu.memory_space<vmem>> -> memref<128xi32, #tpu.memory_space<vmem>>
          %dma_wait3A_442 = arith.constant 0 : i32
          %dma_wait3A_443 = arith.constant 0 : i32
          %dma_wait3A_444 = tpu.memref_slice %arg21[%dma_wait3A_442, %dma_wait3A_443] : memref<10240x128xbf16, #tpu.memory_space<vmem_shared>> -> memref<10240x128xbf16, #tpu.memory_space<vmem_shared>>
          tpu.wait_indirect_dma semaphore(%run_scoped3A_432 : memref<!tpu.dma_semaphore, #tpu.memory_space<semaphore_mem>>) src(%arg16 : memref<128x128xbf16, #tpu.memory_space<vmem>>) dst(%dma_wait3A_444 : memref<10240x128xbf16, #tpu.memory_space<vmem_shared>>)
          tpu.yield
        }) : () -> ()
        %add3A_418 = arith.constant 4 : i32
        %add3A_419 = arith.addi %add3A_409, %add3A_418 : i32
        %lt3A_420 = arith.constant 80 : i32
        %lt3A_421 = arith.cmpi slt, %add3A_419, %lt3A_420 : i32
        %convert_element_type3A_422 = arith.extui %lt3A_421 : i1 to i32
        %cond3A_423 = arith.constant 0 : i32
        %cond3A_424 = arith.cmpi ne, %convert_element_type3A_422, %cond3A_423 : i32
        scf.if %cond3A_424 {
          %add3A_432 = arith.constant 4 : i32
          %add3A_433 = arith.addi %add3A_409, %add3A_432 : i32
          %dma_start3A_434 = arith.constant 0 : i32
          %dma_start3A_435 = arith.constant 0 : i32
          %dma_start3A_436 = tpu.memref_slice %arg4[%arg1, %add3A_433, %dma_start3A_434, %dma_start3A_435] : memref<16x80x2x128xi32, #tpu.memory_space<hbm>> -> memref<1x1x2x128xi32, #tpu.memory_space<hbm>>
          %dma_start3A_437 = tpu.memref_squeeze %dma_start3A_436 : memref<1x1x2x128xi32, #tpu.memory_space<hbm>> -> memref<2x128xi32, #tpu.memory_space<hbm>>
          %dma_start3A_438 = arith.constant 0 : i32
          %dma_start3A_439 = arith.constant 0 : i32
          %dma_start3A_440 = tpu.memref_slice %arg4[%arg1, %add3A_433, %dma_start3A_438, %dma_start3A_439] : memref<16x80x2x128xi32, #tpu.memory_space<hbm>> -> memref<1x1x2x128xi32, #tpu.memory_space<hbm>>
          %dma_start3A_441 = tpu.memref_squeeze %dma_start3A_440 : memref<1x1x2x128xi32, #tpu.memory_space<hbm>> -> memref<2x128xi32, #tpu.memory_space<hbm>>
          tpu.enqueue_dma source(%dma_start3A_441 : memref<2x128xi32, #tpu.memory_space<hbm>>) target(%arg10 : memref<2x128xi32, #tpu.memory_space<vmem>>) target_semaphore(%arg14 : memref<!tpu.dma_semaphore, #tpu.memory_space<semaphore_mem>>)
        } else {
        }
        %add3A_425 = arith.constant 2 : i32
        %add3A_426 = arith.addi %add3A_409, %add3A_425 : i32
        %lt3A_427 = arith.constant 80 : i32
        %lt3A_428 = arith.cmpi slt, %add3A_426, %lt3A_427 : i32
        %convert_element_type3A_429 = arith.extui %lt3A_428 : i1 to i32
        %cond3A_430 = arith.constant 0 : i32
        %cond3A_431 = arith.cmpi ne, %convert_element_type3A_429, %cond3A_430 : i32
        scf.if %cond3A_431 {
          %add3A_432 = arith.constant 2 : i32
          %add3A_433 = arith.addi %add3A_409, %add3A_432 : i32
          %dma_wait3A_434 = arith.constant 0 : i32
          %dma_wait3A_435 = arith.constant 0 : i32
          %dma_wait3A_436 = tpu.memref_slice %arg4[%arg1, %add3A_433, %dma_wait3A_434, %dma_wait3A_435] : memref<16x80x2x128xi32, #tpu.memory_space<hbm>> -> memref<1x1x2x128xi32, #tpu.memory_space<hbm>>
          %dma_wait3A_437 = tpu.memref_squeeze %dma_wait3A_436 : memref<1x1x2x128xi32, #tpu.memory_space<hbm>> -> memref<2x128xi32, #tpu.memory_space<hbm>>
          %dma_wait3A_438 = arith.constant 0 : i32
          %dma_wait3A_439 = arith.constant 0 : i32
          %dma_wait3A_440 = tpu.memref_slice %arg4[%arg1, %add3A_433, %dma_wait3A_438, %dma_wait3A_439] : memref<16x80x2x128xi32, #tpu.memory_space<hbm>> -> memref<1x1x2x128xi32, #tpu.memory_space<hbm>>
          %dma_wait3A_441 = tpu.memref_squeeze %dma_wait3A_440 : memref<1x1x2x128xi32, #tpu.memory_space<hbm>> -> memref<2x128xi32, #tpu.memory_space<hbm>>
          tpu.wait_dma2 semaphore(%arg12 : memref<!tpu.dma_semaphore, #tpu.memory_space<semaphore_mem>>) src(%dma_wait3A_441 : memref<2x128xi32, #tpu.memory_space<hbm>>) dst(%arg8 : memref<2x128xi32, #tpu.memory_space<vmem>>)
          %dma_start3A_442 = arith.constant 0 : i32
          %dma_start3A_443 = arith.constant 0 : i32
          %dma_start3A_444 = tpu.memref_slice %arg8[%dma_start3A_442, %dma_start3A_443] : memref<2x128xi32, #tpu.memory_space<vmem>> -> memref<1x128xi32, #tpu.memory_space<vmem>>
          %dma_start3A_445 = tpu.memref_squeeze %dma_start3A_444 : memref<1x128xi32, #tpu.memory_space<vmem>> -> memref<128xi32, #tpu.memory_space<vmem>>
          %dma_start3A_446 = arith.constant 0 : i32
          %dma_start3A_447 = arith.constant 0 : i32
          %dma_start3A_448 = tpu.memref_slice %arg2[%dma_start3A_446, %dma_start3A_447] : memref<10000x128xbf16, #tpu.memory_space<hbm>> -> memref<10000x128xbf16, #tpu.memory_space<hbm>>
          tpu.enqueue_indirect_dma source(%dma_start3A_448 : memref<10000x128xbf16, #tpu.memory_space<hbm>>) target(%arg16 : memref<128x128xbf16, #tpu.memory_space<vmem>>) offsets(%dma_start3A_445 : memref<128xi32, #tpu.memory_space<vmem>>) semaphore(%arg18 : memref<!tpu.dma_semaphore, #tpu.memory_space<semaphore_mem>>)
        } else {
        }
      }
      %scan3A_332 = arith.constant 20 : i32
    } else {
    }
    %eq3A_280 = arith.constant 1 : i32
    %eq3A_281 = arith.cmpi eq, %arg0, %eq3A_280 : i32
    %convert_element_type3A_282 = arith.extui %eq3A_281 : i1 to i32
    %cond3A_283 = arith.constant 0 : i32
    %cond3A_284 = arith.cmpi ne, %convert_element_type3A_282, %cond3A_283 : i32
    scf.if %cond3A_284 {
      %dma_wait3A_296 = arith.constant 0 : i32
      %dma_wait3A_297 = arith.constant 0 : i32
      %dma_wait3A_298 = arith.constant 0 : i32
      %dma_wait3A_299 = tpu.memref_slice %arg4[%arg1, %dma_wait3A_296, %dma_wait3A_297, %dma_wait3A_298] : memref<16x80x2x128xi32, #tpu.memory_space<hbm>> -> memref<1x1x2x128xi32, #tpu.memory_space<hbm>>
      %dma_wait3A_300 = tpu.memref_squeeze %dma_wait3A_299 : memref<1x1x2x128xi32, #tpu.memory_space<hbm>> -> memref<2x128xi32, #tpu.memory_space<hbm>>
      %dma_wait3A_301 = arith.constant 0 : i32
      %dma_wait3A_302 = arith.constant 0 : i32
      %dma_wait3A_303 = tpu.memref_slice %arg4[%arg1, %dma_wait3A_296, %dma_wait3A_301, %dma_wait3A_302] : memref<16x80x2x128xi32, #tpu.memory_space<hbm>> -> memref<1x1x2x128xi32, #tpu.memory_space<hbm>>
      %dma_wait3A_304 = tpu.memref_squeeze %dma_wait3A_303 : memref<1x1x2x128xi32, #tpu.memory_space<hbm>> -> memref<2x128xi32, #tpu.memory_space<hbm>>
      tpu.wait_dma2 semaphore(%arg11 : memref<!tpu.dma_semaphore, #tpu.memory_space<semaphore_mem>>) src(%dma_wait3A_304 : memref<2x128xi32, #tpu.memory_space<hbm>>) dst(%arg7 : memref<2x128xi32, #tpu.memory_space<vmem>>)
      %dma_start3A_305 = arith.constant 0 : i32
      %dma_start3A_306 = arith.constant 0 : i32
      %dma_start3A_307 = tpu.memref_slice %arg7[%dma_start3A_305, %dma_start3A_306] : memref<2x128xi32, #tpu.memory_space<vmem>> -> memref<1x128xi32, #tpu.memory_space<vmem>>
      %dma_start3A_308 = tpu.memref_squeeze %dma_start3A_307 : memref<1x128xi32, #tpu.memory_space<vmem>> -> memref<128xi32, #tpu.memory_space<vmem>>
      %dma_start3A_309 = arith.constant 0 : i32
      %dma_start3A_310 = arith.constant 0 : i32
      %dma_start3A_311 = tpu.memref_slice %arg3[%dma_start3A_309, %dma_start3A_310] : memref<10000x128xbf16, #tpu.memory_space<hbm>> -> memref<10000x128xbf16, #tpu.memory_space<hbm>>
      tpu.enqueue_indirect_dma source(%dma_start3A_311 : memref<10000x128xbf16, #tpu.memory_space<hbm>>) target(%arg15 : memref<128x128xbf16, #tpu.memory_space<vmem>>) offsets(%dma_start3A_308 : memref<128xi32, #tpu.memory_space<vmem>>) semaphore(%arg17 : memref<!tpu.dma_semaphore, #tpu.memory_space<semaphore_mem>>)
      %dma_wait3A_312 = arith.constant 1 : i32
      %dma_wait3A_313 = arith.constant 0 : i32
      %dma_wait3A_314 = arith.constant 0 : i32
      %dma_wait3A_315 = tpu.memref_slice %arg4[%arg1, %dma_wait3A_312, %dma_wait3A_313, %dma_wait3A_314] : memref<16x80x2x128xi32, #tpu.memory_space<hbm>> -> memref<1x1x2x128xi32, #tpu.memory_space<hbm>>
      %dma_wait3A_316 = tpu.memref_squeeze %dma_wait3A_315 : memref<1x1x2x128xi32, #tpu.memory_space<hbm>> -> memref<2x128xi32, #tpu.memory_space<hbm>>
      %dma_wait3A_317 = arith.constant 0 : i32
      %dma_wait3A_318 = arith.constant 0 : i32
      %dma_wait3A_319 = tpu.memref_slice %arg4[%arg1, %dma_wait3A_312, %dma_wait3A_317, %dma_wait3A_318] : memref<16x80x2x128xi32, #tpu.memory_space<hbm>> -> memref<1x1x2x128xi32, #tpu.memory_space<hbm>>
      %dma_wait3A_320 = tpu.memref_squeeze %dma_wait3A_319 : memref<1x1x2x128xi32, #tpu.memory_space<hbm>> -> memref<2x128xi32, #tpu.memory_space<hbm>>
      tpu.wait_dma2 semaphore(%arg12 : memref<!tpu.dma_semaphore, #tpu.memory_space<semaphore_mem>>) src(%dma_wait3A_320 : memref<2x128xi32, #tpu.memory_space<hbm>>) dst(%arg8 : memref<2x128xi32, #tpu.memory_space<vmem>>)
      %dma_start3A_321 = arith.constant 0 : i32
      %dma_start3A_322 = arith.constant 0 : i32
      %dma_start3A_323 = tpu.memref_slice %arg8[%dma_start3A_321, %dma_start3A_322] : memref<2x128xi32, #tpu.memory_space<vmem>> -> memref<1x128xi32, #tpu.memory_space<vmem>>
      %dma_start3A_324 = tpu.memref_squeeze %dma_start3A_323 : memref<1x128xi32, #tpu.memory_space<vmem>> -> memref<128xi32, #tpu.memory_space<vmem>>
      %dma_start3A_325 = arith.constant 0 : i32
      %dma_start3A_326 = arith.constant 0 : i32
      %dma_start3A_327 = tpu.memref_slice %arg3[%dma_start3A_325, %dma_start3A_326] : memref<10000x128xbf16, #tpu.memory_space<hbm>> -> memref<10000x128xbf16, #tpu.memory_space<hbm>>
      tpu.enqueue_indirect_dma source(%dma_start3A_327 : memref<10000x128xbf16, #tpu.memory_space<hbm>>) target(%arg16 : memref<128x128xbf16, #tpu.memory_space<vmem>>) offsets(%dma_start3A_324 : memref<128xi32, #tpu.memory_space<vmem>>) semaphore(%arg18 : memref<!tpu.dma_semaphore, #tpu.memory_space<semaphore_mem>>)
      %scan3A_328 = arith.constant 0 : i32
      %scan3A_329 = arith.constant 20 : i32
      %scan3A_330 = arith.addi %scan3A_328, %scan3A_329 : i32
      %scan3A_331 = arith.constant 1 : i32
      scf.for %scan3A_333 = %scan3A_328 to %scan3A_330 step %scan3A_331  : i32 {
        %mul3A_334 = arith.constant 4 : i32
        %mul3A_335 = arith.muli %scan3A_333, %mul3A_334 : i32
        %add3A_336 = arith.constant 0 : i32
        %add3A_337 = arith.addi %add3A_336, %mul3A_335 : i32
        %add3A_338 = arith.constant 0 : i32
        %add3A_339 = arith.addi %add3A_337, %add3A_338 : i32
        %dma_wait3A_340 = arith.constant 0 : i32
        %dma_wait3A_341 = arith.constant 0 : i32
        %dma_wait3A_342 = tpu.memref_slice %arg7[%dma_wait3A_340, %dma_wait3A_341] : memref<2x128xi32, #tpu.memory_space<vmem>> -> memref<1x128xi32, #tpu.memory_space<vmem>>
        %dma_wait3A_343 = tpu.memref_squeeze %dma_wait3A_342 : memref<1x128xi32, #tpu.memory_space<vmem>> -> memref<128xi32, #tpu.memory_space<vmem>>
        %dma_wait3A_344 = arith.constant 0 : i32
        %dma_wait3A_345 = arith.constant 0 : i32
        %dma_wait3A_346 = tpu.memref_slice %arg3[%dma_wait3A_344, %dma_wait3A_345] : memref<10000x128xbf16, #tpu.memory_space<hbm>> -> memref<10000x128xbf16, #tpu.memory_space<hbm>>
        tpu.wait_indirect_dma semaphore(%arg17 : memref<!tpu.dma_semaphore, #tpu.memory_space<semaphore_mem>>) src(%dma_wait3A_346 : memref<10000x128xbf16, #tpu.memory_space<hbm>>) dst(%arg15 : memref<128x128xbf16, #tpu.memory_space<vmem>>)
        %run_scoped3A = arith.constant 1 : i32
        "tpu.region"() ({
          %run_scoped3A_432 = tpu.sem_alloc : memref<!tpu.dma_semaphore, #tpu.memory_space<semaphore_mem>>
          %dma_start3A_433 = arith.constant 0 : i32
          %dma_start3A_434 = tpu.memref_slice %arg7[%run_scoped3A, %dma_start3A_433] : memref<2x128xi32, #tpu.memory_space<vmem>> -> memref<1x128xi32, #tpu.memory_space<vmem>>
          %dma_start3A_435 = tpu.memref_squeeze %dma_start3A_434 : memref<1x128xi32, #tpu.memory_space<vmem>> -> memref<128xi32, #tpu.memory_space<vmem>>
          %dma_start3A_436 = arith.constant 0 : i32
          %dma_start3A_437 = arith.constant 0 : i32
          %dma_start3A_438 = tpu.memref_slice %arg21[%dma_start3A_436, %dma_start3A_437] : memref<10240x128xbf16, #tpu.memory_space<vmem_shared>> -> memref<10240x128xbf16, #tpu.memory_space<vmem_shared>>
          tpu.enqueue_indirect_dma source(%arg15 : memref<128x128xbf16, #tpu.memory_space<vmem>>) target(%dma_start3A_438 : memref<10240x128xbf16, #tpu.memory_space<vmem_shared>>) offsets(%dma_start3A_435 : memref<128xi32, #tpu.memory_space<vmem>>) semaphore(%run_scoped3A_432 : memref<!tpu.dma_semaphore, #tpu.memory_space<semaphore_mem>>) {add = true}
          %dma_wait3A_439 = arith.constant 0 : i32
          %dma_wait3A_440 = tpu.memref_slice %arg7[%run_scoped3A, %dma_wait3A_439] : memref<2x128xi32, #tpu.memory_space<vmem>> -> memref<1x128xi32, #tpu.memory_space<vmem>>
          %dma_wait3A_441 = tpu.memref_squeeze %dma_wait3A_440 : memref<1x128xi32, #tpu.memory_space<vmem>> -> memref<128xi32, #tpu.memory_space<vmem>>
          %dma_wait3A_442 = arith.constant 0 : i32
          %dma_wait3A_443 = arith.constant 0 : i32
          %dma_wait3A_444 = tpu.memref_slice %arg21[%dma_wait3A_442, %dma_wait3A_443] : memref<10240x128xbf16, #tpu.memory_space<vmem_shared>> -> memref<10240x128xbf16, #tpu.memory_space<vmem_shared>>
          tpu.wait_indirect_dma semaphore(%run_scoped3A_432 : memref<!tpu.dma_semaphore, #tpu.memory_space<semaphore_mem>>) src(%arg15 : memref<128x128xbf16, #tpu.memory_space<vmem>>) dst(%dma_wait3A_444 : memref<10240x128xbf16, #tpu.memory_space<vmem_shared>>)
          tpu.yield
        }) : () -> ()
        %add3A_347 = arith.constant 4 : i32
        %add3A_348 = arith.addi %add3A_339, %add3A_347 : i32
        %lt3A = arith.constant 80 : i32
        %lt3A_349 = arith.cmpi slt, %add3A_348, %lt3A : i32
        %convert_element_type3A_350 = arith.extui %lt3A_349 : i1 to i32
        %cond3A_351 = arith.constant 0 : i32
        %cond3A_352 = arith.cmpi ne, %convert_element_type3A_350, %cond3A_351 : i32
        scf.if %cond3A_352 {
          %add3A_432 = arith.constant 4 : i32
          %add3A_433 = arith.addi %add3A_339, %add3A_432 : i32
          %dma_start3A_434 = arith.constant 0 : i32
          %dma_start3A_435 = arith.constant 0 : i32
          %dma_start3A_436 = tpu.memref_slice %arg4[%arg1, %add3A_433, %dma_start3A_434, %dma_start3A_435] : memref<16x80x2x128xi32, #tpu.memory_space<hbm>> -> memref<1x1x2x128xi32, #tpu.memory_space<hbm>>
          %dma_start3A_437 = tpu.memref_squeeze %dma_start3A_436 : memref<1x1x2x128xi32, #tpu.memory_space<hbm>> -> memref<2x128xi32, #tpu.memory_space<hbm>>
          %dma_start3A_438 = arith.constant 0 : i32
          %dma_start3A_439 = arith.constant 0 : i32
          %dma_start3A_440 = tpu.memref_slice %arg4[%arg1, %add3A_433, %dma_start3A_438, %dma_start3A_439] : memref<16x80x2x128xi32, #tpu.memory_space<hbm>> -> memref<1x1x2x128xi32, #tpu.memory_space<hbm>>
          %dma_start3A_441 = tpu.memref_squeeze %dma_start3A_440 : memref<1x1x2x128xi32, #tpu.memory_space<hbm>> -> memref<2x128xi32, #tpu.memory_space<hbm>>
          tpu.enqueue_dma source(%dma_start3A_441 : memref<2x128xi32, #tpu.memory_space<hbm>>) target(%arg7 : memref<2x128xi32, #tpu.memory_space<vmem>>) target_semaphore(%arg11 : memref<!tpu.dma_semaphore, #tpu.memory_space<semaphore_mem>>)
        } else {
        }
        %add3A_353 = arith.constant 2 : i32
        %add3A_354 = arith.addi %add3A_339, %add3A_353 : i32
        %lt3A_355 = arith.constant 80 : i32
        %lt3A_356 = arith.cmpi slt, %add3A_354, %lt3A_355 : i32
        %convert_element_type3A_357 = arith.extui %lt3A_356 : i1 to i32
        %cond3A_358 = arith.constant 0 : i32
        %cond3A_359 = arith.cmpi ne, %convert_element_type3A_357, %cond3A_358 : i32
        scf.if %cond3A_359 {
          %add3A_432 = arith.constant 2 : i32
          %add3A_433 = arith.addi %add3A_339, %add3A_432 : i32
          %dma_wait3A_434 = arith.constant 0 : i32
          %dma_wait3A_435 = arith.constant 0 : i32
          %dma_wait3A_436 = tpu.memref_slice %arg4[%arg1, %add3A_433, %dma_wait3A_434, %dma_wait3A_435] : memref<16x80x2x128xi32, #tpu.memory_space<hbm>> -> memref<1x1x2x128xi32, #tpu.memory_space<hbm>>
          %dma_wait3A_437 = tpu.memref_squeeze %dma_wait3A_436 : memref<1x1x2x128xi32, #tpu.memory_space<hbm>> -> memref<2x128xi32, #tpu.memory_space<hbm>>
          %dma_wait3A_438 = arith.constant 0 : i32
          %dma_wait3A_439 = arith.constant 0 : i32
          %dma_wait3A_440 = tpu.memref_slice %arg4[%arg1, %add3A_433, %dma_wait3A_438, %dma_wait3A_439] : memref<16x80x2x128xi32, #tpu.memory_space<hbm>> -> memref<1x1x2x128xi32, #tpu.memory_space<hbm>>
          %dma_wait3A_441 = tpu.memref_squeeze %dma_wait3A_440 : memref<1x1x2x128xi32, #tpu.memory_space<hbm>> -> memref<2x128xi32, #tpu.memory_space<hbm>>
          tpu.wait_dma2 semaphore(%arg13 : memref<!tpu.dma_semaphore, #tpu.memory_space<semaphore_mem>>) src(%dma_wait3A_441 : memref<2x128xi32, #tpu.memory_space<hbm>>) dst(%arg9 : memref<2x128xi32, #tpu.memory_space<vmem>>)
          %dma_start3A_442 = arith.constant 0 : i32
          %dma_start3A_443 = arith.constant 0 : i32
          %dma_start3A_444 = tpu.memref_slice %arg9[%dma_start3A_442, %dma_start3A_443] : memref<2x128xi32, #tpu.memory_space<vmem>> -> memref<1x128xi32, #tpu.memory_space<vmem>>
          %dma_start3A_445 = tpu.memref_squeeze %dma_start3A_444 : memref<1x128xi32, #tpu.memory_space<vmem>> -> memref<128xi32, #tpu.memory_space<vmem>>
          %dma_start3A_446 = arith.constant 0 : i32
          %dma_start3A_447 = arith.constant 0 : i32
          %dma_start3A_448 = tpu.memref_slice %arg3[%dma_start3A_446, %dma_start3A_447] : memref<10000x128xbf16, #tpu.memory_space<hbm>> -> memref<10000x128xbf16, #tpu.memory_space<hbm>>
          tpu.enqueue_indirect_dma source(%dma_start3A_448 : memref<10000x128xbf16, #tpu.memory_space<hbm>>) target(%arg15 : memref<128x128xbf16, #tpu.memory_space<vmem>>) offsets(%dma_start3A_445 : memref<128xi32, #tpu.memory_space<vmem>>) semaphore(%arg17 : memref<!tpu.dma_semaphore, #tpu.memory_space<semaphore_mem>>)
        } else {
        }
        %add3A_360 = arith.constant 1 : i32
        %add3A_361 = arith.addi %add3A_337, %add3A_360 : i32
        %dma_wait3A_362 = arith.constant 0 : i32
        %dma_wait3A_363 = arith.constant 0 : i32
        %dma_wait3A_364 = tpu.memref_slice %arg8[%dma_wait3A_362, %dma_wait3A_363] : memref<2x128xi32, #tpu.memory_space<vmem>> -> memref<1x128xi32, #tpu.memory_space<vmem>>
        %dma_wait3A_365 = tpu.memref_squeeze %dma_wait3A_364 : memref<1x128xi32, #tpu.memory_space<vmem>> -> memref<128xi32, #tpu.memory_space<vmem>>
        %dma_wait3A_366 = arith.constant 0 : i32
        %dma_wait3A_367 = arith.constant 0 : i32
        %dma_wait3A_368 = tpu.memref_slice %arg3[%dma_wait3A_366, %dma_wait3A_367] : memref<10000x128xbf16, #tpu.memory_space<hbm>> -> memref<10000x128xbf16, #tpu.memory_space<hbm>>
        tpu.wait_indirect_dma semaphore(%arg18 : memref<!tpu.dma_semaphore, #tpu.memory_space<semaphore_mem>>) src(%dma_wait3A_368 : memref<10000x128xbf16, #tpu.memory_space<hbm>>) dst(%arg16 : memref<128x128xbf16, #tpu.memory_space<vmem>>)
        %run_scoped3A_369 = arith.constant 1 : i32
        "tpu.region"() ({
          %run_scoped3A_432 = tpu.sem_alloc : memref<!tpu.dma_semaphore, #tpu.memory_space<semaphore_mem>>
          %dma_start3A_433 = arith.constant 0 : i32
          %dma_start3A_434 = tpu.memref_slice %arg8[%run_scoped3A_369, %dma_start3A_433] : memref<2x128xi32, #tpu.memory_space<vmem>> -> memref<1x128xi32, #tpu.memory_space<vmem>>
          %dma_start3A_435 = tpu.memref_squeeze %dma_start3A_434 : memref<1x128xi32, #tpu.memory_space<vmem>> -> memref<128xi32, #tpu.memory_space<vmem>>
          %dma_start3A_436 = arith.constant 0 : i32
          %dma_start3A_437 = arith.constant 0 : i32
          %dma_start3A_438 = tpu.memref_slice %arg21[%dma_start3A_436, %dma_start3A_437] : memref<10240x128xbf16, #tpu.memory_space<vmem_shared>> -> memref<10240x128xbf16, #tpu.memory_space<vmem_shared>>
          tpu.enqueue_indirect_dma source(%arg16 : memref<128x128xbf16, #tpu.memory_space<vmem>>) target(%dma_start3A_438 : memref<10240x128xbf16, #tpu.memory_space<vmem_shared>>) offsets(%dma_start3A_435 : memref<128xi32, #tpu.memory_space<vmem>>) semaphore(%run_scoped3A_432 : memref<!tpu.dma_semaphore, #tpu.memory_space<semaphore_mem>>) {add = true}
          %dma_wait3A_439 = arith.constant 0 : i32
          %dma_wait3A_440 = tpu.memref_slice %arg8[%run_scoped3A_369, %dma_wait3A_439] : memref<2x128xi32, #tpu.memory_space<vmem>> -> memref<1x128xi32, #tpu.memory_space<vmem>>
          %dma_wait3A_441 = tpu.memref_squeeze %dma_wait3A_440 : memref<1x128xi32, #tpu.memory_space<vmem>> -> memref<128xi32, #tpu.memory_space<vmem>>
          %dma_wait3A_442 = arith.constant 0 : i32
          %dma_wait3A_443 = arith.constant 0 : i32
          %dma_wait3A_444 = tpu.memref_slice %arg21[%dma_wait3A_442, %dma_wait3A_443] : memref<10240x128xbf16, #tpu.memory_space<vmem_shared>> -> memref<10240x128xbf16, #tpu.memory_space<vmem_shared>>
          tpu.wait_indirect_dma semaphore(%run_scoped3A_432 : memref<!tpu.dma_semaphore, #tpu.memory_space<semaphore_mem>>) src(%arg16 : memref<128x128xbf16, #tpu.memory_space<vmem>>) dst(%dma_wait3A_444 : memref<10240x128xbf16, #tpu.memory_space<vmem_shared>>)
          tpu.yield
        }) : () -> ()
        %add3A_370 = arith.constant 4 : i32
        %add3A_371 = arith.addi %add3A_361, %add3A_370 : i32
        %lt3A_372 = arith.constant 80 : i32
        %lt3A_373 = arith.cmpi slt, %add3A_371, %lt3A_372 : i32
        %convert_element_type3A_374 = arith.extui %lt3A_373 : i1 to i32
        %cond3A_375 = arith.constant 0 : i32
        %cond3A_376 = arith.cmpi ne, %convert_element_type3A_374, %cond3A_375 : i32
        scf.if %cond3A_376 {
          %add3A_432 = arith.constant 4 : i32
          %add3A_433 = arith.addi %add3A_361, %add3A_432 : i32
          %dma_start3A_434 = arith.constant 0 : i32
          %dma_start3A_435 = arith.constant 0 : i32
          %dma_start3A_436 = tpu.memref_slice %arg4[%arg1, %add3A_433, %dma_start3A_434, %dma_start3A_435] : memref<16x80x2x128xi32, #tpu.memory_space<hbm>> -> memref<1x1x2x128xi32, #tpu.memory_space<hbm>>
          %dma_start3A_437 = tpu.memref_squeeze %dma_start3A_436 : memref<1x1x2x128xi32, #tpu.memory_space<hbm>> -> memref<2x128xi32, #tpu.memory_space<hbm>>
          %dma_start3A_438 = arith.constant 0 : i32
          %dma_start3A_439 = arith.constant 0 : i32
          %dma_start3A_440 = tpu.memref_slice %arg4[%arg1, %add3A_433, %dma_start3A_438, %dma_start3A_439] : memref<16x80x2x128xi32, #tpu.memory_space<hbm>> -> memref<1x1x2x128xi32, #tpu.memory_space<hbm>>
          %dma_start3A_441 = tpu.memref_squeeze %dma_start3A_440 : memref<1x1x2x128xi32, #tpu.memory_space<hbm>> -> memref<2x128xi32, #tpu.memory_space<hbm>>
          tpu.enqueue_dma source(%dma_start3A_441 : memref<2x128xi32, #tpu.memory_space<hbm>>) target(%arg8 : memref<2x128xi32, #tpu.memory_space<vmem>>) target_semaphore(%arg12 : memref<!tpu.dma_semaphore, #tpu.memory_space<semaphore_mem>>)
        } else {
        }
        %add3A_377 = arith.constant 2 : i32
        %add3A_378 = arith.addi %add3A_361, %add3A_377 : i32
        %lt3A_379 = arith.constant 80 : i32
        %lt3A_380 = arith.cmpi slt, %add3A_378, %lt3A_379 : i32
        %convert_element_type3A_381 = arith.extui %lt3A_380 : i1 to i32
        %cond3A_382 = arith.constant 0 : i32
        %cond3A_383 = arith.cmpi ne, %convert_element_type3A_381, %cond3A_382 : i32
        scf.if %cond3A_383 {
          %add3A_432 = arith.constant 2 : i32
          %add3A_433 = arith.addi %add3A_361, %add3A_432 : i32
          %dma_wait3A_434 = arith.constant 0 : i32
          %dma_wait3A_435 = arith.constant 0 : i32
          %dma_wait3A_436 = tpu.memref_slice %arg4[%arg1, %add3A_433, %dma_wait3A_434, %dma_wait3A_435] : memref<16x80x2x128xi32, #tpu.memory_space<hbm>> -> memref<1x1x2x128xi32, #tpu.memory_space<hbm>>
          %dma_wait3A_437 = tpu.memref_squeeze %dma_wait3A_436 : memref<1x1x2x128xi32, #tpu.memory_space<hbm>> -> memref<2x128xi32, #tpu.memory_space<hbm>>
          %dma_wait3A_438 = arith.constant 0 : i32
          %dma_wait3A_439 = arith.constant 0 : i32
          %dma_wait3A_440 = tpu.memref_slice %arg4[%arg1, %add3A_433, %dma_wait3A_438, %dma_wait3A_439] : memref<16x80x2x128xi32, #tpu.memory_space<hbm>> -> memref<1x1x2x128xi32, #tpu.memory_space<hbm>>
          %dma_wait3A_441 = tpu.memref_squeeze %dma_wait3A_440 : memref<1x1x2x128xi32, #tpu.memory_space<hbm>> -> memref<2x128xi32, #tpu.memory_space<hbm>>
          tpu.wait_dma2 semaphore(%arg14 : memref<!tpu.dma_semaphore, #tpu.memory_space<semaphore_mem>>) src(%dma_wait3A_441 : memref<2x128xi32, #tpu.memory_space<hbm>>) dst(%arg10 : memref<2x128xi32, #tpu.memory_space<vmem>>)
          %dma_start3A_442 = arith.constant 0 : i32
          %dma_start3A_443 = arith.constant 0 : i32
          %dma_start3A_444 = tpu.memref_slice %arg10[%dma_start3A_442, %dma_start3A_443] : memref<2x128xi32, #tpu.memory_space<vmem>> -> memref<1x128xi32, #tpu.memory_space<vmem>>
          %dma_start3A_445 = tpu.memref_squeeze %dma_start3A_444 : memref<1x128xi32, #tpu.memory_space<vmem>> -> memref<128xi32, #tpu.memory_space<vmem>>
          %dma_start3A_446 = arith.constant 0 : i32
          %dma_start3A_447 = arith.constant 0 : i32
          %dma_start3A_448 = tpu.memref_slice %arg3[%dma_start3A_446, %dma_start3A_447] : memref<10000x128xbf16, #tpu.memory_space<hbm>> -> memref<10000x128xbf16, #tpu.memory_space<hbm>>
          tpu.enqueue_indirect_dma source(%dma_start3A_448 : memref<10000x128xbf16, #tpu.memory_space<hbm>>) target(%arg16 : memref<128x128xbf16, #tpu.memory_space<vmem>>) offsets(%dma_start3A_445 : memref<128xi32, #tpu.memory_space<vmem>>) semaphore(%arg18 : memref<!tpu.dma_semaphore, #tpu.memory_space<semaphore_mem>>)
        } else {
        }
        %add3A_384 = arith.constant 2 : i32
        %add3A_385 = arith.addi %add3A_337, %add3A_384 : i32
        %dma_wait3A_386 = arith.constant 0 : i32
        %dma_wait3A_387 = arith.constant 0 : i32
        %dma_wait3A_388 = tpu.memref_slice %arg9[%dma_wait3A_386, %dma_wait3A_387] : memref<2x128xi32, #tpu.memory_space<vmem>> -> memref<1x128xi32, #tpu.memory_space<vmem>>
        %dma_wait3A_389 = tpu.memref_squeeze %dma_wait3A_388 : memref<1x128xi32, #tpu.memory_space<vmem>> -> memref<128xi32, #tpu.memory_space<vmem>>
        %dma_wait3A_390 = arith.constant 0 : i32
        %dma_wait3A_391 = arith.constant 0 : i32
        %dma_wait3A_392 = tpu.memref_slice %arg3[%dma_wait3A_390, %dma_wait3A_391] : memref<10000x128xbf16, #tpu.memory_space<hbm>> -> memref<10000x128xbf16, #tpu.memory_space<hbm>>
        tpu.wait_indirect_dma semaphore(%arg17 : memref<!tpu.dma_semaphore, #tpu.memory_space<semaphore_mem>>) src(%dma_wait3A_392 : memref<10000x128xbf16, #tpu.memory_space<hbm>>) dst(%arg15 : memref<128x128xbf16, #tpu.memory_space<vmem>>)
        %run_scoped3A_393 = arith.constant 1 : i32
        "tpu.region"() ({
          %run_scoped3A_432 = tpu.sem_alloc : memref<!tpu.dma_semaphore, #tpu.memory_space<semaphore_mem>>
          %dma_start3A_433 = arith.constant 0 : i32
          %dma_start3A_434 = tpu.memref_slice %arg9[%run_scoped3A_393, %dma_start3A_433] : memref<2x128xi32, #tpu.memory_space<vmem>> -> memref<1x128xi32, #tpu.memory_space<vmem>>
          %dma_start3A_435 = tpu.memref_squeeze %dma_start3A_434 : memref<1x128xi32, #tpu.memory_space<vmem>> -> memref<128xi32, #tpu.memory_space<vmem>>
          %dma_start3A_436 = arith.constant 0 : i32
          %dma_start3A_437 = arith.constant 0 : i32
          %dma_start3A_438 = tpu.memref_slice %arg21[%dma_start3A_436, %dma_start3A_437] : memref<10240x128xbf16, #tpu.memory_space<vmem_shared>> -> memref<10240x128xbf16, #tpu.memory_space<vmem_shared>>
          tpu.enqueue_indirect_dma source(%arg15 : memref<128x128xbf16, #tpu.memory_space<vmem>>) target(%dma_start3A_438 : memref<10240x128xbf16, #tpu.memory_space<vmem_shared>>) offsets(%dma_start3A_435 : memref<128xi32, #tpu.memory_space<vmem>>) semaphore(%run_scoped3A_432 : memref<!tpu.dma_semaphore, #tpu.memory_space<semaphore_mem>>) {add = true}
          %dma_wait3A_439 = arith.constant 0 : i32
          %dma_wait3A_440 = tpu.memref_slice %arg9[%run_scoped3A_393, %dma_wait3A_439] : memref<2x128xi32, #tpu.memory_space<vmem>> -> memref<1x128xi32, #tpu.memory_space<vmem>>
          %dma_wait3A_441 = tpu.memref_squeeze %dma_wait3A_440 : memref<1x128xi32, #tpu.memory_space<vmem>> -> memref<128xi32, #tpu.memory_space<vmem>>
          %dma_wait3A_442 = arith.constant 0 : i32
          %dma_wait3A_443 = arith.constant 0 : i32
          %dma_wait3A_444 = tpu.memref_slice %arg21[%dma_wait3A_442, %dma_wait3A_443] : memref<10240x128xbf16, #tpu.memory_space<vmem_shared>> -> memref<10240x128xbf16, #tpu.memory_space<vmem_shared>>
          tpu.wait_indirect_dma semaphore(%run_scoped3A_432 : memref<!tpu.dma_semaphore, #tpu.memory_space<semaphore_mem>>) src(%arg15 : memref<128x128xbf16, #tpu.memory_space<vmem>>) dst(%dma_wait3A_444 : memref<10240x128xbf16, #tpu.memory_space<vmem_shared>>)
          tpu.yield
        }) : () -> ()
        %add3A_394 = arith.constant 4 : i32
        %add3A_395 = arith.addi %add3A_385, %add3A_394 : i32
        %lt3A_396 = arith.constant 80 : i32
        %lt3A_397 = arith.cmpi slt, %add3A_395, %lt3A_396 : i32
        %convert_element_type3A_398 = arith.extui %lt3A_397 : i1 to i32
        %cond3A_399 = arith.constant 0 : i32
        %cond3A_400 = arith.cmpi ne, %convert_element_type3A_398, %cond3A_399 : i32
        scf.if %cond3A_400 {
          %add3A_432 = arith.constant 4 : i32
          %add3A_433 = arith.addi %add3A_385, %add3A_432 : i32
          %dma_start3A_434 = arith.constant 0 : i32
          %dma_start3A_435 = arith.constant 0 : i32
          %dma_start3A_436 = tpu.memref_slice %arg4[%arg1, %add3A_433, %dma_start3A_434, %dma_start3A_435] : memref<16x80x2x128xi32, #tpu.memory_space<hbm>> -> memref<1x1x2x128xi32, #tpu.memory_space<hbm>>
          %dma_start3A_437 = tpu.memref_squeeze %dma_start3A_436 : memref<1x1x2x128xi32, #tpu.memory_space<hbm>> -> memref<2x128xi32, #tpu.memory_space<hbm>>
          %dma_start3A_438 = arith.constant 0 : i32
          %dma_start3A_439 = arith.constant 0 : i32
          %dma_start3A_440 = tpu.memref_slice %arg4[%arg1, %add3A_433, %dma_start3A_438, %dma_start3A_439] : memref<16x80x2x128xi32, #tpu.memory_space<hbm>> -> memref<1x1x2x128xi32, #tpu.memory_space<hbm>>
          %dma_start3A_441 = tpu.memref_squeeze %dma_start3A_440 : memref<1x1x2x128xi32, #tpu.memory_space<hbm>> -> memref<2x128xi32, #tpu.memory_space<hbm>>
          tpu.enqueue_dma source(%dma_start3A_441 : memref<2x128xi32, #tpu.memory_space<hbm>>) target(%arg9 : memref<2x128xi32, #tpu.memory_space<vmem>>) target_semaphore(%arg13 : memref<!tpu.dma_semaphore, #tpu.memory_space<semaphore_mem>>)
        } else {
        }
        %add3A_401 = arith.constant 2 : i32
        %add3A_402 = arith.addi %add3A_385, %add3A_401 : i32
        %lt3A_403 = arith.constant 80 : i32
        %lt3A_404 = arith.cmpi slt, %add3A_402, %lt3A_403 : i32
        %convert_element_type3A_405 = arith.extui %lt3A_404 : i1 to i32
        %cond3A_406 = arith.constant 0 : i32
        %cond3A_407 = arith.cmpi ne, %convert_element_type3A_405, %cond3A_406 : i32
        scf.if %cond3A_407 {
          %add3A_432 = arith.constant 2 : i32
          %add3A_433 = arith.addi %add3A_385, %add3A_432 : i32
          %dma_wait3A_434 = arith.constant 0 : i32
          %dma_wait3A_435 = arith.constant 0 : i32
          %dma_wait3A_436 = tpu.memref_slice %arg4[%arg1, %add3A_433, %dma_wait3A_434, %dma_wait3A_435] : memref<16x80x2x128xi32, #tpu.memory_space<hbm>> -> memref<1x1x2x128xi32, #tpu.memory_space<hbm>>
          %dma_wait3A_437 = tpu.memref_squeeze %dma_wait3A_436 : memref<1x1x2x128xi32, #tpu.memory_space<hbm>> -> memref<2x128xi32, #tpu.memory_space<hbm>>
          %dma_wait3A_438 = arith.constant 0 : i32
          %dma_wait3A_439 = arith.constant 0 : i32
          %dma_wait3A_440 = tpu.memref_slice %arg4[%arg1, %add3A_433, %dma_wait3A_438, %dma_wait3A_439] : memref<16x80x2x128xi32, #tpu.memory_space<hbm>> -> memref<1x1x2x128xi32, #tpu.memory_space<hbm>>
          %dma_wait3A_441 = tpu.memref_squeeze %dma_wait3A_440 : memref<1x1x2x128xi32, #tpu.memory_space<hbm>> -> memref<2x128xi32, #tpu.memory_space<hbm>>
          tpu.wait_dma2 semaphore(%arg11 : memref<!tpu.dma_semaphore, #tpu.memory_space<semaphore_mem>>) src(%dma_wait3A_441 : memref<2x128xi32, #tpu.memory_space<hbm>>) dst(%arg7 : memref<2x128xi32, #tpu.memory_space<vmem>>)
          %dma_start3A_442 = arith.constant 0 : i32
          %dma_start3A_443 = arith.constant 0 : i32
          %dma_start3A_444 = tpu.memref_slice %arg7[%dma_start3A_442, %dma_start3A_443] : memref<2x128xi32, #tpu.memory_space<vmem>> -> memref<1x128xi32, #tpu.memory_space<vmem>>
          %dma_start3A_445 = tpu.memref_squeeze %dma_start3A_444 : memref<1x128xi32, #tpu.memory_space<vmem>> -> memref<128xi32, #tpu.memory_space<vmem>>
          %dma_start3A_446 = arith.constant 0 : i32
          %dma_start3A_447 = arith.constant 0 : i32
          %dma_start3A_448 = tpu.memref_slice %arg3[%dma_start3A_446, %dma_start3A_447] : memref<10000x128xbf16, #tpu.memory_space<hbm>> -> memref<10000x128xbf16, #tpu.memory_space<hbm>>
          tpu.enqueue_indirect_dma source(%dma_start3A_448 : memref<10000x128xbf16, #tpu.memory_space<hbm>>) target(%arg15 : memref<128x128xbf16, #tpu.memory_space<vmem>>) offsets(%dma_start3A_445 : memref<128xi32, #tpu.memory_space<vmem>>) semaphore(%arg17 : memref<!tpu.dma_semaphore, #tpu.memory_space<semaphore_mem>>)
        } else {
        }
        %add3A_408 = arith.constant 3 : i32
        %add3A_409 = arith.addi %add3A_337, %add3A_408 : i32
        %dma_wait3A_410 = arith.constant 0 : i32
        %dma_wait3A_411 = arith.constant 0 : i32
        %dma_wait3A_412 = tpu.memref_slice %arg10[%dma_wait3A_410, %dma_wait3A_411] : memref<2x128xi32, #tpu.memory_space<vmem>> -> memref<1x128xi32, #tpu.memory_space<vmem>>
        %dma_wait3A_413 = tpu.memref_squeeze %dma_wait3A_412 : memref<1x128xi32, #tpu.memory_space<vmem>> -> memref<128xi32, #tpu.memory_space<vmem>>
        %dma_wait3A_414 = arith.constant 0 : i32
        %dma_wait3A_415 = arith.constant 0 : i32
        %dma_wait3A_416 = tpu.memref_slice %arg3[%dma_wait3A_414, %dma_wait3A_415] : memref<10000x128xbf16, #tpu.memory_space<hbm>> -> memref<10000x128xbf16, #tpu.memory_space<hbm>>
        tpu.wait_indirect_dma semaphore(%arg18 : memref<!tpu.dma_semaphore, #tpu.memory_space<semaphore_mem>>) src(%dma_wait3A_416 : memref<10000x128xbf16, #tpu.memory_space<hbm>>) dst(%arg16 : memref<128x128xbf16, #tpu.memory_space<vmem>>)
        %run_scoped3A_417 = arith.constant 1 : i32
        "tpu.region"() ({
          %run_scoped3A_432 = tpu.sem_alloc : memref<!tpu.dma_semaphore, #tpu.memory_space<semaphore_mem>>
          %dma_start3A_433 = arith.constant 0 : i32
          %dma_start3A_434 = tpu.memref_slice %arg10[%run_scoped3A_417, %dma_start3A_433] : memref<2x128xi32, #tpu.memory_space<vmem>> -> memref<1x128xi32, #tpu.memory_space<vmem>>
          %dma_start3A_435 = tpu.memref_squeeze %dma_start3A_434 : memref<1x128xi32, #tpu.memory_space<vmem>> -> memref<128xi32, #tpu.memory_space<vmem>>
          %dma_start3A_436 = arith.constant 0 : i32
          %dma_start3A_437 = arith.constant 0 : i32
          %dma_start3A_438 = tpu.memref_slice %arg21[%dma_start3A_436, %dma_start3A_437] : memref<10240x128xbf16, #tpu.memory_space<vmem_shared>> -> memref<10240x128xbf16, #tpu.memory_space<vmem_shared>>
          tpu.enqueue_indirect_dma source(%arg16 : memref<128x128xbf16, #tpu.memory_space<vmem>>) target(%dma_start3A_438 : memref<10240x128xbf16, #tpu.memory_space<vmem_shared>>) offsets(%dma_start3A_435 : memref<128xi32, #tpu.memory_space<vmem>>) semaphore(%run_scoped3A_432 : memref<!tpu.dma_semaphore, #tpu.memory_space<semaphore_mem>>) {add = true}
          %dma_wait3A_439 = arith.constant 0 : i32
          %dma_wait3A_440 = tpu.memref_slice %arg10[%run_scoped3A_417, %dma_wait3A_439] : memref<2x128xi32, #tpu.memory_space<vmem>> -> memref<1x128xi32, #tpu.memory_space<vmem>>
          %dma_wait3A_441 = tpu.memref_squeeze %dma_wait3A_440 : memref<1x128xi32, #tpu.memory_space<vmem>> -> memref<128xi32, #tpu.memory_space<vmem>>
          %dma_wait3A_442 = arith.constant 0 : i32
          %dma_wait3A_443 = arith.constant 0 : i32
          %dma_wait3A_444 = tpu.memref_slice %arg21[%dma_wait3A_442, %dma_wait3A_443] : memref<10240x128xbf16, #tpu.memory_space<vmem_shared>> -> memref<10240x128xbf16, #tpu.memory_space<vmem_shared>>
          tpu.wait_indirect_dma semaphore(%run_scoped3A_432 : memref<!tpu.dma_semaphore, #tpu.memory_space<semaphore_mem>>) src(%arg16 : memref<128x128xbf16, #tpu.memory_space<vmem>>) dst(%dma_wait3A_444 : memref<10240x128xbf16, #tpu.memory_space<vmem_shared>>)
          tpu.yield
        }) : () -> ()
        %add3A_418 = arith.constant 4 : i32
        %add3A_419 = arith.addi %add3A_409, %add3A_418 : i32
        %lt3A_420 = arith.constant 80 : i32
        %lt3A_421 = arith.cmpi slt, %add3A_419, %lt3A_420 : i32
        %convert_element_type3A_422 = arith.extui %lt3A_421 : i1 to i32
        %cond3A_423 = arith.constant 0 : i32
        %cond3A_424 = arith.cmpi ne, %convert_element_type3A_422, %cond3A_423 : i32
        scf.if %cond3A_424 {
          %add3A_432 = arith.constant 4 : i32
          %add3A_433 = arith.addi %add3A_409, %add3A_432 : i32
          %dma_start3A_434 = arith.constant 0 : i32
          %dma_start3A_435 = arith.constant 0 : i32
          %dma_start3A_436 = tpu.memref_slice %arg4[%arg1, %add3A_433, %dma_start3A_434, %dma_start3A_435] : memref<16x80x2x128xi32, #tpu.memory_space<hbm>> -> memref<1x1x2x128xi32, #tpu.memory_space<hbm>>
          %dma_start3A_437 = tpu.memref_squeeze %dma_start3A_436 : memref<1x1x2x128xi32, #tpu.memory_space<hbm>> -> memref<2x128xi32, #tpu.memory_space<hbm>>
          %dma_start3A_438 = arith.constant 0 : i32
          %dma_start3A_439 = arith.constant 0 : i32
          %dma_start3A_440 = tpu.memref_slice %arg4[%arg1, %add3A_433, %dma_start3A_438, %dma_start3A_439] : memref<16x80x2x128xi32, #tpu.memory_space<hbm>> -> memref<1x1x2x128xi32, #tpu.memory_space<hbm>>
          %dma_start3A_441 = tpu.memref_squeeze %dma_start3A_440 : memref<1x1x2x128xi32, #tpu.memory_space<hbm>> -> memref<2x128xi32, #tpu.memory_space<hbm>>
          tpu.enqueue_dma source(%dma_start3A_441 : memref<2x128xi32, #tpu.memory_space<hbm>>) target(%arg10 : memref<2x128xi32, #tpu.memory_space<vmem>>) target_semaphore(%arg14 : memref<!tpu.dma_semaphore, #tpu.memory_space<semaphore_mem>>)
        } else {
        }
        %add3A_425 = arith.constant 2 : i32
        %add3A_426 = arith.addi %add3A_409, %add3A_425 : i32
        %lt3A_427 = arith.constant 80 : i32
        %lt3A_428 = arith.cmpi slt, %add3A_426, %lt3A_427 : i32
        %convert_element_type3A_429 = arith.extui %lt3A_428 : i1 to i32
        %cond3A_430 = arith.constant 0 : i32
        %cond3A_431 = arith.cmpi ne, %convert_element_type3A_429, %cond3A_430 : i32
        scf.if %cond3A_431 {
          %add3A_432 = arith.constant 2 : i32
          %add3A_433 = arith.addi %add3A_409, %add3A_432 : i32
          %dma_wait3A_434 = arith.constant 0 : i32
          %dma_wait3A_435 = arith.constant 0 : i32
          %dma_wait3A_436 = tpu.memref_slice %arg4[%arg1, %add3A_433, %dma_wait3A_434, %dma_wait3A_435] : memref<16x80x2x128xi32, #tpu.memory_space<hbm>> -> memref<1x1x2x128xi32, #tpu.memory_space<hbm>>
          %dma_wait3A_437 = tpu.memref_squeeze %dma_wait3A_436 : memref<1x1x2x128xi32, #tpu.memory_space<hbm>> -> memref<2x128xi32, #tpu.memory_space<hbm>>
          %dma_wait3A_438 = arith.constant 0 : i32
          %dma_wait3A_439 = arith.constant 0 : i32
          %dma_wait3A_440 = tpu.memref_slice %arg4[%arg1, %add3A_433, %dma_wait3A_438, %dma_wait3A_439] : memref<16x80x2x128xi32, #tpu.memory_space<hbm>> -> memref<1x1x2x128xi32, #tpu.memory_space<hbm>>
          %dma_wait3A_441 = tpu.memref_squeeze %dma_wait3A_440 : memref<1x1x2x128xi32, #tpu.memory_space<hbm>> -> memref<2x128xi32, #tpu.memory_space<hbm>>
          tpu.wait_dma2 semaphore(%arg12 : memref<!tpu.dma_semaphore, #tpu.memory_space<semaphore_mem>>) src(%dma_wait3A_441 : memref<2x128xi32, #tpu.memory_space<hbm>>) dst(%arg8 : memref<2x128xi32, #tpu.memory_space<vmem>>)
          %dma_start3A_442 = arith.constant 0 : i32
          %dma_start3A_443 = arith.constant 0 : i32
          %dma_start3A_444 = tpu.memref_slice %arg8[%dma_start3A_442, %dma_start3A_443] : memref<2x128xi32, #tpu.memory_space<vmem>> -> memref<1x128xi32, #tpu.memory_space<vmem>>
          %dma_start3A_445 = tpu.memref_squeeze %dma_start3A_444 : memref<1x128xi32, #tpu.memory_space<vmem>> -> memref<128xi32, #tpu.memory_space<vmem>>
          %dma_start3A_446 = arith.constant 0 : i32
          %dma_start3A_447 = arith.constant 0 : i32
          %dma_start3A_448 = tpu.memref_slice %arg3[%dma_start3A_446, %dma_start3A_447] : memref<10000x128xbf16, #tpu.memory_space<hbm>> -> memref<10000x128xbf16, #tpu.memory_space<hbm>>
          tpu.enqueue_indirect_dma source(%dma_start3A_448 : memref<10000x128xbf16, #tpu.memory_space<hbm>>) target(%arg16 : memref<128x128xbf16, #tpu.memory_space<vmem>>) offsets(%dma_start3A_445 : memref<128xi32, #tpu.memory_space<vmem>>) semaphore(%arg18 : memref<!tpu.dma_semaphore, #tpu.memory_space<semaphore_mem>>)
        } else {
        }
      }
      %scan3A_332 = arith.constant 20 : i32
    } else {
    }
    %barrier3A_285 = arith.constant 0 : index
    tpu.barrier barrier_id(%barrier3A_285)
    %eq3A_286 = arith.constant 0 : i32
    %eq3A_287 = arith.cmpi eq, %arg0, %eq3A_286 : i32
    %convert_element_type3A_288 = arith.extui %eq3A_287 : i1 to i32
    %cond3A_289 = arith.constant 0 : i32
    %cond3A_290 = arith.cmpi ne, %convert_element_type3A_288, %cond3A_289 : i32
    scf.if %cond3A_290 {
      "tpu.region"() ({
        %run_scoped3A = tpu.sem_alloc : memref<!tpu.dma_semaphore, #tpu.memory_space<semaphore_mem>>
        %dma_start3A_296 = arith.constant 0 : i32
        %dma_start3A_297 = tpu.memref_slice %arg5[%mul3A_0, %dma_start3A_296] : memref<10240x128xbf16, #tpu.memory_space<hbm>> -> memref<640x128xbf16, #tpu.memory_space<hbm>>
        %dma_start3A_298 = arith.constant 0 : i32
        %dma_start3A_299 = tpu.memref_slice %arg21[%mul3A_0, %dma_start3A_298] : memref<10240x128xbf16, #tpu.memory_space<vmem_shared>> -> memref<640x128xbf16, #tpu.memory_space<vmem_shared>>
        tpu.enqueue_dma source(%dma_start3A_299 : memref<640x128xbf16, #tpu.memory_space<vmem_shared>>) target(%dma_start3A_297 : memref<640x128xbf16, #tpu.memory_space<hbm>>) target_semaphore(%run_scoped3A : memref<!tpu.dma_semaphore, #tpu.memory_space<semaphore_mem>>)
        %dma_wait3A_300 = arith.constant 0 : i32
        %dma_wait3A_301 = tpu.memref_slice %arg5[%mul3A_0, %dma_wait3A_300] : memref<10240x128xbf16, #tpu.memory_space<hbm>> -> memref<640x128xbf16, #tpu.memory_space<hbm>>
        %dma_wait3A_302 = arith.constant 0 : i32
        %dma_wait3A_303 = tpu.memref_slice %arg21[%mul3A_0, %dma_wait3A_302] : memref<10240x128xbf16, #tpu.memory_space<vmem_shared>> -> memref<640x128xbf16, #tpu.memory_space<vmem_shared>>
        tpu.wait_dma2 semaphore(%run_scoped3A : memref<!tpu.dma_semaphore, #tpu.memory_space<semaphore_mem>>) src(%dma_wait3A_303 : memref<640x128xbf16, #tpu.memory_space<vmem_shared>>) dst(%dma_wait3A_301 : memref<640x128xbf16, #tpu.memory_space<hbm>>)
        tpu.yield
      }) : () -> ()
    } else {
    }
    %eq3A_291 = arith.constant 1 : i32
    %eq3A_292 = arith.cmpi eq, %arg0, %eq3A_291 : i32
    %convert_element_type3A_293 = arith.extui %eq3A_292 : i1 to i32
    %cond3A_294 = arith.constant 0 : i32
    %cond3A_295 = arith.cmpi ne, %convert_element_type3A_293, %cond3A_294 : i32
    scf.if %cond3A_295 {
      "tpu.region"() ({
        %run_scoped3A = tpu.sem_alloc : memref<!tpu.dma_semaphore, #tpu.memory_space<semaphore_mem>>
        %dma_start3A_296 = arith.constant 0 : i32
        %dma_start3A_297 = tpu.memref_slice %arg6[%mul3A_0, %dma_start3A_296] : memref<10240x128xbf16, #tpu.memory_space<hbm>> -> memref<640x128xbf16, #tpu.memory_space<hbm>>
        %dma_start3A_298 = arith.constant 0 : i32
        %dma_start3A_299 = tpu.memref_slice %arg21[%mul3A_0, %dma_start3A_298] : memref<10240x128xbf16, #tpu.memory_space<vmem_shared>> -> memref<640x128xbf16, #tpu.memory_space<vmem_shared>>
        tpu.enqueue_dma source(%dma_start3A_299 : memref<640x128xbf16, #tpu.memory_space<vmem_shared>>) target(%dma_start3A_297 : memref<640x128xbf16, #tpu.memory_space<hbm>>) target_semaphore(%run_scoped3A : memref<!tpu.dma_semaphore, #tpu.memory_space<semaphore_mem>>)
        %dma_wait3A_300 = arith.constant 0 : i32
        %dma_wait3A_301 = tpu.memref_slice %arg6[%mul3A_0, %dma_wait3A_300] : memref<10240x128xbf16, #tpu.memory_space<hbm>> -> memref<640x128xbf16, #tpu.memory_space<hbm>>
        %dma_wait3A_302 = arith.constant 0 : i32
        %dma_wait3A_303 = tpu.memref_slice %arg21[%mul3A_0, %dma_wait3A_302] : memref<10240x128xbf16, #tpu.memory_space<vmem_shared>> -> memref<640x128xbf16, #tpu.memory_space<vmem_shared>>
        tpu.wait_dma2 semaphore(%run_scoped3A : memref<!tpu.dma_semaphore, #tpu.memory_space<semaphore_mem>>) src(%dma_wait3A_303 : memref<640x128xbf16, #tpu.memory_space<vmem_shared>>) dst(%dma_wait3A_301 : memref<640x128xbf16, #tpu.memory_space<hbm>>)
        tpu.yield
      }) : () -> ()
    } else {
    }
    return
  }
}

#map = affine_map<(d0, d1) -> (0)>
module attributes {stable_mosaic.version = 14 : i64} {
  func.func @sc_degree(%arg0: i32, %arg1: i32, %arg2: memref<163840xi32, #tpu.memory_space<hbm>>, %arg3: memref<10240xf32, #tpu.memory_space<hbm>>, %arg4: memref<10240xi32, #tpu.memory_space<vmem>>, %arg5: memref<10240xf32, #tpu.memory_space<vmem>>, %arg6: memref<640xf32, #tpu.memory_space<vmem>>, %arg7: memref<640xf32, #tpu.memory_space<vmem>>, %arg8: memref<16x10240xf32, #tpu.memory_space<vmem_shared>>) attributes {dimension_semantics = [#tpu.dimension_semantics<core_parallel>, #tpu.dimension_semantics<subcore_parallel>], iteration_bounds = array<i64: 2, 16>, scalar_prefetch = 0 : i64, scratch_operands = 5 : i64, tpu.core_type = #tpu.core_type<sc_vector_subcore>, window_params = [{transform_indices = #map}, {transform_indices = #map}]} {
    %mul3A = arith.constant 640 : i32
    %mul3A_0 = arith.muli %arg1, %mul3A : i32
    %broadcast_in_dim3A = arith.constant 1.000000e+00 : f32
    %broadcast_in_dim3A_1 = vector.broadcast %broadcast_in_dim3A : f32 to vector<16xf32>
    %eq3A = arith.constant 0 : i32
    %eq3A_2 = arith.cmpi eq, %arg0, %eq3A : i32
    %convert_element_type3A = arith.extui %eq3A_2 : i1 to i32
    %cond3A = arith.constant 0 : i32
    %cond3A_3 = arith.cmpi ne, %convert_element_type3A, %cond3A : i32
    scf.if %cond3A_3 {
      %mul3A_4 = arith.constant 10240 : i32
      %mul3A_5 = arith.muli %arg1, %mul3A_4 : i32
      "tpu.region"() ({
        %run_scoped3A_105 = tpu.sem_alloc : memref<!tpu.dma_semaphore, #tpu.memory_space<semaphore_mem>>
        %dma_start3A = tpu.memref_slice %arg2[%mul3A_5] : memref<163840xi32, #tpu.memory_space<hbm>> -> memref<10240xi32, #tpu.memory_space<hbm>>
        %dma_start3A_106 = tpu.memref_slice %arg2[%mul3A_5] : memref<163840xi32, #tpu.memory_space<hbm>> -> memref<10240xi32, #tpu.memory_space<hbm>>
        tpu.enqueue_dma source(%dma_start3A_106 : memref<10240xi32, #tpu.memory_space<hbm>>) target(%arg4 : memref<10240xi32, #tpu.memory_space<vmem>>) target_semaphore(%run_scoped3A_105 : memref<!tpu.dma_semaphore, #tpu.memory_space<semaphore_mem>>)
        %dma_wait3A = tpu.memref_slice %arg2[%mul3A_5] : memref<163840xi32, #tpu.memory_space<hbm>> -> memref<10240xi32, #tpu.memory_space<hbm>>
        %dma_wait3A_107 = tpu.memref_slice %arg2[%mul3A_5] : memref<163840xi32, #tpu.memory_space<hbm>> -> memref<10240xi32, #tpu.memory_space<hbm>>
        tpu.wait_dma2 semaphore(%run_scoped3A_105 : memref<!tpu.dma_semaphore, #tpu.memory_space<semaphore_mem>>) src(%dma_wait3A_107 : memref<10240xi32, #tpu.memory_space<hbm>>) dst(%arg4 : memref<10240xi32, #tpu.memory_space<vmem>>)
        tpu.yield
      }) : () -> ()
      %scan3A = arith.constant 0 : i32
      %scan3A_6 = arith.constant 640 : i32
      %scan3A_7 = arith.addi %scan3A, %scan3A_6 : i32
      %scan3A_8 = arith.constant 1 : i32
      scf.for %scan3A_105 = %scan3A to %scan3A_7 step %scan3A_8  : i32 {
        %mul3A_106 = arith.constant 1 : i32
        %mul3A_107 = arith.muli %scan3A_105, %mul3A_106 : i32
        %add3A = arith.constant 0 : i32
        %add3A_108 = arith.addi %add3A, %mul3A_107 : i32
        %broadcast_in_dim3A_109 = arith.constant 0.000000e+00 : f32
        %broadcast_in_dim3A_110 = vector.broadcast %broadcast_in_dim3A_109 : f32 to vector<16xf32>
        %mul3A_111 = arith.constant 16 : i32
        %mul3A_112 = arith.muli %add3A_108, %mul3A_111 : i32
        %swap3A = arith.index_cast %mul3A_112 : i32 to index
        %swap3A_113 = tpu.vector_load %arg5[%swap3A] {strides = array<i32>} : memref<10240xf32, #tpu.memory_space<vmem>>, vector<16xf32>,
        tpu.vector_store %arg5[%swap3A], %broadcast_in_dim3A_110 {strides = array<i32>} : memref<10240xf32, #tpu.memory_space<vmem>>, vector<16xf32>,
      }
      %scan3A_9 = arith.constant 640 : i32
      %scan3A_10 = arith.constant 0 : i32
      %scan3A_11 = arith.constant 640 : i32
      %scan3A_12 = arith.addi %scan3A_10, %scan3A_11 : i32
      %scan3A_13 = arith.constant 1 : i32
      scf.for %scan3A_105 = %scan3A_10 to %scan3A_12 step %scan3A_13  : i32 {
        %mul3A_106 = arith.constant 1 : i32
        %mul3A_107 = arith.muli %scan3A_105, %mul3A_106 : i32
        %add3A = arith.constant 0 : i32
        %add3A_108 = arith.addi %add3A, %mul3A_107 : i32
        %mul3A_109 = arith.constant 16 : i32
        %mul3A_110 = arith.muli %add3A_108, %mul3A_109 : i32
        %get3A = arith.index_cast %mul3A_110 : i32 to index
        %get3A_111 = tpu.vector_load %arg4[%get3A] {strides = array<i32>} : memref<10240xi32, #tpu.memory_space<vmem>>, vector<16xi32>,
        tpu.vector_store_idx %arg5[%get3A_111], %broadcast_in_dim3A_1 {add = true} : memref<10240xf32, #tpu.memory_space<vmem>>[vector<16xi32>], vector<16xf32>,
      }
      %scan3A_14 = arith.constant 640 : i32
      "tpu.region"() ({
        %run_scoped3A_105 = tpu.sem_alloc : memref<!tpu.dma_semaphore, #tpu.memory_space<semaphore_mem>>
        %dma_start3A = arith.constant 0 : i32
        %dma_start3A_106 = tpu.memref_slice %arg8[%arg1, %dma_start3A] : memref<16x10240xf32, #tpu.memory_space<vmem_shared>> -> memref<1x10240xf32, #tpu.memory_space<vmem_shared>>
        %dma_start3A_107 = tpu.memref_squeeze %dma_start3A_106 : memref<1x10240xf32, #tpu.memory_space<vmem_shared>> -> memref<10240xf32, #tpu.memory_space<vmem_shared>>
        %dma_start3A_108 = arith.constant 0 : i32
        %dma_start3A_109 = tpu.memref_slice %arg8[%arg1, %dma_start3A_108] : memref<16x10240xf32, #tpu.memory_space<vmem_shared>> -> memref<1x10240xf32, #tpu.memory_space<vmem_shared>>
        %dma_start3A_110 = tpu.memref_squeeze %dma_start3A_109 : memref<1x10240xf32, #tpu.memory_space<vmem_shared>> -> memref<10240xf32, #tpu.memory_space<vmem_shared>>
        tpu.enqueue_dma source(%arg5 : memref<10240xf32, #tpu.memory_space<vmem>>) target(%dma_start3A_110 : memref<10240xf32, #tpu.memory_space<vmem_shared>>) target_semaphore(%run_scoped3A_105 : memref<!tpu.dma_semaphore, #tpu.memory_space<semaphore_mem>>)
        %dma_wait3A = arith.constant 0 : i32
        %dma_wait3A_111 = tpu.memref_slice %arg8[%arg1, %dma_wait3A] : memref<16x10240xf32, #tpu.memory_space<vmem_shared>> -> memref<1x10240xf32, #tpu.memory_space<vmem_shared>>
        %dma_wait3A_112 = tpu.memref_squeeze %dma_wait3A_111 : memref<1x10240xf32, #tpu.memory_space<vmem_shared>> -> memref<10240xf32, #tpu.memory_space<vmem_shared>>
        %dma_wait3A_113 = arith.constant 0 : i32
        %dma_wait3A_114 = tpu.memref_slice %arg8[%arg1, %dma_wait3A_113] : memref<16x10240xf32, #tpu.memory_space<vmem_shared>> -> memref<1x10240xf32, #tpu.memory_space<vmem_shared>>
        %dma_wait3A_115 = tpu.memref_squeeze %dma_wait3A_114 : memref<1x10240xf32, #tpu.memory_space<vmem_shared>> -> memref<10240xf32, #tpu.memory_space<vmem_shared>>
        tpu.wait_dma2 semaphore(%run_scoped3A_105 : memref<!tpu.dma_semaphore, #tpu.memory_space<semaphore_mem>>) src(%arg5 : memref<10240xf32, #tpu.memory_space<vmem>>) dst(%dma_wait3A_115 : memref<10240xf32, #tpu.memory_space<vmem_shared>>)
        tpu.yield
      }) : () -> ()
      %barrier3A = arith.constant 0 : index
      tpu.barrier barrier_id(%barrier3A)
      %run_scoped3A = arith.constant 0 : i32
      "tpu.region"() ({
        %run_scoped3A_105 = tpu.sem_alloc : memref<!tpu.dma_semaphore, #tpu.memory_space<semaphore_mem>>
        %dma_start3A = tpu.memref_slice %arg8[%run_scoped3A, %mul3A_0] : memref<16x10240xf32, #tpu.memory_space<vmem_shared>> -> memref<1x640xf32, #tpu.memory_space<vmem_shared>>
        %dma_start3A_106 = tpu.memref_squeeze %dma_start3A : memref<1x640xf32, #tpu.memory_space<vmem_shared>> -> memref<640xf32, #tpu.memory_space<vmem_shared>>
        %dma_start3A_107 = tpu.memref_slice %arg8[%run_scoped3A, %mul3A_0] : memref<16x10240xf32, #tpu.memory_space<vmem_shared>> -> memref<1x640xf32, #tpu.memory_space<vmem_shared>>
        %dma_start3A_108 = tpu.memref_squeeze %dma_start3A_107 : memref<1x640xf32, #tpu.memory_space<vmem_shared>> -> memref<640xf32, #tpu.memory_space<vmem_shared>>
        tpu.enqueue_dma source(%dma_start3A_108 : memref<640xf32, #tpu.memory_space<vmem_shared>>) target(%arg7 : memref<640xf32, #tpu.memory_space<vmem>>) target_semaphore(%run_scoped3A_105 : memref<!tpu.dma_semaphore, #tpu.memory_space<semaphore_mem>>)
        %dma_wait3A = tpu.memref_slice %arg8[%run_scoped3A, %mul3A_0] : memref<16x10240xf32, #tpu.memory_space<vmem_shared>> -> memref<1x640xf32, #tpu.memory_space<vmem_shared>>
        %dma_wait3A_109 = tpu.memref_squeeze %dma_wait3A : memref<1x640xf32, #tpu.memory_space<vmem_shared>> -> memref<640xf32, #tpu.memory_space<vmem_shared>>
        %dma_wait3A_110 = tpu.memref_slice %arg8[%run_scoped3A, %mul3A_0] : memref<16x10240xf32, #tpu.memory_space<vmem_shared>> -> memref<1x640xf32, #tpu.memory_space<vmem_shared>>
        %dma_wait3A_111 = tpu.memref_squeeze %dma_wait3A_110 : memref<1x640xf32, #tpu.memory_space<vmem_shared>> -> memref<640xf32, #tpu.memory_space<vmem_shared>>
        tpu.wait_dma2 semaphore(%run_scoped3A_105 : memref<!tpu.dma_semaphore, #tpu.memory_space<semaphore_mem>>) src(%dma_wait3A_111 : memref<640xf32, #tpu.memory_space<vmem_shared>>) dst(%arg7 : memref<640xf32, #tpu.memory_space<vmem>>)
        tpu.yield
      }) : () -> ()
      %run_scoped3A_15 = arith.constant 1 : i32
      "tpu.region"() ({
        %run_scoped3A_105 = tpu.sem_alloc : memref<!tpu.dma_semaphore, #tpu.memory_space<semaphore_mem>>
        %dma_start3A = tpu.memref_slice %arg8[%run_scoped3A_15, %mul3A_0] : memref<16x10240xf32, #tpu.memory_space<vmem_shared>> -> memref<1x640xf32, #tpu.memory_space<vmem_shared>>
        %dma_start3A_106 = tpu.memref_squeeze %dma_start3A : memref<1x640xf32, #tpu.memory_space<vmem_shared>> -> memref<640xf32, #tpu.memory_space<vmem_shared>>
        %dma_start3A_107 = tpu.memref_slice %arg8[%run_scoped3A_15, %mul3A_0] : memref<16x10240xf32, #tpu.memory_space<vmem_shared>> -> memref<1x640xf32, #tpu.memory_space<vmem_shared>>
        %dma_start3A_108 = tpu.memref_squeeze %dma_start3A_107 : memref<1x640xf32, #tpu.memory_space<vmem_shared>> -> memref<640xf32, #tpu.memory_space<vmem_shared>>
        tpu.enqueue_dma source(%dma_start3A_108 : memref<640xf32, #tpu.memory_space<vmem_shared>>) target(%arg6 : memref<640xf32, #tpu.memory_space<vmem>>) target_semaphore(%run_scoped3A_105 : memref<!tpu.dma_semaphore, #tpu.memory_space<semaphore_mem>>)
        %dma_wait3A = tpu.memref_slice %arg8[%run_scoped3A_15, %mul3A_0] : memref<16x10240xf32, #tpu.memory_space<vmem_shared>> -> memref<1x640xf32, #tpu.memory_space<vmem_shared>>
        %dma_wait3A_109 = tpu.memref_squeeze %dma_wait3A : memref<1x640xf32, #tpu.memory_space<vmem_shared>> -> memref<640xf32, #tpu.memory_space<vmem_shared>>
        %dma_wait3A_110 = tpu.memref_slice %arg8[%run_scoped3A_15, %mul3A_0] : memref<16x10240xf32, #tpu.memory_space<vmem_shared>> -> memref<1x640xf32, #tpu.memory_space<vmem_shared>>
        %dma_wait3A_111 = tpu.memref_squeeze %dma_wait3A_110 : memref<1x640xf32, #tpu.memory_space<vmem_shared>> -> memref<640xf32, #tpu.memory_space<vmem_shared>>
        tpu.wait_dma2 semaphore(%run_scoped3A_105 : memref<!tpu.dma_semaphore, #tpu.memory_space<semaphore_mem>>) src(%dma_wait3A_111 : memref<640xf32, #tpu.memory_space<vmem_shared>>) dst(%arg6 : memref<640xf32, #tpu.memory_space<vmem>>)
        tpu.yield
      }) : () -> ()
      %scan3A_16 = arith.constant 0 : i32
      %scan3A_17 = arith.constant 40 : i32
      %scan3A_18 = arith.addi %scan3A_16, %scan3A_17 : i32
      %scan3A_19 = arith.constant 1 : i32
      scf.for %scan3A_105 = %scan3A_16 to %scan3A_18 step %scan3A_19  : i32 {
        %mul3A_106 = arith.constant 1 : i32
        %mul3A_107 = arith.muli %scan3A_105, %mul3A_106 : i32
        %add3A = arith.constant 0 : i32
        %add3A_108 = arith.addi %add3A, %mul3A_107 : i32
        %mul3A_109 = arith.constant 16 : i32
        %mul3A_110 = arith.muli %add3A_108, %mul3A_109 : i32
        %get3A = arith.index_cast %mul3A_110 : i32 to index
        %get3A_111 = tpu.vector_load %arg7[%get3A] {strides = array<i32>} : memref<640xf32, #tpu.memory_space<vmem>>, vector<16xf32>,
        %get3A_112 = arith.index_cast %mul3A_110 : i32 to index
        %get3A_113 = tpu.vector_load %arg6[%get3A_112] {strides = array<i32>} : memref<640xf32, #tpu.memory_space<vmem>>, vector<16xf32>,
        %add3A_114 = arith.addf %get3A_111, %get3A_113 : vector<16xf32>
        %swap3A = arith.index_cast %mul3A_110 : i32 to index
        %swap3A_115 = tpu.vector_load %arg7[%swap3A] {strides = array<i32>} : memref<640xf32, #tpu.memory_space<vmem>>, vector<16xf32>,
        tpu.vector_store %arg7[%swap3A], %add3A_114 {strides = array<i32>} : memref<640xf32, #tpu.memory_space<vmem>>, vector<16xf32>,
      }
      %scan3A_20 = arith.constant 40 : i32
      %run_scoped3A_21 = arith.constant 2 : i32
      "tpu.region"() ({
        %run_scoped3A_105 = tpu.sem_alloc : memref<!tpu.dma_semaphore, #tpu.memory_space<semaphore_mem>>
        %dma_start3A = tpu.memref_slice %arg8[%run_scoped3A_21, %mul3A_0] : memref<16x10240xf32, #tpu.memory_space<vmem_shared>> -> memref<1x640xf32, #tpu.memory_space<vmem_shared>>
        %dma_start3A_106 = tpu.memref_squeeze %dma_start3A : memref<1x640xf32, #tpu.memory_space<vmem_shared>> -> memref<640xf32, #tpu.memory_space<vmem_shared>>
        %dma_start3A_107 = tpu.memref_slice %arg8[%run_scoped3A_21, %mul3A_0] : memref<16x10240xf32, #tpu.memory_space<vmem_shared>> -> memref<1x640xf32, #tpu.memory_space<vmem_shared>>
        %dma_start3A_108 = tpu.memref_squeeze %dma_start3A_107 : memref<1x640xf32, #tpu.memory_space<vmem_shared>> -> memref<640xf32, #tpu.memory_space<vmem_shared>>
        tpu.enqueue_dma source(%dma_start3A_108 : memref<640xf32, #tpu.memory_space<vmem_shared>>) target(%arg6 : memref<640xf32, #tpu.memory_space<vmem>>) target_semaphore(%run_scoped3A_105 : memref<!tpu.dma_semaphore, #tpu.memory_space<semaphore_mem>>)
        %dma_wait3A = tpu.memref_slice %arg8[%run_scoped3A_21, %mul3A_0] : memref<16x10240xf32, #tpu.memory_space<vmem_shared>> -> memref<1x640xf32, #tpu.memory_space<vmem_shared>>
        %dma_wait3A_109 = tpu.memref_squeeze %dma_wait3A : memref<1x640xf32, #tpu.memory_space<vmem_shared>> -> memref<640xf32, #tpu.memory_space<vmem_shared>>
        %dma_wait3A_110 = tpu.memref_slice %arg8[%run_scoped3A_21, %mul3A_0] : memref<16x10240xf32, #tpu.memory_space<vmem_shared>> -> memref<1x640xf32, #tpu.memory_space<vmem_shared>>
        %dma_wait3A_111 = tpu.memref_squeeze %dma_wait3A_110 : memref<1x640xf32, #tpu.memory_space<vmem_shared>> -> memref<640xf32, #tpu.memory_space<vmem_shared>>
        tpu.wait_dma2 semaphore(%run_scoped3A_105 : memref<!tpu.dma_semaphore, #tpu.memory_space<semaphore_mem>>) src(%dma_wait3A_111 : memref<640xf32, #tpu.memory_space<vmem_shared>>) dst(%arg6 : memref<640xf32, #tpu.memory_space<vmem>>)
        tpu.yield
      }) : () -> ()
      %scan3A_22 = arith.constant 0 : i32
      %scan3A_23 = arith.constant 40 : i32
      %scan3A_24 = arith.addi %scan3A_22, %scan3A_23 : i32
      %scan3A_25 = arith.constant 1 : i32
      scf.for %scan3A_105 = %scan3A_22 to %scan3A_24 step %scan3A_25  : i32 {
        %mul3A_106 = arith.constant 1 : i32
        %mul3A_107 = arith.muli %scan3A_105, %mul3A_106 : i32
        %add3A = arith.constant 0 : i32
        %add3A_108 = arith.addi %add3A, %mul3A_107 : i32
        %mul3A_109 = arith.constant 16 : i32
        %mul3A_110 = arith.muli %add3A_108, %mul3A_109 : i32
        %get3A = arith.index_cast %mul3A_110 : i32 to index
        %get3A_111 = tpu.vector_load %arg7[%get3A] {strides = array<i32>} : memref<640xf32, #tpu.memory_space<vmem>>, vector<16xf32>,
        %get3A_112 = arith.index_cast %mul3A_110 : i32 to index
        %get3A_113 = tpu.vector_load %arg6[%get3A_112] {strides = array<i32>} : memref<640xf32, #tpu.memory_space<vmem>>, vector<16xf32>,
        %add3A_114 = arith.addf %get3A_111, %get3A_113 : vector<16xf32>
        %swap3A = arith.index_cast %mul3A_110 : i32 to index
        %swap3A_115 = tpu.vector_load %arg7[%swap3A] {strides = array<i32>} : memref<640xf32, #tpu.memory_space<vmem>>, vector<16xf32>,
        tpu.vector_store %arg7[%swap3A], %add3A_114 {strides = array<i32>} : memref<640xf32, #tpu.memory_space<vmem>>, vector<16xf32>,
      }
      %scan3A_26 = arith.constant 40 : i32
      %run_scoped3A_27 = arith.constant 3 : i32
      "tpu.region"() ({
        %run_scoped3A_105 = tpu.sem_alloc : memref<!tpu.dma_semaphore, #tpu.memory_space<semaphore_mem>>
        %dma_start3A = tpu.memref_slice %arg8[%run_scoped3A_27, %mul3A_0] : memref<16x10240xf32, #tpu.memory_space<vmem_shared>> -> memref<1x640xf32, #tpu.memory_space<vmem_shared>>
        %dma_start3A_106 = tpu.memref_squeeze %dma_start3A : memref<1x640xf32, #tpu.memory_space<vmem_shared>> -> memref<640xf32, #tpu.memory_space<vmem_shared>>
        %dma_start3A_107 = tpu.memref_slice %arg8[%run_scoped3A_27, %mul3A_0] : memref<16x10240xf32, #tpu.memory_space<vmem_shared>> -> memref<1x640xf32, #tpu.memory_space<vmem_shared>>
        %dma_start3A_108 = tpu.memref_squeeze %dma_start3A_107 : memref<1x640xf32, #tpu.memory_space<vmem_shared>> -> memref<640xf32, #tpu.memory_space<vmem_shared>>
        tpu.enqueue_dma source(%dma_start3A_108 : memref<640xf32, #tpu.memory_space<vmem_shared>>) target(%arg6 : memref<640xf32, #tpu.memory_space<vmem>>) target_semaphore(%run_scoped3A_105 : memref<!tpu.dma_semaphore, #tpu.memory_space<semaphore_mem>>)
        %dma_wait3A = tpu.memref_slice %arg8[%run_scoped3A_27, %mul3A_0] : memref<16x10240xf32, #tpu.memory_space<vmem_shared>> -> memref<1x640xf32, #tpu.memory_space<vmem_shared>>
        %dma_wait3A_109 = tpu.memref_squeeze %dma_wait3A : memref<1x640xf32, #tpu.memory_space<vmem_shared>> -> memref<640xf32, #tpu.memory_space<vmem_shared>>
        %dma_wait3A_110 = tpu.memref_slice %arg8[%run_scoped3A_27, %mul3A_0] : memref<16x10240xf32, #tpu.memory_space<vmem_shared>> -> memref<1x640xf32, #tpu.memory_space<vmem_shared>>
        %dma_wait3A_111 = tpu.memref_squeeze %dma_wait3A_110 : memref<1x640xf32, #tpu.memory_space<vmem_shared>> -> memref<640xf32, #tpu.memory_space<vmem_shared>>
        tpu.wait_dma2 semaphore(%run_scoped3A_105 : memref<!tpu.dma_semaphore, #tpu.memory_space<semaphore_mem>>) src(%dma_wait3A_111 : memref<640xf32, #tpu.memory_space<vmem_shared>>) dst(%arg6 : memref<640xf32, #tpu.memory_space<vmem>>)
        tpu.yield
      }) : () -> ()
      %scan3A_28 = arith.constant 0 : i32
      %scan3A_29 = arith.constant 40 : i32
      %scan3A_30 = arith.addi %scan3A_28, %scan3A_29 : i32
      %scan3A_31 = arith.constant 1 : i32
      scf.for %scan3A_105 = %scan3A_28 to %scan3A_30 step %scan3A_31  : i32 {
        %mul3A_106 = arith.constant 1 : i32
        %mul3A_107 = arith.muli %scan3A_105, %mul3A_106 : i32
        %add3A = arith.constant 0 : i32
        %add3A_108 = arith.addi %add3A, %mul3A_107 : i32
        %mul3A_109 = arith.constant 16 : i32
        %mul3A_110 = arith.muli %add3A_108, %mul3A_109 : i32
        %get3A = arith.index_cast %mul3A_110 : i32 to index
        %get3A_111 = tpu.vector_load %arg7[%get3A] {strides = array<i32>} : memref<640xf32, #tpu.memory_space<vmem>>, vector<16xf32>,
        %get3A_112 = arith.index_cast %mul3A_110 : i32 to index
        %get3A_113 = tpu.vector_load %arg6[%get3A_112] {strides = array<i32>} : memref<640xf32, #tpu.memory_space<vmem>>, vector<16xf32>,
        %add3A_114 = arith.addf %get3A_111, %get3A_113 : vector<16xf32>
        %swap3A = arith.index_cast %mul3A_110 : i32 to index
        %swap3A_115 = tpu.vector_load %arg7[%swap3A] {strides = array<i32>} : memref<640xf32, #tpu.memory_space<vmem>>, vector<16xf32>,
        tpu.vector_store %arg7[%swap3A], %add3A_114 {strides = array<i32>} : memref<640xf32, #tpu.memory_space<vmem>>, vector<16xf32>,
      }
      %scan3A_32 = arith.constant 40 : i32
      %run_scoped3A_33 = arith.constant 4 : i32
      "tpu.region"() ({
        %run_scoped3A_105 = tpu.sem_alloc : memref<!tpu.dma_semaphore, #tpu.memory_space<semaphore_mem>>
        %dma_start3A = tpu.memref_slice %arg8[%run_scoped3A_33, %mul3A_0] : memref<16x10240xf32, #tpu.memory_space<vmem_shared>> -> memref<1x640xf32, #tpu.memory_space<vmem_shared>>
        %dma_start3A_106 = tpu.memref_squeeze %dma_start3A : memref<1x640xf32, #tpu.memory_space<vmem_shared>> -> memref<640xf32, #tpu.memory_space<vmem_shared>>
        %dma_start3A_107 = tpu.memref_slice %arg8[%run_scoped3A_33, %mul3A_0] : memref<16x10240xf32, #tpu.memory_space<vmem_shared>> -> memref<1x640xf32, #tpu.memory_space<vmem_shared>>
        %dma_start3A_108 = tpu.memref_squeeze %dma_start3A_107 : memref<1x640xf32, #tpu.memory_space<vmem_shared>> -> memref<640xf32, #tpu.memory_space<vmem_shared>>
        tpu.enqueue_dma source(%dma_start3A_108 : memref<640xf32, #tpu.memory_space<vmem_shared>>) target(%arg6 : memref<640xf32, #tpu.memory_space<vmem>>) target_semaphore(%run_scoped3A_105 : memref<!tpu.dma_semaphore, #tpu.memory_space<semaphore_mem>>)
        %dma_wait3A = tpu.memref_slice %arg8[%run_scoped3A_33, %mul3A_0] : memref<16x10240xf32, #tpu.memory_space<vmem_shared>> -> memref<1x640xf32, #tpu.memory_space<vmem_shared>>
        %dma_wait3A_109 = tpu.memref_squeeze %dma_wait3A : memref<1x640xf32, #tpu.memory_space<vmem_shared>> -> memref<640xf32, #tpu.memory_space<vmem_shared>>
        %dma_wait3A_110 = tpu.memref_slice %arg8[%run_scoped3A_33, %mul3A_0] : memref<16x10240xf32, #tpu.memory_space<vmem_shared>> -> memref<1x640xf32, #tpu.memory_space<vmem_shared>>
        %dma_wait3A_111 = tpu.memref_squeeze %dma_wait3A_110 : memref<1x640xf32, #tpu.memory_space<vmem_shared>> -> memref<640xf32, #tpu.memory_space<vmem_shared>>
        tpu.wait_dma2 semaphore(%run_scoped3A_105 : memref<!tpu.dma_semaphore, #tpu.memory_space<semaphore_mem>>) src(%dma_wait3A_111 : memref<640xf32, #tpu.memory_space<vmem_shared>>) dst(%arg6 : memref<640xf32, #tpu.memory_space<vmem>>)
        tpu.yield
      }) : () -> ()
      %scan3A_34 = arith.constant 0 : i32
      %scan3A_35 = arith.constant 40 : i32
      %scan3A_36 = arith.addi %scan3A_34, %scan3A_35 : i32
      %scan3A_37 = arith.constant 1 : i32
      scf.for %scan3A_105 = %scan3A_34 to %scan3A_36 step %scan3A_37  : i32 {
        %mul3A_106 = arith.constant 1 : i32
        %mul3A_107 = arith.muli %scan3A_105, %mul3A_106 : i32
        %add3A = arith.constant 0 : i32
        %add3A_108 = arith.addi %add3A, %mul3A_107 : i32
        %mul3A_109 = arith.constant 16 : i32
        %mul3A_110 = arith.muli %add3A_108, %mul3A_109 : i32
        %get3A = arith.index_cast %mul3A_110 : i32 to index
        %get3A_111 = tpu.vector_load %arg7[%get3A] {strides = array<i32>} : memref<640xf32, #tpu.memory_space<vmem>>, vector<16xf32>,
        %get3A_112 = arith.index_cast %mul3A_110 : i32 to index
        %get3A_113 = tpu.vector_load %arg6[%get3A_112] {strides = array<i32>} : memref<640xf32, #tpu.memory_space<vmem>>, vector<16xf32>,
        %add3A_114 = arith.addf %get3A_111, %get3A_113 : vector<16xf32>
        %swap3A = arith.index_cast %mul3A_110 : i32 to index
        %swap3A_115 = tpu.vector_load %arg7[%swap3A] {strides = array<i32>} : memref<640xf32, #tpu.memory_space<vmem>>, vector<16xf32>,
        tpu.vector_store %arg7[%swap3A], %add3A_114 {strides = array<i32>} : memref<640xf32, #tpu.memory_space<vmem>>, vector<16xf32>,
      }
      %scan3A_38 = arith.constant 40 : i32
      %run_scoped3A_39 = arith.constant 5 : i32
      "tpu.region"() ({
        %run_scoped3A_105 = tpu.sem_alloc : memref<!tpu.dma_semaphore, #tpu.memory_space<semaphore_mem>>
        %dma_start3A = tpu.memref_slice %arg8[%run_scoped3A_39, %mul3A_0] : memref<16x10240xf32, #tpu.memory_space<vmem_shared>> -> memref<1x640xf32, #tpu.memory_space<vmem_shared>>
        %dma_start3A_106 = tpu.memref_squeeze %dma_start3A : memref<1x640xf32, #tpu.memory_space<vmem_shared>> -> memref<640xf32, #tpu.memory_space<vmem_shared>>
        %dma_start3A_107 = tpu.memref_slice %arg8[%run_scoped3A_39, %mul3A_0] : memref<16x10240xf32, #tpu.memory_space<vmem_shared>> -> memref<1x640xf32, #tpu.memory_space<vmem_shared>>
        %dma_start3A_108 = tpu.memref_squeeze %dma_start3A_107 : memref<1x640xf32, #tpu.memory_space<vmem_shared>> -> memref<640xf32, #tpu.memory_space<vmem_shared>>
        tpu.enqueue_dma source(%dma_start3A_108 : memref<640xf32, #tpu.memory_space<vmem_shared>>) target(%arg6 : memref<640xf32, #tpu.memory_space<vmem>>) target_semaphore(%run_scoped3A_105 : memref<!tpu.dma_semaphore, #tpu.memory_space<semaphore_mem>>)
        %dma_wait3A = tpu.memref_slice %arg8[%run_scoped3A_39, %mul3A_0] : memref<16x10240xf32, #tpu.memory_space<vmem_shared>> -> memref<1x640xf32, #tpu.memory_space<vmem_shared>>
        %dma_wait3A_109 = tpu.memref_squeeze %dma_wait3A : memref<1x640xf32, #tpu.memory_space<vmem_shared>> -> memref<640xf32, #tpu.memory_space<vmem_shared>>
        %dma_wait3A_110 = tpu.memref_slice %arg8[%run_scoped3A_39, %mul3A_0] : memref<16x10240xf32, #tpu.memory_space<vmem_shared>> -> memref<1x640xf32, #tpu.memory_space<vmem_shared>>
        %dma_wait3A_111 = tpu.memref_squeeze %dma_wait3A_110 : memref<1x640xf32, #tpu.memory_space<vmem_shared>> -> memref<640xf32, #tpu.memory_space<vmem_shared>>
        tpu.wait_dma2 semaphore(%run_scoped3A_105 : memref<!tpu.dma_semaphore, #tpu.memory_space<semaphore_mem>>) src(%dma_wait3A_111 : memref<640xf32, #tpu.memory_space<vmem_shared>>) dst(%arg6 : memref<640xf32, #tpu.memory_space<vmem>>)
        tpu.yield
      }) : () -> ()
      %scan3A_40 = arith.constant 0 : i32
      %scan3A_41 = arith.constant 40 : i32
      %scan3A_42 = arith.addi %scan3A_40, %scan3A_41 : i32
      %scan3A_43 = arith.constant 1 : i32
      scf.for %scan3A_105 = %scan3A_40 to %scan3A_42 step %scan3A_43  : i32 {
        %mul3A_106 = arith.constant 1 : i32
        %mul3A_107 = arith.muli %scan3A_105, %mul3A_106 : i32
        %add3A = arith.constant 0 : i32
        %add3A_108 = arith.addi %add3A, %mul3A_107 : i32
        %mul3A_109 = arith.constant 16 : i32
        %mul3A_110 = arith.muli %add3A_108, %mul3A_109 : i32
        %get3A = arith.index_cast %mul3A_110 : i32 to index
        %get3A_111 = tpu.vector_load %arg7[%get3A] {strides = array<i32>} : memref<640xf32, #tpu.memory_space<vmem>>, vector<16xf32>,
        %get3A_112 = arith.index_cast %mul3A_110 : i32 to index
        %get3A_113 = tpu.vector_load %arg6[%get3A_112] {strides = array<i32>} : memref<640xf32, #tpu.memory_space<vmem>>, vector<16xf32>,
        %add3A_114 = arith.addf %get3A_111, %get3A_113 : vector<16xf32>
        %swap3A = arith.index_cast %mul3A_110 : i32 to index
        %swap3A_115 = tpu.vector_load %arg7[%swap3A] {strides = array<i32>} : memref<640xf32, #tpu.memory_space<vmem>>, vector<16xf32>,
        tpu.vector_store %arg7[%swap3A], %add3A_114 {strides = array<i32>} : memref<640xf32, #tpu.memory_space<vmem>>, vector<16xf32>,
      }
      %scan3A_44 = arith.constant 40 : i32
      %run_scoped3A_45 = arith.constant 6 : i32
      "tpu.region"() ({
        %run_scoped3A_105 = tpu.sem_alloc : memref<!tpu.dma_semaphore, #tpu.memory_space<semaphore_mem>>
        %dma_start3A = tpu.memref_slice %arg8[%run_scoped3A_45, %mul3A_0] : memref<16x10240xf32, #tpu.memory_space<vmem_shared>> -> memref<1x640xf32, #tpu.memory_space<vmem_shared>>
        %dma_start3A_106 = tpu.memref_squeeze %dma_start3A : memref<1x640xf32, #tpu.memory_space<vmem_shared>> -> memref<640xf32, #tpu.memory_space<vmem_shared>>
        %dma_start3A_107 = tpu.memref_slice %arg8[%run_scoped3A_45, %mul3A_0] : memref<16x10240xf32, #tpu.memory_space<vmem_shared>> -> memref<1x640xf32, #tpu.memory_space<vmem_shared>>
        %dma_start3A_108 = tpu.memref_squeeze %dma_start3A_107 : memref<1x640xf32, #tpu.memory_space<vmem_shared>> -> memref<640xf32, #tpu.memory_space<vmem_shared>>
        tpu.enqueue_dma source(%dma_start3A_108 : memref<640xf32, #tpu.memory_space<vmem_shared>>) target(%arg6 : memref<640xf32, #tpu.memory_space<vmem>>) target_semaphore(%run_scoped3A_105 : memref<!tpu.dma_semaphore, #tpu.memory_space<semaphore_mem>>)
        %dma_wait3A = tpu.memref_slice %arg8[%run_scoped3A_45, %mul3A_0] : memref<16x10240xf32, #tpu.memory_space<vmem_shared>> -> memref<1x640xf32, #tpu.memory_space<vmem_shared>>
        %dma_wait3A_109 = tpu.memref_squeeze %dma_wait3A : memref<1x640xf32, #tpu.memory_space<vmem_shared>> -> memref<640xf32, #tpu.memory_space<vmem_shared>>
        %dma_wait3A_110 = tpu.memref_slice %arg8[%run_scoped3A_45, %mul3A_0] : memref<16x10240xf32, #tpu.memory_space<vmem_shared>> -> memref<1x640xf32, #tpu.memory_space<vmem_shared>>
        %dma_wait3A_111 = tpu.memref_squeeze %dma_wait3A_110 : memref<1x640xf32, #tpu.memory_space<vmem_shared>> -> memref<640xf32, #tpu.memory_space<vmem_shared>>
        tpu.wait_dma2 semaphore(%run_scoped3A_105 : memref<!tpu.dma_semaphore, #tpu.memory_space<semaphore_mem>>) src(%dma_wait3A_111 : memref<640xf32, #tpu.memory_space<vmem_shared>>) dst(%arg6 : memref<640xf32, #tpu.memory_space<vmem>>)
        tpu.yield
      }) : () -> ()
      %scan3A_46 = arith.constant 0 : i32
      %scan3A_47 = arith.constant 40 : i32
      %scan3A_48 = arith.addi %scan3A_46, %scan3A_47 : i32
      %scan3A_49 = arith.constant 1 : i32
      scf.for %scan3A_105 = %scan3A_46 to %scan3A_48 step %scan3A_49  : i32 {
        %mul3A_106 = arith.constant 1 : i32
        %mul3A_107 = arith.muli %scan3A_105, %mul3A_106 : i32
        %add3A = arith.constant 0 : i32
        %add3A_108 = arith.addi %add3A, %mul3A_107 : i32
        %mul3A_109 = arith.constant 16 : i32
        %mul3A_110 = arith.muli %add3A_108, %mul3A_109 : i32
        %get3A = arith.index_cast %mul3A_110 : i32 to index
        %get3A_111 = tpu.vector_load %arg7[%get3A] {strides = array<i32>} : memref<640xf32, #tpu.memory_space<vmem>>, vector<16xf32>,
        %get3A_112 = arith.index_cast %mul3A_110 : i32 to index
        %get3A_113 = tpu.vector_load %arg6[%get3A_112] {strides = array<i32>} : memref<640xf32, #tpu.memory_space<vmem>>, vector<16xf32>,
        %add3A_114 = arith.addf %get3A_111, %get3A_113 : vector<16xf32>
        %swap3A = arith.index_cast %mul3A_110 : i32 to index
        %swap3A_115 = tpu.vector_load %arg7[%swap3A] {strides = array<i32>} : memref<640xf32, #tpu.memory_space<vmem>>, vector<16xf32>,
        tpu.vector_store %arg7[%swap3A], %add3A_114 {strides = array<i32>} : memref<640xf32, #tpu.memory_space<vmem>>, vector<16xf32>,
      }
      %scan3A_50 = arith.constant 40 : i32
      %run_scoped3A_51 = arith.constant 7 : i32
      "tpu.region"() ({
        %run_scoped3A_105 = tpu.sem_alloc : memref<!tpu.dma_semaphore, #tpu.memory_space<semaphore_mem>>
        %dma_start3A = tpu.memref_slice %arg8[%run_scoped3A_51, %mul3A_0] : memref<16x10240xf32, #tpu.memory_space<vmem_shared>> -> memref<1x640xf32, #tpu.memory_space<vmem_shared>>
        %dma_start3A_106 = tpu.memref_squeeze %dma_start3A : memref<1x640xf32, #tpu.memory_space<vmem_shared>> -> memref<640xf32, #tpu.memory_space<vmem_shared>>
        %dma_start3A_107 = tpu.memref_slice %arg8[%run_scoped3A_51, %mul3A_0] : memref<16x10240xf32, #tpu.memory_space<vmem_shared>> -> memref<1x640xf32, #tpu.memory_space<vmem_shared>>
        %dma_start3A_108 = tpu.memref_squeeze %dma_start3A_107 : memref<1x640xf32, #tpu.memory_space<vmem_shared>> -> memref<640xf32, #tpu.memory_space<vmem_shared>>
        tpu.enqueue_dma source(%dma_start3A_108 : memref<640xf32, #tpu.memory_space<vmem_shared>>) target(%arg6 : memref<640xf32, #tpu.memory_space<vmem>>) target_semaphore(%run_scoped3A_105 : memref<!tpu.dma_semaphore, #tpu.memory_space<semaphore_mem>>)
        %dma_wait3A = tpu.memref_slice %arg8[%run_scoped3A_51, %mul3A_0] : memref<16x10240xf32, #tpu.memory_space<vmem_shared>> -> memref<1x640xf32, #tpu.memory_space<vmem_shared>>
        %dma_wait3A_109 = tpu.memref_squeeze %dma_wait3A : memref<1x640xf32, #tpu.memory_space<vmem_shared>> -> memref<640xf32, #tpu.memory_space<vmem_shared>>
        %dma_wait3A_110 = tpu.memref_slice %arg8[%run_scoped3A_51, %mul3A_0] : memref<16x10240xf32, #tpu.memory_space<vmem_shared>> -> memref<1x640xf32, #tpu.memory_space<vmem_shared>>
        %dma_wait3A_111 = tpu.memref_squeeze %dma_wait3A_110 : memref<1x640xf32, #tpu.memory_space<vmem_shared>> -> memref<640xf32, #tpu.memory_space<vmem_shared>>
        tpu.wait_dma2 semaphore(%run_scoped3A_105 : memref<!tpu.dma_semaphore, #tpu.memory_space<semaphore_mem>>) src(%dma_wait3A_111 : memref<640xf32, #tpu.memory_space<vmem_shared>>) dst(%arg6 : memref<640xf32, #tpu.memory_space<vmem>>)
        tpu.yield
      }) : () -> ()
      %scan3A_52 = arith.constant 0 : i32
      %scan3A_53 = arith.constant 40 : i32
      %scan3A_54 = arith.addi %scan3A_52, %scan3A_53 : i32
      %scan3A_55 = arith.constant 1 : i32
      scf.for %scan3A_105 = %scan3A_52 to %scan3A_54 step %scan3A_55  : i32 {
        %mul3A_106 = arith.constant 1 : i32
        %mul3A_107 = arith.muli %scan3A_105, %mul3A_106 : i32
        %add3A = arith.constant 0 : i32
        %add3A_108 = arith.addi %add3A, %mul3A_107 : i32
        %mul3A_109 = arith.constant 16 : i32
        %mul3A_110 = arith.muli %add3A_108, %mul3A_109 : i32
        %get3A = arith.index_cast %mul3A_110 : i32 to index
        %get3A_111 = tpu.vector_load %arg7[%get3A] {strides = array<i32>} : memref<640xf32, #tpu.memory_space<vmem>>, vector<16xf32>,
        %get3A_112 = arith.index_cast %mul3A_110 : i32 to index
        %get3A_113 = tpu.vector_load %arg6[%get3A_112] {strides = array<i32>} : memref<640xf32, #tpu.memory_space<vmem>>, vector<16xf32>,
        %add3A_114 = arith.addf %get3A_111, %get3A_113 : vector<16xf32>
        %swap3A = arith.index_cast %mul3A_110 : i32 to index
        %swap3A_115 = tpu.vector_load %arg7[%swap3A] {strides = array<i32>} : memref<640xf32, #tpu.memory_space<vmem>>, vector<16xf32>,
        tpu.vector_store %arg7[%swap3A], %add3A_114 {strides = array<i32>} : memref<640xf32, #tpu.memory_space<vmem>>, vector<16xf32>,
      }
      %scan3A_56 = arith.constant 40 : i32
      %run_scoped3A_57 = arith.constant 8 : i32
      "tpu.region"() ({
        %run_scoped3A_105 = tpu.sem_alloc : memref<!tpu.dma_semaphore, #tpu.memory_space<semaphore_mem>>
        %dma_start3A = tpu.memref_slice %arg8[%run_scoped3A_57, %mul3A_0] : memref<16x10240xf32, #tpu.memory_space<vmem_shared>> -> memref<1x640xf32, #tpu.memory_space<vmem_shared>>
        %dma_start3A_106 = tpu.memref_squeeze %dma_start3A : memref<1x640xf32, #tpu.memory_space<vmem_shared>> -> memref<640xf32, #tpu.memory_space<vmem_shared>>
        %dma_start3A_107 = tpu.memref_slice %arg8[%run_scoped3A_57, %mul3A_0] : memref<16x10240xf32, #tpu.memory_space<vmem_shared>> -> memref<1x640xf32, #tpu.memory_space<vmem_shared>>
        %dma_start3A_108 = tpu.memref_squeeze %dma_start3A_107 : memref<1x640xf32, #tpu.memory_space<vmem_shared>> -> memref<640xf32, #tpu.memory_space<vmem_shared>>
        tpu.enqueue_dma source(%dma_start3A_108 : memref<640xf32, #tpu.memory_space<vmem_shared>>) target(%arg6 : memref<640xf32, #tpu.memory_space<vmem>>) target_semaphore(%run_scoped3A_105 : memref<!tpu.dma_semaphore, #tpu.memory_space<semaphore_mem>>)
        %dma_wait3A = tpu.memref_slice %arg8[%run_scoped3A_57, %mul3A_0] : memref<16x10240xf32, #tpu.memory_space<vmem_shared>> -> memref<1x640xf32, #tpu.memory_space<vmem_shared>>
        %dma_wait3A_109 = tpu.memref_squeeze %dma_wait3A : memref<1x640xf32, #tpu.memory_space<vmem_shared>> -> memref<640xf32, #tpu.memory_space<vmem_shared>>
        %dma_wait3A_110 = tpu.memref_slice %arg8[%run_scoped3A_57, %mul3A_0] : memref<16x10240xf32, #tpu.memory_space<vmem_shared>> -> memref<1x640xf32, #tpu.memory_space<vmem_shared>>
        %dma_wait3A_111 = tpu.memref_squeeze %dma_wait3A_110 : memref<1x640xf32, #tpu.memory_space<vmem_shared>> -> memref<640xf32, #tpu.memory_space<vmem_shared>>
        tpu.wait_dma2 semaphore(%run_scoped3A_105 : memref<!tpu.dma_semaphore, #tpu.memory_space<semaphore_mem>>) src(%dma_wait3A_111 : memref<640xf32, #tpu.memory_space<vmem_shared>>) dst(%arg6 : memref<640xf32, #tpu.memory_space<vmem>>)
        tpu.yield
      }) : () -> ()
      %scan3A_58 = arith.constant 0 : i32
      %scan3A_59 = arith.constant 40 : i32
      %scan3A_60 = arith.addi %scan3A_58, %scan3A_59 : i32
      %scan3A_61 = arith.constant 1 : i32
      scf.for %scan3A_105 = %scan3A_58 to %scan3A_60 step %scan3A_61  : i32 {
        %mul3A_106 = arith.constant 1 : i32
        %mul3A_107 = arith.muli %scan3A_105, %mul3A_106 : i32
        %add3A = arith.constant 0 : i32
        %add3A_108 = arith.addi %add3A, %mul3A_107 : i32
        %mul3A_109 = arith.constant 16 : i32
        %mul3A_110 = arith.muli %add3A_108, %mul3A_109 : i32
        %get3A = arith.index_cast %mul3A_110 : i32 to index
        %get3A_111 = tpu.vector_load %arg7[%get3A] {strides = array<i32>} : memref<640xf32, #tpu.memory_space<vmem>>, vector<16xf32>,
        %get3A_112 = arith.index_cast %mul3A_110 : i32 to index
        %get3A_113 = tpu.vector_load %arg6[%get3A_112] {strides = array<i32>} : memref<640xf32, #tpu.memory_space<vmem>>, vector<16xf32>,
        %add3A_114 = arith.addf %get3A_111, %get3A_113 : vector<16xf32>
        %swap3A = arith.index_cast %mul3A_110 : i32 to index
        %swap3A_115 = tpu.vector_load %arg7[%swap3A] {strides = array<i32>} : memref<640xf32, #tpu.memory_space<vmem>>, vector<16xf32>,
        tpu.vector_store %arg7[%swap3A], %add3A_114 {strides = array<i32>} : memref<640xf32, #tpu.memory_space<vmem>>, vector<16xf32>,
      }
      %scan3A_62 = arith.constant 40 : i32
      %run_scoped3A_63 = arith.constant 9 : i32
      "tpu.region"() ({
        %run_scoped3A_105 = tpu.sem_alloc : memref<!tpu.dma_semaphore, #tpu.memory_space<semaphore_mem>>
        %dma_start3A = tpu.memref_slice %arg8[%run_scoped3A_63, %mul3A_0] : memref<16x10240xf32, #tpu.memory_space<vmem_shared>> -> memref<1x640xf32, #tpu.memory_space<vmem_shared>>
        %dma_start3A_106 = tpu.memref_squeeze %dma_start3A : memref<1x640xf32, #tpu.memory_space<vmem_shared>> -> memref<640xf32, #tpu.memory_space<vmem_shared>>
        %dma_start3A_107 = tpu.memref_slice %arg8[%run_scoped3A_63, %mul3A_0] : memref<16x10240xf32, #tpu.memory_space<vmem_shared>> -> memref<1x640xf32, #tpu.memory_space<vmem_shared>>
        %dma_start3A_108 = tpu.memref_squeeze %dma_start3A_107 : memref<1x640xf32, #tpu.memory_space<vmem_shared>> -> memref<640xf32, #tpu.memory_space<vmem_shared>>
        tpu.enqueue_dma source(%dma_start3A_108 : memref<640xf32, #tpu.memory_space<vmem_shared>>) target(%arg6 : memref<640xf32, #tpu.memory_space<vmem>>) target_semaphore(%run_scoped3A_105 : memref<!tpu.dma_semaphore, #tpu.memory_space<semaphore_mem>>)
        %dma_wait3A = tpu.memref_slice %arg8[%run_scoped3A_63, %mul3A_0] : memref<16x10240xf32, #tpu.memory_space<vmem_shared>> -> memref<1x640xf32, #tpu.memory_space<vmem_shared>>
        %dma_wait3A_109 = tpu.memref_squeeze %dma_wait3A : memref<1x640xf32, #tpu.memory_space<vmem_shared>> -> memref<640xf32, #tpu.memory_space<vmem_shared>>
        %dma_wait3A_110 = tpu.memref_slice %arg8[%run_scoped3A_63, %mul3A_0] : memref<16x10240xf32, #tpu.memory_space<vmem_shared>> -> memref<1x640xf32, #tpu.memory_space<vmem_shared>>
        %dma_wait3A_111 = tpu.memref_squeeze %dma_wait3A_110 : memref<1x640xf32, #tpu.memory_space<vmem_shared>> -> memref<640xf32, #tpu.memory_space<vmem_shared>>
        tpu.wait_dma2 semaphore(%run_scoped3A_105 : memref<!tpu.dma_semaphore, #tpu.memory_space<semaphore_mem>>) src(%dma_wait3A_111 : memref<640xf32, #tpu.memory_space<vmem_shared>>) dst(%arg6 : memref<640xf32, #tpu.memory_space<vmem>>)
        tpu.yield
      }) : () -> ()
      %scan3A_64 = arith.constant 0 : i32
      %scan3A_65 = arith.constant 40 : i32
      %scan3A_66 = arith.addi %scan3A_64, %scan3A_65 : i32
      %scan3A_67 = arith.constant 1 : i32
      scf.for %scan3A_105 = %scan3A_64 to %scan3A_66 step %scan3A_67  : i32 {
        %mul3A_106 = arith.constant 1 : i32
        %mul3A_107 = arith.muli %scan3A_105, %mul3A_106 : i32
        %add3A = arith.constant 0 : i32
        %add3A_108 = arith.addi %add3A, %mul3A_107 : i32
        %mul3A_109 = arith.constant 16 : i32
        %mul3A_110 = arith.muli %add3A_108, %mul3A_109 : i32
        %get3A = arith.index_cast %mul3A_110 : i32 to index
        %get3A_111 = tpu.vector_load %arg7[%get3A] {strides = array<i32>} : memref<640xf32, #tpu.memory_space<vmem>>, vector<16xf32>,
        %get3A_112 = arith.index_cast %mul3A_110 : i32 to index
        %get3A_113 = tpu.vector_load %arg6[%get3A_112] {strides = array<i32>} : memref<640xf32, #tpu.memory_space<vmem>>, vector<16xf32>,
        %add3A_114 = arith.addf %get3A_111, %get3A_113 : vector<16xf32>
        %swap3A = arith.index_cast %mul3A_110 : i32 to index
        %swap3A_115 = tpu.vector_load %arg7[%swap3A] {strides = array<i32>} : memref<640xf32, #tpu.memory_space<vmem>>, vector<16xf32>,
        tpu.vector_store %arg7[%swap3A], %add3A_114 {strides = array<i32>} : memref<640xf32, #tpu.memory_space<vmem>>, vector<16xf32>,
      }
      %scan3A_68 = arith.constant 40 : i32
      %run_scoped3A_69 = arith.constant 10 : i32
      "tpu.region"() ({
        %run_scoped3A_105 = tpu.sem_alloc : memref<!tpu.dma_semaphore, #tpu.memory_space<semaphore_mem>>
        %dma_start3A = tpu.memref_slice %arg8[%run_scoped3A_69, %mul3A_0] : memref<16x10240xf32, #tpu.memory_space<vmem_shared>> -> memref<1x640xf32, #tpu.memory_space<vmem_shared>>
        %dma_start3A_106 = tpu.memref_squeeze %dma_start3A : memref<1x640xf32, #tpu.memory_space<vmem_shared>> -> memref<640xf32, #tpu.memory_space<vmem_shared>>
        %dma_start3A_107 = tpu.memref_slice %arg8[%run_scoped3A_69, %mul3A_0] : memref<16x10240xf32, #tpu.memory_space<vmem_shared>> -> memref<1x640xf32, #tpu.memory_space<vmem_shared>>
        %dma_start3A_108 = tpu.memref_squeeze %dma_start3A_107 : memref<1x640xf32, #tpu.memory_space<vmem_shared>> -> memref<640xf32, #tpu.memory_space<vmem_shared>>
        tpu.enqueue_dma source(%dma_start3A_108 : memref<640xf32, #tpu.memory_space<vmem_shared>>) target(%arg6 : memref<640xf32, #tpu.memory_space<vmem>>) target_semaphore(%run_scoped3A_105 : memref<!tpu.dma_semaphore, #tpu.memory_space<semaphore_mem>>)
        %dma_wait3A = tpu.memref_slice %arg8[%run_scoped3A_69, %mul3A_0] : memref<16x10240xf32, #tpu.memory_space<vmem_shared>> -> memref<1x640xf32, #tpu.memory_space<vmem_shared>>
        %dma_wait3A_109 = tpu.memref_squeeze %dma_wait3A : memref<1x640xf32, #tpu.memory_space<vmem_shared>> -> memref<640xf32, #tpu.memory_space<vmem_shared>>
        %dma_wait3A_110 = tpu.memref_slice %arg8[%run_scoped3A_69, %mul3A_0] : memref<16x10240xf32, #tpu.memory_space<vmem_shared>> -> memref<1x640xf32, #tpu.memory_space<vmem_shared>>
        %dma_wait3A_111 = tpu.memref_squeeze %dma_wait3A_110 : memref<1x640xf32, #tpu.memory_space<vmem_shared>> -> memref<640xf32, #tpu.memory_space<vmem_shared>>
        tpu.wait_dma2 semaphore(%run_scoped3A_105 : memref<!tpu.dma_semaphore, #tpu.memory_space<semaphore_mem>>) src(%dma_wait3A_111 : memref<640xf32, #tpu.memory_space<vmem_shared>>) dst(%arg6 : memref<640xf32, #tpu.memory_space<vmem>>)
        tpu.yield
      }) : () -> ()
      %scan3A_70 = arith.constant 0 : i32
      %scan3A_71 = arith.constant 40 : i32
      %scan3A_72 = arith.addi %scan3A_70, %scan3A_71 : i32
      %scan3A_73 = arith.constant 1 : i32
      scf.for %scan3A_105 = %scan3A_70 to %scan3A_72 step %scan3A_73  : i32 {
        %mul3A_106 = arith.constant 1 : i32
        %mul3A_107 = arith.muli %scan3A_105, %mul3A_106 : i32
        %add3A = arith.constant 0 : i32
        %add3A_108 = arith.addi %add3A, %mul3A_107 : i32
        %mul3A_109 = arith.constant 16 : i32
        %mul3A_110 = arith.muli %add3A_108, %mul3A_109 : i32
        %get3A = arith.index_cast %mul3A_110 : i32 to index
        %get3A_111 = tpu.vector_load %arg7[%get3A] {strides = array<i32>} : memref<640xf32, #tpu.memory_space<vmem>>, vector<16xf32>,
        %get3A_112 = arith.index_cast %mul3A_110 : i32 to index
        %get3A_113 = tpu.vector_load %arg6[%get3A_112] {strides = array<i32>} : memref<640xf32, #tpu.memory_space<vmem>>, vector<16xf32>,
        %add3A_114 = arith.addf %get3A_111, %get3A_113 : vector<16xf32>
        %swap3A = arith.index_cast %mul3A_110 : i32 to index
        %swap3A_115 = tpu.vector_load %arg7[%swap3A] {strides = array<i32>} : memref<640xf32, #tpu.memory_space<vmem>>, vector<16xf32>,
        tpu.vector_store %arg7[%swap3A], %add3A_114 {strides = array<i32>} : memref<640xf32, #tpu.memory_space<vmem>>, vector<16xf32>,
      }
      %scan3A_74 = arith.constant 40 : i32
      %run_scoped3A_75 = arith.constant 11 : i32
      "tpu.region"() ({
        %run_scoped3A_105 = tpu.sem_alloc : memref<!tpu.dma_semaphore, #tpu.memory_space<semaphore_mem>>
        %dma_start3A = tpu.memref_slice %arg8[%run_scoped3A_75, %mul3A_0] : memref<16x10240xf32, #tpu.memory_space<vmem_shared>> -> memref<1x640xf32, #tpu.memory_space<vmem_shared>>
        %dma_start3A_106 = tpu.memref_squeeze %dma_start3A : memref<1x640xf32, #tpu.memory_space<vmem_shared>> -> memref<640xf32, #tpu.memory_space<vmem_shared>>
        %dma_start3A_107 = tpu.memref_slice %arg8[%run_scoped3A_75, %mul3A_0] : memref<16x10240xf32, #tpu.memory_space<vmem_shared>> -> memref<1x640xf32, #tpu.memory_space<vmem_shared>>
        %dma_start3A_108 = tpu.memref_squeeze %dma_start3A_107 : memref<1x640xf32, #tpu.memory_space<vmem_shared>> -> memref<640xf32, #tpu.memory_space<vmem_shared>>
        tpu.enqueue_dma source(%dma_start3A_108 : memref<640xf32, #tpu.memory_space<vmem_shared>>) target(%arg6 : memref<640xf32, #tpu.memory_space<vmem>>) target_semaphore(%run_scoped3A_105 : memref<!tpu.dma_semaphore, #tpu.memory_space<semaphore_mem>>)
        %dma_wait3A = tpu.memref_slice %arg8[%run_scoped3A_75, %mul3A_0] : memref<16x10240xf32, #tpu.memory_space<vmem_shared>> -> memref<1x640xf32, #tpu.memory_space<vmem_shared>>
        %dma_wait3A_109 = tpu.memref_squeeze %dma_wait3A : memref<1x640xf32, #tpu.memory_space<vmem_shared>> -> memref<640xf32, #tpu.memory_space<vmem_shared>>
        %dma_wait3A_110 = tpu.memref_slice %arg8[%run_scoped3A_75, %mul3A_0] : memref<16x10240xf32, #tpu.memory_space<vmem_shared>> -> memref<1x640xf32, #tpu.memory_space<vmem_shared>>
        %dma_wait3A_111 = tpu.memref_squeeze %dma_wait3A_110 : memref<1x640xf32, #tpu.memory_space<vmem_shared>> -> memref<640xf32, #tpu.memory_space<vmem_shared>>
        tpu.wait_dma2 semaphore(%run_scoped3A_105 : memref<!tpu.dma_semaphore, #tpu.memory_space<semaphore_mem>>) src(%dma_wait3A_111 : memref<640xf32, #tpu.memory_space<vmem_shared>>) dst(%arg6 : memref<640xf32, #tpu.memory_space<vmem>>)
        tpu.yield
      }) : () -> ()
      %scan3A_76 = arith.constant 0 : i32
      %scan3A_77 = arith.constant 40 : i32
      %scan3A_78 = arith.addi %scan3A_76, %scan3A_77 : i32
      %scan3A_79 = arith.constant 1 : i32
      scf.for %scan3A_105 = %scan3A_76 to %scan3A_78 step %scan3A_79  : i32 {
        %mul3A_106 = arith.constant 1 : i32
        %mul3A_107 = arith.muli %scan3A_105, %mul3A_106 : i32
        %add3A = arith.constant 0 : i32
        %add3A_108 = arith.addi %add3A, %mul3A_107 : i32
        %mul3A_109 = arith.constant 16 : i32
        %mul3A_110 = arith.muli %add3A_108, %mul3A_109 : i32
        %get3A = arith.index_cast %mul3A_110 : i32 to index
        %get3A_111 = tpu.vector_load %arg7[%get3A] {strides = array<i32>} : memref<640xf32, #tpu.memory_space<vmem>>, vector<16xf32>,
        %get3A_112 = arith.index_cast %mul3A_110 : i32 to index
        %get3A_113 = tpu.vector_load %arg6[%get3A_112] {strides = array<i32>} : memref<640xf32, #tpu.memory_space<vmem>>, vector<16xf32>,
        %add3A_114 = arith.addf %get3A_111, %get3A_113 : vector<16xf32>
        %swap3A = arith.index_cast %mul3A_110 : i32 to index
        %swap3A_115 = tpu.vector_load %arg7[%swap3A] {strides = array<i32>} : memref<640xf32, #tpu.memory_space<vmem>>, vector<16xf32>,
        tpu.vector_store %arg7[%swap3A], %add3A_114 {strides = array<i32>} : memref<640xf32, #tpu.memory_space<vmem>>, vector<16xf32>,
      }
      %scan3A_80 = arith.constant 40 : i32
      %run_scoped3A_81 = arith.constant 12 : i32
      "tpu.region"() ({
        %run_scoped3A_105 = tpu.sem_alloc : memref<!tpu.dma_semaphore, #tpu.memory_space<semaphore_mem>>
        %dma_start3A = tpu.memref_slice %arg8[%run_scoped3A_81, %mul3A_0] : memref<16x10240xf32, #tpu.memory_space<vmem_shared>> -> memref<1x640xf32, #tpu.memory_space<vmem_shared>>
        %dma_start3A_106 = tpu.memref_squeeze %dma_start3A : memref<1x640xf32, #tpu.memory_space<vmem_shared>> -> memref<640xf32, #tpu.memory_space<vmem_shared>>
        %dma_start3A_107 = tpu.memref_slice %arg8[%run_scoped3A_81, %mul3A_0] : memref<16x10240xf32, #tpu.memory_space<vmem_shared>> -> memref<1x640xf32, #tpu.memory_space<vmem_shared>>
        %dma_start3A_108 = tpu.memref_squeeze %dma_start3A_107 : memref<1x640xf32, #tpu.memory_space<vmem_shared>> -> memref<640xf32, #tpu.memory_space<vmem_shared>>
        tpu.enqueue_dma source(%dma_start3A_108 : memref<640xf32, #tpu.memory_space<vmem_shared>>) target(%arg6 : memref<640xf32, #tpu.memory_space<vmem>>) target_semaphore(%run_scoped3A_105 : memref<!tpu.dma_semaphore, #tpu.memory_space<semaphore_mem>>)
        %dma_wait3A = tpu.memref_slice %arg8[%run_scoped3A_81, %mul3A_0] : memref<16x10240xf32, #tpu.memory_space<vmem_shared>> -> memref<1x640xf32, #tpu.memory_space<vmem_shared>>
        %dma_wait3A_109 = tpu.memref_squeeze %dma_wait3A : memref<1x640xf32, #tpu.memory_space<vmem_shared>> -> memref<640xf32, #tpu.memory_space<vmem_shared>>
        %dma_wait3A_110 = tpu.memref_slice %arg8[%run_scoped3A_81, %mul3A_0] : memref<16x10240xf32, #tpu.memory_space<vmem_shared>> -> memref<1x640xf32, #tpu.memory_space<vmem_shared>>
        %dma_wait3A_111 = tpu.memref_squeeze %dma_wait3A_110 : memref<1x640xf32, #tpu.memory_space<vmem_shared>> -> memref<640xf32, #tpu.memory_space<vmem_shared>>
        tpu.wait_dma2 semaphore(%run_scoped3A_105 : memref<!tpu.dma_semaphore, #tpu.memory_space<semaphore_mem>>) src(%dma_wait3A_111 : memref<640xf32, #tpu.memory_space<vmem_shared>>) dst(%arg6 : memref<640xf32, #tpu.memory_space<vmem>>)
        tpu.yield
      }) : () -> ()
      %scan3A_82 = arith.constant 0 : i32
      %scan3A_83 = arith.constant 40 : i32
      %scan3A_84 = arith.addi %scan3A_82, %scan3A_83 : i32
      %scan3A_85 = arith.constant 1 : i32
      scf.for %scan3A_105 = %scan3A_82 to %scan3A_84 step %scan3A_85  : i32 {
        %mul3A_106 = arith.constant 1 : i32
        %mul3A_107 = arith.muli %scan3A_105, %mul3A_106 : i32
        %add3A = arith.constant 0 : i32
        %add3A_108 = arith.addi %add3A, %mul3A_107 : i32
        %mul3A_109 = arith.constant 16 : i32
        %mul3A_110 = arith.muli %add3A_108, %mul3A_109 : i32
        %get3A = arith.index_cast %mul3A_110 : i32 to index
        %get3A_111 = tpu.vector_load %arg7[%get3A] {strides = array<i32>} : memref<640xf32, #tpu.memory_space<vmem>>, vector<16xf32>,
        %get3A_112 = arith.index_cast %mul3A_110 : i32 to index
        %get3A_113 = tpu.vector_load %arg6[%get3A_112] {strides = array<i32>} : memref<640xf32, #tpu.memory_space<vmem>>, vector<16xf32>,
        %add3A_114 = arith.addf %get3A_111, %get3A_113 : vector<16xf32>
        %swap3A = arith.index_cast %mul3A_110 : i32 to index
        %swap3A_115 = tpu.vector_load %arg7[%swap3A] {strides = array<i32>} : memref<640xf32, #tpu.memory_space<vmem>>, vector<16xf32>,
        tpu.vector_store %arg7[%swap3A], %add3A_114 {strides = array<i32>} : memref<640xf32, #tpu.memory_space<vmem>>, vector<16xf32>,
      }
      %scan3A_86 = arith.constant 40 : i32
      %run_scoped3A_87 = arith.constant 13 : i32
      "tpu.region"() ({
        %run_scoped3A_105 = tpu.sem_alloc : memref<!tpu.dma_semaphore, #tpu.memory_space<semaphore_mem>>
        %dma_start3A = tpu.memref_slice %arg8[%run_scoped3A_87, %mul3A_0] : memref<16x10240xf32, #tpu.memory_space<vmem_shared>> -> memref<1x640xf32, #tpu.memory_space<vmem_shared>>
        %dma_start3A_106 = tpu.memref_squeeze %dma_start3A : memref<1x640xf32, #tpu.memory_space<vmem_shared>> -> memref<640xf32, #tpu.memory_space<vmem_shared>>
        %dma_start3A_107 = tpu.memref_slice %arg8[%run_scoped3A_87, %mul3A_0] : memref<16x10240xf32, #tpu.memory_space<vmem_shared>> -> memref<1x640xf32, #tpu.memory_space<vmem_shared>>
        %dma_start3A_108 = tpu.memref_squeeze %dma_start3A_107 : memref<1x640xf32, #tpu.memory_space<vmem_shared>> -> memref<640xf32, #tpu.memory_space<vmem_shared>>
        tpu.enqueue_dma source(%dma_start3A_108 : memref<640xf32, #tpu.memory_space<vmem_shared>>) target(%arg6 : memref<640xf32, #tpu.memory_space<vmem>>) target_semaphore(%run_scoped3A_105 : memref<!tpu.dma_semaphore, #tpu.memory_space<semaphore_mem>>)
        %dma_wait3A = tpu.memref_slice %arg8[%run_scoped3A_87, %mul3A_0] : memref<16x10240xf32, #tpu.memory_space<vmem_shared>> -> memref<1x640xf32, #tpu.memory_space<vmem_shared>>
        %dma_wait3A_109 = tpu.memref_squeeze %dma_wait3A : memref<1x640xf32, #tpu.memory_space<vmem_shared>> -> memref<640xf32, #tpu.memory_space<vmem_shared>>
        %dma_wait3A_110 = tpu.memref_slice %arg8[%run_scoped3A_87, %mul3A_0] : memref<16x10240xf32, #tpu.memory_space<vmem_shared>> -> memref<1x640xf32, #tpu.memory_space<vmem_shared>>
        %dma_wait3A_111 = tpu.memref_squeeze %dma_wait3A_110 : memref<1x640xf32, #tpu.memory_space<vmem_shared>> -> memref<640xf32, #tpu.memory_space<vmem_shared>>
        tpu.wait_dma2 semaphore(%run_scoped3A_105 : memref<!tpu.dma_semaphore, #tpu.memory_space<semaphore_mem>>) src(%dma_wait3A_111 : memref<640xf32, #tpu.memory_space<vmem_shared>>) dst(%arg6 : memref<640xf32, #tpu.memory_space<vmem>>)
        tpu.yield
      }) : () -> ()
      %scan3A_88 = arith.constant 0 : i32
      %scan3A_89 = arith.constant 40 : i32
      %scan3A_90 = arith.addi %scan3A_88, %scan3A_89 : i32
      %scan3A_91 = arith.constant 1 : i32
      scf.for %scan3A_105 = %scan3A_88 to %scan3A_90 step %scan3A_91  : i32 {
        %mul3A_106 = arith.constant 1 : i32
        %mul3A_107 = arith.muli %scan3A_105, %mul3A_106 : i32
        %add3A = arith.constant 0 : i32
        %add3A_108 = arith.addi %add3A, %mul3A_107 : i32
        %mul3A_109 = arith.constant 16 : i32
        %mul3A_110 = arith.muli %add3A_108, %mul3A_109 : i32
        %get3A = arith.index_cast %mul3A_110 : i32 to index
        %get3A_111 = tpu.vector_load %arg7[%get3A] {strides = array<i32>} : memref<640xf32, #tpu.memory_space<vmem>>, vector<16xf32>,
        %get3A_112 = arith.index_cast %mul3A_110 : i32 to index
        %get3A_113 = tpu.vector_load %arg6[%get3A_112] {strides = array<i32>} : memref<640xf32, #tpu.memory_space<vmem>>, vector<16xf32>,
        %add3A_114 = arith.addf %get3A_111, %get3A_113 : vector<16xf32>
        %swap3A = arith.index_cast %mul3A_110 : i32 to index
        %swap3A_115 = tpu.vector_load %arg7[%swap3A] {strides = array<i32>} : memref<640xf32, #tpu.memory_space<vmem>>, vector<16xf32>,
        tpu.vector_store %arg7[%swap3A], %add3A_114 {strides = array<i32>} : memref<640xf32, #tpu.memory_space<vmem>>, vector<16xf32>,
      }
      %scan3A_92 = arith.constant 40 : i32
      %run_scoped3A_93 = arith.constant 14 : i32
      "tpu.region"() ({
        %run_scoped3A_105 = tpu.sem_alloc : memref<!tpu.dma_semaphore, #tpu.memory_space<semaphore_mem>>
        %dma_start3A = tpu.memref_slice %arg8[%run_scoped3A_93, %mul3A_0] : memref<16x10240xf32, #tpu.memory_space<vmem_shared>> -> memref<1x640xf32, #tpu.memory_space<vmem_shared>>
        %dma_start3A_106 = tpu.memref_squeeze %dma_start3A : memref<1x640xf32, #tpu.memory_space<vmem_shared>> -> memref<640xf32, #tpu.memory_space<vmem_shared>>
        %dma_start3A_107 = tpu.memref_slice %arg8[%run_scoped3A_93, %mul3A_0] : memref<16x10240xf32, #tpu.memory_space<vmem_shared>> -> memref<1x640xf32, #tpu.memory_space<vmem_shared>>
        %dma_start3A_108 = tpu.memref_squeeze %dma_start3A_107 : memref<1x640xf32, #tpu.memory_space<vmem_shared>> -> memref<640xf32, #tpu.memory_space<vmem_shared>>
        tpu.enqueue_dma source(%dma_start3A_108 : memref<640xf32, #tpu.memory_space<vmem_shared>>) target(%arg6 : memref<640xf32, #tpu.memory_space<vmem>>) target_semaphore(%run_scoped3A_105 : memref<!tpu.dma_semaphore, #tpu.memory_space<semaphore_mem>>)
        %dma_wait3A = tpu.memref_slice %arg8[%run_scoped3A_93, %mul3A_0] : memref<16x10240xf32, #tpu.memory_space<vmem_shared>> -> memref<1x640xf32, #tpu.memory_space<vmem_shared>>
        %dma_wait3A_109 = tpu.memref_squeeze %dma_wait3A : memref<1x640xf32, #tpu.memory_space<vmem_shared>> -> memref<640xf32, #tpu.memory_space<vmem_shared>>
        %dma_wait3A_110 = tpu.memref_slice %arg8[%run_scoped3A_93, %mul3A_0] : memref<16x10240xf32, #tpu.memory_space<vmem_shared>> -> memref<1x640xf32, #tpu.memory_space<vmem_shared>>
        %dma_wait3A_111 = tpu.memref_squeeze %dma_wait3A_110 : memref<1x640xf32, #tpu.memory_space<vmem_shared>> -> memref<640xf32, #tpu.memory_space<vmem_shared>>
        tpu.wait_dma2 semaphore(%run_scoped3A_105 : memref<!tpu.dma_semaphore, #tpu.memory_space<semaphore_mem>>) src(%dma_wait3A_111 : memref<640xf32, #tpu.memory_space<vmem_shared>>) dst(%arg6 : memref<640xf32, #tpu.memory_space<vmem>>)
        tpu.yield
      }) : () -> ()
      %scan3A_94 = arith.constant 0 : i32
      %scan3A_95 = arith.constant 40 : i32
      %scan3A_96 = arith.addi %scan3A_94, %scan3A_95 : i32
      %scan3A_97 = arith.constant 1 : i32
      scf.for %scan3A_105 = %scan3A_94 to %scan3A_96 step %scan3A_97  : i32 {
        %mul3A_106 = arith.constant 1 : i32
        %mul3A_107 = arith.muli %scan3A_105, %mul3A_106 : i32
        %add3A = arith.constant 0 : i32
        %add3A_108 = arith.addi %add3A, %mul3A_107 : i32
        %mul3A_109 = arith.constant 16 : i32
        %mul3A_110 = arith.muli %add3A_108, %mul3A_109 : i32
        %get3A = arith.index_cast %mul3A_110 : i32 to index
        %get3A_111 = tpu.vector_load %arg7[%get3A] {strides = array<i32>} : memref<640xf32, #tpu.memory_space<vmem>>, vector<16xf32>,
        %get3A_112 = arith.index_cast %mul3A_110 : i32 to index
        %get3A_113 = tpu.vector_load %arg6[%get3A_112] {strides = array<i32>} : memref<640xf32, #tpu.memory_space<vmem>>, vector<16xf32>,
        %add3A_114 = arith.addf %get3A_111, %get3A_113 : vector<16xf32>
        %swap3A = arith.index_cast %mul3A_110 : i32 to index
        %swap3A_115 = tpu.vector_load %arg7[%swap3A] {strides = array<i32>} : memref<640xf32, #tpu.memory_space<vmem>>, vector<16xf32>,
        tpu.vector_store %arg7[%swap3A], %add3A_114 {strides = array<i32>} : memref<640xf32, #tpu.memory_space<vmem>>, vector<16xf32>,
      }
      %scan3A_98 = arith.constant 40 : i32
      %run_scoped3A_99 = arith.constant 15 : i32
      "tpu.region"() ({
        %run_scoped3A_105 = tpu.sem_alloc : memref<!tpu.dma_semaphore, #tpu.memory_space<semaphore_mem>>
        %dma_start3A = tpu.memref_slice %arg8[%run_scoped3A_99, %mul3A_0] : memref<16x10240xf32, #tpu.memory_space<vmem_shared>> -> memref<1x640xf32, #tpu.memory_space<vmem_shared>>
        %dma_start3A_106 = tpu.memref_squeeze %dma_start3A : memref<1x640xf32, #tpu.memory_space<vmem_shared>> -> memref<640xf32, #tpu.memory_space<vmem_shared>>
        %dma_start3A_107 = tpu.memref_slice %arg8[%run_scoped3A_99, %mul3A_0] : memref<16x10240xf32, #tpu.memory_space<vmem_shared>> -> memref<1x640xf32, #tpu.memory_space<vmem_shared>>
        %dma_start3A_108 = tpu.memref_squeeze %dma_start3A_107 : memref<1x640xf32, #tpu.memory_space<vmem_shared>> -> memref<640xf32, #tpu.memory_space<vmem_shared>>
        tpu.enqueue_dma source(%dma_start3A_108 : memref<640xf32, #tpu.memory_space<vmem_shared>>) target(%arg6 : memref<640xf32, #tpu.memory_space<vmem>>) target_semaphore(%run_scoped3A_105 : memref<!tpu.dma_semaphore, #tpu.memory_space<semaphore_mem>>)
        %dma_wait3A = tpu.memref_slice %arg8[%run_scoped3A_99, %mul3A_0] : memref<16x10240xf32, #tpu.memory_space<vmem_shared>> -> memref<1x640xf32, #tpu.memory_space<vmem_shared>>
        %dma_wait3A_109 = tpu.memref_squeeze %dma_wait3A : memref<1x640xf32, #tpu.memory_space<vmem_shared>> -> memref<640xf32, #tpu.memory_space<vmem_shared>>
        %dma_wait3A_110 = tpu.memref_slice %arg8[%run_scoped3A_99, %mul3A_0] : memref<16x10240xf32, #tpu.memory_space<vmem_shared>> -> memref<1x640xf32, #tpu.memory_space<vmem_shared>>
        %dma_wait3A_111 = tpu.memref_squeeze %dma_wait3A_110 : memref<1x640xf32, #tpu.memory_space<vmem_shared>> -> memref<640xf32, #tpu.memory_space<vmem_shared>>
        tpu.wait_dma2 semaphore(%run_scoped3A_105 : memref<!tpu.dma_semaphore, #tpu.memory_space<semaphore_mem>>) src(%dma_wait3A_111 : memref<640xf32, #tpu.memory_space<vmem_shared>>) dst(%arg6 : memref<640xf32, #tpu.memory_space<vmem>>)
        tpu.yield
      }) : () -> ()
      %scan3A_100 = arith.constant 0 : i32
      %scan3A_101 = arith.constant 40 : i32
      %scan3A_102 = arith.addi %scan3A_100, %scan3A_101 : i32
      %scan3A_103 = arith.constant 1 : i32
      scf.for %scan3A_105 = %scan3A_100 to %scan3A_102 step %scan3A_103  : i32 {
        %mul3A_106 = arith.constant 1 : i32
        %mul3A_107 = arith.muli %scan3A_105, %mul3A_106 : i32
        %add3A = arith.constant 0 : i32
        %add3A_108 = arith.addi %add3A, %mul3A_107 : i32
        %mul3A_109 = arith.constant 16 : i32
        %mul3A_110 = arith.muli %add3A_108, %mul3A_109 : i32
        %get3A = arith.index_cast %mul3A_110 : i32 to index
        %get3A_111 = tpu.vector_load %arg7[%get3A] {strides = array<i32>} : memref<640xf32, #tpu.memory_space<vmem>>, vector<16xf32>,
        %get3A_112 = arith.index_cast %mul3A_110 : i32 to index
        %get3A_113 = tpu.vector_load %arg6[%get3A_112] {strides = array<i32>} : memref<640xf32, #tpu.memory_space<vmem>>, vector<16xf32>,
        %add3A_114 = arith.addf %get3A_111, %get3A_113 : vector<16xf32>
        %swap3A = arith.index_cast %mul3A_110 : i32 to index
        %swap3A_115 = tpu.vector_load %arg7[%swap3A] {strides = array<i32>} : memref<640xf32, #tpu.memory_space<vmem>>, vector<16xf32>,
        tpu.vector_store %arg7[%swap3A], %add3A_114 {strides = array<i32>} : memref<640xf32, #tpu.memory_space<vmem>>, vector<16xf32>,
      }
      %scan3A_104 = arith.constant 40 : i32
      "tpu.region"() ({
        %run_scoped3A_105 = tpu.sem_alloc : memref<!tpu.dma_semaphore, #tpu.memory_space<semaphore_mem>>
        %dma_start3A = tpu.memref_slice %arg3[%mul3A_0] : memref<10240xf32, #tpu.memory_space<hbm>> -> memref<640xf32, #tpu.memory_space<hbm>>
        %dma_start3A_106 = tpu.memref_slice %arg3[%mul3A_0] : memref<10240xf32, #tpu.memory_space<hbm>> -> memref<640xf32, #tpu.memory_space<hbm>>
        tpu.enqueue_dma source(%arg7 : memref<640xf32, #tpu.memory_space<vmem>>) target(%dma_start3A_106 : memref<640xf32, #tpu.memory_space<hbm>>) target_semaphore(%run_scoped3A_105 : memref<!tpu.dma_semaphore, #tpu.memory_space<semaphore_mem>>)
        %dma_wait3A = tpu.memref_slice %arg3[%mul3A_0] : memref<10240xf32, #tpu.memory_space<hbm>> -> memref<640xf32, #tpu.memory_space<hbm>>
        %dma_wait3A_107 = tpu.memref_slice %arg3[%mul3A_0] : memref<10240xf32, #tpu.memory_space<hbm>> -> memref<640xf32, #tpu.memory_space<hbm>>
        tpu.wait_dma2 semaphore(%run_scoped3A_105 : memref<!tpu.dma_semaphore, #tpu.memory_space<semaphore_mem>>) src(%arg7 : memref<640xf32, #tpu.memory_space<vmem>>) dst(%dma_wait3A_107 : memref<640xf32, #tpu.memory_space<hbm>>)
        tpu.yield
      }) : () -> ()
    } else {
    }
    return
  }
}

module attributes {stable_mosaic.version = 14 : i64} {
  func.func @_tc_layer(%arg0: i32, %arg1: memref<1000x128xbf16, #tpu.memory_space<vmem>>, %arg2: memref<1000x128xbf16, #tpu.memory_space<vmem>>, %arg3: memref<1000x1xf32, #tpu.memory_space<vmem>>, %arg4: memref<1000x128xf32, #tpu.memory_space<vmem>>, %arg5: memref<1000x128xf32, #tpu.memory_space<vmem>>, %arg6: memref<256x256xf32, #tpu.memory_space<vmem>>, %arg7: memref<256x256xf32, #tpu.memory_space<vmem>>, %arg8: memref<1x256xf32, #tpu.memory_space<vmem>>, %arg9: memref<1000x128xbf16, #tpu.memory_space<vmem>>, %arg10: memref<1000x128xbf16, #tpu.memory_space<vmem>>) attributes {dimension_semantics = [#tpu.dimension_semantics<arbitrary>], iteration_bounds = array<i64: 10>, scalar_prefetch = 0 : i64, scratch_operands = 0 : i64, tpu.core_type = #tpu.core_type<tc>, window_params = [{transform_indices = @transform_0, window_bounds = array<i64: 1000, 128>}, {transform_indices = @transform_1, window_bounds = array<i64: 1000, 128>}, {transform_indices = @transform_2, window_bounds = array<i64: 1000, 1>}, {transform_indices = @transform_3, window_bounds = array<i64: 1000, 128>}, {transform_indices = @transform_4, window_bounds = array<i64: 1000, 128>}, {pipeline_mode = #tpu.pipeline_mode<synchronous>, transform_indices = @transform_5, window_bounds = array<i64: 256, 256>}, {pipeline_mode = #tpu.pipeline_mode<synchronous>, transform_indices = @transform_6, window_bounds = array<i64: 256, 256>}, {pipeline_mode = #tpu.pipeline_mode<synchronous>, transform_indices = @transform_7, window_bounds = array<i64: 1, 256>}, {transform_indices = @transform_8, window_bounds = array<i64: 1000, 128>}, {transform_indices = @transform_9, window_bounds = array<i64: 1000, 128>}]} {
    %get3A = arith.constant 0 : index
    %get3A_0 = arith.constant 0 : index
    %get3A_1 = vector.load %arg3[%get3A, %get3A_0] : memref<1000x1xf32, #tpu.memory_space<vmem>>, vector<1000x1xf32>
    %max3A = arith.constant 1.000000e+00 : f32
    %max3A_2 = vector.broadcast %max3A : f32 to vector<1000x1xf32>
    %max3A_3 = arith.maximumf %get3A_1, %max3A_2 : vector<1000x1xf32>
    %div3A = arith.constant 1.000000e+00 : f32
    %div3A_4 = vector.broadcast %div3A : f32 to vector<1000x1xf32>
    %div3A_5 = arith.divf %div3A_4, %max3A_3 : vector<1000x1xf32>
    %get3A_6 = arith.constant 0 : index
    %get3A_7 = arith.constant 0 : index
    %get3A_8 = vector.load %arg1[%get3A_6, %get3A_7] : memref<1000x128xbf16, #tpu.memory_space<vmem>>, vector<1000x128xbf16>
    %convert_element_type3A = arith.extf %get3A_8 : vector<1000x128xbf16> to vector<1000x128xf32>
    %mul3A = vector.broadcast %div3A_5 : vector<1000x1xf32> to vector<1000x128xf32>
    %mul3A_9 = arith.mulf %convert_element_type3A, %mul3A : vector<1000x128xf32>
    %get3A_10 = arith.constant 0 : index
    %get3A_11 = arith.constant 0 : index
    %get3A_12 = vector.load %arg2[%get3A_10, %get3A_11] : memref<1000x128xbf16, #tpu.memory_space<vmem>>, vector<1000x128xbf16>
    %convert_element_type3A_13 = arith.extf %get3A_12 : vector<1000x128xbf16> to vector<1000x128xf32>
    %mul3A_14 = vector.broadcast %div3A_5 : vector<1000x1xf32> to vector<1000x128xf32>
    %mul3A_15 = arith.mulf %convert_element_type3A_13, %mul3A_14 : vector<1000x128xf32>
    %get3A_16 = arith.constant 0 : index
    %get3A_17 = arith.constant 0 : index
    %get3A_18 = vector.load %arg4[%get3A_16, %get3A_17] : memref<1000x128xf32, #tpu.memory_space<vmem>>, vector<1000x128xf32>
    %get3A_19 = arith.constant 0 : index
    %get3A_20 = arith.constant 0 : index
    %get3A_21 = vector.load %arg5[%get3A_19, %get3A_20] : memref<1000x128xf32, #tpu.memory_space<vmem>>, vector<1000x128xf32>
    %get3A_22 = arith.constant 0 : index
    %get3A_23 = arith.constant 0 : index
    %get3A_24 = vector.load %arg6[%get3A_22, %get3A_23] : memref<256x256xf32, #tpu.memory_space<vmem>>, vector<128x256xf32>
    %dot_general3A = arith.constant dense<0.000000e+00> : vector<1000x256xf32>
    %dot_general3A_25 = tpu.matmul %mul3A_9, %get3A_24, %dot_general3A {dimension_numbers = #tpu.dot_dimension_numbers<[1], [0], [0], [1], [0, 0, 1, 1], [], []>, transpose_lhs_hint = false} : vector<1000x128xf32>, vector<128x256xf32>, vector<1000x256xf32> -> vector<1000x256xf32>
    %get3A_26 = arith.constant 128 : index
    %get3A_27 = arith.constant 0 : index
    %get3A_28 = vector.load %arg6[%get3A_26, %get3A_27] : memref<256x256xf32, #tpu.memory_space<vmem>>, vector<128x256xf32>
    %dot_general3A_29 = arith.constant dense<0.000000e+00> : vector<1000x256xf32>
    %dot_general3A_30 = tpu.matmul %mul3A_15, %get3A_28, %dot_general3A_29 {dimension_numbers = #tpu.dot_dimension_numbers<[1], [0], [0], [1], [0, 0, 1, 1], [], []>, transpose_lhs_hint = false} : vector<1000x128xf32>, vector<128x256xf32>, vector<1000x256xf32> -> vector<1000x256xf32>
    %add3A = arith.addf %dot_general3A_25, %dot_general3A_30 : vector<1000x256xf32>
    %get3A_31 = arith.constant 0 : index
    %get3A_32 = arith.constant 0 : index
    %get3A_33 = vector.load %arg7[%get3A_31, %get3A_32] : memref<256x256xf32, #tpu.memory_space<vmem>>, vector<128x256xf32>
    %dot_general3A_34 = arith.constant dense<0.000000e+00> : vector<1000x256xf32>
    %dot_general3A_35 = tpu.matmul %get3A_18, %get3A_33, %dot_general3A_34 {dimension_numbers = #tpu.dot_dimension_numbers<[1], [0], [0], [1], [0, 0, 1, 1], [], []>, transpose_lhs_hint = false} : vector<1000x128xf32>, vector<128x256xf32>, vector<1000x256xf32> -> vector<1000x256xf32>
    %add3A_36 = arith.addf %add3A, %dot_general3A_35 : vector<1000x256xf32>
    %get3A_37 = arith.constant 128 : index
    %get3A_38 = arith.constant 0 : index
    %get3A_39 = vector.load %arg7[%get3A_37, %get3A_38] : memref<256x256xf32, #tpu.memory_space<vmem>>, vector<128x256xf32>
    %dot_general3A_40 = arith.constant dense<0.000000e+00> : vector<1000x256xf32>
    %dot_general3A_41 = tpu.matmul %get3A_21, %get3A_39, %dot_general3A_40 {dimension_numbers = #tpu.dot_dimension_numbers<[1], [0], [0], [1], [0, 0, 1, 1], [], []>, transpose_lhs_hint = false} : vector<1000x128xf32>, vector<128x256xf32>, vector<1000x256xf32> -> vector<1000x256xf32>
    %add3A_42 = arith.addf %add3A_36, %dot_general3A_41 : vector<1000x256xf32>
    %get3A_43 = arith.constant 0 : index
    %get3A_44 = arith.constant 0 : index
    %get3A_45 = vector.load %arg8[%get3A_43, %get3A_44] : memref<1x256xf32, #tpu.memory_space<vmem>>, vector<1x256xf32>
    %add3A_46 = vector.broadcast %get3A_45 : vector<1x256xf32> to vector<1000x256xf32>
    %add3A_47 = arith.addf %add3A_42, %add3A_46 : vector<1000x256xf32>
    %max3A_48 = arith.constant 0.000000e+00 : f32
    %max3A_49 = vector.broadcast %max3A_48 : f32 to vector<1000x256xf32>
    %max3A_50 = arith.maximumf %add3A_47, %max3A_49 : vector<1000x256xf32>
    %slice3A = vector.extract_strided_slice %max3A_50 {offsets = [0, 0], sizes = [1000, 128], strides = [1, 1]} : vector<1000x256xf32> to vector<1000x128xf32>
    %convert_element_type3A_51 = arith.truncf %slice3A : vector<1000x128xf32> to vector<1000x128xbf16>
    %swap3A = arith.constant 0 : index
    %swap3A_52 = arith.constant 0 : index
    %swap3A_53 = vector.load %arg9[%swap3A, %swap3A_52] : memref<1000x128xbf16, #tpu.memory_space<vmem>>, vector<1000x128xbf16>
    tpu.vector_store %arg9[%swap3A, %swap3A_52], %convert_element_type3A_51 {strides = array<i32>} : memref<1000x128xbf16, #tpu.memory_space<vmem>>, vector<1000x128xbf16>,
    %slice3A_54 = vector.extract_strided_slice %max3A_50 {offsets = [0, 128], sizes = [1000, 128], strides = [1, 1]} : vector<1000x256xf32> to vector<1000x128xf32>
    %convert_element_type3A_55 = arith.truncf %slice3A_54 : vector<1000x128xf32> to vector<1000x128xbf16>
    %swap3A_56 = arith.constant 0 : index
    %swap3A_57 = arith.constant 0 : index
    %swap3A_58 = vector.load %arg10[%swap3A_56, %swap3A_57] : memref<1000x128xbf16, #tpu.memory_space<vmem>>, vector<1000x128xbf16>
    tpu.vector_store %arg10[%swap3A_56, %swap3A_57], %convert_element_type3A_55 {strides = array<i32>} : memref<1000x128xbf16, #tpu.memory_space<vmem>>, vector<1000x128xbf16>,
    return
  }
  func.func @transform_0(%arg0: i32) -> (i32, i32) {
    %c0_i32 = arith.constant 0 : i32
    %c0_i32_0 = arith.constant 0 : i32
    return %arg0, %c0_i32 : i32, i32
  }
  func.func @transform_1(%arg0: i32) -> (i32, i32) {
    %c0_i32 = arith.constant 0 : i32
    %c0_i32_0 = arith.constant 0 : i32
    return %arg0, %c0_i32 : i32, i32
  }
  func.func @transform_2(%arg0: i32) -> (i32, i32) {
    %c0_i32 = arith.constant 0 : i32
    %c0_i32_0 = arith.constant 0 : i32
    return %arg0, %c0_i32 : i32, i32
  }
  func.func @transform_3(%arg0: i32) -> (i32, i32) {
    %c0_i32 = arith.constant 0 : i32
    %c0_i32_0 = arith.constant 0 : i32
    return %arg0, %c0_i32 : i32, i32
  }
  func.func @transform_4(%arg0: i32) -> (i32, i32) {
    %c0_i32 = arith.constant 0 : i32
    %c0_i32_0 = arith.constant 0 : i32
    return %arg0, %c0_i32 : i32, i32
  }
  func.func @transform_5(%arg0: i32) -> (i32, i32) {
    %c0_i32 = arith.constant 0 : i32
    %c0_i32_0 = arith.constant 0 : i32
    %c0_i32_1 = arith.constant 0 : i32
    return %c0_i32, %c0_i32_0 : i32, i32
  }
  func.func @transform_6(%arg0: i32) -> (i32, i32) {
    %c0_i32 = arith.constant 0 : i32
    %c0_i32_0 = arith.constant 0 : i32
    %c0_i32_1 = arith.constant 0 : i32
    return %c0_i32, %c0_i32_0 : i32, i32
  }
  func.func @transform_7(%arg0: i32) -> (i32, i32) {
    %c0_i32 = arith.constant 0 : i32
    %c0_i32_0 = arith.constant 0 : i32
    %c0_i32_1 = arith.constant 0 : i32
    return %c0_i32, %c0_i32_0 : i32, i32
  }
  func.func @transform_8(%arg0: i32) -> (i32, i32) {
    %c0_i32 = arith.constant 0 : i32
    %c0_i32_0 = arith.constant 0 : i32
    return %arg0, %c0_i32 : i32, i32
  }
  func.func @transform_9(%arg0: i32) -> (i32, i32) {
    %c0_i32 = arith.constant 0 : i32
    %c0_i32_0 = arith.constant 0 : i32
    return %arg0, %c0_i32 : i32, i32
  }
}

module attributes {stable_mosaic.version = 14 : i64} {
  func.func @_tc_layer(%arg0: i32, %arg1: memref<1000x128xbf16, #tpu.memory_space<vmem>>, %arg2: memref<1000x128xbf16, #tpu.memory_space<vmem>>, %arg3: memref<1000x1xf32, #tpu.memory_space<vmem>>, %arg4: memref<1000x128xbf16, #tpu.memory_space<vmem>>, %arg5: memref<1000x128xbf16, #tpu.memory_space<vmem>>, %arg6: memref<256x256xf32, #tpu.memory_space<vmem>>, %arg7: memref<256x256xf32, #tpu.memory_space<vmem>>, %arg8: memref<1x256xf32, #tpu.memory_space<vmem>>, %arg9: memref<1000x256xf32, #tpu.memory_space<vmem>>) attributes {dimension_semantics = [#tpu.dimension_semantics<arbitrary>], iteration_bounds = array<i64: 10>, scalar_prefetch = 0 : i64, scratch_operands = 0 : i64, tpu.core_type = #tpu.core_type<tc>, window_params = [{transform_indices = @transform_0, window_bounds = array<i64: 1000, 128>}, {transform_indices = @transform_1, window_bounds = array<i64: 1000, 128>}, {transform_indices = @transform_2, window_bounds = array<i64: 1000, 1>}, {transform_indices = @transform_3, window_bounds = array<i64: 1000, 128>}, {transform_indices = @transform_4, window_bounds = array<i64: 1000, 128>}, {pipeline_mode = #tpu.pipeline_mode<synchronous>, transform_indices = @transform_5, window_bounds = array<i64: 256, 256>}, {pipeline_mode = #tpu.pipeline_mode<synchronous>, transform_indices = @transform_6, window_bounds = array<i64: 256, 256>}, {pipeline_mode = #tpu.pipeline_mode<synchronous>, transform_indices = @transform_7, window_bounds = array<i64: 1, 256>}, {transform_indices = @transform_8, window_bounds = array<i64: 1000, 256>}]} {
    %get3A = arith.constant 0 : index
    %get3A_0 = arith.constant 0 : index
    %get3A_1 = vector.load %arg3[%get3A, %get3A_0] : memref<1000x1xf32, #tpu.memory_space<vmem>>, vector<1000x1xf32>
    %max3A = arith.constant 1.000000e+00 : f32
    %max3A_2 = vector.broadcast %max3A : f32 to vector<1000x1xf32>
    %max3A_3 = arith.maximumf %get3A_1, %max3A_2 : vector<1000x1xf32>
    %div3A = arith.constant 1.000000e+00 : f32
    %div3A_4 = vector.broadcast %div3A : f32 to vector<1000x1xf32>
    %div3A_5 = arith.divf %div3A_4, %max3A_3 : vector<1000x1xf32>
    %get3A_6 = arith.constant 0 : index
    %get3A_7 = arith.constant 0 : index
    %get3A_8 = vector.load %arg1[%get3A_6, %get3A_7] : memref<1000x128xbf16, #tpu.memory_space<vmem>>, vector<1000x128xbf16>
    %convert_element_type3A = arith.extf %get3A_8 : vector<1000x128xbf16> to vector<1000x128xf32>
    %mul3A = vector.broadcast %div3A_5 : vector<1000x1xf32> to vector<1000x128xf32>
    %mul3A_9 = arith.mulf %convert_element_type3A, %mul3A : vector<1000x128xf32>
    %get3A_10 = arith.constant 0 : index
    %get3A_11 = arith.constant 0 : index
    %get3A_12 = vector.load %arg2[%get3A_10, %get3A_11] : memref<1000x128xbf16, #tpu.memory_space<vmem>>, vector<1000x128xbf16>
    %convert_element_type3A_13 = arith.extf %get3A_12 : vector<1000x128xbf16> to vector<1000x128xf32>
    %mul3A_14 = vector.broadcast %div3A_5 : vector<1000x1xf32> to vector<1000x128xf32>
    %mul3A_15 = arith.mulf %convert_element_type3A_13, %mul3A_14 : vector<1000x128xf32>
    %get3A_16 = arith.constant 0 : index
    %get3A_17 = arith.constant 0 : index
    %get3A_18 = vector.load %arg4[%get3A_16, %get3A_17] : memref<1000x128xbf16, #tpu.memory_space<vmem>>, vector<1000x128xbf16>
    %convert_element_type3A_19 = arith.extf %get3A_18 : vector<1000x128xbf16> to vector<1000x128xf32>
    %get3A_20 = arith.constant 0 : index
    %get3A_21 = arith.constant 0 : index
    %get3A_22 = vector.load %arg5[%get3A_20, %get3A_21] : memref<1000x128xbf16, #tpu.memory_space<vmem>>, vector<1000x128xbf16>
    %convert_element_type3A_23 = arith.extf %get3A_22 : vector<1000x128xbf16> to vector<1000x128xf32>
    %get3A_24 = arith.constant 0 : index
    %get3A_25 = arith.constant 0 : index
    %get3A_26 = vector.load %arg6[%get3A_24, %get3A_25] : memref<256x256xf32, #tpu.memory_space<vmem>>, vector<128x256xf32>
    %dot_general3A = arith.constant dense<0.000000e+00> : vector<1000x256xf32>
    %dot_general3A_27 = tpu.matmul %mul3A_9, %get3A_26, %dot_general3A {dimension_numbers = #tpu.dot_dimension_numbers<[1], [0], [0], [1], [0, 0, 1, 1], [], []>, transpose_lhs_hint = false} : vector<1000x128xf32>, vector<128x256xf32>, vector<1000x256xf32> -> vector<1000x256xf32>
    %get3A_28 = arith.constant 128 : index
    %get3A_29 = arith.constant 0 : index
    %get3A_30 = vector.load %arg6[%get3A_28, %get3A_29] : memref<256x256xf32, #tpu.memory_space<vmem>>, vector<128x256xf32>
    %dot_general3A_31 = arith.constant dense<0.000000e+00> : vector<1000x256xf32>
    %dot_general3A_32 = tpu.matmul %mul3A_15, %get3A_30, %dot_general3A_31 {dimension_numbers = #tpu.dot_dimension_numbers<[1], [0], [0], [1], [0, 0, 1, 1], [], []>, transpose_lhs_hint = false} : vector<1000x128xf32>, vector<128x256xf32>, vector<1000x256xf32> -> vector<1000x256xf32>
    %add3A = arith.addf %dot_general3A_27, %dot_general3A_32 : vector<1000x256xf32>
    %get3A_33 = arith.constant 0 : index
    %get3A_34 = arith.constant 0 : index
    %get3A_35 = vector.load %arg7[%get3A_33, %get3A_34] : memref<256x256xf32, #tpu.memory_space<vmem>>, vector<128x256xf32>
    %dot_general3A_36 = arith.constant dense<0.000000e+00> : vector<1000x256xf32>
    %dot_general3A_37 = tpu.matmul %convert_element_type3A_19, %get3A_35, %dot_general3A_36 {dimension_numbers = #tpu.dot_dimension_numbers<[1], [0], [0], [1], [0, 0, 1, 1], [], []>, transpose_lhs_hint = false} : vector<1000x128xf32>, vector<128x256xf32>, vector<1000x256xf32> -> vector<1000x256xf32>
    %add3A_38 = arith.addf %add3A, %dot_general3A_37 : vector<1000x256xf32>
    %get3A_39 = arith.constant 128 : index
    %get3A_40 = arith.constant 0 : index
    %get3A_41 = vector.load %arg7[%get3A_39, %get3A_40] : memref<256x256xf32, #tpu.memory_space<vmem>>, vector<128x256xf32>
    %dot_general3A_42 = arith.constant dense<0.000000e+00> : vector<1000x256xf32>
    %dot_general3A_43 = tpu.matmul %convert_element_type3A_23, %get3A_41, %dot_general3A_42 {dimension_numbers = #tpu.dot_dimension_numbers<[1], [0], [0], [1], [0, 0, 1, 1], [], []>, transpose_lhs_hint = false} : vector<1000x128xf32>, vector<128x256xf32>, vector<1000x256xf32> -> vector<1000x256xf32>
    %add3A_44 = arith.addf %add3A_38, %dot_general3A_43 : vector<1000x256xf32>
    %get3A_45 = arith.constant 0 : index
    %get3A_46 = arith.constant 0 : index
    %get3A_47 = vector.load %arg8[%get3A_45, %get3A_46] : memref<1x256xf32, #tpu.memory_space<vmem>>, vector<1x256xf32>
    %add3A_48 = vector.broadcast %get3A_47 : vector<1x256xf32> to vector<1000x256xf32>
    %add3A_49 = arith.addf %add3A_44, %add3A_48 : vector<1000x256xf32>
    %swap3A = arith.constant 0 : index
    %swap3A_50 = arith.constant 0 : index
    %swap3A_51 = vector.load %arg9[%swap3A, %swap3A_50] : memref<1000x256xf32, #tpu.memory_space<vmem>>, vector<1000x256xf32>
    tpu.vector_store %arg9[%swap3A, %swap3A_50], %add3A_49 {strides = array<i32>} : memref<1000x256xf32, #tpu.memory_space<vmem>>, vector<1000x256xf32>,
    return
  }
  func.func @transform_0(%arg0: i32) -> (i32, i32) {
    %c0_i32 = arith.constant 0 : i32
    %c0_i32_0 = arith.constant 0 : i32
    return %arg0, %c0_i32 : i32, i32
  }
  func.func @transform_1(%arg0: i32) -> (i32, i32) {
    %c0_i32 = arith.constant 0 : i32
    %c0_i32_0 = arith.constant 0 : i32
    return %arg0, %c0_i32 : i32, i32
  }
  func.func @transform_2(%arg0: i32) -> (i32, i32) {
    %c0_i32 = arith.constant 0 : i32
    %c0_i32_0 = arith.constant 0 : i32
    return %arg0, %c0_i32 : i32, i32
  }
  func.func @transform_3(%arg0: i32) -> (i32, i32) {
    %c0_i32 = arith.constant 0 : i32
    %c0_i32_0 = arith.constant 0 : i32
    return %arg0, %c0_i32 : i32, i32
  }
  func.func @transform_4(%arg0: i32) -> (i32, i32) {
    %c0_i32 = arith.constant 0 : i32
    %c0_i32_0 = arith.constant 0 : i32
    return %arg0, %c0_i32 : i32, i32
  }
  func.func @transform_5(%arg0: i32) -> (i32, i32) {
    %c0_i32 = arith.constant 0 : i32
    %c0_i32_0 = arith.constant 0 : i32
    %c0_i32_1 = arith.constant 0 : i32
    return %c0_i32, %c0_i32_0 : i32, i32
  }
  func.func @transform_6(%arg0: i32) -> (i32, i32) {
    %c0_i32 = arith.constant 0 : i32
    %c0_i32_0 = arith.constant 0 : i32
    %c0_i32_1 = arith.constant 0 : i32
    return %c0_i32, %c0_i32_0 : i32, i32
  }
  func.func @transform_7(%arg0: i32) -> (i32, i32) {
    %c0_i32 = arith.constant 0 : i32
    %c0_i32_0 = arith.constant 0 : i32
    %c0_i32_1 = arith.constant 0 : i32
    return %c0_i32, %c0_i32_0 : i32, i32
  }
  func.func @transform_8(%arg0: i32) -> (i32, i32) {
    %c0_i32 = arith.constant 0 : i32
    %c0_i32_0 = arith.constant 0 : i32
    return %arg0, %c0_i32 : i32, i32
  }
}

</mosaic_0001>

<sc_bundles>
// kernel: sc_degree.3.cloned.1.call-start
scs
__scs_entry_jumppad:
0x0: {  	(pc) =	sbr.rel $0x88, $3  }
0x1: {  	(tag) =	ssettag $0x0;
	lr =	simm.s32 $0x1  }
0x2: {  	[smem:$0x3F99] =	sst lr;
	_ =	strace $0xD0000000  }
0x3: {  	_ = 	snop  }
0x4: {  	_ = 	snop  }
0x5: {  	_ = 	snop  }
0x6: {  	_ = 	snop  }
0x7: {  	_ = 	snop  }
__scs_overlays_trampoline_lowered:
0x8: {  	[smem:$0x3FA8] =	sst s0  }
0x9: {  	[smem:$0x3FA9] =	sst s1  }
0xa: {  	[smem:$0x3FAA] =	sst s2  }
0xb: {  	[smem:$0x3FAB] =	sst s3  }
0xc: {  	[smem:$0x3FAC] =	sst s4  }
0xd: {  	[smem:$0x3FAD] =	sst s5  }
0xe: {  	[smem:$0x3FAE] =	sst s6  }
0xf: {  	[smem:$0x3FAF] =	sst s7  }
0x10: {  	[smem:$0x3FB0] =	sst s8  }
0x11: {  	[smem:$0x3FB1] =	sst s9;
	s0 =	simm.s32 @!p0 $0x0  }
0x12: {  	s1 =	sld [smem:$0x3F97];
	s0 =	simm.s32 @p0 $0x1  }
0x13: {  	[smem:$0x3FB2] =	sst s0;
	s0 =	simm.s32 @!p1 $0x0  }
0x14: {  	s2 =	sld [smem:$0x3F96];
	s0 =	simm.s32 @p1 $0x1  }
0x15: {  	[smem:$0x3FB3] =	sst s0;
	s0 =	simm.s32 @!p2 $0x0  }
0x16: {  	s3 =	sld [smem:$0x3FDB];
	s0 =	simm.s32 @p2 $0x1  }
0x17: {  	s4 =	simm.s32 $0x1BF5;
	[smem:$0x3FB5] =	sst s0  }
0x18: {  	s0 =	sld [smem:$0x3F98];
	_ =	swait.ge [sflag:s4], $0x0  }
0x19: {  	s7 =	sld [smem:$0x3F99]  }
0x1a: {  	s8 =	sadd.s32 $0xFFFFE003, lr  }
0x1b: {  	s9 =	sadd.s32 $0xFFFFFEF7, lr;
	s5 =	simm.s32 $0xFFFFFFFF;
	p2 =	slt.u32 s8, $0xFFFFF086  }
0x1c: {  	p1 =	slt.u32 s9, $0xF7A;
	s5 =	simm.s32 @!p2 $0x0  }
0x1d: {  	s5 =	simm.s32 @p1 $0x1;
	p0 =	seq.s32 s7, s2  }
0x1e: {  	s7 =	smul.u32 @!p0 $0xF7A, s2;
	p2 =	seq.s32 @!p0 s5, $0x0  }
0x1f: {  	s9 =	smul.u32 $0xF7A, s1;
	s8 =	simm.s32 @!p0 $0x1BF5;
	p2 =	por !p2, p0  }
0x20: {  	[sflag:s8] =	ssyncset.s32 @!p0 $0xFFFFF086;
	s6 =	sadd.s32 @!p0 s3, s7;
	s7 =	simm.s32 @!p0 $0x108  }
0x21: {  	s3 =	sadd.s32 s3, s9;
	s6 =	sadd.s32 @!p0 $0x88, s6;
	s7 =	simm.s32 @p2 $0x1082  }
0x22: {  	[simem:s7], [sflag:s8] =	dma.local @!p0 [hbm:s6], $0xF7A  }
0x23: {  	s9 =	sor.u32 $0xD0000000, s2;
	s6 =	simm.s32 $0x108;
	_ =	swait.ge @!p0 [sflag:s8], $0x0  }
0x24: {  	s3 =	sadd.s32 $0x88, s3;
	s6 =	simm.s32 @!p1 $0x1082;
	[sflag:s4] =	ssyncset.s32 $0xFFFFF086  }
0x25: {  	[simem:s6], [sflag:s4] =	dma.local [hbm:s3], $0xF7A  }
0x26: {  	[smem:$0x3F99] =	sst s1;
	(tag) =	ssettag s2;
	_ =	strace s9  }
0x27: {  	s1 =	sld [smem:$0x3FA9]  }
0x28: {  	s2 =	sld [smem:$0x3FAA]  }
0x29: {  	s4 =	sld [smem:$0x3FAC]  }
0x2a: {  	p0 =	seq.s32 s5, $0x0;
	s5 =	sld [smem:$0x3FAD]  }
0x2b: {  	s6 =	sld [smem:$0x3FAE]  }
0x2c: {  	s7 =	sld [smem:$0x3FAF]  }
0x2d: {  	s3 =	simm.s32 $0x108;
	s8 =	sld [smem:$0x3FB0]  }
0x2e: {  	s3 =	simm.s32 @!p0 $0x1082;
	s9 =	sld [smem:$0x3FB1]  }
0x2f: {  	lr =	sadd.s32 s0, s3;
	s0 =	sld [smem:$0x3FA8]  }
0x30: {  	s3 =	sld [smem:$0x3FAB]  }
0x31: {  	[smem:$0x3FB4] =	sst s10  }
0x32: {  	s10 =	sld [smem:$0x3FB2];
	_ =	sdelay $0x3  }
0x33: {  	p0 =	seq.s32 s10, $0x1;
	s10 =	sld [smem:$0x3FB4];
	_ =	sdelay $0x3  }
0x34: {  	[smem:$0x3FB4] =	sst s10  }
0x35: {  	s10 =	sld [smem:$0x3FB3];
	_ =	sdelay $0x3  }
0x36: {  	p1 =	seq.s32 s10, $0x1;
	s10 =	sld [smem:$0x3FB4];
	_ =	sdelay $0x3  }
0x37: {  	[smem:$0x3FB4] =	sst s10  }
0x38: {  	s10 =	sld [smem:$0x3FB5]  }
0x39: {  	_ = 	snop;
	(pc) =	sbr.ind lr, $3  }
0x3a: {  	_ = 	snop  }
0x3b: {  	_ = 	snop  }
0x3c: {  	p2 =	seq.s32 s10, $0x1;
	s10 =	sld [smem:$0x3FB4]  }
0x3d: {  	_ =	shalt  }
0x3e: {  	_ =	shalt  }
0x3f: {  	_ =	shalt  }
0x40: {  	_ =	shalt  }
0x41: {  	_ =	shalt  }
0x42: {  	_ =	shalt  }
0x43: {  	_ =	shalt  }
0x44: {  	_ =	shalt  }
0x45: {  	_ =	shalt  }
0x46: {  	_ =	shalt  }
0x47: {  	_ =	shalt  }
0x48: {  	_ =	shalt  }
0x49: {  	_ =	shalt  }
0x4a: {  	_ =	shalt  }
0x4b: {  	_ =	shalt  }
0x4c: {  	_ =	shalt  }
0x4d: {  	_ =	shalt  }
0x4e: {  	_ =	shalt  }
0x4f: {  	_ =	shalt  }
0x50: {  	_ =	shalt  }
0x51: {  	_ =	shalt  }
0x52: {  	_ =	shalt  }
0x53: {  	_ =	shalt  }
0x54: {  	_ =	shalt  }
0x55: {  	_ =	shalt  }
0x56: {  	_ =	shalt  }
0x57: {  	_ =	shalt  }
0x58: {  	_ =	shalt  }
0x59: {  	_ =	shalt  }
0x5a: {  	_ =	shalt  }
0x5b: {  	_ =	shalt  }
0x5c: {  	_ =	shalt  }
0x5d: {  	_ =	shalt  }
0x5e: {  	_ =	shalt  }
0x5f: {  	_ =	shalt  }
0x60: {  	_ =	shalt  }
0x61: {  	_ =	shalt  }
0x62: {  	_ =	shalt  }
0x63: {  	_ =	shalt  }
0x64: {  	_ =	shalt  }
0x65: {  	_ =	shalt  }
0x66: {  	_ =	shalt  }
0x67: {  	_ =	shalt  }
0x68: {  	_ =	shalt  }
0x69: {  	_ =	shalt  }
0x6a: {  	_ =	shalt  }
0x6b: {  	_ =	shalt  }
0x6c: {  	_ =	shalt  }
0x6d: {  	_ =	shalt  }
0x6e: {  	_ =	shalt  }
0x6f: {  	_ =	shalt  }
0x70: {  	_ =	shalt  }
0x71: {  	_ =	shalt  }
0x72: {  	_ =	shalt  }
0x73: {  	_ =	shalt  }
0x74: {  	_ =	shalt  }
0x75: {  	_ =	shalt  }
0x76: {  	_ =	shalt  }
0x77: {  	_ =	shalt  }
0x78: {  	_ =	shalt  }
0x79: {  	_ =	shalt  }
0x7a: {  	_ =	shalt  }
0x7b: {  	_ =	shalt  }
0x7c: {  	_ =	shalt  }
0x7d: {  	_ =	shalt  }
0x7e: {  	_ =	shalt  }
0x7f: {  	_ =	shalt  }
0x80: {  	_ =	shalt  }
0x81: {  	_ =	shalt  }
0x82: {  	_ =	shalt  }
0x83: {  	_ =	shalt  }
0x84: {  	_ =	shalt  }
0x85: {  	_ =	shalt  }
0x86: {  	_ =	shalt  }
0x87: {  	_ =	shalt  }
.Lfunc_end0:
.L_simem_size_0:
called_computation_lowered:
.L_overlay_start_0:
0x88: {  	s2 =	sld [smem:$0x3FD9]  }
0x89: {  	s3 =	sld [smem:$0x3FFE];
	_ =	sdelay $0x1  }
0x8a: {  	s1 =	srdreg.scid  }
0x8b: {  	s0 =	sand.u32 $0x1, s1  }
0x8c: {  	s17 =	sshll.u32 s0, $0xA;
	s2 =	sadd.s32 s3, s2  }
0x8d: {  	s2 =	sadd.s32 s2, s17  }
0x8e: {  	[smem:$0x3FC0] =	sst s2  }
0x8f: {  	_ = 	snop  }
0x90: {  	(tm) =	ssettm $0x1  }
0x91: {  	s18 =	sld [smem:$0x3FFB];
	_ =	sdelay $0x3  }
0x92: {  	_ =	strace s18  }
0x93: {  	s2 =	sld [smem:$0x3FFC];
	_ =	sdelay $0x3  }
0x94: {  	_ =	strace s2  }
0x95: {  	s2 =	sld [smem:$0x3FFD];
	_ =	sdelay $0x3  }
0x96: {  	_ =	strace s2  }
0x97: {  	_ =	strace $0x8FFFFFFF  }
0x98: {  	s19 =	sld [smem:$0x3FDB];
	_ =	sdelay $0x1  }
0x99: {  	s20 =	simm.s32 $_scs_section_size  }
0x9a: {  	s4 =	simm.s32 $_size__tile_overlayer_lowered;
	s5 =	simm.s32 $_tile_overlayer_lowered  }
0x9b: {  	s6 =	simm.s32 $0x1BFF;
	s21 =	sshll.u32 s5, $0x1;
	s3 =	sadd.s32 s20, s19  }
0x9c: {  	s22 =	simm.s32 $0x0;
	s4 =	sshll.u32 s4, $0x1;
	s5 =	sadd.s32 s21, s3  }
0x9d: {  	[timem:s22], [sflag:s6] =	dma.local [hbm:s5], s4  }
0x9e: {  	_ =	swait.ge [sflag:s6], s4  }
0x9f: {  	s4 =	ssub.s32 $0x0, s4;
	[sflag:s6] =	ssyncset.done $0x0  }
0xa0: {  	[sflag:s6] =	ssyncadd.s32 s4;
	_ =	sdelay $0x1  }
0xa1: {  	s23 =	simm.s32 $0x1B8B  }
0xa2: {  	_ =	swait.ge [sflag:s23], $0x1  }
0xa3: {  	[sflag:s23] =	ssyncset.done $0x0  }
0xa4: {  	[sflag:s23] =	ssyncadd.s32 $0xFFFFFFFF  }
0xa5: {  	s4 =	sld [smem:$0x0]  }
0xa6: {  	s5 =	sand.u32 $0xFFFFFFFE, s1  }
0xa7: {  	p0 =	sne.s32 s1, s5  }
0xa8: {  	s5 =	sshll.u32 @p0 s5, $0xE  }
0xa9: {  	s5 =	sadd.s32 @p0 $0x11B8D, s5;
	s6 =	sshll.u32 @p0 s4, $0x11  }
0xaa: {  	s5 =	sor.u32 @p0 s6, s5  }
0xab: {  	[sflag:s5] =	ssyncadd.remote.s32 @p0 $0x1;
	_ =	sdelay $0x1  }
0xac: {  	s5 =	simm.s32 @p0 $0x1B8D  }
0xad: {  	_ =	swait.eq @p0 [sflag:s5], $0x1  }
0xae: {  	[sflag:s5] =	ssyncadd.s32 @p0 $0xFFFFFFFF  }
0xaf: {  	s6 =	sshll.u32 @!p0 s1, $0xE  }
0xb0: {  	s6 =	sor.u32 @!p0 $0x4000, s6;
	s5 =	simm.s32 @!p0 $0x1B8D  }
0xb1: {  	s4 =	sshll.u32 @!p0 s4, $0x11;
	s6 =	sadd.s32 @!p0 $0x11B8D, s6;
	_ =	swait.eq @!p0 [sflag:s5], $0x1  }
0xb2: {  	s4 =	sor.u32 @!p0 s4, s6;
	[sflag:s5] =	ssyncadd.s32 @!p0 $0xFFFFFFFF  }
0xb3: {  	s25 =	simm.s32 $0x1B8E;
	s24 =	sld [smem:$0x3FFE];
	[sflag:s4] =	ssyncadd.remote.s32 @!p0 $0x1  }
0xb4: {  	s26 =	simm.s32 $execute0_lowered;
	[smem:$0x3FD2] =	sst s25  }
0xb5: {  	s5 =	sshll.u32 s26, $0x1;
	_ =	strace $0x80000049;
	[dreg:$0x1] =	wrdreg $0xFFFFFFFF  }
0xb6: {  	s28 =	simm.s32 $_size_execute0_lowered;
	s3 =	sadd.s32 s3, s5;
	[dreg:$0x0] =	wrdreg $0x0  }
0xb7: {  	s5 =	sshll.u32 s28, $0x1;
	[dreg:$0x2] =	wrdreg s3  }
0xb8: {  	[dreg:$0x3] =	wrdreg s5  }
0xb9: {  	[dreg:$0x4] =	wrdreg $0xC0  }
0xba: {  	_ =	task [dreg:s22], $0x5FFFF  }
0xbb: {  	[dreg:$0x1] =	wrdreg $0xFFFFFFFF  }
0xbc: {  	[dreg:$0x0] =	wrdreg $0x60  }
0xbd: {  	[dreg:$0x2] =	wrdreg s24  }
0xbe: {  	[dreg:$0x3] =	wrdreg $0x55000  }
0xbf: {  	[dreg:$0x4] =	wrdreg $0x9  }
0xc0: {  	_ =	task.clear_ibuf [dreg:s22], $0x5FFFF;
	_ =	strace $0x90000049  }
0xc1: {  	s29 =	simm.s32 $0x9;
	_ =	strace $0x8000004B  }
0xc2: {  	_ =	swait.ge [sflag:s29], $0x1  }
0xc3: {  	[sflag:s29] =	ssyncadd.s32 $0xFFFFFFFF  }
0xc4: {  	_ =	strace $0x9000004B  }
0xc5: {  	_ =	sfence  }
0xc6: {  	s30 =	sld [smem:$0x0];
	_ =	sdelay $0x2  }
0xc7: {  	s31 =	sshll.u32 s1, $0xD;
	s1 =	sshrl.u32 s1, $0x2  }
0xc8: {  	s4 =	sand.u32 $0x4000, s31;
	s1 =	sadd.s32 s1, s30  }
0xc9: {  	s0 =	sor.u32 s4, s0;
	s1 =	sshll.u32 s1, $0x11  }
0xca: {  	s0 =	sor.u32 s1, s0  }
0xcb: {  	s0 =	sadd.s32 $0x8F2B, s0  }
0xcc: {  	[sflag:s0] =	ssyncadd.remote.s32 $0x1  }
0xcd: {  	_ =	sfence.sel $0xFFFF  }
0xce: {  	[dreg:$0x0] =	wrdreg $0xFFFFFFFF;
	(pc) =	sbr.abs _section_cstart, $3  }
0xcf: {  	[dreg:$0x1] =	wrdreg $0xFFFFFFFF  }
0xd0: {  	_ =	task.clear_ibuf [dreg:s22], $0x2FFFF;
	_ =	strace $0x9FFFFFFF  }
0xd1: {  	(tm) =	ssettm $0x7FFFFFFF  }
tec
execute0_lowered:
.L_overlay_start_1:
0x0: {  	(tag) =	ssettag $0x1  }
0x1: {  	s1 =	srdreg.scid  }
0x2: {  	s1 =	sand.u32 $0x1, s1  }
0x3: {  	p0 =	seq.s32 s1, $0x1  }
.Ltmp0:
0x4: {  	_ = 	snop;
	(pc) =	sbr.rel @p0 .LBB2_36-.Ltmp0, $4  }
0x5: {  	s2 =	rddreg [dreg:$0x0]  }
0x6: {  	s3 =	rddreg [dreg:$0x1];
	s20 =	simm.s32 $0x0  }
0x7: {  	[smem:$0x7FF] =	sst s20  }
0x8: {  	s0 =	rddreg [dreg:$0x2];
	_ =	strace $0x8000004A;
	s1 =	stileid.u32  }
0x9: {  	s5 =	smul.u32 $0x5000, s1  }
0xa: {  	s7 =	smul.u32 $0x50, s1  }
0xb: {  	s4 =	sshrl.u32 s1, $0x3;
	s6 =	sadd.s32 $0x2AC00, s2;
	s31 =	smul.u32 $0x500, s1  }
0xc: {  	s8 =	sshll.u32 s1, $0x7;
	s21 =	simm.s32 $0x1;
	s4 =	smul.u32 $0x50000, s4  }
0xd: {  	s8 =	sand.u32 $0x380, s8;
	s5 =	sshrl.u32 s5, $0x2;
	s30 =	sadd.s32 s7, s2  }
0xe: {  	s4 =	sshrl.u32 s4, $0x2;
	s18 =	sadd.s32 s5, s3;
	s2 =	sadd.s32 $0x4DC00, s30  }
0xf: {  	s4 =	sadd.s32 s4, s3;
	s17 =	sadd.s32 $0x80, s18;
	s16 =	sadd.s32 $0x100, s18  }
0x10: {  	s15 =	sadd.s32 $0x180, s18;
	s14 =	sadd.s32 $0x200, s18;
	s13 =	sadd.s32 $0x280, s18  }
0x11: {  	s12 =	sadd.s32 $0x300, s18;
	s11 =	sadd.s32 $0x380, s18;
	s10 =	sadd.s32 $0x14000, s18  }
0x12: {  	s3 =	sadd.s32 s6, s31;
	s9 =	sadd.s32 $0x14080, s18;
	s7 =	sadd.s32 $0x14180, s18  }
0x13: {  	[tilespmem:s20], [sflag:$0x1] =	stream.linear.gather [hbm4b:s3+s20], $0x2800, $0x38;
	[tilespmem:$0x7D00] =	vst v63  }
0x14: {  	s6 =	sadd.s32 $0x14200, s18;
	s5 =	sadd.s32 $0x14280, s18;
	_ =	swait.ge [sflag:s21], $0x2800  }
0x15: {  	s19 =	sadd.s32 s8, s4;
	s8 =	sadd.s32 $0x14100, s18;
	[sflag:s21] =	ssyncset.done $0x0  }
0x16: {  	v0 =	vimm.f32 $0.0e+00;
	s4 =	sadd.s32 $0x14300, s18;
	s3 =	sadd.s32 $0x14380, s18;
	[sflag:s21] =	ssyncadd.s32 $0xFFFFD800  }
.LBB2_2:
0x17: {  	p0 =	sne.s32 s20, $0x9FC0  }
.Ltmp1:
0x18: {  	_ = 	snop;
	(pc) =	sbr.rel @p0 .LBB2_2-.Ltmp1, $3  }
0x19: {  	_ =	sdelay $0x1  }
0x1a: {  	s21 =	sshra.s32 s20, $0x2  }
0x1b: {  	s20 =	sadd.s32 $0x40, s20;
	[tilespmem:s21+$0x2800] =	vst v0  }
0x1c: {  	v0 =	vimm.f32 $1.000000000e+00;
	s20 =	simm.s32 $0x2800;
	s22 =	simm.s32 $0x0;
	s21 =	simm.s32 $0x40  }
.LBB2_4:
0x1d: {  	p0 =	sne.s32 s21, $0x9FC0;
	v1 =	vld [tilespmem:s22+$0x0];
	_ =	sdelay $0x3  }
.Ltmp2:
0x1e: {  	(pc) =	sbr.rel @p0 .LBB2_4-.Ltmp2, $2  }
0x1f: {  	_ =	sdelay $0x2  }
0x20: {  	s22 =	sshra.s32 s21, $0x2;
	s21 =	sadd.s32 $0x40, s21;
	[tilespmem:v1+s20+$0x0] =	vst.idx.add.f32.msk $0xffff, v0  }
0x21: {  	v1 =	vld [tilespmem:s22+$0x0];
	_ =	sdelay $0x6  }
0x22: {  	s26 =	simm.s32 $0x80  }
0x23: {  	s21 =	simm.s32 $0x400;
	s28 =	simm.s32 $0x2800;
	s29 =	simm.s32 $0x1;
	[tilespmem:v1+s20+$0x0] =	vst.idx.add.f32.msk $0xffff, v0  }
0x24: {  	[spmem:s19] =	stream.strided.scatter [tilespmem:s28], [sflag:$0x1], $0x2800, s21, s26, $0x38;
	[tilespmem:$0x7D00] =	vst v63  }
0x25: {  	_ =	swait.ge [sflag:s29], $0x2800  }
0x26: {  	[sflag:s29] =	ssyncset.done $0x0  }
0x27: {  	[sflag:s29] =	ssyncadd.s32 $0xFFFFD800  }
0x28: {  	s30 =	simm.s32 $0x5280;
	[bflag:$0x0] =	sbarrier.arrive $0xFFFF  }
0x29: {  	[tilespmem:s30], [sflag:$0x1] =	stream.strided.gather [spmem:s18], $0x280, s21, s26, $0x38;
	[tilespmem:$0x7D00] =	vst v63  }
0x2a: {  	_ =	swait.ge [sflag:s29], $0x280  }
0x2b: {  	[sflag:s29] =	ssyncset.done $0x0  }
0x2c: {  	s31 =	simm.s32 $0x5000;
	[sflag:s29] =	ssyncadd.s32 $0xFFFFFD80  }
0x2d: {  	[tilespmem:s31], [sflag:$0x1] =	stream.strided.gather [spmem:s17], $0x280, s21, s26, $0x38;
	[tilespmem:$0x7D00] =	vst v63  }
0x2e: {  	_ =	swait.ge [sflag:s29], $0x280  }
0x2f: {  	[sflag:s29] =	ssyncset.done $0x0  }
0x30: {  	s17 =	simm.s32 $0x0;
	[sflag:s29] =	ssyncadd.s32 $0xFFFFFD80  }
0x31: {  	s18 =	simm.s32 $0x40;
	v0 =	vld [tilespmem:s17+$0x5000]  }
.LBB2_6:
0x32: {  	p0 =	sne.s32 s18, $0x9C0;
	v1 =	vld [tilespmem:s17+$0x5280];
	_ =	sdelay $0x2  }
.Ltmp3:
0x33: {  	(pc) =	sbr.rel @p0 .LBB2_6-.Ltmp3, $4  }
0x34: {  	_ = 	snop  }
0x35: {  	v1 =	vadd.f32 v0, v1  }
0x36: {  	s19 =	sshra.s32 s18, $0x2  }
0x37: {  	s18 =	sadd.s32 $0x40, s18;
	v0 =	vld [tilespmem:s19+$0x5000];
	[tilespmem:s17+$0x5280] =	vst v1;
	s17 =	smov.u32 s19  }
0x38: {  	v1 =	vld [tilespmem:s17+$0x5280];
	_ =	sdelay $0x4  }
0x39: {  	v0 =	vadd.f32 v0, v1  }
0x3a: {  	s30 =	simm.s32 $0x80  }
0x3b: {  	s18 =	simm.s32 $0x400;
	s19 =	simm.s32 $0x5000;
	s31 =	simm.s32 $0x1;
	[tilespmem:s17+$0x5280] =	vst v0  }
0x3c: {  	[tilespmem:s19], [sflag:$0x1] =	stream.strided.gather [spmem:s16], $0x280, s18, s30, $0x38;
	[tilespmem:$0x7D00] =	vst v63  }
0x3d: {  	_ =	swait.ge [sflag:s31], $0x280  }
0x3e: {  	[sflag:s31] =	ssyncset.done $0x0  }
0x3f: {  	s16 =	simm.s32 $0x0;
	[sflag:s31] =	ssyncadd.s32 $0xFFFFFD80  }
0x40: {  	s17 =	simm.s32 $0x40;
	v0 =	vld [tilespmem:s16+$0x5000]  }
.LBB2_8:
0x41: {  	p0 =	sne.s32 s17, $0x9C0;
	v1 =	vld [tilespmem:s16+$0x5280];
	_ =	sdelay $0x2  }
.Ltmp4:
0x42: {  	(pc) =	sbr.rel @p0 .LBB2_8-.Ltmp4, $4  }
0x43: {  	_ = 	snop  }
0x44: {  	v1 =	vadd.f32 v0, v1  }
0x45: {  	s18 =	sshra.s32 s17, $0x2  }
0x46: {  	s17 =	sadd.s32 $0x40, s17;
	v0 =	vld [tilespmem:s18+$0x5000];
	[tilespmem:s16+$0x5280] =	vst v1;
	s16 =	smov.u32 s18  }
0x47: {  	v1 =	vld [tilespmem:s16+$0x5280];
	_ =	sdelay $0x4  }
0x48: {  	v0 =	vadd.f32 v0, v1  }
0x49: {  	s30 =	simm.s32 $0x80  }
0x4a: {  	s17 =	simm.s32 $0x400;
	s18 =	simm.s32 $0x5000;
	s31 =	simm.s32 $0x1;
	[tilespmem:s16+$0x5280] =	vst v0  }
0x4b: {  	[tilespmem:s18], [sflag:$0x1] =	stream.strided.gather [spmem:s15], $0x280, s17, s30, $0x38;
	[tilespmem:$0x7D00] =	vst v63  }
0x4c: {  	_ =	swait.ge [sflag:s31], $0x280  }
0x4d: {  	[sflag:s31] =	ssyncset.done $0x0  }
0x4e: {  	s15 =	simm.s32 $0x0;
	[sflag:s31] =	ssyncadd.s32 $0xFFFFFD80  }
0x4f: {  	s16 =	simm.s32 $0x40;
	v0 =	vld [tilespmem:s15+$0x5000]  }
.LBB2_10:
0x50: {  	p0 =	sne.s32 s16, $0x9C0;
	v1 =	vld [tilespmem:s15+$0x5280];
	_ =	sdelay $0x2  }
.Ltmp5:
0x51: {  	(pc) =	sbr.rel @p0 .LBB2_10-.Ltmp5, $4  }
0x52: {  	_ = 	snop  }
0x53: {  	v1 =	vadd.f32 v0, v1  }
0x54: {  	s17 =	sshra.s32 s16, $0x2  }
0x55: {  	s16 =	sadd.s32 $0x40, s16;
	v0 =	vld [tilespmem:s17+$0x5000];
	[tilespmem:s15+$0x5280] =	vst v1;
	s15 =	smov.u32 s17  }
0x56: {  	v1 =	vld [tilespmem:s15+$0x5280];
	_ =	sdelay $0x4  }
0x57: {  	v0 =	vadd.f32 v0, v1  }
0x58: {  	s30 =	simm.s32 $0x80  }
0x59: {  	s16 =	simm.s32 $0x400;
	s17 =	simm.s32 $0x5000;
	s31 =	simm.s32 $0x1;
	[tilespmem:s15+$0x5280] =	vst v0  }
0x5a: {  	[tilespmem:s17], [sflag:$0x1] =	stream.strided.gather [spmem:s14], $0x280, s16, s30, $0x38;
	[tilespmem:$0x7D00] =	vst v63  }
0x5b: {  	_ =	swait.ge [sflag:s31], $0x280  }
0x5c: {  	[sflag:s31] =	ssyncset.done $0x0  }
0x5d: {  	s14 =	simm.s32 $0x0;
	[sflag:s31] =	ssyncadd.s32 $0xFFFFFD80  }
0x5e: {  	s15 =	simm.s32 $0x40;
	v0 =	vld [tilespmem:s14+$0x5000]  }
.LBB2_12:
0x5f: {  	p0 =	sne.s32 s15, $0x9C0;
	v1 =	vld [tilespmem:s14+$0x5280];
	_ =	sdelay $0x2  }
.Ltmp6:
0x60: {  	(pc) =	sbr.rel @p0 .LBB2_12-.Ltmp6, $4  }
0x61: {  	_ = 	snop  }
0x62: {  	v1 =	vadd.f32 v0, v1  }
0x63: {  	s16 =	sshra.s32 s15, $0x2  }
0x64: {  	s15 =	sadd.s32 $0x40, s15;
	v0 =	vld [tilespmem:s16+$0x5000];
	[tilespmem:s14+$0x5280] =	vst v1;
	s14 =	smov.u32 s16  }
0x65: {  	v1 =	vld [tilespmem:s14+$0x5280];
	_ =	sdelay $0x4  }
0x66: {  	v0 =	vadd.f32 v0, v1  }
0x67: {  	s30 =	simm.s32 $0x80  }
0x68: {  	s15 =	simm.s32 $0x400;
	s16 =	simm.s32 $0x5000;
	s31 =	simm.s32 $0x1;
	[tilespmem:s14+$0x5280] =	vst v0  }
0x69: {  	[tilespmem:s16], [sflag:$0x1] =	stream.strided.gather [spmem:s13], $0x280, s15, s30, $0x38;
	[tilespmem:$0x7D00] =	vst v63  }
0x6a: {  	_ =	swait.ge [sflag:s31], $0x280  }
0x6b: {  	[sflag:s31] =	ssyncset.done $0x0  }
0x6c: {  	s13 =	simm.s32 $0x0;
	[sflag:s31] =	ssyncadd.s32 $0xFFFFFD80  }
0x6d: {  	s14 =	simm.s32 $0x40;
	v0 =	vld [tilespmem:s13+$0x5000]  }
.LBB2_14:
0x6e: {  	p0 =	sne.s32 s14, $0x9C0;
	v1 =	vld [tilespmem:s13+$0x5280];
	_ =	sdelay $0x2  }
.Ltmp7:
0x6f: {  	(pc) =	sbr.rel @p0 .LBB2_14-.Ltmp7, $4  }
0x70: {  	_ = 	snop  }
0x71: {  	v1 =	vadd.f32 v0, v1  }
0x72: {  	s15 =	sshra.s32 s14, $0x2  }
0x73: {  	s14 =	sadd.s32 $0x40, s14;
	v0 =	vld [tilespmem:s15+$0x5000];
	[tilespmem:s13+$0x5280] =	vst v1;
	s13 =	smov.u32 s15  }
0x74: {  	v1 =	vld [tilespmem:s13+$0x5280];
	_ =	sdelay $0x4  }
0x75: {  	v0 =	vadd.f32 v0, v1  }
0x76: {  	s30 =	simm.s32 $0x80  }
0x77: {  	s14 =	simm.s32 $0x400;
	s15 =	simm.s32 $0x5000;
	s31 =	simm.s32 $0x1;
	[tilespmem:s13+$0x5280] =	vst v0  }
0x78: {  	[tilespmem:s15], [sflag:$0x1] =	stream.strided.gather [spmem:s12], $0x280, s14, s30, $0x38;
	[tilespmem:$0x7D00] =	vst v63  }
0x79: {  	_ =	swait.ge [sflag:s31], $0x280  }
0x7a: {  	[sflag:s31] =	ssyncset.done $0x0  }
0x7b: {  	s12 =	simm.s32 $0x0;
	[sflag:s31] =	ssyncadd.s32 $0xFFFFFD80  }
0x7c: {  	s13 =	simm.s32 $0x40;
	v0 =	vld [tilespmem:s12+$0x5000]  }
.LBB2_16:
0x7d: {  	p0 =	sne.s32 s13, $0x9C0;
	v1 =	vld [tilespmem:s12+$0x5280];
	_ =	sdelay $0x2  }
.Ltmp8:
0x7e: {  	(pc) =	sbr.rel @p0 .LBB2_16-.Ltmp8, $4  }
0x7f: {  	_ = 	snop  }
0x80: {  	v1 =	vadd.f32 v0, v1  }
0x81: {  	s14 =	sshra.s32 s13, $0x2  }
0x82: {  	s13 =	sadd.s32 $0x40, s13;
	v0 =	vld [tilespmem:s14+$0x5000];
	[tilespmem:s12+$0x5280] =	vst v1;
	s12 =	smov.u32 s14  }
0x83: {  	v1 =	vld [tilespmem:s12+$0x5280];
	_ =	sdelay $0x4  }
0x84: {  	v0 =	vadd.f32 v0, v1  }
0x85: {  	s30 =	simm.s32 $0x80  }
0x86: {  	s13 =	simm.s32 $0x400;
	s14 =	simm.s32 $0x5000;
	s31 =	simm.s32 $0x1;
	[tilespmem:s12+$0x5280] =	vst v0  }
0x87: {  	[tilespmem:s14], [sflag:$0x1] =	stream.strided.gather [spmem:s11], $0x280, s13, s30, $0x38;
	[tilespmem:$0x7D00] =	vst v63  }
0x88: {  	_ =	swait.ge [sflag:s31], $0x280  }
0x89: {  	[sflag:s31] =	ssyncset.done $0x0  }
0x8a: {  	s11 =	simm.s32 $0x0;
	[sflag:s31] =	ssyncadd.s32 $0xFFFFFD80  }
0x8b: {  	s12 =	simm.s32 $0x40;
	v0 =	vld [tilespmem:s11+$0x5000]  }
.LBB2_18:
0x8c: {  	p0 =	sne.s32 s12, $0x9C0;
	v1 =	vld [tilespmem:s11+$0x5280];
	_ =	sdelay $0x2  }
.Ltmp9:
0x8d: {  	(pc) =	sbr.rel @p0 .LBB2_18-.Ltmp9, $4  }
0x8e: {  	_ = 	snop  }
0x8f: {  	v1 =	vadd.f32 v0, v1  }
0x90: {  	s13 =	sshra.s32 s12, $0x2  }
0x91: {  	s12 =	sadd.s32 $0x40, s12;
	v0 =	vld [tilespmem:s13+$0x5000];
	[tilespmem:s11+$0x5280] =	vst v1;
	s11 =	smov.u32 s13  }
0x92: {  	v1 =	vld [tilespmem:s11+$0x5280];
	_ =	sdelay $0x4  }
0x93: {  	v0 =	vadd.f32 v0, v1  }
0x94: {  	s30 =	simm.s32 $0x80  }
0x95: {  	s12 =	simm.s32 $0x400;
	s13 =	simm.s32 $0x5000;
	s31 =	simm.s32 $0x1;
	[tilespmem:s11+$0x5280] =	vst v0  }
0x96: {  	[tilespmem:s13], [sflag:$0x1] =	stream.strided.gather [spmem:s10], $0x280, s12, s30, $0x38;
	[tilespmem:$0x7D00] =	vst v63  }
0x97: {  	_ =	swait.ge [sflag:s31], $0x280  }
0x98: {  	[sflag:s31] =	ssyncset.done $0x0  }
0x99: {  	s10 =	simm.s32 $0x0;
	[sflag:s31] =	ssyncadd.s32 $0xFFFFFD80  }
0x9a: {  	s11 =	simm.s32 $0x40;
	v0 =	vld [tilespmem:s10+$0x5000]  }
.LBB2_20:
0x9b: {  	p0 =	sne.s32 s11, $0x9C0;
	v1 =	vld [tilespmem:s10+$0x5280];
	_ =	sdelay $0x2  }
.Ltmp10:
0x9c: {  	(pc) =	sbr.rel @p0 .LBB2_20-.Ltmp10, $4  }
0x9d: {  	_ = 	snop  }
0x9e: {  	v1 =	vadd.f32 v0, v1  }
0x9f: {  	s12 =	sshra.s32 s11, $0x2  }
0xa0: {  	s11 =	sadd.s32 $0x40, s11;
	v0 =	vld [tilespmem:s12+$0x5000];
	[tilespmem:s10+$0x5280] =	vst v1;
	s10 =	smov.u32 s12  }
0xa1: {  	v1 =	vld [tilespmem:s10+$0x5280];
	_ =	sdelay $0x4  }
0xa2: {  	v0 =	vadd.f32 v0, v1  }
0xa3: {  	s30 =	simm.s32 $0x80  }
0xa4: {  	s11 =	simm.s32 $0x400;
	s12 =	simm.s32 $0x5000;
	s31 =	simm.s32 $0x1;
	[tilespmem:s10+$0x5280] =	vst v0  }
0xa5: {  	[tilespmem:s12], [sflag:$0x1] =	stream.strided.gather [spmem:s9], $0x280, s11, s30, $0x38;
	[tilespmem:$0x7D00] =	vst v63  }
0xa6: {  	_ =	swait.ge [sflag:s31], $0x280  }
0xa7: {  	[sflag:s31] =	ssyncset.done $0x0  }
0xa8: {  	s9 =	simm.s32 $0x0;
	[sflag:s31] =	ssyncadd.s32 $0xFFFFFD80  }
0xa9: {  	s10 =	simm.s32 $0x40;
	v0 =	vld [tilespmem:s9+$0x5000]  }
.LBB2_22:
0xaa: {  	p0 =	sne.s32 s10, $0x9C0;
	v1 =	vld [tilespmem:s9+$0x5280];
	_ =	sdelay $0x2  }
.Ltmp11:
0xab: {  	(pc) =	sbr.rel @p0 .LBB2_22-.Ltmp11, $4  }
0xac: {  	_ = 	snop  }
0xad: {  	v1 =	vadd.f32 v0, v1  }
0xae: {  	s11 =	sshra.s32 s10, $0x2  }
0xaf: {  	s10 =	sadd.s32 $0x40, s10;
	v0 =	vld [tilespmem:s11+$0x5000];
	[tilespmem:s9+$0x5280] =	vst v1;
	s9 =	smov.u32 s11  }
0xb0: {  	v1 =	vld [tilespmem:s9+$0x5280];
	_ =	sdelay $0x4  }
0xb1: {  	v0 =	vadd.f32 v0, v1  }
0xb2: {  	s30 =	simm.s32 $0x80  }
0xb3: {  	s10 =	simm.s32 $0x400;
	s11 =	simm.s32 $0x5000;
	s31 =	simm.s32 $0x1;
	[tilespmem:s9+$0x5280] =	vst v0  }
0xb4: {  	[tilespmem:s11], [sflag:$0x1] =	stream.strided.gather [spmem:s8], $0x280, s10, s30, $0x38;
	[tilespmem:$0x7D00] =	vst v63  }
0xb5: {  	_ =	swait.ge [sflag:s31], $0x280  }
0xb6: {  	[sflag:s31] =	ssyncset.done $0x0  }
0xb7: {  	s8 =	simm.s32 $0x0;
	[sflag:s31] =	ssyncadd.s32 $0xFFFFFD80  }
0xb8: {  	s9 =	simm.s32 $0x40;
	v0 =	vld [tilespmem:s8+$0x5000]  }
.LBB2_24:
0xb9: {  	p0 =	sne.s32 s9, $0x9C0;
	v1 =	vld [tilespmem:s8+$0x5280];
	_ =	sdelay $0x2  }
.Ltmp12:
0xba: {  	(pc) =	sbr.rel @p0 .LBB2_24-.Ltmp12, $4  }
0xbb: {  	_ = 	snop  }
0xbc: {  	v1 =	vadd.f32 v0, v1  }
0xbd: {  	s10 =	sshra.s32 s9, $0x2  }
0xbe: {  	s9 =	sadd.s32 $0x40, s9;
	v0 =	vld [tilespmem:s10+$0x5000];
	[tilespmem:s8+$0x5280] =	vst v1;
	s8 =	smov.u32 s10  }
0xbf: {  	v1 =	vld [tilespmem:s8+$0x5280];
	_ =	sdelay $0x4  }
0xc0: {  	v0 =	vadd.f32 v0, v1  }
0xc1: {  	s30 =	simm.s32 $0x80  }
0xc2: {  	s9 =	simm.s32 $0x400;
	s10 =	simm.s32 $0x5000;
	s31 =	simm.s32 $0x1;
	[tilespmem:s8+$0x5280] =	vst v0  }
0xc3: {  	[tilespmem:s10], [sflag:$0x1] =	stream.strided.gather [spmem:s7], $0x280, s9, s30, $0x38;
	[tilespmem:$0x7D00] =	vst v63  }
0xc4: {  	_ =	swait.ge [sflag:s31], $0x280  }
0xc5: {  	[sflag:s31] =	ssyncset.done $0x0  }
0xc6: {  	s7 =	simm.s32 $0x0;
	[sflag:s31] =	ssyncadd.s32 $0xFFFFFD80  }
0xc7: {  	s8 =	simm.s32 $0x40;
	v0 =	vld [tilespmem:s7+$0x5000]  }
.LBB2_26:
0xc8: {  	p0 =	sne.s32 s8, $0x9C0;
	v1 =	vld [tilespmem:s7+$0x5280];
	_ =	sdelay $0x2  }
.Ltmp13:
0xc9: {  	(pc) =	sbr.rel @p0 .LBB2_26-.Ltmp13, $4  }
0xca: {  	_ = 	snop  }
0xcb: {  	v1 =	vadd.f32 v0, v1  }
0xcc: {  	s9 =	sshra.s32 s8, $0x2  }
0xcd: {  	s8 =	sadd.s32 $0x40, s8;
	v0 =	vld [tilespmem:s9+$0x5000];
	[tilespmem:s7+$0x5280] =	vst v1;
	s7 =	smov.u32 s9  }
0xce: {  	v1 =	vld [tilespmem:s7+$0x5280];
	_ =	sdelay $0x4  }
0xcf: {  	v0 =	vadd.f32 v0, v1  }
0xd0: {  	s30 =	simm.s32 $0x80  }
0xd1: {  	s8 =	simm.s32 $0x400;
	s9 =	simm.s32 $0x5000;
	s31 =	simm.s32 $0x1;
	[tilespmem:s7+$0x5280] =	vst v0  }
0xd2: {  	[tilespmem:s9], [sflag:$0x1] =	stream.strided.gather [spmem:s6], $0x280, s8, s30, $0x38;
	[tilespmem:$0x7D00] =	vst v63  }
0xd3: {  	_ =	swait.ge [sflag:s31], $0x280  }
0xd4: {  	[sflag:s31] =	ssyncset.done $0x0  }
0xd5: {  	s6 =	simm.s32 $0x0;
	[sflag:s31] =	ssyncadd.s32 $0xFFFFFD80  }
0xd6: {  	s7 =	simm.s32 $0x40;
	v0 =	vld [tilespmem:s6+$0x5000]  }
.LBB2_28:
0xd7: {  	p0 =	sne.s32 s7, $0x9C0;
	v1 =	vld [tilespmem:s6+$0x5280];
	_ =	sdelay $0x2  }
.Ltmp14:
0xd8: {  	(pc) =	sbr.rel @p0 .LBB2_28-.Ltmp14, $4  }
0xd9: {  	_ = 	snop  }
0xda: {  	v1 =	vadd.f32 v0, v1  }
0xdb: {  	s8 =	sshra.s32 s7, $0x2  }
0xdc: {  	s7 =	sadd.s32 $0x40, s7;
	v0 =	vld [tilespmem:s8+$0x5000];
	[tilespmem:s6+$0x5280] =	vst v1;
	s6 =	smov.u32 s8  }
0xdd: {  	v1 =	vld [tilespmem:s6+$0x5280];
	_ =	sdelay $0x4  }
0xde: {  	v0 =	vadd.f32 v0, v1  }
0xdf: {  	s30 =	simm.s32 $0x80  }
0xe0: {  	s7 =	simm.s32 $0x400;
	s8 =	simm.s32 $0x5000;
	s31 =	simm.s32 $0x1;
	[tilespmem:s6+$0x5280] =	vst v0  }
0xe1: {  	[tilespmem:s8], [sflag:$0x1] =	stream.strided.gather [spmem:s5], $0x280, s7, s30, $0x38;
	[tilespmem:$0x7D00] =	vst v63  }
0xe2: {  	_ =	swait.ge [sflag:s31], $0x280  }
0xe3: {  	[sflag:s31] =	ssyncset.done $0x0  }
0xe4: {  	s5 =	simm.s32 $0x0;
	[sflag:s31] =	ssyncadd.s32 $0xFFFFFD80  }
0xe5: {  	s6 =	simm.s32 $0x40;
	v0 =	vld [tilespmem:s5+$0x5000]  }
.LBB2_30:
0xe6: {  	p0 =	sne.s32 s6, $0x9C0;
	v1 =	vld [tilespmem:s5+$0x5280];
	_ =	sdelay $0x2  }
.Ltmp15:
0xe7: {  	(pc) =	sbr.rel @p0 .LBB2_30-.Ltmp15, $4  }
0xe8: {  	_ = 	snop  }
0xe9: {  	v1 =	vadd.f32 v0, v1  }
0xea: {  	s7 =	sshra.s32 s6, $0x2  }
0xeb: {  	s6 =	sadd.s32 $0x40, s6;
	v0 =	vld [tilespmem:s7+$0x5000];
	[tilespmem:s5+$0x5280] =	vst v1;
	s5 =	smov.u32 s7  }
0xec: {  	v1 =	vld [tilespmem:s5+$0x5280];
	_ =	sdelay $0x4  }
0xed: {  	v0 =	vadd.f32 v0, v1  }
0xee: {  	s30 =	simm.s32 $0x80  }
0xef: {  	s6 =	simm.s32 $0x400;
	s7 =	simm.s32 $0x5000;
	s31 =	simm.s32 $0x1;
	[tilespmem:s5+$0x5280] =	vst v0  }
0xf0: {  	[tilespmem:s7], [sflag:$0x1] =	stream.strided.gather [spmem:s4], $0x280, s6, s30, $0x38;
	[tilespmem:$0x7D00] =	vst v63  }
0xf1: {  	_ =	swait.ge [sflag:s31], $0x280  }
0xf2: {  	[sflag:s31] =	ssyncset.done $0x0  }
0xf3: {  	s4 =	simm.s32 $0x0;
	[sflag:s31] =	ssyncadd.s32 $0xFFFFFD80  }
0xf4: {  	s5 =	simm.s32 $0x40;
	v0 =	vld [tilespmem:s4+$0x5000]  }
.LBB2_32:
0xf5: {  	p0 =	sne.s32 s5, $0x9C0;
	v1 =	vld [tilespmem:s4+$0x5280];
	_ =	sdelay $0x2  }
.Ltmp16:
0xf6: {  	(pc) =	sbr.rel @p0 .LBB2_32-.Ltmp16, $4  }
0xf7: {  	_ = 	snop  }
0xf8: {  	v1 =	vadd.f32 v0, v1  }
0xf9: {  	s6 =	sshra.s32 s5, $0x2  }
0xfa: {  	s5 =	sadd.s32 $0x40, s5;
	v0 =	vld [tilespmem:s6+$0x5000];
	[tilespmem:s4+$0x5280] =	vst v1;
	s4 =	smov.u32 s6  }
0xfb: {  	v1 =	vld [tilespmem:s4+$0x5280];
	_ =	sdelay $0x4  }
0xfc: {  	v0 =	vadd.f32 v0, v1  }
0xfd: {  	s30 =	simm.s32 $0x80  }
0xfe: {  	s5 =	simm.s32 $0x400;
	s6 =	simm.s32 $0x5000;
	s31 =	simm.s32 $0x1;
	[tilespmem:s4+$0x5280] =	vst v0  }
0xff: {  	[tilespmem:s6], [sflag:$0x1] =	stream.strided.gather [spmem:s3], $0x280, s5, s30, $0x38;
	[tilespmem:$0x7D00] =	vst v63  }
0x100: {  	_ =	swait.ge [sflag:s31], $0x280  }
0x101: {  	[sflag:s31] =	ssyncset.done $0x0  }
0x102: {  	s3 =	simm.s32 $0x0;
	[sflag:s31] =	ssyncadd.s32 $0xFFFFFD80  }
0x103: {  	s4 =	simm.s32 $0x40;
	v0 =	vld [tilespmem:s3+$0x5000]  }
.LBB2_34:
0x104: {  	p0 =	sne.s32 s4, $0x9C0;
	v1 =	vld [tilespmem:s3+$0x5280];
	_ =	sdelay $0x2  }
.Ltmp17:
0x105: {  	(pc) =	sbr.rel @p0 .LBB2_34-.Ltmp17, $4  }
0x106: {  	_ = 	snop  }
0x107: {  	v1 =	vadd.f32 v0, v1  }
0x108: {  	s5 =	sshra.s32 s4, $0x2  }
0x109: {  	s4 =	sadd.s32 $0x40, s4;
	v0 =	vld [tilespmem:s5+$0x5000];
	[tilespmem:s3+$0x5280] =	vst v1;
	s3 =	smov.u32 s5  }
0x10a: {  	v1 =	vld [tilespmem:s3+$0x5280];
	_ =	sdelay $0x4  }
0x10b: {  	v0 =	vadd.f32 v0, v1;
	_ =	sdelay $0x1  }
0x10c: {  	s30 =	simm.s32 $0x0;
	s4 =	simm.s32 $0x5280;
	s31 =	simm.s32 $0x1;
	[tilespmem:s3+$0x5280] =	vst v0  }
0x10d: {  	[hbm4b:s2+s30] =	stream.linear.scatter [tilespmem:s4], [sflag:$0x1], $0x280, $0x38;
	[tilespmem:$0x7D00] =	vst v63  }
0x10e: {  	_ =	swait.ge [sflag:s31], $0x280  }
0x10f: {  	[sflag:s31] =	ssyncset.done $0x0  }
0x110: {  	[sflag:s31] =	ssyncadd.s32 $0xFFFFFD80  }
.LBB2_36:
0x111: {  	_ =	sfence.sel $0x180000  }
0x112: {  	[bflag:$0x0] =	sbarrier.arrive $0xFFFF  }
0x113: {  	p0 =	sne.s32 s1, $0x0;
	_ =	strace $0x9000004A  }
0x114: {  	s0 =	sadd.s32 @!p0 $0x100000, s0;
	[bflag:$0x2] =	sbarrier.arrive $0xFFFF  }
0x115: {  	[sflag:s0] =	ssyncadd.tile.s32 @!p0 $0x1;
	_ =	shalt  }
.Lfunc_end2:
_tile_overlayer_lowered:
.L_overlay_start_2:
0x116: {  	(tag) =	ssettag $0x2  }
0x117: {  	s0 =	rddreg [dreg:$0x0];
	s2 =	stileid.u32  }
0x118: {  	s1 =	rddreg [dreg:$0x1];
	p0 =	sne.s32 s2, $0x0  }
0x119: {  	s3 =	rddreg [dreg:$0x2];
	[bflag:$0x3] =	sbarrier.arrive $0xFFFF;
	s2 =	simm.s32 @!p0 $0x1C01  }
0x11a: {  	[timem:s3], [sflag:s2] =	dma.local @!p0 [hbm:s0], s1  }
0x11b: {  	s0 =	simm.s32 @!p0 $0x1  }
0x11c: {  	_ =	swait.ge @!p0 [sflag:s0], s1  }
0x11d: {  	s1 =	ssub.s32 @!p0 $0x0, s1;
	[sflag:s0] =	ssyncset.done @!p0 $0x0  }
0x11e: {  	[sflag:s0] =	ssyncadd.s32 @!p0 s1  }
0x11f: {  	[bflag:$0x3] =	sbarrier.arrive $0xFFFF  }
0x120: {  	_ =	shalt  }

// kernel: sc_seg_sum.4.cloned.1.call-start
scs
__scs_entry_jumppad:
0x0: {  	(pc) =	sbr.rel $0x88, $3  }
0x1: {  	(tag) =	ssettag $0x0;
	lr =	simm.s32 $0x1  }
0x2: {  	[smem:$0x3F99] =	sst lr;
	_ =	strace $0xD0000000  }
0x3: {  	_ = 	snop  }
0x4: {  	_ = 	snop  }
0x5: {  	_ = 	snop  }
0x6: {  	_ = 	snop  }
0x7: {  	_ = 	snop  }
__scs_overlays_trampoline_lowered:
0x8: {  	[smem:$0x3FA8] =	sst s0  }
0x9: {  	[smem:$0x3FA9] =	sst s1  }
0xa: {  	[smem:$0x3FAA] =	sst s2  }
0xb: {  	[smem:$0x3FAB] =	sst s3  }
0xc: {  	[smem:$0x3FAC] =	sst s4  }
0xd: {  	[smem:$0x3FAD] =	sst s5  }
0xe: {  	[smem:$0x3FAE] =	sst s6  }
0xf: {  	[smem:$0x3FAF] =	sst s7  }
0x10: {  	[smem:$0x3FB0] =	sst s8  }
0x11: {  	[smem:$0x3FB1] =	sst s9;
	s0 =	simm.s32 @!p0 $0x0  }
0x12: {  	s1 =	sld [smem:$0x3F97];
	s0 =	simm.s32 @p0 $0x1  }
0x13: {  	[smem:$0x3FB2] =	sst s0;
	s0 =	simm.s32 @!p1 $0x0  }
0x14: {  	s2 =	sld [smem:$0x3F96];
	s0 =	simm.s32 @p1 $0x1  }
0x15: {  	[smem:$0x3FB3] =	sst s0;
	s0 =	simm.s32 @!p2 $0x0  }
0x16: {  	s3 =	sld [smem:$0x3FDB];
	s0 =	simm.s32 @p2 $0x1  }
0x17: {  	s4 =	simm.s32 $0x1BF5;
	[smem:$0x3FB5] =	sst s0  }
0x18: {  	s0 =	sld [smem:$0x3F98];
	_ =	swait.ge [sflag:s4], $0x0  }
0x19: {  	s7 =	sld [smem:$0x3F99]  }
0x1a: {  	s8 =	sadd.s32 $0xFFFFE003, lr  }
0x1b: {  	s9 =	sadd.s32 $0xFFFFFEF7, lr;
	s5 =	simm.s32 $0xFFFFFFFF;
	p2 =	slt.u32 s8, $0xFFFFF086  }
0x1c: {  	p1 =	slt.u32 s9, $0xF7A;
	s5 =	simm.s32 @!p2 $0x0  }
0x1d: {  	s5 =	simm.s32 @p1 $0x1;
	p0 =	seq.s32 s7, s2  }
0x1e: {  	s7 =	smul.u32 @!p0 $0xF7A, s2;
	p2 =	seq.s32 @!p0 s5, $0x0  }
0x1f: {  	s9 =	smul.u32 $0xF7A, s1;
	s8 =	simm.s32 @!p0 $0x1BF5;
	p2 =	por !p2, p0  }
0x20: {  	[sflag:s8] =	ssyncset.s32 @!p0 $0xFFFFF086;
	s6 =	sadd.s32 @!p0 s3, s7;
	s7 =	simm.s32 @!p0 $0x108  }
0x21: {  	s3 =	sadd.s32 s3, s9;
	s6 =	sadd.s32 @!p0 $0x88, s6;
	s7 =	simm.s32 @p2 $0x1082  }
0x22: {  	[simem:s7], [sflag:s8] =	dma.local @!p0 [hbm:s6], $0xF7A  }
0x23: {  	s9 =	sor.u32 $0xD0000000, s2;
	s6 =	simm.s32 $0x108;
	_ =	swait.ge @!p0 [sflag:s8], $0x0  }
0x24: {  	s3 =	sadd.s32 $0x88, s3;
	s6 =	simm.s32 @!p1 $0x1082;
	[sflag:s4] =	ssyncset.s32 $0xFFFFF086  }
0x25: {  	[simem:s6], [sflag:s4] =	dma.local [hbm:s3], $0xF7A  }
0x26: {  	[smem:$0x3F99] =	sst s1;
	(tag) =	ssettag s2;
	_ =	strace s9  }
0x27: {  	s1 =	sld [smem:$0x3FA9]  }
0x28: {  	s2 =	sld [smem:$0x3FAA]  }
0x29: {  	s4 =	sld [smem:$0x3FAC]  }
0x2a: {  	p0 =	seq.s32 s5, $0x0;
	s5 =	sld [smem:$0x3FAD]  }
0x2b: {  	s6 =	sld [smem:$0x3FAE]  }
0x2c: {  	s7 =	sld [smem:$0x3FAF]  }
0x2d: {  	s3 =	simm.s32 $0x108;
	s8 =	sld [smem:$0x3FB0]  }
0x2e: {  	s3 =	simm.s32 @!p0 $0x1082;
	s9 =	sld [smem:$0x3FB1]  }
0x2f: {  	lr =	sadd.s32 s0, s3;
	s0 =	sld [smem:$0x3FA8]  }
0x30: {  	s3 =	sld [smem:$0x3FAB]  }
0x31: {  	[smem:$0x3FB4] =	sst s10  }
0x32: {  	s10 =	sld [smem:$0x3FB2];
	_ =	sdelay $0x3  }
0x33: {  	p0 =	seq.s32 s10, $0x1;
	s10 =	sld [smem:$0x3FB4];
	_ =	sdelay $0x3  }
0x34: {  	[smem:$0x3FB4] =	sst s10  }
0x35: {  	s10 =	sld [smem:$0x3FB3];
	_ =	sdelay $0x3  }
0x36: {  	p1 =	seq.s32 s10, $0x1;
	s10 =	sld [smem:$0x3FB4];
	_ =	sdelay $0x3  }
0x37: {  	[smem:$0x3FB4] =	sst s10  }
0x38: {  	s10 =	sld [smem:$0x3FB5]  }
0x39: {  	_ = 	snop;
	(pc) =	sbr.ind lr, $3  }
0x3a: {  	_ = 	snop  }
0x3b: {  	_ = 	snop  }
0x3c: {  	p2 =	seq.s32 s10, $0x1;
	s10 =	sld [smem:$0x3FB4]  }
0x3d: {  	_ =	shalt  }
0x3e: {  	_ =	shalt  }
0x3f: {  	_ =	shalt  }
0x40: {  	_ =	shalt  }
0x41: {  	_ =	shalt  }
0x42: {  	_ =	shalt  }
0x43: {  	_ =	shalt  }
0x44: {  	_ =	shalt  }
0x45: {  	_ =	shalt  }
0x46: {  	_ =	shalt  }
0x47: {  	_ =	shalt  }
0x48: {  	_ =	shalt  }
0x49: {  	_ =	shalt  }
0x4a: {  	_ =	shalt  }
0x4b: {  	_ =	shalt  }
0x4c: {  	_ =	shalt  }
0x4d: {  	_ =	shalt  }
0x4e: {  	_ =	shalt  }
0x4f: {  	_ =	shalt  }
0x50: {  	_ =	shalt  }
0x51: {  	_ =	shalt  }
0x52: {  	_ =	shalt  }
0x53: {  	_ =	shalt  }
0x54: {  	_ =	shalt  }
0x55: {  	_ =	shalt  }
0x56: {  	_ =	shalt  }
0x57: {  	_ =	shalt  }
0x58: {  	_ =	shalt  }
0x59: {  	_ =	shalt  }
0x5a: {  	_ =	shalt  }
0x5b: {  	_ =	shalt  }
0x5c: {  	_ =	shalt  }
0x5d: {  	_ =	shalt  }
0x5e: {  	_ =	shalt  }
0x5f: {  	_ =	shalt  }
0x60: {  	_ =	shalt  }
0x61: {  	_ =	shalt  }
0x62: {  	_ =	shalt  }
0x63: {  	_ =	shalt  }
0x64: {  	_ =	shalt  }
0x65: {  	_ =	shalt  }
0x66: {  	_ =	shalt  }
0x67: {  	_ =	shalt  }
0x68: {  	_ =	shalt  }
0x69: {  	_ =	shalt  }
0x6a: {  	_ =	shalt  }
0x6b: {  	_ =	shalt  }
0x6c: {  	_ =	shalt  }
0x6d: {  	_ =	shalt  }
0x6e: {  	_ =	shalt  }
0x6f: {  	_ =	shalt  }
0x70: {  	_ =	shalt  }
0x71: {  	_ =	shalt  }
0x72: {  	_ =	shalt  }
0x73: {  	_ =	shalt  }
0x74: {  	_ =	shalt  }
0x75: {  	_ =	shalt  }
0x76: {  	_ =	shalt  }
0x77: {  	_ =	shalt  }
0x78: {  	_ =	shalt  }
0x79: {  	_ =	shalt  }
0x7a: {  	_ =	shalt  }
0x7b: {  	_ =	shalt  }
0x7c: {  	_ =	shalt  }
0x7d: {  	_ =	shalt  }
0x7e: {  	_ =	shalt  }
0x7f: {  	_ =	shalt  }
0x80: {  	_ =	shalt  }
0x81: {  	_ =	shalt  }
0x82: {  	_ =	shalt  }
0x83: {  	_ =	shalt  }
0x84: {  	_ =	shalt  }
0x85: {  	_ =	shalt  }
0x86: {  	_ =	shalt  }
0x87: {  	_ =	shalt  }
.Lfunc_end0:
.L_simem_size_0:
called_computation.1_lowered:
.L_overlay_start_0:
0x88: {  	s2 =	sld [smem:$0x3FD9]  }
0x89: {  	s3 =	sld [smem:$0x3FFE];
	_ =	sdelay $0x1  }
0x8a: {  	s1 =	srdreg.scid  }
0x8b: {  	s0 =	sand.u32 $0x1, s1  }
0x8c: {  	s17 =	sshll.u32 s0, $0xA;
	s2 =	sadd.s32 s3, s2  }
0x8d: {  	s2 =	sadd.s32 s2, s17  }
0x8e: {  	[smem:$0x3FC0] =	sst s2  }
0x8f: {  	_ = 	snop  }
0x90: {  	s2 =	sld [smem:$0x3FD0];
	(tm) =	ssettm $0x1  }
0x91: {  	s18 =	sld [smem:$0x3FFB];
	_ =	sdelay $0x3  }
0x92: {  	_ =	strace s18  }
0x93: {  	s3 =	sld [smem:$0x3FFC];
	_ =	sdelay $0x3  }
0x94: {  	_ =	strace s3  }
0x95: {  	s3 =	sld [smem:$0x3FFD];
	_ =	sdelay $0x3  }
0x96: {  	_ =	strace s3  }
0x97: {  	_ =	strace $0x8FFFFFFF  }
0x98: {  	s19 =	sld [smem:$0x3FDB];
	_ =	sdelay $0x1  }
0x99: {  	s4 =	simm.s32 $_scs_section_size  }
0x9a: {  	s5 =	simm.s32 $_size__tile_overlayer_lowered;
	s6 =	simm.s32 $_tile_overlayer_lowered  }
0x9b: {  	s22 =	simm.s32 $0x1BFF;
	s21 =	sshll.u32 s6, $0x1;
	s3 =	sadd.s32 s4, s19  }
0x9c: {  	s7 =	simm.s32 $0x0;
	s20 =	sshll.u32 s5, $0x1;
	s5 =	sadd.s32 s21, s3  }
0x9d: {  	[timem:s7], [sflag:s22] =	dma.local [hbm:s5], s20  }
0x9e: {  	_ =	swait.ge [sflag:s22], s20  }
0x9f: {  	s4 =	ssub.s32 $0x0, s20;
	[sflag:s22] =	ssyncset.done $0x0  }
0xa0: {  	[sflag:s22] =	ssyncadd.s32 s4;
	_ =	sdelay $0x1  }
0xa1: {  	s23 =	simm.s32 $0x1B8B  }
0xa2: {  	_ =	swait.ge [sflag:s23], $0x1  }
0xa3: {  	[sflag:s23] =	ssyncset.done $0x0  }
0xa4: {  	s25 =	simm.s32 $0x1B8E;
	s24 =	sld [smem:$0x3FFE];
	[sflag:s23] =	ssyncadd.s32 $0xFFFFFFFF  }
0xa5: {  	s26 =	simm.s32 $execute0_lowered;
	[smem:$0x3FD2] =	sst s25  }
0xa6: {  	s5 =	sshll.u32 s26, $0x1;
	_ =	strace $0x80000046;
	[dreg:$0x1] =	wrdreg $0xFFFFFFFF  }
0xa7: {  	s28 =	simm.s32 $_size_execute0_lowered;
	s3 =	sadd.s32 s3, s5;
	[dreg:$0x0] =	wrdreg $0x0  }
0xa8: {  	s5 =	sshll.u32 s28, $0x1;
	[dreg:$0x2] =	wrdreg s3  }
0xa9: {  	[dreg:$0x3] =	wrdreg s5  }
0xaa: {  	[dreg:$0x4] =	wrdreg $0xC0  }
0xab: {  	_ =	task [dreg:s7], $0x5FFFF  }
0xac: {  	[dreg:$0x1] =	wrdreg $0xFFFFFFFF  }
0xad: {  	[dreg:$0x0] =	wrdreg $0x60  }
0xae: {  	[dreg:$0x2] =	wrdreg s24  }
0xaf: {  	[dreg:$0x3] =	wrdreg s2  }
0xb0: {  	[dreg:$0x4] =	wrdreg $0x4C000  }
0xb1: {  	[dreg:$0x5] =	wrdreg $0xA  }
0xb2: {  	_ =	task.clear_ibuf [dreg:s7], $0x6FFFF;
	_ =	strace $0x90000046  }
0xb3: {  	s29 =	simm.s32 $0xA;
	_ =	strace $0x80000048  }
0xb4: {  	_ =	swait.ge [sflag:s29], $0x1  }
0xb5: {  	[sflag:s29] =	ssyncadd.s32 $0xFFFFFFFF  }
0xb6: {  	_ =	strace $0x90000048  }
0xb7: {  	_ =	sfence  }
0xb8: {  	s30 =	sld [smem:$0x0];
	_ =	sdelay $0x2  }
0xb9: {  	s31 =	sshll.u32 s1, $0xD;
	s1 =	sshrl.u32 s1, $0x2  }
0xba: {  	s3 =	sand.u32 $0x4000, s31;
	s1 =	sadd.s32 s1, s30  }
0xbb: {  	s0 =	sor.u32 s3, s0;
	s1 =	sshll.u32 s1, $0x11  }
0xbc: {  	s0 =	sor.u32 s1, s0  }
0xbd: {  	s0 =	sadd.s32 $0x8F2B, s0  }
0xbe: {  	[sflag:s0] =	ssyncadd.remote.s32 $0x1  }
0xbf: {  	_ =	sfence.sel $0xFFFF  }
0xc0: {  	[dreg:$0x0] =	wrdreg $0xFFFFFFFF;
	(pc) =	sbr.abs _section_cstart, $3  }
0xc1: {  	[dreg:$0x1] =	wrdreg $0xFFFFFFFF  }
0xc2: {  	_ =	task.clear_ibuf [dreg:s7], $0x2FFFF;
	_ =	strace $0x9FFFFFFF  }
0xc3: {  	(tm) =	ssettm $0x7FFFFFFF  }
tec
execute0_lowered:
.L_overlay_start_1:
0x0: {  	(tag) =	ssettag $0x1  }
0x1: {  	s0 =	rddreg [dreg:$0x0]  }
0x2: {  	s2 =	rddreg [dreg:$0x2];
	s4 =	simm.s32 $0x0;
	s1 =	srdreg.scid  }
0x3: {  	s12 =	stileid.u32;
	[smem:$0x7FF] =	sst s4;
	s5 =	sadd.s32 $0x17200, s0  }
0x4: {  	s1 =	sand.u32 $0x1, s1;
	s6 =	sadd.s32 $0x3800, s0;
	s8 =	smul.u32 $0x28000, s12  }
0x5: {  	s10 =	sadd.s32 $0x2FC00, s0;
	s0 =	sadd.s32 $0x39C00, s0;
	s7 =	ssub.s32 $0x2, s1  }
0x6: {  	_ =	strace $0x80000047;
	s9 =	sshrl.u32 s7, $0x1;
	s17 =	sshrl.u32 s8, $0x2  }
0x7: {  	[dreg:$0x4] =	wrdreg s0;
	s0 =	ssub.s32 s7, s9;
	s7 =	sadd.s32 s17, s2  }
0x8: {  	s19 =	sadd.s32 $0x800, s7  }
0x9: {  	s28 =	simm.s32 $0x280;
	s20 =	sadd.s32 $0x1000, s7;
	[dreg:$0x5] =	wrdreg s19  }
0xa: {  	s29 =	simm.s32 $0x380;
	s21 =	sadd.s32 $0x1800, s7;
	[dreg:$0x6] =	wrdreg s20  }
0xb: {  	s30 =	simm.s32 $0x0;
	s22 =	sadd.s32 $0x2000, s7;
	[dreg:$0x7] =	wrdreg s21  }
0xc: {  	s3 =	smul.u32 $0x5000, s12;
	s23 =	sadd.s32 $0x2800, s7;
	[dreg:$0x8] =	wrdreg s22  }
0xd: {  	s11 =	smul.u32 $0x14000, s12;
	s24 =	sadd.s32 $0x3000, s7;
	[dreg:$0x9] =	wrdreg s23  }
0xe: {  	s25 =	smul.u32 $0xA00, s12;
	s26 =	sadd.s32 $0x3800, s7;
	[dreg:$0xa] =	wrdreg s24  }
0xf: {  	s12 =	simm.s32 $0x300;
	s31 =	sadd.s32 $0x4000, s7;
	[dreg:$0xb] =	wrdreg s26  }
0x10: {  	p0 =	sne.s32 s1, $0x0;
	s13 =	sadd.s32 $0x4800, s7;
	[dreg:$0xc] =	wrdreg s31  }
0x11: {  	s3 =	sshrl.u32 s3, $0x3;
	s14 =	sadd.s32 $0x5000, s7;
	[dreg:$0xd] =	wrdreg s13  }
0x12: {  	s18 =	sshrl.u32 s11, $0x1;
	s15 =	sadd.s32 $0x5800, s7;
	[dreg:$0xe] =	wrdreg s14  }
0x13: {  	s8 =	sadd.s32 s10, s3;
	s16 =	sadd.s32 $0x6000, s7;
	[dreg:$0xf] =	wrdreg s15  }
0x14: {  	s9 =	sadd.s32 s18, s2;
	s17 =	sadd.s32 $0x6800, s7;
	[dreg:$0x10] =	wrdreg s16  }
0x15: {  	s18 =	sadd.s32 $0x7000, s7;
	s0 =	smax.u32 s0, $0x1;
	[dreg:$0x11] =	wrdreg s17  }
0x16: {  	s3 =	sadd.s32 $0x60, s8;
	s20 =	sadd.s32 s25, s10;
	[dreg:$0x12] =	wrdreg s18  }
0x17: {  	s19 =	sadd.s32 $0x7800, s7;
	s21 =	sadd.s32 $0x8000, s7;
	[dreg:$0x19] =	wrdreg s0  }
0x18: {  	s22 =	sadd.s32 $0x8800, s7;
	s23 =	sadd.s32 $0x9000, s7;
	[dreg:$0x13] =	wrdreg s19  }
0x19: {  	s24 =	sadd.s32 $0x9800, s7;
	s25 =	sshrl.u32 s11, $0x4;
	[dreg:$0x14] =	wrdreg s21  }
0x1a: {  	s26 =	sadd.s32 $0x20, s8;
	s31 =	sadd.s32 $0x40, s8;
	[dreg:$0x15] =	wrdreg s22  }
0x1b: {  	s10 =	simm.s32 $0x100;
	s11 =	simm.s32 $0x200;
	[dreg:$0x16] =	wrdreg s23  }
0x1c: {  	s13 =	simm.s32 $0x4400;
	s14 =	simm.s32 $0x7;
	[dreg:$0x17] =	wrdreg s24  }
.Ltmp0:
0x1d: {  	s15 =	simm.s32 $0x1;
	[dreg:$0x18] =	wrdreg s25;
	(pc) =	sbr.rel .LBB2_1-.Ltmp0, $4  }
0x1e: {  	s16 =	simm.s32 $0x80;
	s17 =	simm.s32 $0x400;
	[dreg:$0x1a] =	wrdreg s26  }
0x1f: {  	s18 =	simm.s32 $0x2;
	[dreg:$0x1b] =	wrdreg s31;
	s19 =	simm.s32 $0x2400  }
0x20: {  	s21 =	simm.s32 $0x5;
	s22 =	simm.s32 $0x8;
	s23 =	simm.s32 $0x3  }
0x21: {  	v0 =	vimm.bf16 $0.0e+00;
	s24 =	simm.s32 $0x6;
	s25 =	simm.s32 $0x180;
	s26 =	simm.s32 $0x4  }
.LBB2_10:
0x22: {  	s0 =	rddreg [dreg:$0x4]  }
.LBB2_11:
0x23: {  	_ =	swait.ge [sflag:s24], $0x2000  }
0x24: {  	[sflag:s24] =	ssyncset.done $0x0  }
0x25: {  	[sflag:s24] =	ssyncadd.s32 $0xFFFFE000  }
0x26: {  	[spmem:s2] =	stream.indirect.scatter.add.bf16 [tilespmem:s19], [sflag:$0x8], $0x40, s29, s16, $0xb8;
	[tilespmem:$0xEC00] =	vst v63  }
0x27: {  	_ =	swait.ge [sflag:s22], $0x2000  }
0x28: {  	s7 =	stileid.u32;
	[sflag:s22] =	ssyncset.done $0x0;
	s1 =	rddreg [dreg:$0x18]  }
0x29: {  	s0 =	sadd.s32 s0, s1;
	[sflag:s22] =	ssyncadd.s32 $0xFFFFE000;
	s1 =	sshll.u32 s7, $0x6  }
0x2a: {  	s7 =	sshrl.u32 s9, $0x3;
	[bflag:$0x0] =	sbarrier.arrive $0xFFFF;
	s1 =	sor.u32 $0x1C08, s1  }
0x2b: {  	[hbm:s0], [sflag:s1] =	dma.local [spmem:s7], $0x1400  }
0x2c: {  	_ =	swait.ge [sflag:s22], $0x1400  }
0x2d: {  	s30 =	sadd.s32 $0x1, s30;
	s31 =	rddreg [dreg:$0x19]  }
0x2e: {  	p1 =	sne.s32 s30, s31  }
.Ltmp1:
0x2f: {  	_ = 	snop;
	(pc) =	sbr.rel @!p1 .LBB2_12-.Ltmp1, $3  }
0x30: {  	_ =	sdelay $0x1  }
0x31: {  	[sflag:s22] =	ssyncset.done $0x0  }
0x32: {  	[sflag:s22] =	ssyncadd.s32 $0xFFFFEC00  }
.LBB2_1:
0x33: {  	[tilespmem:s4], [sflag:$0x1] =	stream.linear.gather [hbm4b:s8+s4], $0x100, $0x38;
	[tilespmem:$0xEC00] =	vst v63  }
0x34: {  	s0 =	rddreg [dreg:$0x1a]  }
0x35: {  	[tilespmem:s10], [sflag:$0x2] =	stream.linear.gather [hbm4b:s0+s4], $0x100, $0x38;
	[tilespmem:$0xEC00] =	vst v63  }
0x36: {  	s7 =	rddreg [dreg:$0x1b]  }
0x37: {  	[tilespmem:s11], [sflag:$0x3] =	stream.linear.gather [hbm4b:s7+s4], $0x100, $0x38;
	[tilespmem:$0xEC00] =	vst v63  }
0x38: {  	s31 =	simm.s32 $0x0;
	s0 =	simm.s32 $0x100  }
0x39: {  	[tilespmem:s12], [sflag:$0x4] =	stream.linear.gather [hbm4b:s3+s4], $0x100, $0x38;
	[tilespmem:$0xEC00] =	vst v63  }
.LBB2_2:
0x3a: {  	p1 =	sne.s32 s0, $0x1F00;
	[tilespmem:s31+$0x4430] =	vst v0;
	s1 =	smov.u32 s0;
	s0 =	sadd.s32 $0x100, s0  }
.Ltmp2:
0x3b: {  	[tilespmem:s31+$0x4420] =	vst v0;
	(pc) =	sbr.rel @p1 .LBB2_2-.Ltmp2, $3  }
0x3c: {  	[tilespmem:s31+$0x4400] =	vst v0  }
0x3d: {  	[tilespmem:s31+$0x4410] =	vst v0;
	_ =	sdelay $0x1  }
0x3e: {  	s31 =	sshra.s32 s1, $0x2  }
0x3f: {  	[tilespmem:s31+$0x4430] =	vst v0  }
0x40: {  	[tilespmem:s31+$0x4420] =	vst v0  }
0x41: {  	[tilespmem:s31+$0x4400] =	vst v0  }
0x42: {  	[tilespmem:s31+$0x4410] =	vst v0  }
0x43: {  	[spmem:s9] =	stream.linear.scatter [tilespmem:s13], [sflag:$0x7], $0x800, $0x38;
	[tilespmem:$0xEC00] =	vst v63  }
0x44: {  	s0 =	rddreg [dreg:$0x5]  }
0x45: {  	[spmem:s0] =	stream.linear.scatter [tilespmem:s13], [sflag:$0x7], $0x800, $0x38;
	[tilespmem:$0xEC00] =	vst v63  }
0x46: {  	s1 =	rddreg [dreg:$0x6]  }
0x47: {  	[spmem:s1] =	stream.linear.scatter [tilespmem:s13], [sflag:$0x7], $0x800, $0x38;
	[tilespmem:$0xEC00] =	vst v63  }
0x48: {  	s7 =	rddreg [dreg:$0x7]  }
0x49: {  	[spmem:s7] =	stream.linear.scatter [tilespmem:s13], [sflag:$0x7], $0x800, $0x38;
	[tilespmem:$0xEC00] =	vst v63  }
0x4a: {  	s31 =	rddreg [dreg:$0x8]  }
0x4b: {  	[spmem:s31] =	stream.linear.scatter [tilespmem:s13], [sflag:$0x7], $0x800, $0x38;
	[tilespmem:$0xEC00] =	vst v63  }
0x4c: {  	s1 =	rddreg [dreg:$0x9]  }
0x4d: {  	[spmem:s1] =	stream.linear.scatter [tilespmem:s13], [sflag:$0x7], $0x800, $0x38;
	[tilespmem:$0xEC00] =	vst v63  }
0x4e: {  	s7 =	rddreg [dreg:$0xa]  }
0x4f: {  	[spmem:s7] =	stream.linear.scatter [tilespmem:s13], [sflag:$0x7], $0x800, $0x38;
	[tilespmem:$0xEC00] =	vst v63  }
0x50: {  	s31 =	rddreg [dreg:$0xb]  }
0x51: {  	[spmem:s31] =	stream.linear.scatter [tilespmem:s13], [sflag:$0x7], $0x800, $0x38;
	[tilespmem:$0xEC00] =	vst v63  }
0x52: {  	s1 =	rddreg [dreg:$0xc]  }
0x53: {  	[spmem:s1] =	stream.linear.scatter [tilespmem:s13], [sflag:$0x7], $0x800, $0x38;
	[tilespmem:$0xEC00] =	vst v63  }
0x54: {  	s7 =	rddreg [dreg:$0xd]  }
0x55: {  	[spmem:s7] =	stream.linear.scatter [tilespmem:s13], [sflag:$0x7], $0x800, $0x38;
	[tilespmem:$0xEC00] =	vst v63  }
0x56: {  	s31 =	rddreg [dreg:$0xe]  }
0x57: {  	[spmem:s31] =	stream.linear.scatter [tilespmem:s13], [sflag:$0x7], $0x800, $0x38;
	[tilespmem:$0xEC00] =	vst v63  }
0x58: {  	s1 =	rddreg [dreg:$0xf]  }
0x59: {  	[spmem:s1] =	stream.linear.scatter [tilespmem:s13], [sflag:$0x7], $0x800, $0x38;
	[tilespmem:$0xEC00] =	vst v63  }
0x5a: {  	s7 =	rddreg [dreg:$0x10]  }
0x5b: {  	[spmem:s7] =	stream.linear.scatter [tilespmem:s13], [sflag:$0x7], $0x800, $0x38;
	[tilespmem:$0xEC00] =	vst v63  }
0x5c: {  	s31 =	rddreg [dreg:$0x11]  }
0x5d: {  	[spmem:s31] =	stream.linear.scatter [tilespmem:s13], [sflag:$0x7], $0x800, $0x38;
	[tilespmem:$0xEC00] =	vst v63  }
0x5e: {  	s1 =	rddreg [dreg:$0x12]  }
0x5f: {  	[spmem:s1] =	stream.linear.scatter [tilespmem:s13], [sflag:$0x7], $0x800, $0x38;
	[tilespmem:$0xEC00] =	vst v63  }
0x60: {  	s7 =	rddreg [dreg:$0x13]  }
0x61: {  	[spmem:s7] =	stream.linear.scatter [tilespmem:s13], [sflag:$0x7], $0x800, $0x38;
	[tilespmem:$0xEC00] =	vst v63  }
0x62: {  	s31 =	rddreg [dreg:$0x14]  }
0x63: {  	[spmem:s31] =	stream.linear.scatter [tilespmem:s13], [sflag:$0x7], $0x800, $0x38;
	[tilespmem:$0xEC00] =	vst v63  }
0x64: {  	s1 =	rddreg [dreg:$0x15]  }
0x65: {  	[spmem:s1] =	stream.linear.scatter [tilespmem:s13], [sflag:$0x7], $0x800, $0x38;
	[tilespmem:$0xEC00] =	vst v63  }
0x66: {  	s7 =	rddreg [dreg:$0x16]  }
0x67: {  	[spmem:s7] =	stream.linear.scatter [tilespmem:s13], [sflag:$0x7], $0x800, $0x38;
	[tilespmem:$0xEC00] =	vst v63  }
0x68: {  	s31 =	rddreg [dreg:$0x17]  }
0x69: {  	[spmem:s31] =	stream.linear.scatter [tilespmem:s13], [sflag:$0x7], $0x800, $0x38;
	[tilespmem:$0xEC00] =	vst v63  }
0x6a: {  	_ =	swait.ge [sflag:s14], $0x800  }
0x6b: {  	[sflag:s14] =	ssyncset.done $0x0  }
0x6c: {  	[sflag:s14] =	ssyncadd.s32 $0xFFFFF800  }
0x6d: {  	_ =	swait.ge [sflag:s14], $0x800  }
0x6e: {  	[sflag:s14] =	ssyncset.done $0x0  }
0x6f: {  	[sflag:s14] =	ssyncadd.s32 $0xFFFFF800  }
0x70: {  	_ =	swait.ge [sflag:s14], $0x800  }
0x71: {  	[sflag:s14] =	ssyncset.done $0x0  }
0x72: {  	[sflag:s14] =	ssyncadd.s32 $0xFFFFF800  }
0x73: {  	_ =	swait.ge [sflag:s14], $0x800  }
0x74: {  	[sflag:s14] =	ssyncset.done $0x0  }
0x75: {  	[sflag:s14] =	ssyncadd.s32 $0xFFFFF800  }
0x76: {  	_ =	swait.ge [sflag:s14], $0x800  }
0x77: {  	[sflag:s14] =	ssyncset.done $0x0  }
0x78: {  	[sflag:s14] =	ssyncadd.s32 $0xFFFFF800  }
0x79: {  	_ =	swait.ge [sflag:s14], $0x800  }
0x7a: {  	[sflag:s14] =	ssyncset.done $0x0  }
0x7b: {  	[sflag:s14] =	ssyncadd.s32 $0xFFFFF800  }
0x7c: {  	_ =	swait.ge [sflag:s14], $0x800  }
0x7d: {  	[sflag:s14] =	ssyncset.done $0x0  }
0x7e: {  	[sflag:s14] =	ssyncadd.s32 $0xFFFFF800  }
0x7f: {  	_ =	swait.ge [sflag:s14], $0x800  }
0x80: {  	[sflag:s14] =	ssyncset.done $0x0  }
0x81: {  	[sflag:s14] =	ssyncadd.s32 $0xFFFFF800  }
0x82: {  	_ =	swait.ge [sflag:s14], $0x800  }
0x83: {  	[sflag:s14] =	ssyncset.done $0x0  }
0x84: {  	[sflag:s14] =	ssyncadd.s32 $0xFFFFF800  }
0x85: {  	_ =	swait.ge [sflag:s14], $0x800  }
0x86: {  	[sflag:s14] =	ssyncset.done $0x0  }
0x87: {  	[sflag:s14] =	ssyncadd.s32 $0xFFFFF800  }
0x88: {  	_ =	swait.ge [sflag:s14], $0x800  }
0x89: {  	[sflag:s14] =	ssyncset.done $0x0  }
0x8a: {  	[sflag:s14] =	ssyncadd.s32 $0xFFFFF800  }
0x8b: {  	_ =	swait.ge [sflag:s14], $0x800  }
0x8c: {  	[sflag:s14] =	ssyncset.done $0x0  }
0x8d: {  	[sflag:s14] =	ssyncadd.s32 $0xFFFFF800  }
0x8e: {  	_ =	swait.ge [sflag:s14], $0x800  }
0x8f: {  	[sflag:s14] =	ssyncset.done $0x0  }
0x90: {  	[sflag:s14] =	ssyncadd.s32 $0xFFFFF800  }
0x91: {  	_ =	swait.ge [sflag:s14], $0x800  }
0x92: {  	[sflag:s14] =	ssyncset.done $0x0  }
0x93: {  	[sflag:s14] =	ssyncadd.s32 $0xFFFFF800  }
0x94: {  	_ =	swait.ge [sflag:s14], $0x800  }
0x95: {  	[sflag:s14] =	ssyncset.done $0x0  }
0x96: {  	[sflag:s14] =	ssyncadd.s32 $0xFFFFF800  }
0x97: {  	_ =	swait.ge [sflag:s14], $0x800  }
0x98: {  	[sflag:s14] =	ssyncset.done $0x0  }
0x99: {  	[sflag:s14] =	ssyncadd.s32 $0xFFFFF800  }
0x9a: {  	_ =	swait.ge [sflag:s14], $0x800  }
0x9b: {  	[sflag:s14] =	ssyncset.done $0x0  }
0x9c: {  	[sflag:s14] =	ssyncadd.s32 $0xFFFFF800  }
0x9d: {  	_ =	swait.ge [sflag:s14], $0x800  }
0x9e: {  	[sflag:s14] =	ssyncset.done $0x0  }
0x9f: {  	[sflag:s14] =	ssyncadd.s32 $0xFFFFF800  }
0xa0: {  	_ =	swait.ge [sflag:s14], $0x800  }
0xa1: {  	[sflag:s14] =	ssyncset.done $0x0  }
0xa2: {  	[sflag:s14] =	ssyncadd.s32 $0xFFFFF800  }
0xa3: {  	_ =	swait.ge [sflag:s14], $0x800  }
0xa4: {  	[sflag:s14] =	ssyncset.done $0x0  }
.Ltmp3:
0xa5: {  	[sflag:s14] =	ssyncadd.s32 $0xFFFFF800;
	(pc) =	sbr.rel @p0 .LBB2_8-.Ltmp3, $4  }
0xa6: {  	[bflag:$0x0] =	sbarrier.arrive $0xFFFF  }
0xa7: {  	_ =	swait.ge [sflag:s15], $0x100  }
0xa8: {  	[sflag:s15] =	ssyncset.done $0x0  }
0xa9: {  	[sflag:s15] =	ssyncadd.s32 $0xFFFFFF00  }
0xaa: {  	[tilespmem:s17], [sflag:$0x5] =	stream.indirect.gather [hbm4b:s5+s16], $0x40, s4, s16, $0xb8;
	[tilespmem:$0xEC00] =	vst v63  }
0xab: {  	_ =	swait.ge [sflag:s18], $0x100  }
0xac: {  	[sflag:s18] =	ssyncset.done $0x0  }
0xad: {  	s31 =	simm.s32 $0xFFFFF680;
	[sflag:s18] =	ssyncadd.s32 $0xFFFFFF00  }
0xae: {  	[tilespmem:s19], [sflag:$0x6] =	stream.indirect.gather [hbm4b:s5+s16], $0x40, s10, s16, $0xb8;
	[tilespmem:$0xEC00] =	vst v63  }
.LBB2_5:
0xaf: {  	_ =	swait.ge [sflag:s21], $0x2000  }
0xb0: {  	[sflag:s21] =	ssyncset.done $0x0  }
0xb1: {  	[sflag:s21] =	ssyncadd.s32 $0xFFFFE000  }
0xb2: {  	[spmem:s2] =	stream.indirect.scatter.add.bf16 [tilespmem:s17], [sflag:$0x8], $0x40, s16, s16, $0xb8;
	[tilespmem:$0xEC00] =	vst v63  }
0xb3: {  	p1 =	seq.s32 s31, $0x0;
	_ =	swait.ge [sflag:s22], $0x2000  }
0xb4: {  	s0 =	sadd.s32 @!p1 s31, s20;
	[sflag:s22] =	ssyncset.done $0x0  }
0xb5: {  	s7 =	simm.s32 @!p1 $0x0;
	s1 =	sadd.s32 @!p1 $0xA00, s0;
	[sflag:s22] =	ssyncadd.s32 $0xFFFFE000  }
0xb6: {  	[tilespmem:s7], [sflag:$0x1] =	stream.linear.gather @!p1 [hbm4b:s1+s7], $0x100, $0x38;
	[tilespmem:$0xEC00] =	vst v63  }
0xb7: {  	_ =	swait.ge [sflag:s23], $0x100  }
0xb8: {  	[sflag:s23] =	ssyncset.done $0x0  }
0xb9: {  	[sflag:s23] =	ssyncadd.s32 $0xFFFFFF00  }
0xba: {  	[tilespmem:s17], [sflag:$0x5] =	stream.indirect.gather [hbm4b:s5+s16], $0x40, s11, s16, $0xb8;
	[tilespmem:$0xEC00] =	vst v63  }
0xbb: {  	_ =	swait.ge [sflag:s24], $0x2000  }
0xbc: {  	[sflag:s24] =	ssyncset.done $0x0  }
0xbd: {  	[sflag:s24] =	ssyncadd.s32 $0xFFFFE000  }
0xbe: {  	[spmem:s2] =	stream.indirect.scatter.add.bf16 [tilespmem:s19], [sflag:$0x8], $0x40, s25, s16, $0xb8;
	[tilespmem:$0xEC00] =	vst v63  }
0xbf: {  	_ =	swait.ge [sflag:s22], $0x2000  }
0xc0: {  	[sflag:s22] =	ssyncset.done $0x0  }
0xc1: {  	s0 =	sadd.s32 @!p1 $0xA20, s0;
	s1 =	simm.s32 @!p1 $0x100;
	[sflag:s22] =	ssyncadd.s32 $0xFFFFE000  }
0xc2: {  	[tilespmem:s1], [sflag:$0x2] =	stream.linear.gather @!p1 [hbm4b:s0+s7], $0x100, $0x38;
	[tilespmem:$0xEC00] =	vst v63  }
0xc3: {  	_ =	swait.ge [sflag:s26], $0x100  }
0xc4: {  	[sflag:s26] =	ssyncset.done $0x0  }
0xc5: {  	[sflag:s26] =	ssyncadd.s32 $0xFFFFFF00  }
0xc6: {  	[tilespmem:s19], [sflag:$0x6] =	stream.indirect.gather [hbm4b:s5+s16], $0x40, s12, s16, $0xb8;
	[tilespmem:$0xEC00] =	vst v63  }
0xc7: {  	_ =	swait.ge [sflag:s21], $0x2000  }
0xc8: {  	[sflag:s21] =	ssyncset.done $0x0  }
.Ltmp4:
0xc9: {  	[sflag:s21] =	ssyncadd.s32 $0xFFFFE000;
	(pc) =	sbr.rel @p1 .LBB2_6-.Ltmp4, $4  }
0xca: {  	[spmem:s2] =	stream.indirect.scatter.add.bf16 [tilespmem:s17], [sflag:$0x8], $0x40, s28, s16, $0xb8;
	[tilespmem:$0xEC00] =	vst v63  }
0xcb: {  	_ =	swait.ge [sflag:s22], $0x2000  }
0xcc: {  	[sflag:s22] =	ssyncset.done $0x0  }
0xcd: {  	[sflag:s22] =	ssyncadd.s32 $0xFFFFE000  }
0xce: {  	s0 =	sadd.s32 s31, s20  }
0xcf: {  	s1 =	sadd.s32 $0xA40, s0  }
0xd0: {  	[tilespmem:s11], [sflag:$0x3] =	stream.linear.gather [hbm4b:s1+s4], $0x100, $0x38;
	[tilespmem:$0xEC00] =	vst v63  }
0xd1: {  	_ =	swait.ge [sflag:s15], $0x100  }
0xd2: {  	[sflag:s15] =	ssyncset.done $0x0  }
0xd3: {  	[sflag:s15] =	ssyncadd.s32 $0xFFFFFF00  }
0xd4: {  	[tilespmem:s17], [sflag:$0x5] =	stream.indirect.gather [hbm4b:s5+s16], $0x40, s4, s16, $0xb8;
	[tilespmem:$0xEC00] =	vst v63  }
0xd5: {  	_ =	swait.ge [sflag:s24], $0x2000  }
0xd6: {  	[sflag:s24] =	ssyncset.done $0x0  }
0xd7: {  	[sflag:s24] =	ssyncadd.s32 $0xFFFFE000  }
0xd8: {  	[spmem:s2] =	stream.indirect.scatter.add.bf16 [tilespmem:s19], [sflag:$0x8], $0x40, s29, s16, $0xb8;
	[tilespmem:$0xEC00] =	vst v63  }
0xd9: {  	_ =	swait.ge [sflag:s22], $0x2000  }
0xda: {  	[sflag:s22] =	ssyncset.done $0x0  }
0xdb: {  	s0 =	sadd.s32 $0xA60, s0;
	[sflag:s22] =	ssyncadd.s32 $0xFFFFE000  }
0xdc: {  	[tilespmem:s12], [sflag:$0x4] =	stream.linear.gather [hbm4b:s0+s4], $0x100, $0x38;
	[tilespmem:$0xEC00] =	vst v63  }
.Ltmp5:
0xdd: {  	_ = 	snop;
	(pc) =	sbr.rel .LBB2_5-.Ltmp5, $4  }
0xde: {  	_ =	swait.ge [sflag:s18], $0x100  }
0xdf: {  	[sflag:s18] =	ssyncset.done $0x0  }
0xe0: {  	s31 =	sadd.s32 $0x80, s31;
	[sflag:s18] =	ssyncadd.s32 $0xFFFFFF00  }
0xe1: {  	[tilespmem:s19], [sflag:$0x6] =	stream.indirect.gather [hbm4b:s5+s16], $0x40, s10, s16, $0xb8;
	[tilespmem:$0xEC00] =	vst v63  }
.LBB2_8:
0xe2: {  	[tilespmem:s17], [sflag:$0x5] =	stream.indirect.gather [hbm4b:s6+s16], $0x40, s4, s16, $0xb8;
	[tilespmem:$0xEC00] =	vst v63  }
0xe3: {  	_ =	swait.ge [sflag:s18], $0x100  }
0xe4: {  	[sflag:s18] =	ssyncset.done $0x0  }
0xe5: {  	s31 =	simm.s32 $0xFFFFF680;
	[sflag:s18] =	ssyncadd.s32 $0xFFFFFF00  }
0xe6: {  	[tilespmem:s19], [sflag:$0x6] =	stream.indirect.gather [hbm4b:s6+s16], $0x40, s10, s16, $0xb8;
	[tilespmem:$0xEC00] =	vst v63  }
.LBB2_9:
0xe7: {  	_ =	swait.ge [sflag:s21], $0x2000  }
0xe8: {  	[sflag:s21] =	ssyncset.done $0x0  }
0xe9: {  	[sflag:s21] =	ssyncadd.s32 $0xFFFFE000  }
0xea: {  	[spmem:s2] =	stream.indirect.scatter.add.bf16 [tilespmem:s17], [sflag:$0x8], $0x40, s16, s16, $0xb8;
	[tilespmem:$0xEC00] =	vst v63  }
0xeb: {  	p1 =	seq.s32 s31, $0x0;
	_ =	swait.ge [sflag:s22], $0x2000  }
0xec: {  	s0 =	sadd.s32 @!p1 s31, s20;
	[sflag:s22] =	ssyncset.done $0x0  }
0xed: {  	s7 =	simm.s32 @!p1 $0x0;
	s1 =	sadd.s32 @!p1 $0xA00, s0;
	[sflag:s22] =	ssyncadd.s32 $0xFFFFE000  }
0xee: {  	[tilespmem:s7], [sflag:$0x1] =	stream.linear.gather @!p1 [hbm4b:s1+s7], $0x100, $0x38;
	[tilespmem:$0xEC00] =	vst v63  }
0xef: {  	_ =	swait.ge [sflag:s23], $0x100  }
0xf0: {  	[sflag:s23] =	ssyncset.done $0x0  }
0xf1: {  	[sflag:s23] =	ssyncadd.s32 $0xFFFFFF00  }
0xf2: {  	[tilespmem:s17], [sflag:$0x5] =	stream.indirect.gather [hbm4b:s6+s16], $0x40, s11, s16, $0xb8;
	[tilespmem:$0xEC00] =	vst v63  }
0xf3: {  	_ =	swait.ge [sflag:s24], $0x2000  }
0xf4: {  	[sflag:s24] =	ssyncset.done $0x0  }
0xf5: {  	[sflag:s24] =	ssyncadd.s32 $0xFFFFE000  }
0xf6: {  	[spmem:s2] =	stream.indirect.scatter.add.bf16 [tilespmem:s19], [sflag:$0x8], $0x40, s25, s16, $0xb8;
	[tilespmem:$0xEC00] =	vst v63  }
0xf7: {  	_ =	swait.ge [sflag:s22], $0x2000  }
0xf8: {  	[sflag:s22] =	ssyncset.done $0x0  }
0xf9: {  	s0 =	sadd.s32 @!p1 $0xA20, s0;
	s1 =	simm.s32 @!p1 $0x100;
	[sflag:s22] =	ssyncadd.s32 $0xFFFFE000  }
0xfa: {  	[tilespmem:s1], [sflag:$0x2] =	stream.linear.gather @!p1 [hbm4b:s0+s7], $0x100, $0x38;
	[tilespmem:$0xEC00] =	vst v63  }
0xfb: {  	_ =	swait.ge [sflag:s26], $0x100  }
0xfc: {  	[sflag:s26] =	ssyncset.done $0x0  }
0xfd: {  	[sflag:s26] =	ssyncadd.s32 $0xFFFFFF00  }
0xfe: {  	[tilespmem:s19], [sflag:$0x6] =	stream.indirect.gather [hbm4b:s6+s16], $0x40, s12, s16, $0xb8;
	[tilespmem:$0xEC00] =	vst v63  }
0xff: {  	_ =	swait.ge [sflag:s21], $0x2000  }
0x100: {  	[sflag:s21] =	ssyncset.done $0x0  }
.Ltmp6:
0x101: {  	[sflag:s21] =	ssyncadd.s32 $0xFFFFE000;
	(pc) =	sbr.rel @p1 .LBB2_10-.Ltmp6, $4  }
0x102: {  	[spmem:s2] =	stream.indirect.scatter.add.bf16 [tilespmem:s17], [sflag:$0x8], $0x40, s28, s16, $0xb8;
	[tilespmem:$0xEC00] =	vst v63  }
0x103: {  	_ =	swait.ge [sflag:s22], $0x2000  }
0x104: {  	[sflag:s22] =	ssyncset.done $0x0  }
0x105: {  	[sflag:s22] =	ssyncadd.s32 $0xFFFFE000  }
0x106: {  	s0 =	sadd.s32 s31, s20  }
0x107: {  	s1 =	sadd.s32 $0xA40, s0  }
0x108: {  	[tilespmem:s11], [sflag:$0x3] =	stream.linear.gather [hbm4b:s1+s4], $0x100, $0x38;
	[tilespmem:$0xEC00] =	vst v63  }
0x109: {  	_ =	swait.ge [sflag:s15], $0x100  }
0x10a: {  	[sflag:s15] =	ssyncset.done $0x0  }
0x10b: {  	[sflag:s15] =	ssyncadd.s32 $0xFFFFFF00  }
0x10c: {  	[tilespmem:s17], [sflag:$0x5] =	stream.indirect.gather [hbm4b:s6+s16], $0x40, s4, s16, $0xb8;
	[tilespmem:$0xEC00] =	vst v63  }
0x10d: {  	_ =	swait.ge [sflag:s24], $0x2000  }
0x10e: {  	[sflag:s24] =	ssyncset.done $0x0  }
0x10f: {  	[sflag:s24] =	ssyncadd.s32 $0xFFFFE000  }
0x110: {  	[spmem:s2] =	stream.indirect.scatter.add.bf16 [tilespmem:s19], [sflag:$0x8], $0x40, s29, s16, $0xb8;
	[tilespmem:$0xEC00] =	vst v63  }
0x111: {  	_ =	swait.ge [sflag:s22], $0x2000  }
0x112: {  	[sflag:s22] =	ssyncset.done $0x0  }
0x113: {  	s0 =	sadd.s32 $0xA60, s0;
	[sflag:s22] =	ssyncadd.s32 $0xFFFFE000  }
0x114: {  	[tilespmem:s12], [sflag:$0x4] =	stream.linear.gather [hbm4b:s0+s4], $0x100, $0x38;
	[tilespmem:$0xEC00] =	vst v63  }
.Ltmp7:
0x115: {  	_ = 	snop;
	(pc) =	sbr.rel .LBB2_9-.Ltmp7, $4  }
0x116: {  	_ =	swait.ge [sflag:s18], $0x100  }
0x117: {  	[sflag:s18] =	ssyncset.done $0x0  }
0x118: {  	s31 =	sadd.s32 $0x80, s31;
	[sflag:s18] =	ssyncadd.s32 $0xFFFFFF00  }
0x119: {  	[tilespmem:s19], [sflag:$0x6] =	stream.indirect.gather [hbm4b:s6+s16], $0x40, s10, s16, $0xb8;
	[tilespmem:$0xEC00] =	vst v63  }
.LBB2_6:
.Ltmp8:
0x11a: {  	(pc) =	sbr.rel .LBB2_11-.Ltmp8, $2  }
0x11b: {  	_ =	sdelay $0x2  }
0x11c: {  	s0 =	rddreg [dreg:$0x1]  }
.LBB2_12:
0x11d: {  	_ =	sfence.sel $0x180000  }
0x11e: {  	[bflag:$0x0] =	sbarrier.arrive $0xFFFF  }
0x11f: {  	_ =	strace $0x90000047  }
0x120: {  	s0 =	stileid.u32;
	[bflag:$0x2] =	sbarrier.arrive $0xFFFF  }
0x121: {  	p0 =	sne.s32 s0, $0x0;
	s0 =	rddreg [dreg:$0x3]  }
0x122: {  	s0 =	sadd.s32 @!p0 $0x100000, s0  }
0x123: {  	[sflag:s0] =	ssyncadd.tile.s32 @!p0 $0x1;
	_ =	shalt  }
.Lfunc_end2:
_tile_overlayer_lowered:
.L_overlay_start_2:
0x124: {  	(tag) =	ssettag $0x2  }
0x125: {  	s0 =	rddreg [dreg:$0x0];
	s2 =	stileid.u32  }
0x126: {  	s1 =	rddreg [dreg:$0x1];
	p0 =	sne.s32 s2, $0x0  }
0x127: {  	s3 =	rddreg [dreg:$0x2];
	[bflag:$0x3] =	sbarrier.arrive $0xFFFF;
	s2 =	simm.s32 @!p0 $0x1C08  }
0x128: {  	[timem:s3], [sflag:s2] =	dma.local @!p0 [hbm:s0], s1  }
0x129: {  	s0 =	simm.s32 @!p0 $0x8  }
0x12a: {  	_ =	swait.ge @!p0 [sflag:s0], s1  }
0x12b: {  	s1 =	ssub.s32 @!p0 $0x0, s1;
	[sflag:s0] =	ssyncset.done @!p0 $0x0  }
0x12c: {  	[sflag:s0] =	ssyncadd.s32 @!p0 s1  }
0x12d: {  	[bflag:$0x3] =	sbarrier.arrive $0xFFFF  }
0x12e: {  	_ =	shalt  }

// kernel: sc_seg_sum.7.cloned.1.call-start
scs
__scs_entry_jumppad:
0x0: {  	(pc) =	sbr.rel $0x88, $3  }
0x1: {  	(tag) =	ssettag $0x0;
	lr =	simm.s32 $0x1  }
0x2: {  	[smem:$0x3F99] =	sst lr;
	_ =	strace $0xD0000000  }
0x3: {  	_ = 	snop  }
0x4: {  	_ = 	snop  }
0x5: {  	_ = 	snop  }
0x6: {  	_ = 	snop  }
0x7: {  	_ = 	snop  }
__scs_overlays_trampoline_lowered:
0x8: {  	[smem:$0x3FA8] =	sst s0  }
0x9: {  	[smem:$0x3FA9] =	sst s1  }
0xa: {  	[smem:$0x3FAA] =	sst s2  }
0xb: {  	[smem:$0x3FAB] =	sst s3  }
0xc: {  	[smem:$0x3FAC] =	sst s4  }
0xd: {  	[smem:$0x3FAD] =	sst s5  }
0xe: {  	[smem:$0x3FAE] =	sst s6  }
0xf: {  	[smem:$0x3FAF] =	sst s7  }
0x10: {  	[smem:$0x3FB0] =	sst s8  }
0x11: {  	[smem:$0x3FB1] =	sst s9;
	s0 =	simm.s32 @!p0 $0x0  }
0x12: {  	s1 =	sld [smem:$0x3F97];
	s0 =	simm.s32 @p0 $0x1  }
0x13: {  	[smem:$0x3FB2] =	sst s0;
	s0 =	simm.s32 @!p1 $0x0  }
0x14: {  	s2 =	sld [smem:$0x3F96];
	s0 =	simm.s32 @p1 $0x1  }
0x15: {  	[smem:$0x3FB3] =	sst s0;
	s0 =	simm.s32 @!p2 $0x0  }
0x16: {  	s3 =	sld [smem:$0x3FDB];
	s0 =	simm.s32 @p2 $0x1  }
0x17: {  	s4 =	simm.s32 $0x1BF5;
	[smem:$0x3FB5] =	sst s0  }
0x18: {  	s0 =	sld [smem:$0x3F98];
	_ =	swait.ge [sflag:s4], $0x0  }
0x19: {  	s7 =	sld [smem:$0x3F99]  }
0x1a: {  	s8 =	sadd.s32 $0xFFFFE003, lr  }
0x1b: {  	s9 =	sadd.s32 $0xFFFFFEF7, lr;
	s5 =	simm.s32 $0xFFFFFFFF;
	p2 =	slt.u32 s8, $0xFFFFF086  }
0x1c: {  	p1 =	slt.u32 s9, $0xF7A;
	s5 =	simm.s32 @!p2 $0x0  }
0x1d: {  	s5 =	simm.s32 @p1 $0x1;
	p0 =	seq.s32 s7, s2  }
0x1e: {  	s7 =	smul.u32 @!p0 $0xF7A, s2;
	p2 =	seq.s32 @!p0 s5, $0x0  }
0x1f: {  	s9 =	smul.u32 $0xF7A, s1;
	s8 =	simm.s32 @!p0 $0x1BF5;
	p2 =	por !p2, p0  }
0x20: {  	[sflag:s8] =	ssyncset.s32 @!p0 $0xFFFFF086;
	s6 =	sadd.s32 @!p0 s3, s7;
	s7 =	simm.s32 @!p0 $0x108  }
0x21: {  	s3 =	sadd.s32 s3, s9;
	s6 =	sadd.s32 @!p0 $0x88, s6;
	s7 =	simm.s32 @p2 $0x1082  }
0x22: {  	[simem:s7], [sflag:s8] =	dma.local @!p0 [hbm:s6], $0xF7A  }
0x23: {  	s9 =	sor.u32 $0xD0000000, s2;
	s6 =	simm.s32 $0x108;
	_ =	swait.ge @!p0 [sflag:s8], $0x0  }
0x24: {  	s3 =	sadd.s32 $0x88, s3;
	s6 =	simm.s32 @!p1 $0x1082;
	[sflag:s4] =	ssyncset.s32 $0xFFFFF086  }
0x25: {  	[simem:s6], [sflag:s4] =	dma.local [hbm:s3], $0xF7A  }
0x26: {  	[smem:$0x3F99] =	sst s1;
	(tag) =	ssettag s2;
	_ =	strace s9  }
0x27: {  	s1 =	sld [smem:$0x3FA9]  }
0x28: {  	s2 =	sld [smem:$0x3FAA]  }
0x29: {  	s4 =	sld [smem:$0x3FAC]  }
0x2a: {  	p0 =	seq.s32 s5, $0x0;
	s5 =	sld [smem:$0x3FAD]  }
0x2b: {  	s6 =	sld [smem:$0x3FAE]  }
0x2c: {  	s7 =	sld [smem:$0x3FAF]  }
0x2d: {  	s3 =	simm.s32 $0x108;
	s8 =	sld [smem:$0x3FB0]  }
0x2e: {  	s3 =	simm.s32 @!p0 $0x1082;
	s9 =	sld [smem:$0x3FB1]  }
0x2f: {  	lr =	sadd.s32 s0, s3;
	s0 =	sld [smem:$0x3FA8]  }
0x30: {  	s3 =	sld [smem:$0x3FAB]  }
0x31: {  	[smem:$0x3FB4] =	sst s10  }
0x32: {  	s10 =	sld [smem:$0x3FB2];
	_ =	sdelay $0x3  }
0x33: {  	p0 =	seq.s32 s10, $0x1;
	s10 =	sld [smem:$0x3FB4];
	_ =	sdelay $0x3  }
0x34: {  	[smem:$0x3FB4] =	sst s10  }
0x35: {  	s10 =	sld [smem:$0x3FB3];
	_ =	sdelay $0x3  }
0x36: {  	p1 =	seq.s32 s10, $0x1;
	s10 =	sld [smem:$0x3FB4];
	_ =	sdelay $0x3  }
0x37: {  	[smem:$0x3FB4] =	sst s10  }
0x38: {  	s10 =	sld [smem:$0x3FB5]  }
0x39: {  	_ = 	snop;
	(pc) =	sbr.ind lr, $3  }
0x3a: {  	_ = 	snop  }
0x3b: {  	_ = 	snop  }
0x3c: {  	p2 =	seq.s32 s10, $0x1;
	s10 =	sld [smem:$0x3FB4]  }
0x3d: {  	_ =	shalt  }
0x3e: {  	_ =	shalt  }
0x3f: {  	_ =	shalt  }
0x40: {  	_ =	shalt  }
0x41: {  	_ =	shalt  }
0x42: {  	_ =	shalt  }
0x43: {  	_ =	shalt  }
0x44: {  	_ =	shalt  }
0x45: {  	_ =	shalt  }
0x46: {  	_ =	shalt  }
0x47: {  	_ =	shalt  }
0x48: {  	_ =	shalt  }
0x49: {  	_ =	shalt  }
0x4a: {  	_ =	shalt  }
0x4b: {  	_ =	shalt  }
0x4c: {  	_ =	shalt  }
0x4d: {  	_ =	shalt  }
0x4e: {  	_ =	shalt  }
0x4f: {  	_ =	shalt  }
0x50: {  	_ =	shalt  }
0x51: {  	_ =	shalt  }
0x52: {  	_ =	shalt  }
0x53: {  	_ =	shalt  }
0x54: {  	_ =	shalt  }
0x55: {  	_ =	shalt  }
0x56: {  	_ =	shalt  }
0x57: {  	_ =	shalt  }
0x58: {  	_ =	shalt  }
0x59: {  	_ =	shalt  }
0x5a: {  	_ =	shalt  }
0x5b: {  	_ =	shalt  }
0x5c: {  	_ =	shalt  }
0x5d: {  	_ =	shalt  }
0x5e: {  	_ =	shalt  }
0x5f: {  	_ =	shalt  }
0x60: {  	_ =	shalt  }
0x61: {  	_ =	shalt  }
0x62: {  	_ =	shalt  }
0x63: {  	_ =	shalt  }
0x64: {  	_ =	shalt  }
0x65: {  	_ =	shalt  }
0x66: {  	_ =	shalt  }
0x67: {  	_ =	shalt  }
0x68: {  	_ =	shalt  }
0x69: {  	_ =	shalt  }
0x6a: {  	_ =	shalt  }
0x6b: {  	_ =	shalt  }
0x6c: {  	_ =	shalt  }
0x6d: {  	_ =	shalt  }
0x6e: {  	_ =	shalt  }
0x6f: {  	_ =	shalt  }
0x70: {  	_ =	shalt  }
0x71: {  	_ =	shalt  }
0x72: {  	_ =	shalt  }
0x73: {  	_ =	shalt  }
0x74: {  	_ =	shalt  }
0x75: {  	_ =	shalt  }
0x76: {  	_ =	shalt  }
0x77: {  	_ =	shalt  }
0x78: {  	_ =	shalt  }
0x79: {  	_ =	shalt  }
0x7a: {  	_ =	shalt  }
0x7b: {  	_ =	shalt  }
0x7c: {  	_ =	shalt  }
0x7d: {  	_ =	shalt  }
0x7e: {  	_ =	shalt  }
0x7f: {  	_ =	shalt  }
0x80: {  	_ =	shalt  }
0x81: {  	_ =	shalt  }
0x82: {  	_ =	shalt  }
0x83: {  	_ =	shalt  }
0x84: {  	_ =	shalt  }
0x85: {  	_ =	shalt  }
0x86: {  	_ =	shalt  }
0x87: {  	_ =	shalt  }
.Lfunc_end0:
.L_simem_size_0:
called_computation.2_lowered:
.L_overlay_start_0:
0x88: {  	s2 =	sld [smem:$0x3FD9]  }
0x89: {  	s3 =	sld [smem:$0x3FFE];
	_ =	sdelay $0x1  }
0x8a: {  	s1 =	srdreg.scid  }
0x8b: {  	s0 =	sand.u32 $0x1, s1  }
0x8c: {  	s16 =	sshll.u32 s0, $0xA;
	s2 =	sadd.s32 s3, s2  }
0x8d: {  	s2 =	sadd.s32 s2, s16  }
0x8e: {  	[smem:$0x3FC0] =	sst s2  }
0x8f: {  	_ = 	snop  }
0x90: {  	(tm) =	ssettm $0x1  }
0x91: {  	s17 =	sld [smem:$0x3FFB];
	_ =	sdelay $0x3  }
0x92: {  	_ =	strace s17  }
0x93: {  	s2 =	sld [smem:$0x3FFC];
	_ =	sdelay $0x3  }
0x94: {  	_ =	strace s2  }
0x95: {  	s2 =	sld [smem:$0x3FFD];
	_ =	sdelay $0x3  }
0x96: {  	_ =	strace s2  }
0x97: {  	_ =	strace $0x8FFFFFFF  }
0x98: {  	s18 =	sld [smem:$0x3FDB];
	_ =	sdelay $0x1  }
0x99: {  	s19 =	simm.s32 $_scs_section_size  }
0x9a: {  	s4 =	simm.s32 $_size__tile_overlayer_lowered;
	s5 =	simm.s32 $_tile_overlayer_lowered  }
0x9b: {  	s22 =	simm.s32 $0x1BFF;
	s21 =	sshll.u32 s5, $0x1;
	s2 =	sadd.s32 s19, s18  }
0x9c: {  	s6 =	simm.s32 $0x0;
	s20 =	sshll.u32 s4, $0x1;
	s4 =	sadd.s32 s21, s2  }
0x9d: {  	[timem:s6], [sflag:s22] =	dma.local [hbm:s4], s20  }
0x9e: {  	_ =	swait.ge [sflag:s22], s20  }
0x9f: {  	s3 =	ssub.s32 $0x0, s20;
	[sflag:s22] =	ssyncset.done $0x0  }
0xa0: {  	[sflag:s22] =	ssyncadd.s32 s3;
	_ =	sdelay $0x1  }
0xa1: {  	s23 =	simm.s32 $0x1B8B  }
0xa2: {  	_ =	swait.ge [sflag:s23], $0x1  }
0xa3: {  	[sflag:s23] =	ssyncset.done $0x0  }
0xa4: {  	s25 =	simm.s32 $0x1B8E;
	s24 =	sld [smem:$0x3FFE];
	[sflag:s23] =	ssyncadd.s32 $0xFFFFFFFF  }
0xa5: {  	s26 =	simm.s32 $execute0_lowered;
	[smem:$0x3FD2] =	sst s25  }
0xa6: {  	s4 =	sshll.u32 s26, $0x1;
	_ =	strace $0x8000004C;
	[dreg:$0x1] =	wrdreg $0xFFFFFFFF  }
0xa7: {  	s28 =	simm.s32 $_size_execute0_lowered;
	s2 =	sadd.s32 s2, s4;
	[dreg:$0x0] =	wrdreg $0x0  }
0xa8: {  	s4 =	sshll.u32 s28, $0x1;
	[dreg:$0x2] =	wrdreg s2  }
0xa9: {  	[dreg:$0x3] =	wrdreg s4  }
0xaa: {  	[dreg:$0x4] =	wrdreg $0xC0  }
0xab: {  	_ =	task [dreg:s6], $0x5FFFF  }
0xac: {  	[dreg:$0x1] =	wrdreg $0xFFFFFFFF  }
0xad: {  	[dreg:$0x0] =	wrdreg $0x60  }
0xae: {  	[dreg:$0x2] =	wrdreg s24  }
0xaf: {  	[dreg:$0x3] =	wrdreg $0x4C000  }
0xb0: {  	[dreg:$0x4] =	wrdreg $0x9  }
0xb1: {  	_ =	task.clear_ibuf [dreg:s6], $0x5FFFF;
	_ =	strace $0x9000004C  }
0xb2: {  	s29 =	simm.s32 $0x9;
	_ =	strace $0x8000004E  }
0xb3: {  	_ =	swait.ge [sflag:s29], $0x1  }
0xb4: {  	[sflag:s29] =	ssyncadd.s32 $0xFFFFFFFF  }
0xb5: {  	_ =	strace $0x9000004E  }
0xb6: {  	_ =	sfence  }
0xb7: {  	s30 =	sld [smem:$0x0];
	_ =	sdelay $0x2  }
0xb8: {  	s31 =	sshll.u32 s1, $0xD;
	s1 =	sshrl.u32 s1, $0x2  }
0xb9: {  	s3 =	sand.u32 $0x4000, s31;
	s1 =	sadd.s32 s1, s30  }
0xba: {  	s0 =	sor.u32 s3, s0;
	s1 =	sshll.u32 s1, $0x11  }
0xbb: {  	s0 =	sor.u32 s1, s0  }
0xbc: {  	s0 =	sadd.s32 $0x8F2B, s0  }
0xbd: {  	[sflag:s0] =	ssyncadd.remote.s32 $0x1  }
0xbe: {  	_ =	sfence.sel $0xFFFF  }
0xbf: {  	[dreg:$0x0] =	wrdreg $0xFFFFFFFF;
	(pc) =	sbr.abs _section_cstart, $3  }
0xc0: {  	[dreg:$0x1] =	wrdreg $0xFFFFFFFF  }
0xc1: {  	_ =	task.clear_ibuf [dreg:s6], $0x2FFFF;
	_ =	strace $0x9FFFFFFF  }
0xc2: {  	(tm) =	ssettm $0x7FFFFFFF  }
0xc3: {  	_ =	shalt  }
tec
execute0_lowered:
.L_overlay_start_1:
0x0: {  	(tag) =	ssettag $0x1  }
0x1: {  	s0 =	rddreg [dreg:$0x0]  }
0x2: {  	s1 =	rddreg [dreg:$0x1];
	s2 =	simm.s32 $0x0;
	s3 =	srdreg.scid  }
0x3: {  	s12 =	stileid.u32;
	s28 =	simm.s32 $0x280;
	s29 =	simm.s32 $0x380  }
0x4: {  	s30 =	simm.s32 $0x0;
	[smem:$0x7FF] =	sst s2;
	s9 =	smul.u32 $0x28000, s12  }
0x5: {  	s4 =	sadd.s32 $0x3800, s0;
	s5 =	sadd.s32 $0x17200, s0;
	s7 =	sadd.s32 $0x2FC00, s0  }
0x6: {  	s10 =	sadd.s32 $0x39C00, s0;
	s0 =	sadd.s32 $0x4DC00, s0;
	s17 =	sshrl.u32 s9, $0x2  }
0x7: {  	_ =	strace $0x8000004D;
	[dreg:$0x3] =	wrdreg s10;
	s10 =	sadd.s32 s17, s1  }
0x8: {  	s3 =	sand.u32 $0x1, s3;
	[dreg:$0x4] =	wrdreg s0;
	s19 =	sadd.s32 $0x800, s10  }
0x9: {  	s6 =	smul.u32 $0x5000, s12;
	s20 =	sadd.s32 $0x1000, s10;
	[dreg:$0x5] =	wrdreg s19  }
0xa: {  	s11 =	smul.u32 $0x14000, s12;
	s21 =	sadd.s32 $0x1800, s10;
	[dreg:$0x6] =	wrdreg s20  }
0xb: {  	s25 =	smul.u32 $0xA00, s12;
	s22 =	sadd.s32 $0x2000, s10;
	[dreg:$0x7] =	wrdreg s21  }
0xc: {  	s12 =	simm.s32 $0x300;
	s23 =	sadd.s32 $0x2800, s10;
	[dreg:$0x8] =	wrdreg s22  }
0xd: {  	s8 =	ssub.s32 $0x2, s3;
	s24 =	sadd.s32 $0x3000, s10;
	[dreg:$0x9] =	wrdreg s23  }
0xe: {  	p0 =	sne.s32 s3, $0x0;
	s26 =	sadd.s32 $0x3800, s10;
	[dreg:$0xa] =	wrdreg s24  }
0xf: {  	s16 =	sshrl.u32 s8, $0x1;
	s31 =	sadd.s32 $0x4000, s10;
	[dreg:$0xb] =	wrdreg s26  }
0x10: {  	s6 =	sshrl.u32 s6, $0x3;
	s13 =	sadd.s32 $0x4800, s10;
	[dreg:$0xc] =	wrdreg s31  }
0x11: {  	s18 =	sshrl.u32 s11, $0x1;
	s14 =	sadd.s32 $0x5000, s10;
	[dreg:$0xd] =	wrdreg s13  }
0x12: {  	s0 =	ssub.s32 s8, s16;
	s15 =	sadd.s32 $0x5800, s10;
	[dreg:$0xe] =	wrdreg s14  }
0x13: {  	s8 =	sadd.s32 s7, s6;
	s16 =	sadd.s32 $0x6000, s10;
	[dreg:$0xf] =	wrdreg s15  }
0x14: {  	s9 =	sadd.s32 s18, s1;
	s17 =	sadd.s32 $0x6800, s10;
	[dreg:$0x10] =	wrdreg s16  }
0x15: {  	s18 =	sadd.s32 $0x7000, s10;
	s0 =	smax.u32 s0, $0x1;
	[dreg:$0x11] =	wrdreg s17  }
0x16: {  	s3 =	sadd.s32 $0x60, s8;
	s20 =	sadd.s32 s25, s7;
	[dreg:$0x12] =	wrdreg s18  }
0x17: {  	s19 =	sadd.s32 $0x7800, s10;
	s21 =	sadd.s32 $0x8000, s10;
	[dreg:$0x19] =	wrdreg s0  }
0x18: {  	s22 =	sadd.s32 $0x8800, s10;
	s23 =	sadd.s32 $0x9000, s10;
	[dreg:$0x13] =	wrdreg s19  }
0x19: {  	s24 =	sadd.s32 $0x9800, s10;
	s25 =	sshrl.u32 s11, $0x4;
	[dreg:$0x14] =	wrdreg s21  }
0x1a: {  	s26 =	sadd.s32 $0x20, s8;
	s31 =	sadd.s32 $0x40, s8;
	[dreg:$0x15] =	wrdreg s22  }
0x1b: {  	s10 =	simm.s32 $0x100;
	s11 =	simm.s32 $0x200;
	[dreg:$0x16] =	wrdreg s23  }
0x1c: {  	s13 =	simm.s32 $0x4400;
	s14 =	simm.s32 $0x7;
	[dreg:$0x17] =	wrdreg s24  }
.Ltmp0:
0x1d: {  	s15 =	simm.s32 $0x1;
	[dreg:$0x18] =	wrdreg s25;
	(pc) =	sbr.rel .LBB2_1-.Ltmp0, $4  }
0x1e: {  	s16 =	simm.s32 $0x80;
	s17 =	simm.s32 $0x400;
	[dreg:$0x1a] =	wrdreg s26  }
0x1f: {  	s18 =	simm.s32 $0x2;
	[dreg:$0x1b] =	wrdreg s31;
	s19 =	simm.s32 $0x2400  }
0x20: {  	s21 =	simm.s32 $0x5;
	s22 =	simm.s32 $0x8;
	s23 =	simm.s32 $0x3  }
0x21: {  	v0 =	vimm.bf16 $0.0e+00;
	s24 =	simm.s32 $0x6;
	s25 =	simm.s32 $0x180;
	s26 =	simm.s32 $0x4  }
.LBB2_10:
0x22: {  	s0 =	rddreg [dreg:$0x4]  }
.LBB2_11:
0x23: {  	_ =	swait.ge [sflag:s24], $0x2000  }
0x24: {  	[sflag:s24] =	ssyncset.done $0x0  }
0x25: {  	[sflag:s24] =	ssyncadd.s32 $0xFFFFE000  }
0x26: {  	[spmem:s1] =	stream.indirect.scatter.add.bf16 [tilespmem:s19], [sflag:$0x8], $0x40, s29, s16, $0xb8;
	[tilespmem:$0xEC00] =	vst v63  }
0x27: {  	_ =	swait.ge [sflag:s22], $0x2000  }
0x28: {  	s7 =	stileid.u32;
	[sflag:s22] =	ssyncset.done $0x0;
	s6 =	rddreg [dreg:$0x18]  }
0x29: {  	s0 =	sadd.s32 s0, s6;
	[sflag:s22] =	ssyncadd.s32 $0xFFFFE000;
	s6 =	sshll.u32 s7, $0x6  }
0x2a: {  	s7 =	sshrl.u32 s9, $0x3;
	[bflag:$0x0] =	sbarrier.arrive $0xFFFF;
	s6 =	sor.u32 $0x1C08, s6  }
0x2b: {  	[hbm:s0], [sflag:s6] =	dma.local [spmem:s7], $0x1400  }
0x2c: {  	_ =	swait.ge [sflag:s22], $0x1400  }
0x2d: {  	s30 =	sadd.s32 $0x1, s30;
	s31 =	rddreg [dreg:$0x19]  }
0x2e: {  	p1 =	sne.s32 s30, s31  }
.Ltmp1:
0x2f: {  	_ = 	snop;
	(pc) =	sbr.rel @!p1 .LBB2_12-.Ltmp1, $3  }
0x30: {  	_ =	sdelay $0x1  }
0x31: {  	[sflag:s22] =	ssyncset.done $0x0  }
0x32: {  	[sflag:s22] =	ssyncadd.s32 $0xFFFFEC00  }
.LBB2_1:
0x33: {  	[tilespmem:s2], [sflag:$0x1] =	stream.linear.gather [hbm4b:s8+s2], $0x100, $0x38;
	[tilespmem:$0xEC00] =	vst v63  }
0x34: {  	s0 =	rddreg [dreg:$0x1a]  }
0x35: {  	[tilespmem:s10], [sflag:$0x2] =	stream.linear.gather [hbm4b:s0+s2], $0x100, $0x38;
	[tilespmem:$0xEC00] =	vst v63  }
0x36: {  	s7 =	rddreg [dreg:$0x1b]  }
0x37: {  	[tilespmem:s11], [sflag:$0x3] =	stream.linear.gather [hbm4b:s7+s2], $0x100, $0x38;
	[tilespmem:$0xEC00] =	vst v63  }
0x38: {  	s31 =	simm.s32 $0x0;
	s0 =	simm.s32 $0x100  }
0x39: {  	[tilespmem:s12], [sflag:$0x4] =	stream.linear.gather [hbm4b:s3+s2], $0x100, $0x38;
	[tilespmem:$0xEC00] =	vst v63  }
.LBB2_2:
0x3a: {  	p1 =	sne.s32 s0, $0x1F00;
	[tilespmem:s31+$0x4430] =	vst v0;
	s6 =	smov.u32 s0;
	s0 =	sadd.s32 $0x100, s0  }
.Ltmp2:
0x3b: {  	[tilespmem:s31+$0x4420] =	vst v0;
	(pc) =	sbr.rel @p1 .LBB2_2-.Ltmp2, $3  }
0x3c: {  	[tilespmem:s31+$0x4400] =	vst v0  }
0x3d: {  	[tilespmem:s31+$0x4410] =	vst v0;
	_ =	sdelay $0x1  }
0x3e: {  	s31 =	sshra.s32 s6, $0x2  }
0x3f: {  	[tilespmem:s31+$0x4430] =	vst v0  }
0x40: {  	[tilespmem:s31+$0x4420] =	vst v0  }
0x41: {  	[tilespmem:s31+$0x4400] =	vst v0  }
0x42: {  	[tilespmem:s31+$0x4410] =	vst v0  }
0x43: {  	[spmem:s9] =	stream.linear.scatter [tilespmem:s13], [sflag:$0x7], $0x800, $0x38;
	[tilespmem:$0xEC00] =	vst v63  }
0x44: {  	s0 =	rddreg [dreg:$0x5]  }
0x45: {  	[spmem:s0] =	stream.linear.scatter [tilespmem:s13], [sflag:$0x7], $0x800, $0x38;
	[tilespmem:$0xEC00] =	vst v63  }
0x46: {  	s6 =	rddreg [dreg:$0x6]  }
0x47: {  	[spmem:s6] =	stream.linear.scatter [tilespmem:s13], [sflag:$0x7], $0x800, $0x38;
	[tilespmem:$0xEC00] =	vst v63  }
0x48: {  	s7 =	rddreg [dreg:$0x7]  }
0x49: {  	[spmem:s7] =	stream.linear.scatter [tilespmem:s13], [sflag:$0x7], $0x800, $0x38;
	[tilespmem:$0xEC00] =	vst v63  }
0x4a: {  	s31 =	rddreg [dreg:$0x8]  }
0x4b: {  	[spmem:s31] =	stream.linear.scatter [tilespmem:s13], [sflag:$0x7], $0x800, $0x38;
	[tilespmem:$0xEC00] =	vst v63  }
0x4c: {  	s6 =	rddreg [dreg:$0x9]  }
0x4d: {  	[spmem:s6] =	stream.linear.scatter [tilespmem:s13], [sflag:$0x7], $0x800, $0x38;
	[tilespmem:$0xEC00] =	vst v63  }
0x4e: {  	s7 =	rddreg [dreg:$0xa]  }
0x4f: {  	[spmem:s7] =	stream.linear.scatter [tilespmem:s13], [sflag:$0x7], $0x800, $0x38;
	[tilespmem:$0xEC00] =	vst v63  }
0x50: {  	s31 =	rddreg [dreg:$0xb]  }
0x51: {  	[spmem:s31] =	stream.linear.scatter [tilespmem:s13], [sflag:$0x7], $0x800, $0x38;
	[tilespmem:$0xEC00] =	vst v63  }
0x52: {  	s6 =	rddreg [dreg:$0xc]  }
0x53: {  	[spmem:s6] =	stream.linear.scatter [tilespmem:s13], [sflag:$0x7], $0x800, $0x38;
	[tilespmem:$0xEC00] =	vst v63  }
0x54: {  	s7 =	rddreg [dreg:$0xd]  }
0x55: {  	[spmem:s7] =	stream.linear.scatter [tilespmem:s13], [sflag:$0x7], $0x800, $0x38;
	[tilespmem:$0xEC00] =	vst v63  }
0x56: {  	s31 =	rddreg [dreg:$0xe]  }
0x57: {  	[spmem:s31] =	stream.linear.scatter [tilespmem:s13], [sflag:$0x7], $0x800, $0x38;
	[tilespmem:$0xEC00] =	vst v63  }
0x58: {  	s6 =	rddreg [dreg:$0xf]  }
0x59: {  	[spmem:s6] =	stream.linear.scatter [tilespmem:s13], [sflag:$0x7], $0x800, $0x38;
	[tilespmem:$0xEC00] =	vst v63  }
0x5a: {  	s7 =	rddreg [dreg:$0x10]  }
0x5b: {  	[spmem:s7] =	stream.linear.scatter [tilespmem:s13], [sflag:$0x7], $0x800, $0x38;
	[tilespmem:$0xEC00] =	vst v63  }
0x5c: {  	s31 =	rddreg [dreg:$0x11]  }
0x5d: {  	[spmem:s31] =	stream.linear.scatter [tilespmem:s13], [sflag:$0x7], $0x800, $0x38;
	[tilespmem:$0xEC00] =	vst v63  }
0x5e: {  	s6 =	rddreg [dreg:$0x12]  }
0x5f: {  	[spmem:s6] =	stream.linear.scatter [tilespmem:s13], [sflag:$0x7], $0x800, $0x38;
	[tilespmem:$0xEC00] =	vst v63  }
0x60: {  	s7 =	rddreg [dreg:$0x13]  }
0x61: {  	[spmem:s7] =	stream.linear.scatter [tilespmem:s13], [sflag:$0x7], $0x800, $0x38;
	[tilespmem:$0xEC00] =	vst v63  }
0x62: {  	s31 =	rddreg [dreg:$0x14]  }
0x63: {  	[spmem:s31] =	stream.linear.scatter [tilespmem:s13], [sflag:$0x7], $0x800, $0x38;
	[tilespmem:$0xEC00] =	vst v63  }
0x64: {  	s6 =	rddreg [dreg:$0x15]  }
0x65: {  	[spmem:s6] =	stream.linear.scatter [tilespmem:s13], [sflag:$0x7], $0x800, $0x38;
	[tilespmem:$0xEC00] =	vst v63  }
0x66: {  	s7 =	rddreg [dreg:$0x16]  }
0x67: {  	[spmem:s7] =	stream.linear.scatter [tilespmem:s13], [sflag:$0x7], $0x800, $0x38;
	[tilespmem:$0xEC00] =	vst v63  }
0x68: {  	s31 =	rddreg [dreg:$0x17]  }
0x69: {  	[spmem:s31] =	stream.linear.scatter [tilespmem:s13], [sflag:$0x7], $0x800, $0x38;
	[tilespmem:$0xEC00] =	vst v63  }
0x6a: {  	_ =	swait.ge [sflag:s14], $0x800  }
0x6b: {  	[sflag:s14] =	ssyncset.done $0x0  }
0x6c: {  	[sflag:s14] =	ssyncadd.s32 $0xFFFFF800  }
0x6d: {  	_ =	swait.ge [sflag:s14], $0x800  }
0x6e: {  	[sflag:s14] =	ssyncset.done $0x0  }
0x6f: {  	[sflag:s14] =	ssyncadd.s32 $0xFFFFF800  }
0x70: {  	_ =	swait.ge [sflag:s14], $0x800  }
0x71: {  	[sflag:s14] =	ssyncset.done $0x0  }
0x72: {  	[sflag:s14] =	ssyncadd.s32 $0xFFFFF800  }
0x73: {  	_ =	swait.ge [sflag:s14], $0x800  }
0x74: {  	[sflag:s14] =	ssyncset.done $0x0  }
0x75: {  	[sflag:s14] =	ssyncadd.s32 $0xFFFFF800  }
0x76: {  	_ =	swait.ge [sflag:s14], $0x800  }
0x77: {  	[sflag:s14] =	ssyncset.done $0x0  }
0x78: {  	[sflag:s14] =	ssyncadd.s32 $0xFFFFF800  }
0x79: {  	_ =	swait.ge [sflag:s14], $0x800  }
0x7a: {  	[sflag:s14] =	ssyncset.done $0x0  }
0x7b: {  	[sflag:s14] =	ssyncadd.s32 $0xFFFFF800  }
0x7c: {  	_ =	swait.ge [sflag:s14], $0x800  }
0x7d: {  	[sflag:s14] =	ssyncset.done $0x0  }
0x7e: {  	[sflag:s14] =	ssyncadd.s32 $0xFFFFF800  }
0x7f: {  	_ =	swait.ge [sflag:s14], $0x800  }
0x80: {  	[sflag:s14] =	ssyncset.done $0x0  }
0x81: {  	[sflag:s14] =	ssyncadd.s32 $0xFFFFF800  }
0x82: {  	_ =	swait.ge [sflag:s14], $0x800  }
0x83: {  	[sflag:s14] =	ssyncset.done $0x0  }
0x84: {  	[sflag:s14] =	ssyncadd.s32 $0xFFFFF800  }
0x85: {  	_ =	swait.ge [sflag:s14], $0x800  }
0x86: {  	[sflag:s14] =	ssyncset.done $0x0  }
0x87: {  	[sflag:s14] =	ssyncadd.s32 $0xFFFFF800  }
0x88: {  	_ =	swait.ge [sflag:s14], $0x800  }
0x89: {  	[sflag:s14] =	ssyncset.done $0x0  }
0x8a: {  	[sflag:s14] =	ssyncadd.s32 $0xFFFFF800  }
0x8b: {  	_ =	swait.ge [sflag:s14], $0x800  }
0x8c: {  	[sflag:s14] =	ssyncset.done $0x0  }
0x8d: {  	[sflag:s14] =	ssyncadd.s32 $0xFFFFF800  }
0x8e: {  	_ =	swait.ge [sflag:s14], $0x800  }
0x8f: {  	[sflag:s14] =	ssyncset.done $0x0  }
0x90: {  	[sflag:s14] =	ssyncadd.s32 $0xFFFFF800  }
0x91: {  	_ =	swait.ge [sflag:s14], $0x800  }
0x92: {  	[sflag:s14] =	ssyncset.done $0x0  }
0x93: {  	[sflag:s14] =	ssyncadd.s32 $0xFFFFF800  }
0x94: {  	_ =	swait.ge [sflag:s14], $0x800  }
0x95: {  	[sflag:s14] =	ssyncset.done $0x0  }
0x96: {  	[sflag:s14] =	ssyncadd.s32 $0xFFFFF800  }
0x97: {  	_ =	swait.ge [sflag:s14], $0x800  }
0x98: {  	[sflag:s14] =	ssyncset.done $0x0  }
0x99: {  	[sflag:s14] =	ssyncadd.s32 $0xFFFFF800  }
0x9a: {  	_ =	swait.ge [sflag:s14], $0x800  }
0x9b: {  	[sflag:s14] =	ssyncset.done $0x0  }
0x9c: {  	[sflag:s14] =	ssyncadd.s32 $0xFFFFF800  }
0x9d: {  	_ =	swait.ge [sflag:s14], $0x800  }
0x9e: {  	[sflag:s14] =	ssyncset.done $0x0  }
0x9f: {  	[sflag:s14] =	ssyncadd.s32 $0xFFFFF800  }
0xa0: {  	_ =	swait.ge [sflag:s14], $0x800  }
0xa1: {  	[sflag:s14] =	ssyncset.done $0x0  }
0xa2: {  	[sflag:s14] =	ssyncadd.s32 $0xFFFFF800  }
0xa3: {  	_ =	swait.ge [sflag:s14], $0x800  }
0xa4: {  	[sflag:s14] =	ssyncset.done $0x0  }
.Ltmp3:
0xa5: {  	[sflag:s14] =	ssyncadd.s32 $0xFFFFF800;
	(pc) =	sbr.rel @p0 .LBB2_8-.Ltmp3, $4  }
0xa6: {  	[bflag:$0x0] =	sbarrier.arrive $0xFFFF  }
0xa7: {  	_ =	swait.ge [sflag:s15], $0x100  }
0xa8: {  	[sflag:s15] =	ssyncset.done $0x0  }
0xa9: {  	[sflag:s15] =	ssyncadd.s32 $0xFFFFFF00  }
0xaa: {  	[tilespmem:s17], [sflag:$0x5] =	stream.indirect.gather [hbm4b:s4+s16], $0x40, s2, s16, $0xb8;
	[tilespmem:$0xEC00] =	vst v63  }
0xab: {  	_ =	swait.ge [sflag:s18], $0x100  }
0xac: {  	[sflag:s18] =	ssyncset.done $0x0  }
0xad: {  	s31 =	simm.s32 $0xFFFFF680;
	[sflag:s18] =	ssyncadd.s32 $0xFFFFFF00  }
0xae: {  	[tilespmem:s19], [sflag:$0x6] =	stream.indirect.gather [hbm4b:s4+s16], $0x40, s10, s16, $0xb8;
	[tilespmem:$0xEC00] =	vst v63  }
.LBB2_5:
0xaf: {  	_ =	swait.ge [sflag:s21], $0x2000  }
0xb0: {  	[sflag:s21] =	ssyncset.done $0x0  }
0xb1: {  	[sflag:s21] =	ssyncadd.s32 $0xFFFFE000  }
0xb2: {  	[spmem:s1] =	stream.indirect.scatter.add.bf16 [tilespmem:s17], [sflag:$0x8], $0x40, s16, s16, $0xb8;
	[tilespmem:$0xEC00] =	vst v63  }
0xb3: {  	p1 =	seq.s32 s31, $0x0;
	_ =	swait.ge [sflag:s22], $0x2000  }
0xb4: {  	s0 =	sadd.s32 @!p1 s31, s20;
	[sflag:s22] =	ssyncset.done $0x0  }
0xb5: {  	s7 =	simm.s32 @!p1 $0x0;
	s6 =	sadd.s32 @!p1 $0xA00, s0;
	[sflag:s22] =	ssyncadd.s32 $0xFFFFE000  }
0xb6: {  	[tilespmem:s7], [sflag:$0x1] =	stream.linear.gather @!p1 [hbm4b:s6+s7], $0x100, $0x38;
	[tilespmem:$0xEC00] =	vst v63  }
0xb7: {  	_ =	swait.ge [sflag:s23], $0x100  }
0xb8: {  	[sflag:s23] =	ssyncset.done $0x0  }
0xb9: {  	[sflag:s23] =	ssyncadd.s32 $0xFFFFFF00  }
0xba: {  	[tilespmem:s17], [sflag:$0x5] =	stream.indirect.gather [hbm4b:s4+s16], $0x40, s11, s16, $0xb8;
	[tilespmem:$0xEC00] =	vst v63  }
0xbb: {  	_ =	swait.ge [sflag:s24], $0x2000  }
0xbc: {  	[sflag:s24] =	ssyncset.done $0x0  }
0xbd: {  	[sflag:s24] =	ssyncadd.s32 $0xFFFFE000  }
0xbe: {  	[spmem:s1] =	stream.indirect.scatter.add.bf16 [tilespmem:s19], [sflag:$0x8], $0x40, s25, s16, $0xb8;
	[tilespmem:$0xEC00] =	vst v63  }
0xbf: {  	_ =	swait.ge [sflag:s22], $0x2000  }
0xc0: {  	[sflag:s22] =	ssyncset.done $0x0  }
0xc1: {  	s0 =	sadd.s32 @!p1 $0xA20, s0;
	s6 =	simm.s32 @!p1 $0x100;
	[sflag:s22] =	ssyncadd.s32 $0xFFFFE000  }
0xc2: {  	[tilespmem:s6], [sflag:$0x2] =	stream.linear.gather @!p1 [hbm4b:s0+s7], $0x100, $0x38;
	[tilespmem:$0xEC00] =	vst v63  }
0xc3: {  	_ =	swait.ge [sflag:s26], $0x100  }
0xc4: {  	[sflag:s26] =	ssyncset.done $0x0  }
0xc5: {  	[sflag:s26] =	ssyncadd.s32 $0xFFFFFF00  }
0xc6: {  	[tilespmem:s19], [sflag:$0x6] =	stream.indirect.gather [hbm4b:s4+s16], $0x40, s12, s16, $0xb8;
	[tilespmem:$0xEC00] =	vst v63  }
0xc7: {  	_ =	swait.ge [sflag:s21], $0x2000  }
0xc8: {  	[sflag:s21] =	ssyncset.done $0x0  }
.Ltmp4:
0xc9: {  	[sflag:s21] =	ssyncadd.s32 $0xFFFFE000;
	(pc) =	sbr.rel @p1 .LBB2_6-.Ltmp4, $4  }
0xca: {  	[spmem:s1] =	stream.indirect.scatter.add.bf16 [tilespmem:s17], [sflag:$0x8], $0x40, s28, s16, $0xb8;
	[tilespmem:$0xEC00] =	vst v63  }
0xcb: {  	_ =	swait.ge [sflag:s22], $0x2000  }
0xcc: {  	[sflag:s22] =	ssyncset.done $0x0  }
0xcd: {  	[sflag:s22] =	ssyncadd.s32 $0xFFFFE000  }
0xce: {  	s0 =	sadd.s32 s31, s20  }
0xcf: {  	s6 =	sadd.s32 $0xA40, s0  }
0xd0: {  	[tilespmem:s11], [sflag:$0x3] =	stream.linear.gather [hbm4b:s6+s2], $0x100, $0x38;
	[tilespmem:$0xEC00] =	vst v63  }
0xd1: {  	_ =	swait.ge [sflag:s15], $0x100  }
0xd2: {  	[sflag:s15] =	ssyncset.done $0x0  }
0xd3: {  	[sflag:s15] =	ssyncadd.s32 $0xFFFFFF00  }
0xd4: {  	[tilespmem:s17], [sflag:$0x5] =	stream.indirect.gather [hbm4b:s4+s16], $0x40, s2, s16, $0xb8;
	[tilespmem:$0xEC00] =	vst v63  }
0xd5: {  	_ =	swait.ge [sflag:s24], $0x2000  }
0xd6: {  	[sflag:s24] =	ssyncset.done $0x0  }
0xd7: {  	[sflag:s24] =	ssyncadd.s32 $0xFFFFE000  }
0xd8: {  	[spmem:s1] =	stream.indirect.scatter.add.bf16 [tilespmem:s19], [sflag:$0x8], $0x40, s29, s16, $0xb8;
	[tilespmem:$0xEC00] =	vst v63  }
0xd9: {  	_ =	swait.ge [sflag:s22], $0x2000  }
0xda: {  	[sflag:s22] =	ssyncset.done $0x0  }
0xdb: {  	s0 =	sadd.s32 $0xA60, s0;
	[sflag:s22] =	ssyncadd.s32 $0xFFFFE000  }
0xdc: {  	[tilespmem:s12], [sflag:$0x4] =	stream.linear.gather [hbm4b:s0+s2], $0x100, $0x38;
	[tilespmem:$0xEC00] =	vst v63  }
.Ltmp5:
0xdd: {  	_ = 	snop;
	(pc) =	sbr.rel .LBB2_5-.Ltmp5, $4  }
0xde: {  	_ =	swait.ge [sflag:s18], $0x100  }
0xdf: {  	[sflag:s18] =	ssyncset.done $0x0  }
0xe0: {  	s31 =	sadd.s32 $0x80, s31;
	[sflag:s18] =	ssyncadd.s32 $0xFFFFFF00  }
0xe1: {  	[tilespmem:s19], [sflag:$0x6] =	stream.indirect.gather [hbm4b:s4+s16], $0x40, s10, s16, $0xb8;
	[tilespmem:$0xEC00] =	vst v63  }
.LBB2_8:
0xe2: {  	[tilespmem:s17], [sflag:$0x5] =	stream.indirect.gather [hbm4b:s5+s16], $0x40, s2, s16, $0xb8;
	[tilespmem:$0xEC00] =	vst v63  }
0xe3: {  	_ =	swait.ge [sflag:s18], $0x100  }
0xe4: {  	[sflag:s18] =	ssyncset.done $0x0  }
0xe5: {  	s31 =	simm.s32 $0xFFFFF680;
	[sflag:s18] =	ssyncadd.s32 $0xFFFFFF00  }
0xe6: {  	[tilespmem:s19], [sflag:$0x6] =	stream.indirect.gather [hbm4b:s5+s16], $0x40, s10, s16, $0xb8;
	[tilespmem:$0xEC00] =	vst v63  }
.LBB2_9:
0xe7: {  	_ =	swait.ge [sflag:s21], $0x2000  }
0xe8: {  	[sflag:s21] =	ssyncset.done $0x0  }
0xe9: {  	[sflag:s21] =	ssyncadd.s32 $0xFFFFE000  }
0xea: {  	[spmem:s1] =	stream.indirect.scatter.add.bf16 [tilespmem:s17], [sflag:$0x8], $0x40, s16, s16, $0xb8;
	[tilespmem:$0xEC00] =	vst v63  }
0xeb: {  	p1 =	seq.s32 s31, $0x0;
	_ =	swait.ge [sflag:s22], $0x2000  }
0xec: {  	s0 =	sadd.s32 @!p1 s31, s20;
	[sflag:s22] =	ssyncset.done $0x0  }
0xed: {  	s7 =	simm.s32 @!p1 $0x0;
	s6 =	sadd.s32 @!p1 $0xA00, s0;
	[sflag:s22] =	ssyncadd.s32 $0xFFFFE000  }
0xee: {  	[tilespmem:s7], [sflag:$0x1] =	stream.linear.gather @!p1 [hbm4b:s6+s7], $0x100, $0x38;
	[tilespmem:$0xEC00] =	vst v63  }
0xef: {  	_ =	swait.ge [sflag:s23], $0x100  }
0xf0: {  	[sflag:s23] =	ssyncset.done $0x0  }
0xf1: {  	[sflag:s23] =	ssyncadd.s32 $0xFFFFFF00  }
0xf2: {  	[tilespmem:s17], [sflag:$0x5] =	stream.indirect.gather [hbm4b:s5+s16], $0x40, s11, s16, $0xb8;
	[tilespmem:$0xEC00] =	vst v63  }
0xf3: {  	_ =	swait.ge [sflag:s24], $0x2000  }
0xf4: {  	[sflag:s24] =	ssyncset.done $0x0  }
0xf5: {  	[sflag:s24] =	ssyncadd.s32 $0xFFFFE000  }
0xf6: {  	[spmem:s1] =	stream.indirect.scatter.add.bf16 [tilespmem:s19], [sflag:$0x8], $0x40, s25, s16, $0xb8;
	[tilespmem:$0xEC00] =	vst v63  }
0xf7: {  	_ =	swait.ge [sflag:s22], $0x2000  }
0xf8: {  	[sflag:s22] =	ssyncset.done $0x0  }
0xf9: {  	s0 =	sadd.s32 @!p1 $0xA20, s0;
	s6 =	simm.s32 @!p1 $0x100;
	[sflag:s22] =	ssyncadd.s32 $0xFFFFE000  }
0xfa: {  	[tilespmem:s6], [sflag:$0x2] =	stream.linear.gather @!p1 [hbm4b:s0+s7], $0x100, $0x38;
	[tilespmem:$0xEC00] =	vst v63  }
0xfb: {  	_ =	swait.ge [sflag:s26], $0x100  }
0xfc: {  	[sflag:s26] =	ssyncset.done $0x0  }
0xfd: {  	[sflag:s26] =	ssyncadd.s32 $0xFFFFFF00  }
0xfe: {  	[tilespmem:s19], [sflag:$0x6] =	stream.indirect.gather [hbm4b:s5+s16], $0x40, s12, s16, $0xb8;
	[tilespmem:$0xEC00] =	vst v63  }
0xff: {  	_ =	swait.ge [sflag:s21], $0x2000  }
0x100: {  	[sflag:s21] =	ssyncset.done $0x0  }
.Ltmp6:
0x101: {  	[sflag:s21] =	ssyncadd.s32 $0xFFFFE000;
	(pc) =	sbr.rel @p1 .LBB2_10-.Ltmp6, $4  }
0x102: {  	[spmem:s1] =	stream.indirect.scatter.add.bf16 [tilespmem:s17], [sflag:$0x8], $0x40, s28, s16, $0xb8;
	[tilespmem:$0xEC00] =	vst v63  }
0x103: {  	_ =	swait.ge [sflag:s22], $0x2000  }
0x104: {  	[sflag:s22] =	ssyncset.done $0x0  }
0x105: {  	[sflag:s22] =	ssyncadd.s32 $0xFFFFE000  }
0x106: {  	s0 =	sadd.s32 s31, s20  }
0x107: {  	s6 =	sadd.s32 $0xA40, s0  }
0x108: {  	[tilespmem:s11], [sflag:$0x3] =	stream.linear.gather [hbm4b:s6+s2], $0x100, $0x38;
	[tilespmem:$0xEC00] =	vst v63  }
0x109: {  	_ =	swait.ge [sflag:s15], $0x100  }
0x10a: {  	[sflag:s15] =	ssyncset.done $0x0  }
0x10b: {  	[sflag:s15] =	ssyncadd.s32 $0xFFFFFF00  }
0x10c: {  	[tilespmem:s17], [sflag:$0x5] =	stream.indirect.gather [hbm4b:s5+s16], $0x40, s2, s16, $0xb8;
	[tilespmem:$0xEC00] =	vst v63  }
0x10d: {  	_ =	swait.ge [sflag:s24], $0x2000  }
0x10e: {  	[sflag:s24] =	ssyncset.done $0x0  }
0x10f: {  	[sflag:s24] =	ssyncadd.s32 $0xFFFFE000  }
0x110: {  	[spmem:s1] =	stream.indirect.scatter.add.bf16 [tilespmem:s19], [sflag:$0x8], $0x40, s29, s16, $0xb8;
	[tilespmem:$0xEC00] =	vst v63  }
0x111: {  	_ =	swait.ge [sflag:s22], $0x2000  }
0x112: {  	[sflag:s22] =	ssyncset.done $0x0  }
0x113: {  	s0 =	sadd.s32 $0xA60, s0;
	[sflag:s22] =	ssyncadd.s32 $0xFFFFE000  }
0x114: {  	[tilespmem:s12], [sflag:$0x4] =	stream.linear.gather [hbm4b:s0+s2], $0x100, $0x38;
	[tilespmem:$0xEC00] =	vst v63  }
.Ltmp7:
0x115: {  	_ = 	snop;
	(pc) =	sbr.rel .LBB2_9-.Ltmp7, $4  }
0x116: {  	_ =	swait.ge [sflag:s18], $0x100  }
0x117: {  	[sflag:s18] =	ssyncset.done $0x0  }
0x118: {  	s31 =	sadd.s32 $0x80, s31;
	[sflag:s18] =	ssyncadd.s32 $0xFFFFFF00  }
0x119: {  	[tilespmem:s19], [sflag:$0x6] =	stream.indirect.gather [hbm4b:s5+s16], $0x40, s10, s16, $0xb8;
	[tilespmem:$0xEC00] =	vst v63  }
.LBB2_6:
.Ltmp8:
0x11a: {  	(pc) =	sbr.rel .LBB2_11-.Ltmp8, $2  }
0x11b: {  	_ =	sdelay $0x2  }
0x11c: {  	s0 =	rddreg [dreg:$0x3]  }
.LBB2_12:
0x11d: {  	_ =	sfence.sel $0x180000  }
0x11e: {  	[bflag:$0x0] =	sbarrier.arrive $0xFFFF  }
0x11f: {  	_ =	strace $0x9000004D  }
0x120: {  	s0 =	stileid.u32;
	[bflag:$0x2] =	sbarrier.arrive $0xFFFF  }
0x121: {  	p0 =	sne.s32 s0, $0x0;
	s0 =	rddreg [dreg:$0x2]  }
0x122: {  	s0 =	sadd.s32 @!p0 $0x100000, s0  }
0x123: {  	[sflag:s0] =	ssyncadd.tile.s32 @!p0 $0x1;
	_ =	shalt  }
.Lfunc_end2:
_tile_overlayer_lowered:
.L_overlay_start_2:
0x124: {  	(tag) =	ssettag $0x2  }
0x125: {  	s0 =	rddreg [dreg:$0x0];
	s2 =	stileid.u32  }
0x126: {  	s1 =	rddreg [dreg:$0x1];
	p0 =	sne.s32 s2, $0x0  }
0x127: {  	s3 =	rddreg [dreg:$0x2];
	[bflag:$0x3] =	sbarrier.arrive $0xFFFF;
	s2 =	simm.s32 @!p0 $0x1C08  }
0x128: {  	[timem:s3], [sflag:s2] =	dma.local @!p0 [hbm:s0], s1  }
0x129: {  	s0 =	simm.s32 @!p0 $0x8  }
0x12a: {  	_ =	swait.ge @!p0 [sflag:s0], s1  }
0x12b: {  	s1 =	ssub.s32 @!p0 $0x0, s1;
	[sflag:s0] =	ssyncset.done @!p0 $0x0  }
0x12c: {  	[sflag:s0] =	ssyncadd.s32 @!p0 s1  }
0x12d: {  	[bflag:$0x3] =	sbarrier.arrive $0xFFFF  }
0x12e: {  	_ =	shalt  }

</sc_bundles>
